<compile_context>
chip_gen: v7x
topology: tpu7x:2x2x1
jax: 0.10.2.dev20260603
libtpu: 0.0.44.dev20260713+nightly
codegen_flags: <defaults>
</compile_context>

<pallas_src>
import functools

import jax
import jax.numpy as jnp
from jax import lax
from jax.experimental import pallas as pl
from jax.experimental.pallas import tpu as pltpu
from jax.experimental.pallas import tpu_sc as plsc

_L = 16


@functools.lru_cache(maxsize=None)
def _make_lookup(B, F, V, D, NC, NS):
    NW = NC * NS
    BW = B // NW
    WB = 256
    NWIN = BW // WB
    SR = (F * V) // 8
    assert BW % WB == 0 and WB % _L == 0 and D == _L

    mesh = plsc.VectorSubcoreMesh(core_axis_name="c", subcore_axis_name="s")

    @functools.partial(
        pl.kernel,
        mesh=mesh,
        out_type=jax.ShapeDtypeStruct((F * D, B), jnp.float32),
        compiler_params=pltpu.CompilerParams(
            use_tc_tiling_on_sc=True, needs_layout_passes=False
        ),
        scratch_types=[
            pltpu.VMEM((WB,), jnp.int32),
            pltpu.VMEM((WB,), jnp.int32),
            pltpu.VMEM((WB, 128), jnp.float32),
            pltpu.VMEM((D, WB), jnp.float32),
            pltpu.SemaphoreType.DMA,
        ],
    )
    def lookup(idx_hbm, tab_hbm, out_hbm, sr_v, low_v, rows_v, stg_v, sem):
        wid = lax.axis_index("s") * NC + lax.axis_index("c")
        b0w = wid * BW
        iota = lax.iota(jnp.int32, _L)

        def unit(u, carry):
            f = u // NWIN
            b0 = b0w + (u % NWIN) * WB
            pltpu.sync_copy(idx_hbm.at[pl.ds(f * B + b0, WB)], sr_v)
            for i in range(WB // _L):
                s = pl.ds(i * _L, _L)
                fv = jnp.minimum(sr_v[s], V - 1) + f * V
                sr_v[s] = fv >> 3
                low_v[s] = (fv & 7) * _L
            pltpu.async_copy(tab_hbm.at[sr_v], rows_v, sem).wait()
            for k0 in range(0, WB, _L):
                rowv = k0 + iota
                colv = low_v[pl.ds(k0, _L)]
                for d in range(D):
                    vals = plsc.load_gather(rows_v, [rowv, colv + d])
                    stg_v[d, pl.ds(k0, _L)] = vals
            pltpu.sync_copy(stg_v, out_hbm.at[pl.ds(f * D, D), pl.ds(b0, WB)])
            return carry

        lax.fori_loop(0, F * NWIN, unit, 0)

    return lookup


def kernel(tab_data, tables, batch_size):
    F, V, D = tables.shape
    B = tab_data.shape[0]
    info = plsc.get_sparse_core_info()
    NC, NS = info.num_cores, info.num_subcores

    lookup = _make_lookup(B, F, V, D, NC, NS)
    idxf = tab_data.astype(jnp.int32).T.reshape(F * B)
    tab8 = tables.reshape(F * V // 8, 8 * D)
    out = lookup(idxf, tab8)
    return out.reshape(F, D, B).transpose(2, 0, 1)

# --- scband reference (transcript-rebuilt; emitter-appended) ---
"""Pipeline reference for scband-tabular-embeddings-35390530519527 (READ-ONLY COPY).

The authoritative reference and input builder live on the scoring server;
editing this copy changes nothing except your own understanding.
"""

import jax, jax.numpy as jnp
import numpy as np

B = 16384
F = 26
V = 100000
D = 16

def setup_inputs(seed: int = 0) -> dict:
    key = jax.random.key(seed)
    k1, k2 = jax.random.split(key)
    # tab_data: one int index per (row, feature); clamped in reference like the torch module
    tab_data = jax.random.randint(k1, (B, F), 0, V)
    # stacked embedding tables, one [V, D] table per feature (equivalent to the nn.ModuleDict of nn.Embedding)
    tables = jax.random.normal(k2, (F, V, D), dtype=jnp.float32) * 0.02
    return {"tab_data": tab_data, "tables": tables, "batch_size": B}

def reference(tab_data, tables, batch_size):
    # TabularEmbeddings.forward in eval mode (FeatureDropout is identity when not training).
    # All features present, so the zero_tensor branch is never taken.
    num_features = tables.shape[0]
    vocab = tables.shape[1]
    # values.clamp_max(num_categories - 1)
    idx = jnp.minimum(tab_data, vocab - 1)
    # per-feature embedding lookup, then stack along dim=1 -> [batch, num_features, num_hiddens]
    feat_ids = jnp.arange(num_features)[None, :]  # [1, F] broadcast against idx [B, F]
    out = tables[feat_ids, idx]  # gather -> [B, F, D]
    return out

if __name__ == "__main__":
    import jax
    _d = setup_inputs()
    print(jax.jit(kernel)(*tuple(_d.values())))

</pallas_src>

<mosaic_0001>
#map = affine_map<(d0, d1) -> (0)>
#map1 = affine_map<(d0, d1) -> (0, 0)>
module attributes {stable_mosaic.version = 14 : i64} {
  func.func @lookup(%arg0: i32, %arg1: i32, %arg2: memref<425984xi32, #tpu.memory_space<hbm>>, %arg3: memref<325000x128xf32, #tpu.memory_space<hbm>>, %arg4: memref<416x16384xf32, #tpu.memory_space<hbm>>, %arg5: memref<256xi32, #tpu.memory_space<vmem>>, %arg6: memref<256xi32, #tpu.memory_space<vmem>>, %arg7: memref<256x128xf32, #tpu.memory_space<vmem>>, %arg8: memref<16x256xf32, #tpu.memory_space<vmem>>, %arg9: memref<!tpu.dma_semaphore, #tpu.memory_space<semaphore_mem>>) attributes {dimension_semantics = [#tpu.dimension_semantics<core_parallel>, #tpu.dimension_semantics<subcore_parallel>], iteration_bounds = array<i64: 2, 16>, scalar_prefetch = 0 : i64, scratch_operands = 5 : i64, tpu.core_type = #tpu.core_type<sc_vector_subcore>, window_params = [{transform_indices = #map}, {transform_indices = #map1}, {transform_indices = #map1}]} {
    %mul3A = arith.constant 2 : i32
    %mul3A_0 = arith.muli %arg1, %mul3A : i32
    %add3A = arith.addi %mul3A_0, %arg0 : i32
    %mul3A_1 = arith.constant 512 : i32
    %mul3A_2 = arith.muli %add3A, %mul3A_1 : i32
    %iota3A = tpu.iota {dimensions = array<i32: 0>} : vector<16xi32>
    %scan3A = arith.constant 0 : i32
    %scan3A_3 = arith.constant 0 : i32
    %scan3A_4 = arith.constant 52 : i32
    %scan3A_5 = arith.addi %scan3A_3, %scan3A_4 : i32
    %scan3A_6 = arith.constant 1 : i32
    scf.for %scan3A_8 = %scan3A_3 to %scan3A_5 step %scan3A_6  : i32 {
      %jit3A = arith.constant 2 : i32
      %div3A = arith.divsi %scan3A_8, %jit3A : i32
      %sign3A = arith.constant 0 : i32
      %sign3A_9 = arith.cmpi sgt, %scan3A_8, %sign3A : i32
      %sign3A_10 = arith.extui %sign3A_9 : i1 to i32
      %sign3A_11 = arith.constant 0 : i32
      %sign3A_12 = arith.cmpi slt, %scan3A_8, %sign3A_11 : i32
      %sign3A_13 = arith.extui %sign3A_12 : i1 to i32
      %sign3A_14 = arith.subi %sign3A_10, %sign3A_13 : i32
      %sign3A_15 = arith.constant 0 : i32
      %sign3A_16 = arith.cmpi sgt, %jit3A, %sign3A_15 : i32
      %sign3A_17 = arith.extui %sign3A_16 : i1 to i32
      %sign3A_18 = arith.constant 0 : i32
      %sign3A_19 = arith.cmpi slt, %jit3A, %sign3A_18 : i32
      %sign3A_20 = arith.extui %sign3A_19 : i1 to i32
      %sign3A_21 = arith.subi %sign3A_17, %sign3A_20 : i32
      %ne3A = arith.cmpi ne, %sign3A_14, %sign3A_21 : i32
      %rem3A = arith.remsi %scan3A_8, %jit3A : i32
      %ne3A_22 = arith.constant 0 : i32
      %ne3A_23 = arith.cmpi ne, %rem3A, %ne3A_22 : i32
      %and3A = arith.andi %ne3A, %ne3A_23 : i1
      %sub3A = arith.constant 1 : i32
      %sub3A_24 = arith.subi %div3A, %sub3A : i32
      %select_n3A = arith.select %and3A, %sub3A_24, %div3A : i32
      %jit3A_25 = arith.constant 2 : i32
      %eq3A = arith.constant 0 : i32
      %eq3A_26 = arith.cmpi eq, %jit3A_25, %eq3A : i32
      %jit3A_27 = arith.constant 1 : i32
      %select_n3A_28 = arith.select %eq3A_26, %jit3A_27, %jit3A_25 : i32
      %rem3A_29 = arith.remsi %scan3A_8, %select_n3A_28 : i32
      %ne3A_30 = arith.constant 0 : i32
      %ne3A_31 = arith.cmpi ne, %rem3A_29, %ne3A_30 : i32
      %lt3A = arith.constant 0 : i32
      %lt3A_32 = arith.cmpi slt, %rem3A_29, %lt3A : i32
      %lt3A_33 = arith.constant 0 : i32
      %lt3A_34 = arith.cmpi slt, %select_n3A_28, %lt3A_33 : i32
      %ne3A_35 = arith.xori %lt3A_32, %lt3A_34 : i1
      %and3A_36 = arith.andi %ne3A_35, %ne3A_31 : i1
      %add3A_37 = arith.addi %rem3A_29, %select_n3A_28 : i32
      %select_n3A_38 = arith.select %and3A_36, %add3A_37, %rem3A_29 : i32
      %mul3A_39 = arith.constant 256 : i32
      %mul3A_40 = arith.muli %select_n3A_38, %mul3A_39 : i32
      %add3A_41 = arith.addi %mul3A_2, %mul3A_40 : i32
      %mul3A_42 = arith.constant 16384 : i32
      %mul3A_43 = arith.muli %select_n3A, %mul3A_42 : i32
      %add3A_44 = arith.addi %mul3A_43, %add3A_41 : i32
      "tpu.region"() ({
        %run_scoped3A = tpu.sem_alloc : memref<!tpu.dma_semaphore, #tpu.memory_space<semaphore_mem>>
        %dma_start3A_2526 = tpu.memref_slice %arg2[%add3A_44] : memref<425984xi32, #tpu.memory_space<hbm>> -> memref<256xi32, #tpu.memory_space<hbm>>
        %dma_start3A_2527 = tpu.memref_slice %arg2[%add3A_44] : memref<425984xi32, #tpu.memory_space<hbm>> -> memref<256xi32, #tpu.memory_space<hbm>>
        tpu.enqueue_dma source(%dma_start3A_2527 : memref<256xi32, #tpu.memory_space<hbm>>) target(%arg5 : memref<256xi32, #tpu.memory_space<vmem>>) target_semaphore(%run_scoped3A : memref<!tpu.dma_semaphore, #tpu.memory_space<semaphore_mem>>)
        %dma_wait3A_2528 = tpu.memref_slice %arg2[%add3A_44] : memref<425984xi32, #tpu.memory_space<hbm>> -> memref<256xi32, #tpu.memory_space<hbm>>
        %dma_wait3A_2529 = tpu.memref_slice %arg2[%add3A_44] : memref<425984xi32, #tpu.memory_space<hbm>> -> memref<256xi32, #tpu.memory_space<hbm>>
        tpu.wait_dma2 semaphore(%run_scoped3A : memref<!tpu.dma_semaphore, #tpu.memory_space<semaphore_mem>>) src(%dma_wait3A_2529 : memref<256xi32, #tpu.memory_space<hbm>>) dst(%arg5 : memref<256xi32, #tpu.memory_space<vmem>>)
        tpu.yield
      }) : () -> ()
      %get3A = arith.constant 0 : index
      %get3A_45 = tpu.vector_load %arg5[%get3A] {strides = array<i32>} : memref<256xi32, #tpu.memory_space<vmem>>, vector<16xi32>,
      %min3A = arith.constant 99999 : i32
      %min3A_46 = vector.broadcast %min3A : i32 to vector<16xi32>
      %min3A_47 = arith.minsi %get3A_45, %min3A_46 : vector<16xi32>
      %mul3A_48 = arith.constant 100000 : i32
      %mul3A_49 = arith.muli %select_n3A, %mul3A_48 : i32
      %add3A_50 = vector.broadcast %mul3A_49 : i32 to vector<16xi32>
      %add3A_51 = arith.addi %min3A_47, %add3A_50 : vector<16xi32>
      %shift_right_arithmetic3A = arith.constant 3 : i32
      %shift_right_arithmetic3A_52 = vector.broadcast %shift_right_arithmetic3A : i32 to vector<16xi32>
      %shift_right_arithmetic3A_53 = arith.shrsi %add3A_51, %shift_right_arithmetic3A_52 : vector<16xi32>
      %swap3A = arith.constant 0 : index
      %swap3A_54 = tpu.vector_load %arg5[%swap3A] {strides = array<i32>} : memref<256xi32, #tpu.memory_space<vmem>>, vector<16xi32>,
      tpu.vector_store %arg5[%swap3A], %shift_right_arithmetic3A_53 {strides = array<i32>} : memref<256xi32, #tpu.memory_space<vmem>>, vector<16xi32>,
      %and3A_55 = arith.constant 7 : i32
      %and3A_56 = vector.broadcast %and3A_55 : i32 to vector<16xi32>
      %and3A_57 = arith.andi %add3A_51, %and3A_56 : vector<16xi32>
      %mul3A_58 = arith.constant 16 : i32
      %mul3A_59 = vector.broadcast %mul3A_58 : i32 to vector<16xi32>
      %mul3A_60 = arith.muli %and3A_57, %mul3A_59 : vector<16xi32>
      %swap3A_61 = arith.constant 0 : index
      %swap3A_62 = tpu.vector_load %arg6[%swap3A_61] {strides = array<i32>} : memref<256xi32, #tpu.memory_space<vmem>>, vector<16xi32>,
      tpu.vector_store %arg6[%swap3A_61], %mul3A_60 {strides = array<i32>} : memref<256xi32, #tpu.memory_space<vmem>>, vector<16xi32>,
      %get3A_63 = arith.constant 16 : index
      %get3A_64 = tpu.vector_load %arg5[%get3A_63] {strides = array<i32>} : memref<256xi32, #tpu.memory_space<vmem>>, vector<16xi32>,
      %min3A_65 = arith.constant 99999 : i32
      %min3A_66 = vector.broadcast %min3A_65 : i32 to vector<16xi32>
      %min3A_67 = arith.minsi %get3A_64, %min3A_66 : vector<16xi32>
      %mul3A_68 = arith.constant 100000 : i32
      %mul3A_69 = arith.muli %select_n3A, %mul3A_68 : i32
      %add3A_70 = vector.broadcast %mul3A_69 : i32 to vector<16xi32>
      %add3A_71 = arith.addi %min3A_67, %add3A_70 : vector<16xi32>
      %shift_right_arithmetic3A_72 = arith.constant 3 : i32
      %shift_right_arithmetic3A_73 = vector.broadcast %shift_right_arithmetic3A_72 : i32 to vector<16xi32>
      %shift_right_arithmetic3A_74 = arith.shrsi %add3A_71, %shift_right_arithmetic3A_73 : vector<16xi32>
      %swap3A_75 = arith.constant 16 : index
      %swap3A_76 = tpu.vector_load %arg5[%swap3A_75] {strides = array<i32>} : memref<256xi32, #tpu.memory_space<vmem>>, vector<16xi32>,
      tpu.vector_store %arg5[%swap3A_75], %shift_right_arithmetic3A_74 {strides = array<i32>} : memref<256xi32, #tpu.memory_space<vmem>>, vector<16xi32>,
      %and3A_77 = arith.constant 7 : i32
      %and3A_78 = vector.broadcast %and3A_77 : i32 to vector<16xi32>
      %and3A_79 = arith.andi %add3A_71, %and3A_78 : vector<16xi32>
      %mul3A_80 = arith.constant 16 : i32
      %mul3A_81 = vector.broadcast %mul3A_80 : i32 to vector<16xi32>
      %mul3A_82 = arith.muli %and3A_79, %mul3A_81 : vector<16xi32>
      %swap3A_83 = arith.constant 16 : index
      %swap3A_84 = tpu.vector_load %arg6[%swap3A_83] {strides = array<i32>} : memref<256xi32, #tpu.memory_space<vmem>>, vector<16xi32>,
      tpu.vector_store %arg6[%swap3A_83], %mul3A_82 {strides = array<i32>} : memref<256xi32, #tpu.memory_space<vmem>>, vector<16xi32>,
      %get3A_85 = arith.constant 32 : index
      %get3A_86 = tpu.vector_load %arg5[%get3A_85] {strides = array<i32>} : memref<256xi32, #tpu.memory_space<vmem>>, vector<16xi32>,
      %min3A_87 = arith.constant 99999 : i32
      %min3A_88 = vector.broadcast %min3A_87 : i32 to vector<16xi32>
      %min3A_89 = arith.minsi %get3A_86, %min3A_88 : vector<16xi32>
      %mul3A_90 = arith.constant 100000 : i32
      %mul3A_91 = arith.muli %select_n3A, %mul3A_90 : i32
      %add3A_92 = vector.broadcast %mul3A_91 : i32 to vector<16xi32>
      %add3A_93 = arith.addi %min3A_89, %add3A_92 : vector<16xi32>
      %shift_right_arithmetic3A_94 = arith.constant 3 : i32
      %shift_right_arithmetic3A_95 = vector.broadcast %shift_right_arithmetic3A_94 : i32 to vector<16xi32>
      %shift_right_arithmetic3A_96 = arith.shrsi %add3A_93, %shift_right_arithmetic3A_95 : vector<16xi32>
      %swap3A_97 = arith.constant 32 : index
      %swap3A_98 = tpu.vector_load %arg5[%swap3A_97] {strides = array<i32>} : memref<256xi32, #tpu.memory_space<vmem>>, vector<16xi32>,
      tpu.vector_store %arg5[%swap3A_97], %shift_right_arithmetic3A_96 {strides = array<i32>} : memref<256xi32, #tpu.memory_space<vmem>>, vector<16xi32>,
      %and3A_99 = arith.constant 7 : i32
      %and3A_100 = vector.broadcast %and3A_99 : i32 to vector<16xi32>
      %and3A_101 = arith.andi %add3A_93, %and3A_100 : vector<16xi32>
      %mul3A_102 = arith.constant 16 : i32
      %mul3A_103 = vector.broadcast %mul3A_102 : i32 to vector<16xi32>
      %mul3A_104 = arith.muli %and3A_101, %mul3A_103 : vector<16xi32>
      %swap3A_105 = arith.constant 32 : index
      %swap3A_106 = tpu.vector_load %arg6[%swap3A_105] {strides = array<i32>} : memref<256xi32, #tpu.memory_space<vmem>>, vector<16xi32>,
      tpu.vector_store %arg6[%swap3A_105], %mul3A_104 {strides = array<i32>} : memref<256xi32, #tpu.memory_space<vmem>>, vector<16xi32>,
      %get3A_107 = arith.constant 48 : index
      %get3A_108 = tpu.vector_load %arg5[%get3A_107] {strides = array<i32>} : memref<256xi32, #tpu.memory_space<vmem>>, vector<16xi32>,
      %min3A_109 = arith.constant 99999 : i32
      %min3A_110 = vector.broadcast %min3A_109 : i32 to vector<16xi32>
      %min3A_111 = arith.minsi %get3A_108, %min3A_110 : vector<16xi32>
      %mul3A_112 = arith.constant 100000 : i32
      %mul3A_113 = arith.muli %select_n3A, %mul3A_112 : i32
      %add3A_114 = vector.broadcast %mul3A_113 : i32 to vector<16xi32>
      %add3A_115 = arith.addi %min3A_111, %add3A_114 : vector<16xi32>
      %shift_right_arithmetic3A_116 = arith.constant 3 : i32
      %shift_right_arithmetic3A_117 = vector.broadcast %shift_right_arithmetic3A_116 : i32 to vector<16xi32>
      %shift_right_arithmetic3A_118 = arith.shrsi %add3A_115, %shift_right_arithmetic3A_117 : vector<16xi32>
      %swap3A_119 = arith.constant 48 : index
      %swap3A_120 = tpu.vector_load %arg5[%swap3A_119] {strides = array<i32>} : memref<256xi32, #tpu.memory_space<vmem>>, vector<16xi32>,
      tpu.vector_store %arg5[%swap3A_119], %shift_right_arithmetic3A_118 {strides = array<i32>} : memref<256xi32, #tpu.memory_space<vmem>>, vector<16xi32>,
      %and3A_121 = arith.constant 7 : i32
      %and3A_122 = vector.broadcast %and3A_121 : i32 to vector<16xi32>
      %and3A_123 = arith.andi %add3A_115, %and3A_122 : vector<16xi32>
      %mul3A_124 = arith.constant 16 : i32
      %mul3A_125 = vector.broadcast %mul3A_124 : i32 to vector<16xi32>
      %mul3A_126 = arith.muli %and3A_123, %mul3A_125 : vector<16xi32>
      %swap3A_127 = arith.constant 48 : index
      %swap3A_128 = tpu.vector_load %arg6[%swap3A_127] {strides = array<i32>} : memref<256xi32, #tpu.memory_space<vmem>>, vector<16xi32>,
      tpu.vector_store %arg6[%swap3A_127], %mul3A_126 {strides = array<i32>} : memref<256xi32, #tpu.memory_space<vmem>>, vector<16xi32>,
      %get3A_129 = arith.constant 64 : index
      %get3A_130 = tpu.vector_load %arg5[%get3A_129] {strides = array<i32>} : memref<256xi32, #tpu.memory_space<vmem>>, vector<16xi32>,
      %min3A_131 = arith.constant 99999 : i32
      %min3A_132 = vector.broadcast %min3A_131 : i32 to vector<16xi32>
      %min3A_133 = arith.minsi %get3A_130, %min3A_132 : vector<16xi32>
      %mul3A_134 = arith.constant 100000 : i32
      %mul3A_135 = arith.muli %select_n3A, %mul3A_134 : i32
      %add3A_136 = vector.broadcast %mul3A_135 : i32 to vector<16xi32>
      %add3A_137 = arith.addi %min3A_133, %add3A_136 : vector<16xi32>
      %shift_right_arithmetic3A_138 = arith.constant 3 : i32
      %shift_right_arithmetic3A_139 = vector.broadcast %shift_right_arithmetic3A_138 : i32 to vector<16xi32>
      %shift_right_arithmetic3A_140 = arith.shrsi %add3A_137, %shift_right_arithmetic3A_139 : vector<16xi32>
      %swap3A_141 = arith.constant 64 : index
      %swap3A_142 = tpu.vector_load %arg5[%swap3A_141] {strides = array<i32>} : memref<256xi32, #tpu.memory_space<vmem>>, vector<16xi32>,
      tpu.vector_store %arg5[%swap3A_141], %shift_right_arithmetic3A_140 {strides = array<i32>} : memref<256xi32, #tpu.memory_space<vmem>>, vector<16xi32>,
      %and3A_143 = arith.constant 7 : i32
      %and3A_144 = vector.broadcast %and3A_143 : i32 to vector<16xi32>
      %and3A_145 = arith.andi %add3A_137, %and3A_144 : vector<16xi32>
      %mul3A_146 = arith.constant 16 : i32
      %mul3A_147 = vector.broadcast %mul3A_146 : i32 to vector<16xi32>
      %mul3A_148 = arith.muli %and3A_145, %mul3A_147 : vector<16xi32>
      %swap3A_149 = arith.constant 64 : index
      %swap3A_150 = tpu.vector_load %arg6[%swap3A_149] {strides = array<i32>} : memref<256xi32, #tpu.memory_space<vmem>>, vector<16xi32>,
      tpu.vector_store %arg6[%swap3A_149], %mul3A_148 {strides = array<i32>} : memref<256xi32, #tpu.memory_space<vmem>>, vector<16xi32>,
      %get3A_151 = arith.constant 80 : index
      %get3A_152 = tpu.vector_load %arg5[%get3A_151] {strides = array<i32>} : memref<256xi32, #tpu.memory_space<vmem>>, vector<16xi32>,
      %min3A_153 = arith.constant 99999 : i32
      %min3A_154 = vector.broadcast %min3A_153 : i32 to vector<16xi32>
      %min3A_155 = arith.minsi %get3A_152, %min3A_154 : vector<16xi32>
      %mul3A_156 = arith.constant 100000 : i32
      %mul3A_157 = arith.muli %select_n3A, %mul3A_156 : i32
      %add3A_158 = vector.broadcast %mul3A_157 : i32 to vector<16xi32>
      %add3A_159 = arith.addi %min3A_155, %add3A_158 : vector<16xi32>
      %shift_right_arithmetic3A_160 = arith.constant 3 : i32
      %shift_right_arithmetic3A_161 = vector.broadcast %shift_right_arithmetic3A_160 : i32 to vector<16xi32>
      %shift_right_arithmetic3A_162 = arith.shrsi %add3A_159, %shift_right_arithmetic3A_161 : vector<16xi32>
      %swap3A_163 = arith.constant 80 : index
      %swap3A_164 = tpu.vector_load %arg5[%swap3A_163] {strides = array<i32>} : memref<256xi32, #tpu.memory_space<vmem>>, vector<16xi32>,
      tpu.vector_store %arg5[%swap3A_163], %shift_right_arithmetic3A_162 {strides = array<i32>} : memref<256xi32, #tpu.memory_space<vmem>>, vector<16xi32>,
      %and3A_165 = arith.constant 7 : i32
      %and3A_166 = vector.broadcast %and3A_165 : i32 to vector<16xi32>
      %and3A_167 = arith.andi %add3A_159, %and3A_166 : vector<16xi32>
      %mul3A_168 = arith.constant 16 : i32
      %mul3A_169 = vector.broadcast %mul3A_168 : i32 to vector<16xi32>
      %mul3A_170 = arith.muli %and3A_167, %mul3A_169 : vector<16xi32>
      %swap3A_171 = arith.constant 80 : index
      %swap3A_172 = tpu.vector_load %arg6[%swap3A_171] {strides = array<i32>} : memref<256xi32, #tpu.memory_space<vmem>>, vector<16xi32>,
      tpu.vector_store %arg6[%swap3A_171], %mul3A_170 {strides = array<i32>} : memref<256xi32, #tpu.memory_space<vmem>>, vector<16xi32>,
      %get3A_173 = arith.constant 96 : index
      %get3A_174 = tpu.vector_load %arg5[%get3A_173] {strides = array<i32>} : memref<256xi32, #tpu.memory_space<vmem>>, vector<16xi32>,
      %min3A_175 = arith.constant 99999 : i32
      %min3A_176 = vector.broadcast %min3A_175 : i32 to vector<16xi32>
      %min3A_177 = arith.minsi %get3A_174, %min3A_176 : vector<16xi32>
      %mul3A_178 = arith.constant 100000 : i32
      %mul3A_179 = arith.muli %select_n3A, %mul3A_178 : i32
      %add3A_180 = vector.broadcast %mul3A_179 : i32 to vector<16xi32>
      %add3A_181 = arith.addi %min3A_177, %add3A_180 : vector<16xi32>
      %shift_right_arithmetic3A_182 = arith.constant 3 : i32
      %shift_right_arithmetic3A_183 = vector.broadcast %shift_right_arithmetic3A_182 : i32 to vector<16xi32>
      %shift_right_arithmetic3A_184 = arith.shrsi %add3A_181, %shift_right_arithmetic3A_183 : vector<16xi32>
      %swap3A_185 = arith.constant 96 : index
      %swap3A_186 = tpu.vector_load %arg5[%swap3A_185] {strides = array<i32>} : memref<256xi32, #tpu.memory_space<vmem>>, vector<16xi32>,
      tpu.vector_store %arg5[%swap3A_185], %shift_right_arithmetic3A_184 {strides = array<i32>} : memref<256xi32, #tpu.memory_space<vmem>>, vector<16xi32>,
      %and3A_187 = arith.constant 7 : i32
      %and3A_188 = vector.broadcast %and3A_187 : i32 to vector<16xi32>
      %and3A_189 = arith.andi %add3A_181, %and3A_188 : vector<16xi32>
      %mul3A_190 = arith.constant 16 : i32
      %mul3A_191 = vector.broadcast %mul3A_190 : i32 to vector<16xi32>
      %mul3A_192 = arith.muli %and3A_189, %mul3A_191 : vector<16xi32>
      %swap3A_193 = arith.constant 96 : index
      %swap3A_194 = tpu.vector_load %arg6[%swap3A_193] {strides = array<i32>} : memref<256xi32, #tpu.memory_space<vmem>>, vector<16xi32>,
      tpu.vector_store %arg6[%swap3A_193], %mul3A_192 {strides = array<i32>} : memref<256xi32, #tpu.memory_space<vmem>>, vector<16xi32>,
      %get3A_195 = arith.constant 112 : index
      %get3A_196 = tpu.vector_load %arg5[%get3A_195] {strides = array<i32>} : memref<256xi32, #tpu.memory_space<vmem>>, vector<16xi32>,
      %min3A_197 = arith.constant 99999 : i32
      %min3A_198 = vector.broadcast %min3A_197 : i32 to vector<16xi32>
      %min3A_199 = arith.minsi %get3A_196, %min3A_198 : vector<16xi32>
      %mul3A_200 = arith.constant 100000 : i32
      %mul3A_201 = arith.muli %select_n3A, %mul3A_200 : i32
      %add3A_202 = vector.broadcast %mul3A_201 : i32 to vector<16xi32>
      %add3A_203 = arith.addi %min3A_199, %add3A_202 : vector<16xi32>
      %shift_right_arithmetic3A_204 = arith.constant 3 : i32
      %shift_right_arithmetic3A_205 = vector.broadcast %shift_right_arithmetic3A_204 : i32 to vector<16xi32>
      %shift_right_arithmetic3A_206 = arith.shrsi %add3A_203, %shift_right_arithmetic3A_205 : vector<16xi32>
      %swap3A_207 = arith.constant 112 : index
      %swap3A_208 = tpu.vector_load %arg5[%swap3A_207] {strides = array<i32>} : memref<256xi32, #tpu.memory_space<vmem>>, vector<16xi32>,
      tpu.vector_store %arg5[%swap3A_207], %shift_right_arithmetic3A_206 {strides = array<i32>} : memref<256xi32, #tpu.memory_space<vmem>>, vector<16xi32>,
      %and3A_209 = arith.constant 7 : i32
      %and3A_210 = vector.broadcast %and3A_209 : i32 to vector<16xi32>
      %and3A_211 = arith.andi %add3A_203, %and3A_210 : vector<16xi32>
      %mul3A_212 = arith.constant 16 : i32
      %mul3A_213 = vector.broadcast %mul3A_212 : i32 to vector<16xi32>
      %mul3A_214 = arith.muli %and3A_211, %mul3A_213 : vector<16xi32>
      %swap3A_215 = arith.constant 112 : index
      %swap3A_216 = tpu.vector_load %arg6[%swap3A_215] {strides = array<i32>} : memref<256xi32, #tpu.memory_space<vmem>>, vector<16xi32>,
      tpu.vector_store %arg6[%swap3A_215], %mul3A_214 {strides = array<i32>} : memref<256xi32, #tpu.memory_space<vmem>>, vector<16xi32>,
      %get3A_217 = arith.constant 128 : index
      %get3A_218 = tpu.vector_load %arg5[%get3A_217] {strides = array<i32>} : memref<256xi32, #tpu.memory_space<vmem>>, vector<16xi32>,
      %min3A_219 = arith.constant 99999 : i32
      %min3A_220 = vector.broadcast %min3A_219 : i32 to vector<16xi32>
      %min3A_221 = arith.minsi %get3A_218, %min3A_220 : vector<16xi32>
      %mul3A_222 = arith.constant 100000 : i32
      %mul3A_223 = arith.muli %select_n3A, %mul3A_222 : i32
      %add3A_224 = vector.broadcast %mul3A_223 : i32 to vector<16xi32>
      %add3A_225 = arith.addi %min3A_221, %add3A_224 : vector<16xi32>
      %shift_right_arithmetic3A_226 = arith.constant 3 : i32
      %shift_right_arithmetic3A_227 = vector.broadcast %shift_right_arithmetic3A_226 : i32 to vector<16xi32>
      %shift_right_arithmetic3A_228 = arith.shrsi %add3A_225, %shift_right_arithmetic3A_227 : vector<16xi32>
      %swap3A_229 = arith.constant 128 : index
      %swap3A_230 = tpu.vector_load %arg5[%swap3A_229] {strides = array<i32>} : memref<256xi32, #tpu.memory_space<vmem>>, vector<16xi32>,
      tpu.vector_store %arg5[%swap3A_229], %shift_right_arithmetic3A_228 {strides = array<i32>} : memref<256xi32, #tpu.memory_space<vmem>>, vector<16xi32>,
      %and3A_231 = arith.constant 7 : i32
      %and3A_232 = vector.broadcast %and3A_231 : i32 to vector<16xi32>
      %and3A_233 = arith.andi %add3A_225, %and3A_232 : vector<16xi32>
      %mul3A_234 = arith.constant 16 : i32
      %mul3A_235 = vector.broadcast %mul3A_234 : i32 to vector<16xi32>
      %mul3A_236 = arith.muli %and3A_233, %mul3A_235 : vector<16xi32>
      %swap3A_237 = arith.constant 128 : index
      %swap3A_238 = tpu.vector_load %arg6[%swap3A_237] {strides = array<i32>} : memref<256xi32, #tpu.memory_space<vmem>>, vector<16xi32>,
      tpu.vector_store %arg6[%swap3A_237], %mul3A_236 {strides = array<i32>} : memref<256xi32, #tpu.memory_space<vmem>>, vector<16xi32>,
      %get3A_239 = arith.constant 144 : index
      %get3A_240 = tpu.vector_load %arg5[%get3A_239] {strides = array<i32>} : memref<256xi32, #tpu.memory_space<vmem>>, vector<16xi32>,
      %min3A_241 = arith.constant 99999 : i32
      %min3A_242 = vector.broadcast %min3A_241 : i32 to vector<16xi32>
      %min3A_243 = arith.minsi %get3A_240, %min3A_242 : vector<16xi32>
      %mul3A_244 = arith.constant 100000 : i32
      %mul3A_245 = arith.muli %select_n3A, %mul3A_244 : i32
      %add3A_246 = vector.broadcast %mul3A_245 : i32 to vector<16xi32>
      %add3A_247 = arith.addi %min3A_243, %add3A_246 : vector<16xi32>
      %shift_right_arithmetic3A_248 = arith.constant 3 : i32
      %shift_right_arithmetic3A_249 = vector.broadcast %shift_right_arithmetic3A_248 : i32 to vector<16xi32>
      %shift_right_arithmetic3A_250 = arith.shrsi %add3A_247, %shift_right_arithmetic3A_249 : vector<16xi32>
      %swap3A_251 = arith.constant 144 : index
      %swap3A_252 = tpu.vector_load %arg5[%swap3A_251] {strides = array<i32>} : memref<256xi32, #tpu.memory_space<vmem>>, vector<16xi32>,
      tpu.vector_store %arg5[%swap3A_251], %shift_right_arithmetic3A_250 {strides = array<i32>} : memref<256xi32, #tpu.memory_space<vmem>>, vector<16xi32>,
      %and3A_253 = arith.constant 7 : i32
      %and3A_254 = vector.broadcast %and3A_253 : i32 to vector<16xi32>
      %and3A_255 = arith.andi %add3A_247, %and3A_254 : vector<16xi32>
      %mul3A_256 = arith.constant 16 : i32
      %mul3A_257 = vector.broadcast %mul3A_256 : i32 to vector<16xi32>
      %mul3A_258 = arith.muli %and3A_255, %mul3A_257 : vector<16xi32>
      %swap3A_259 = arith.constant 144 : index
      %swap3A_260 = tpu.vector_load %arg6[%swap3A_259] {strides = array<i32>} : memref<256xi32, #tpu.memory_space<vmem>>, vector<16xi32>,
      tpu.vector_store %arg6[%swap3A_259], %mul3A_258 {strides = array<i32>} : memref<256xi32, #tpu.memory_space<vmem>>, vector<16xi32>,
      %get3A_261 = arith.constant 160 : index
      %get3A_262 = tpu.vector_load %arg5[%get3A_261] {strides = array<i32>} : memref<256xi32, #tpu.memory_space<vmem>>, vector<16xi32>,
      %min3A_263 = arith.constant 99999 : i32
      %min3A_264 = vector.broadcast %min3A_263 : i32 to vector<16xi32>
      %min3A_265 = arith.minsi %get3A_262, %min3A_264 : vector<16xi32>
      %mul3A_266 = arith.constant 100000 : i32
      %mul3A_267 = arith.muli %select_n3A, %mul3A_266 : i32
      %add3A_268 = vector.broadcast %mul3A_267 : i32 to vector<16xi32>
      %add3A_269 = arith.addi %min3A_265, %add3A_268 : vector<16xi32>
      %shift_right_arithmetic3A_270 = arith.constant 3 : i32
      %shift_right_arithmetic3A_271 = vector.broadcast %shift_right_arithmetic3A_270 : i32 to vector<16xi32>
      %shift_right_arithmetic3A_272 = arith.shrsi %add3A_269, %shift_right_arithmetic3A_271 : vector<16xi32>
      %swap3A_273 = arith.constant 160 : index
      %swap3A_274 = tpu.vector_load %arg5[%swap3A_273] {strides = array<i32>} : memref<256xi32, #tpu.memory_space<vmem>>, vector<16xi32>,
      tpu.vector_store %arg5[%swap3A_273], %shift_right_arithmetic3A_272 {strides = array<i32>} : memref<256xi32, #tpu.memory_space<vmem>>, vector<16xi32>,
      %and3A_275 = arith.constant 7 : i32
      %and3A_276 = vector.broadcast %and3A_275 : i32 to vector<16xi32>
      %and3A_277 = arith.andi %add3A_269, %and3A_276 : vector<16xi32>
      %mul3A_278 = arith.constant 16 : i32
      %mul3A_279 = vector.broadcast %mul3A_278 : i32 to vector<16xi32>
      %mul3A_280 = arith.muli %and3A_277, %mul3A_279 : vector<16xi32>
      %swap3A_281 = arith.constant 160 : index
      %swap3A_282 = tpu.vector_load %arg6[%swap3A_281] {strides = array<i32>} : memref<256xi32, #tpu.memory_space<vmem>>, vector<16xi32>,
      tpu.vector_store %arg6[%swap3A_281], %mul3A_280 {strides = array<i32>} : memref<256xi32, #tpu.memory_space<vmem>>, vector<16xi32>,
      %get3A_283 = arith.constant 176 : index
      %get3A_284 = tpu.vector_load %arg5[%get3A_283] {strides = array<i32>} : memref<256xi32, #tpu.memory_space<vmem>>, vector<16xi32>,
      %min3A_285 = arith.constant 99999 : i32
      %min3A_286 = vector.broadcast %min3A_285 : i32 to vector<16xi32>
      %min3A_287 = arith.minsi %get3A_284, %min3A_286 : vector<16xi32>
      %mul3A_288 = arith.constant 100000 : i32
      %mul3A_289 = arith.muli %select_n3A, %mul3A_288 : i32
      %add3A_290 = vector.broadcast %mul3A_289 : i32 to vector<16xi32>
      %add3A_291 = arith.addi %min3A_287, %add3A_290 : vector<16xi32>
      %shift_right_arithmetic3A_292 = arith.constant 3 : i32
      %shift_right_arithmetic3A_293 = vector.broadcast %shift_right_arithmetic3A_292 : i32 to vector<16xi32>
      %shift_right_arithmetic3A_294 = arith.shrsi %add3A_291, %shift_right_arithmetic3A_293 : vector<16xi32>
      %swap3A_295 = arith.constant 176 : index
      %swap3A_296 = tpu.vector_load %arg5[%swap3A_295] {strides = array<i32>} : memref<256xi32, #tpu.memory_space<vmem>>, vector<16xi32>,
      tpu.vector_store %arg5[%swap3A_295], %shift_right_arithmetic3A_294 {strides = array<i32>} : memref<256xi32, #tpu.memory_space<vmem>>, vector<16xi32>,
      %and3A_297 = arith.constant 7 : i32
      %and3A_298 = vector.broadcast %and3A_297 : i32 to vector<16xi32>
      %and3A_299 = arith.andi %add3A_291, %and3A_298 : vector<16xi32>
      %mul3A_300 = arith.constant 16 : i32
      %mul3A_301 = vector.broadcast %mul3A_300 : i32 to vector<16xi32>
      %mul3A_302 = arith.muli %and3A_299, %mul3A_301 : vector<16xi32>
      %swap3A_303 = arith.constant 176 : index
      %swap3A_304 = tpu.vector_load %arg6[%swap3A_303] {strides = array<i32>} : memref<256xi32, #tpu.memory_space<vmem>>, vector<16xi32>,
      tpu.vector_store %arg6[%swap3A_303], %mul3A_302 {strides = array<i32>} : memref<256xi32, #tpu.memory_space<vmem>>, vector<16xi32>,
      %get3A_305 = arith.constant 192 : index
      %get3A_306 = tpu.vector_load %arg5[%get3A_305] {strides = array<i32>} : memref<256xi32, #tpu.memory_space<vmem>>, vector<16xi32>,
      %min3A_307 = arith.constant 99999 : i32
      %min3A_308 = vector.broadcast %min3A_307 : i32 to vector<16xi32>
      %min3A_309 = arith.minsi %get3A_306, %min3A_308 : vector<16xi32>
      %mul3A_310 = arith.constant 100000 : i32
      %mul3A_311 = arith.muli %select_n3A, %mul3A_310 : i32
      %add3A_312 = vector.broadcast %mul3A_311 : i32 to vector<16xi32>
      %add3A_313 = arith.addi %min3A_309, %add3A_312 : vector<16xi32>
      %shift_right_arithmetic3A_314 = arith.constant 3 : i32
      %shift_right_arithmetic3A_315 = vector.broadcast %shift_right_arithmetic3A_314 : i32 to vector<16xi32>
      %shift_right_arithmetic3A_316 = arith.shrsi %add3A_313, %shift_right_arithmetic3A_315 : vector<16xi32>
      %swap3A_317 = arith.constant 192 : index
      %swap3A_318 = tpu.vector_load %arg5[%swap3A_317] {strides = array<i32>} : memref<256xi32, #tpu.memory_space<vmem>>, vector<16xi32>,
      tpu.vector_store %arg5[%swap3A_317], %shift_right_arithmetic3A_316 {strides = array<i32>} : memref<256xi32, #tpu.memory_space<vmem>>, vector<16xi32>,
      %and3A_319 = arith.constant 7 : i32
      %and3A_320 = vector.broadcast %and3A_319 : i32 to vector<16xi32>
      %and3A_321 = arith.andi %add3A_313, %and3A_320 : vector<16xi32>
      %mul3A_322 = arith.constant 16 : i32
      %mul3A_323 = vector.broadcast %mul3A_322 : i32 to vector<16xi32>
      %mul3A_324 = arith.muli %and3A_321, %mul3A_323 : vector<16xi32>
      %swap3A_325 = arith.constant 192 : index
      %swap3A_326 = tpu.vector_load %arg6[%swap3A_325] {strides = array<i32>} : memref<256xi32, #tpu.memory_space<vmem>>, vector<16xi32>,
      tpu.vector_store %arg6[%swap3A_325], %mul3A_324 {strides = array<i32>} : memref<256xi32, #tpu.memory_space<vmem>>, vector<16xi32>,
      %get3A_327 = arith.constant 208 : index
      %get3A_328 = tpu.vector_load %arg5[%get3A_327] {strides = array<i32>} : memref<256xi32, #tpu.memory_space<vmem>>, vector<16xi32>,
      %min3A_329 = arith.constant 99999 : i32
      %min3A_330 = vector.broadcast %min3A_329 : i32 to vector<16xi32>
      %min3A_331 = arith.minsi %get3A_328, %min3A_330 : vector<16xi32>
      %mul3A_332 = arith.constant 100000 : i32
      %mul3A_333 = arith.muli %select_n3A, %mul3A_332 : i32
      %add3A_334 = vector.broadcast %mul3A_333 : i32 to vector<16xi32>
      %add3A_335 = arith.addi %min3A_331, %add3A_334 : vector<16xi32>
      %shift_right_arithmetic3A_336 = arith.constant 3 : i32
      %shift_right_arithmetic3A_337 = vector.broadcast %shift_right_arithmetic3A_336 : i32 to vector<16xi32>
      %shift_right_arithmetic3A_338 = arith.shrsi %add3A_335, %shift_right_arithmetic3A_337 : vector<16xi32>
      %swap3A_339 = arith.constant 208 : index
      %swap3A_340 = tpu.vector_load %arg5[%swap3A_339] {strides = array<i32>} : memref<256xi32, #tpu.memory_space<vmem>>, vector<16xi32>,
      tpu.vector_store %arg5[%swap3A_339], %shift_right_arithmetic3A_338 {strides = array<i32>} : memref<256xi32, #tpu.memory_space<vmem>>, vector<16xi32>,
      %and3A_341 = arith.constant 7 : i32
      %and3A_342 = vector.broadcast %and3A_341 : i32 to vector<16xi32>
      %and3A_343 = arith.andi %add3A_335, %and3A_342 : vector<16xi32>
      %mul3A_344 = arith.constant 16 : i32
      %mul3A_345 = vector.broadcast %mul3A_344 : i32 to vector<16xi32>
      %mul3A_346 = arith.muli %and3A_343, %mul3A_345 : vector<16xi32>
      %swap3A_347 = arith.constant 208 : index
      %swap3A_348 = tpu.vector_load %arg6[%swap3A_347] {strides = array<i32>} : memref<256xi32, #tpu.memory_space<vmem>>, vector<16xi32>,
      tpu.vector_store %arg6[%swap3A_347], %mul3A_346 {strides = array<i32>} : memref<256xi32, #tpu.memory_space<vmem>>, vector<16xi32>,
      %get3A_349 = arith.constant 224 : index
      %get3A_350 = tpu.vector_load %arg5[%get3A_349] {strides = array<i32>} : memref<256xi32, #tpu.memory_space<vmem>>, vector<16xi32>,
      %min3A_351 = arith.constant 99999 : i32
      %min3A_352 = vector.broadcast %min3A_351 : i32 to vector<16xi32>
      %min3A_353 = arith.minsi %get3A_350, %min3A_352 : vector<16xi32>
      %mul3A_354 = arith.constant 100000 : i32
      %mul3A_355 = arith.muli %select_n3A, %mul3A_354 : i32
      %add3A_356 = vector.broadcast %mul3A_355 : i32 to vector<16xi32>
      %add3A_357 = arith.addi %min3A_353, %add3A_356 : vector<16xi32>
      %shift_right_arithmetic3A_358 = arith.constant 3 : i32
      %shift_right_arithmetic3A_359 = vector.broadcast %shift_right_arithmetic3A_358 : i32 to vector<16xi32>
      %shift_right_arithmetic3A_360 = arith.shrsi %add3A_357, %shift_right_arithmetic3A_359 : vector<16xi32>
      %swap3A_361 = arith.constant 224 : index
      %swap3A_362 = tpu.vector_load %arg5[%swap3A_361] {strides = array<i32>} : memref<256xi32, #tpu.memory_space<vmem>>, vector<16xi32>,
      tpu.vector_store %arg5[%swap3A_361], %shift_right_arithmetic3A_360 {strides = array<i32>} : memref<256xi32, #tpu.memory_space<vmem>>, vector<16xi32>,
      %and3A_363 = arith.constant 7 : i32
      %and3A_364 = vector.broadcast %and3A_363 : i32 to vector<16xi32>
      %and3A_365 = arith.andi %add3A_357, %and3A_364 : vector<16xi32>
      %mul3A_366 = arith.constant 16 : i32
      %mul3A_367 = vector.broadcast %mul3A_366 : i32 to vector<16xi32>
      %mul3A_368 = arith.muli %and3A_365, %mul3A_367 : vector<16xi32>
      %swap3A_369 = arith.constant 224 : index
      %swap3A_370 = tpu.vector_load %arg6[%swap3A_369] {strides = array<i32>} : memref<256xi32, #tpu.memory_space<vmem>>, vector<16xi32>,
      tpu.vector_store %arg6[%swap3A_369], %mul3A_368 {strides = array<i32>} : memref<256xi32, #tpu.memory_space<vmem>>, vector<16xi32>,
      %get3A_371 = arith.constant 240 : index
      %get3A_372 = tpu.vector_load %arg5[%get3A_371] {strides = array<i32>} : memref<256xi32, #tpu.memory_space<vmem>>, vector<16xi32>,
      %min3A_373 = arith.constant 99999 : i32
      %min3A_374 = vector.broadcast %min3A_373 : i32 to vector<16xi32>
      %min3A_375 = arith.minsi %get3A_372, %min3A_374 : vector<16xi32>
      %mul3A_376 = arith.constant 100000 : i32
      %mul3A_377 = arith.muli %select_n3A, %mul3A_376 : i32
      %add3A_378 = vector.broadcast %mul3A_377 : i32 to vector<16xi32>
      %add3A_379 = arith.addi %min3A_375, %add3A_378 : vector<16xi32>
      %shift_right_arithmetic3A_380 = arith.constant 3 : i32
      %shift_right_arithmetic3A_381 = vector.broadcast %shift_right_arithmetic3A_380 : i32 to vector<16xi32>
      %shift_right_arithmetic3A_382 = arith.shrsi %add3A_379, %shift_right_arithmetic3A_381 : vector<16xi32>
      %swap3A_383 = arith.constant 240 : index
      %swap3A_384 = tpu.vector_load %arg5[%swap3A_383] {strides = array<i32>} : memref<256xi32, #tpu.memory_space<vmem>>, vector<16xi32>,
      tpu.vector_store %arg5[%swap3A_383], %shift_right_arithmetic3A_382 {strides = array<i32>} : memref<256xi32, #tpu.memory_space<vmem>>, vector<16xi32>,
      %and3A_385 = arith.constant 7 : i32
      %and3A_386 = vector.broadcast %and3A_385 : i32 to vector<16xi32>
      %and3A_387 = arith.andi %add3A_379, %and3A_386 : vector<16xi32>
      %mul3A_388 = arith.constant 16 : i32
      %mul3A_389 = vector.broadcast %mul3A_388 : i32 to vector<16xi32>
      %mul3A_390 = arith.muli %and3A_387, %mul3A_389 : vector<16xi32>
      %swap3A_391 = arith.constant 240 : index
      %swap3A_392 = tpu.vector_load %arg6[%swap3A_391] {strides = array<i32>} : memref<256xi32, #tpu.memory_space<vmem>>, vector<16xi32>,
      tpu.vector_store %arg6[%swap3A_391], %mul3A_390 {strides = array<i32>} : memref<256xi32, #tpu.memory_space<vmem>>, vector<16xi32>,
      %dma_start3A = arith.constant 0 : i32
      %dma_start3A_393 = arith.constant 0 : i32
      %dma_start3A_394 = tpu.memref_slice %arg3[%dma_start3A, %dma_start3A_393] : memref<325000x128xf32, #tpu.memory_space<hbm>> -> memref<325000x128xf32, #tpu.memory_space<hbm>>
      tpu.enqueue_indirect_dma source(%dma_start3A_394 : memref<325000x128xf32, #tpu.memory_space<hbm>>) target(%arg7 : memref<256x128xf32, #tpu.memory_space<vmem>>) offsets(%arg5 : memref<256xi32, #tpu.memory_space<vmem>>) semaphore(%arg9 : memref<!tpu.dma_semaphore, #tpu.memory_space<semaphore_mem>>)
      %dma_wait3A = arith.constant 0 : i32
      %dma_wait3A_395 = arith.constant 0 : i32
      %dma_wait3A_396 = tpu.memref_slice %arg3[%dma_wait3A, %dma_wait3A_395] : memref<325000x128xf32, #tpu.memory_space<hbm>> -> memref<325000x128xf32, #tpu.memory_space<hbm>>
      tpu.wait_indirect_dma semaphore(%arg9 : memref<!tpu.dma_semaphore, #tpu.memory_space<semaphore_mem>>) src(%dma_wait3A_396 : memref<325000x128xf32, #tpu.memory_space<hbm>>) dst(%arg7 : memref<256x128xf32, #tpu.memory_space<vmem>>)
      %add3A_397 = arith.constant 0 : i32
      %add3A_398 = vector.broadcast %add3A_397 : i32 to vector<16xi32>
      %add3A_399 = arith.addi %add3A_398, %iota3A : vector<16xi32>
      %get3A_400 = arith.constant 0 : index
      %get3A_401 = tpu.vector_load %arg6[%get3A_400] {strides = array<i32>} : memref<256xi32, #tpu.memory_space<vmem>>, vector<16xi32>,
      %add3A_402 = arith.constant 0 : i32
      %add3A_403 = vector.broadcast %add3A_402 : i32 to vector<16xi32>
      %add3A_404 = arith.addi %get3A_401, %add3A_403 : vector<16xi32>
      %gather3A = tpu.vector_load_idx %arg7[%add3A_399, %add3A_404] : memref<256x128xf32, #tpu.memory_space<vmem>>[vector<16xi32>, vector<16xi32>], vector<16xf32>,
      %swap3A_405 = arith.constant 0 : i32
      %swap3A_406 = arith.index_cast %swap3A_405 : i32 to index
      %swap3A_407 = arith.constant 0 : index
      %swap3A_408 = tpu.vector_load %arg8[%swap3A_406, %swap3A_407] {strides = array<i32>} : memref<16x256xf32, #tpu.memory_space<vmem>>, vector<16xf32>,
      tpu.vector_store %arg8[%swap3A_406, %swap3A_407], %gather3A {strides = array<i32>} : memref<16x256xf32, #tpu.memory_space<vmem>>, vector<16xf32>,
      %add3A_409 = arith.constant 1 : i32
      %add3A_410 = vector.broadcast %add3A_409 : i32 to vector<16xi32>
      %add3A_411 = arith.addi %get3A_401, %add3A_410 : vector<16xi32>
      %gather3A_412 = tpu.vector_load_idx %arg7[%add3A_399, %add3A_411] : memref<256x128xf32, #tpu.memory_space<vmem>>[vector<16xi32>, vector<16xi32>], vector<16xf32>,
      %swap3A_413 = arith.constant 1 : i32
      %swap3A_414 = arith.index_cast %swap3A_413 : i32 to index
      %swap3A_415 = arith.constant 0 : index
      %swap3A_416 = tpu.vector_load %arg8[%swap3A_414, %swap3A_415] {strides = array<i32>} : memref<16x256xf32, #tpu.memory_space<vmem>>, vector<16xf32>,
      tpu.vector_store %arg8[%swap3A_414, %swap3A_415], %gather3A_412 {strides = array<i32>} : memref<16x256xf32, #tpu.memory_space<vmem>>, vector<16xf32>,
      %add3A_417 = arith.constant 2 : i32
      %add3A_418 = vector.broadcast %add3A_417 : i32 to vector<16xi32>
      %add3A_419 = arith.addi %get3A_401, %add3A_418 : vector<16xi32>
      %gather3A_420 = tpu.vector_load_idx %arg7[%add3A_399, %add3A_419] : memref<256x128xf32, #tpu.memory_space<vmem>>[vector<16xi32>, vector<16xi32>], vector<16xf32>,
      %swap3A_421 = arith.constant 2 : i32
      %swap3A_422 = arith.index_cast %swap3A_421 : i32 to index
      %swap3A_423 = arith.constant 0 : index
      %swap3A_424 = tpu.vector_load %arg8[%swap3A_422, %swap3A_423] {strides = array<i32>} : memref<16x256xf32, #tpu.memory_space<vmem>>, vector<16xf32>,
      tpu.vector_store %arg8[%swap3A_422, %swap3A_423], %gather3A_420 {strides = array<i32>} : memref<16x256xf32, #tpu.memory_space<vmem>>, vector<16xf32>,
      %add3A_425 = arith.constant 3 : i32
      %add3A_426 = vector.broadcast %add3A_425 : i32 to vector<16xi32>
      %add3A_427 = arith.addi %get3A_401, %add3A_426 : vector<16xi32>
      %gather3A_428 = tpu.vector_load_idx %arg7[%add3A_399, %add3A_427] : memref<256x128xf32, #tpu.memory_space<vmem>>[vector<16xi32>, vector<16xi32>], vector<16xf32>,
      %swap3A_429 = arith.constant 3 : i32
      %swap3A_430 = arith.index_cast %swap3A_429 : i32 to index
      %swap3A_431 = arith.constant 0 : index
      %swap3A_432 = tpu.vector_load %arg8[%swap3A_430, %swap3A_431] {strides = array<i32>} : memref<16x256xf32, #tpu.memory_space<vmem>>, vector<16xf32>,
      tpu.vector_store %arg8[%swap3A_430, %swap3A_431], %gather3A_428 {strides = array<i32>} : memref<16x256xf32, #tpu.memory_space<vmem>>, vector<16xf32>,
      %add3A_433 = arith.constant 4 : i32
      %add3A_434 = vector.broadcast %add3A_433 : i32 to vector<16xi32>
      %add3A_435 = arith.addi %get3A_401, %add3A_434 : vector<16xi32>
      %gather3A_436 = tpu.vector_load_idx %arg7[%add3A_399, %add3A_435] : memref<256x128xf32, #tpu.memory_space<vmem>>[vector<16xi32>, vector<16xi32>], vector<16xf32>,
      %swap3A_437 = arith.constant 4 : i32
      %swap3A_438 = arith.index_cast %swap3A_437 : i32 to index
      %swap3A_439 = arith.constant 0 : index
      %swap3A_440 = tpu.vector_load %arg8[%swap3A_438, %swap3A_439] {strides = array<i32>} : memref<16x256xf32, #tpu.memory_space<vmem>>, vector<16xf32>,
      tpu.vector_store %arg8[%swap3A_438, %swap3A_439], %gather3A_436 {strides = array<i32>} : memref<16x256xf32, #tpu.memory_space<vmem>>, vector<16xf32>,
      %add3A_441 = arith.constant 5 : i32
      %add3A_442 = vector.broadcast %add3A_441 : i32 to vector<16xi32>
      %add3A_443 = arith.addi %get3A_401, %add3A_442 : vector<16xi32>
      %gather3A_444 = tpu.vector_load_idx %arg7[%add3A_399, %add3A_443] : memref<256x128xf32, #tpu.memory_space<vmem>>[vector<16xi32>, vector<16xi32>], vector<16xf32>,
      %swap3A_445 = arith.constant 5 : i32
      %swap3A_446 = arith.index_cast %swap3A_445 : i32 to index
      %swap3A_447 = arith.constant 0 : index
      %swap3A_448 = tpu.vector_load %arg8[%swap3A_446, %swap3A_447] {strides = array<i32>} : memref<16x256xf32, #tpu.memory_space<vmem>>, vector<16xf32>,
      tpu.vector_store %arg8[%swap3A_446, %swap3A_447], %gather3A_444 {strides = array<i32>} : memref<16x256xf32, #tpu.memory_space<vmem>>, vector<16xf32>,
      %add3A_449 = arith.constant 6 : i32
      %add3A_450 = vector.broadcast %add3A_449 : i32 to vector<16xi32>
      %add3A_451 = arith.addi %get3A_401, %add3A_450 : vector<16xi32>
      %gather3A_452 = tpu.vector_load_idx %arg7[%add3A_399, %add3A_451] : memref<256x128xf32, #tpu.memory_space<vmem>>[vector<16xi32>, vector<16xi32>], vector<16xf32>,
      %swap3A_453 = arith.constant 6 : i32
      %swap3A_454 = arith.index_cast %swap3A_453 : i32 to index
      %swap3A_455 = arith.constant 0 : index
      %swap3A_456 = tpu.vector_load %arg8[%swap3A_454, %swap3A_455] {strides = array<i32>} : memref<16x256xf32, #tpu.memory_space<vmem>>, vector<16xf32>,
      tpu.vector_store %arg8[%swap3A_454, %swap3A_455], %gather3A_452 {strides = array<i32>} : memref<16x256xf32, #tpu.memory_space<vmem>>, vector<16xf32>,
      %add3A_457 = arith.constant 7 : i32
      %add3A_458 = vector.broadcast %add3A_457 : i32 to vector<16xi32>
      %add3A_459 = arith.addi %get3A_401, %add3A_458 : vector<16xi32>
      %gather3A_460 = tpu.vector_load_idx %arg7[%add3A_399, %add3A_459] : memref<256x128xf32, #tpu.memory_space<vmem>>[vector<16xi32>, vector<16xi32>], vector<16xf32>,
      %swap3A_461 = arith.constant 7 : i32
      %swap3A_462 = arith.index_cast %swap3A_461 : i32 to index
      %swap3A_463 = arith.constant 0 : index
      %swap3A_464 = tpu.vector_load %arg8[%swap3A_462, %swap3A_463] {strides = array<i32>} : memref<16x256xf32, #tpu.memory_space<vmem>>, vector<16xf32>,
      tpu.vector_store %arg8[%swap3A_462, %swap3A_463], %gather3A_460 {strides = array<i32>} : memref<16x256xf32, #tpu.memory_space<vmem>>, vector<16xf32>,
      %add3A_465 = arith.constant 8 : i32
      %add3A_466 = vector.broadcast %add3A_465 : i32 to vector<16xi32>
      %add3A_467 = arith.addi %get3A_401, %add3A_466 : vector<16xi32>
      %gather3A_468 = tpu.vector_load_idx %arg7[%add3A_399, %add3A_467] : memref<256x128xf32, #tpu.memory_space<vmem>>[vector<16xi32>, vector<16xi32>], vector<16xf32>,
      %swap3A_469 = arith.constant 8 : i32
      %swap3A_470 = arith.index_cast %swap3A_469 : i32 to index
      %swap3A_471 = arith.constant 0 : index
      %swap3A_472 = tpu.vector_load %arg8[%swap3A_470, %swap3A_471] {strides = array<i32>} : memref<16x256xf32, #tpu.memory_space<vmem>>, vector<16xf32>,
      tpu.vector_store %arg8[%swap3A_470, %swap3A_471], %gather3A_468 {strides = array<i32>} : memref<16x256xf32, #tpu.memory_space<vmem>>, vector<16xf32>,
      %add3A_473 = arith.constant 9 : i32
      %add3A_474 = vector.broadcast %add3A_473 : i32 to vector<16xi32>
      %add3A_475 = arith.addi %get3A_401, %add3A_474 : vector<16xi32>
      %gather3A_476 = tpu.vector_load_idx %arg7[%add3A_399, %add3A_475] : memref<256x128xf32, #tpu.memory_space<vmem>>[vector<16xi32>, vector<16xi32>], vector<16xf32>,
      %swap3A_477 = arith.constant 9 : i32
      %swap3A_478 = arith.index_cast %swap3A_477 : i32 to index
      %swap3A_479 = arith.constant 0 : index
      %swap3A_480 = tpu.vector_load %arg8[%swap3A_478, %swap3A_479] {strides = array<i32>} : memref<16x256xf32, #tpu.memory_space<vmem>>, vector<16xf32>,
      tpu.vector_store %arg8[%swap3A_478, %swap3A_479], %gather3A_476 {strides = array<i32>} : memref<16x256xf32, #tpu.memory_space<vmem>>, vector<16xf32>,
      %add3A_481 = arith.constant 10 : i32
      %add3A_482 = vector.broadcast %add3A_481 : i32 to vector<16xi32>
      %add3A_483 = arith.addi %get3A_401, %add3A_482 : vector<16xi32>
      %gather3A_484 = tpu.vector_load_idx %arg7[%add3A_399, %add3A_483] : memref<256x128xf32, #tpu.memory_space<vmem>>[vector<16xi32>, vector<16xi32>], vector<16xf32>,
      %swap3A_485 = arith.constant 10 : i32
      %swap3A_486 = arith.index_cast %swap3A_485 : i32 to index
      %swap3A_487 = arith.constant 0 : index
      %swap3A_488 = tpu.vector_load %arg8[%swap3A_486, %swap3A_487] {strides = array<i32>} : memref<16x256xf32, #tpu.memory_space<vmem>>, vector<16xf32>,
      tpu.vector_store %arg8[%swap3A_486, %swap3A_487], %gather3A_484 {strides = array<i32>} : memref<16x256xf32, #tpu.memory_space<vmem>>, vector<16xf32>,
      %add3A_489 = arith.constant 11 : i32
      %add3A_490 = vector.broadcast %add3A_489 : i32 to vector<16xi32>
      %add3A_491 = arith.addi %get3A_401, %add3A_490 : vector<16xi32>
      %gather3A_492 = tpu.vector_load_idx %arg7[%add3A_399, %add3A_491] : memref<256x128xf32, #tpu.memory_space<vmem>>[vector<16xi32>, vector<16xi32>], vector<16xf32>,
      %swap3A_493 = arith.constant 11 : i32
      %swap3A_494 = arith.index_cast %swap3A_493 : i32 to index
      %swap3A_495 = arith.constant 0 : index
      %swap3A_496 = tpu.vector_load %arg8[%swap3A_494, %swap3A_495] {strides = array<i32>} : memref<16x256xf32, #tpu.memory_space<vmem>>, vector<16xf32>,
      tpu.vector_store %arg8[%swap3A_494, %swap3A_495], %gather3A_492 {strides = array<i32>} : memref<16x256xf32, #tpu.memory_space<vmem>>, vector<16xf32>,
      %add3A_497 = arith.constant 12 : i32
      %add3A_498 = vector.broadcast %add3A_497 : i32 to vector<16xi32>
      %add3A_499 = arith.addi %get3A_401, %add3A_498 : vector<16xi32>
      %gather3A_500 = tpu.vector_load_idx %arg7[%add3A_399, %add3A_499] : memref<256x128xf32, #tpu.memory_space<vmem>>[vector<16xi32>, vector<16xi32>], vector<16xf32>,
      %swap3A_501 = arith.constant 12 : i32
      %swap3A_502 = arith.index_cast %swap3A_501 : i32 to index
      %swap3A_503 = arith.constant 0 : index
      %swap3A_504 = tpu.vector_load %arg8[%swap3A_502, %swap3A_503] {strides = array<i32>} : memref<16x256xf32, #tpu.memory_space<vmem>>, vector<16xf32>,
      tpu.vector_store %arg8[%swap3A_502, %swap3A_503], %gather3A_500 {strides = array<i32>} : memref<16x256xf32, #tpu.memory_space<vmem>>, vector<16xf32>,
      %add3A_505 = arith.constant 13 : i32
      %add3A_506 = vector.broadcast %add3A_505 : i32 to vector<16xi32>
      %add3A_507 = arith.addi %get3A_401, %add3A_506 : vector<16xi32>
      %gather3A_508 = tpu.vector_load_idx %arg7[%add3A_399, %add3A_507] : memref<256x128xf32, #tpu.memory_space<vmem>>[vector<16xi32>, vector<16xi32>], vector<16xf32>,
      %swap3A_509 = arith.constant 13 : i32
      %swap3A_510 = arith.index_cast %swap3A_509 : i32 to index
      %swap3A_511 = arith.constant 0 : index
      %swap3A_512 = tpu.vector_load %arg8[%swap3A_510, %swap3A_511] {strides = array<i32>} : memref<16x256xf32, #tpu.memory_space<vmem>>, vector<16xf32>,
      tpu.vector_store %arg8[%swap3A_510, %swap3A_511], %gather3A_508 {strides = array<i32>} : memref<16x256xf32, #tpu.memory_space<vmem>>, vector<16xf32>,
      %add3A_513 = arith.constant 14 : i32
      %add3A_514 = vector.broadcast %add3A_513 : i32 to vector<16xi32>
      %add3A_515 = arith.addi %get3A_401, %add3A_514 : vector<16xi32>
      %gather3A_516 = tpu.vector_load_idx %arg7[%add3A_399, %add3A_515] : memref<256x128xf32, #tpu.memory_space<vmem>>[vector<16xi32>, vector<16xi32>], vector<16xf32>,
      %swap3A_517 = arith.constant 14 : i32
      %swap3A_518 = arith.index_cast %swap3A_517 : i32 to index
      %swap3A_519 = arith.constant 0 : index
      %swap3A_520 = tpu.vector_load %arg8[%swap3A_518, %swap3A_519] {strides = array<i32>} : memref<16x256xf32, #tpu.memory_space<vmem>>, vector<16xf32>,
      tpu.vector_store %arg8[%swap3A_518, %swap3A_519], %gather3A_516 {strides = array<i32>} : memref<16x256xf32, #tpu.memory_space<vmem>>, vector<16xf32>,
      %add3A_521 = arith.constant 15 : i32
      %add3A_522 = vector.broadcast %add3A_521 : i32 to vector<16xi32>
      %add3A_523 = arith.addi %get3A_401, %add3A_522 : vector<16xi32>
      %gather3A_524 = tpu.vector_load_idx %arg7[%add3A_399, %add3A_523] : memref<256x128xf32, #tpu.memory_space<vmem>>[vector<16xi32>, vector<16xi32>], vector<16xf32>,
      %swap3A_525 = arith.constant 15 : i32
      %swap3A_526 = arith.index_cast %swap3A_525 : i32 to index
      %swap3A_527 = arith.constant 0 : index
      %swap3A_528 = tpu.vector_load %arg8[%swap3A_526, %swap3A_527] {strides = array<i32>} : memref<16x256xf32, #tpu.memory_space<vmem>>, vector<16xf32>,
      tpu.vector_store %arg8[%swap3A_526, %swap3A_527], %gather3A_524 {strides = array<i32>} : memref<16x256xf32, #tpu.memory_space<vmem>>, vector<16xf32>,
      %add3A_529 = arith.constant 16 : i32
      %add3A_530 = vector.broadcast %add3A_529 : i32 to vector<16xi32>
      %add3A_531 = arith.addi %add3A_530, %iota3A : vector<16xi32>
      %get3A_532 = arith.constant 16 : index
      %get3A_533 = tpu.vector_load %arg6[%get3A_532] {strides = array<i32>} : memref<256xi32, #tpu.memory_space<vmem>>, vector<16xi32>,
      %add3A_534 = arith.constant 0 : i32
      %add3A_535 = vector.broadcast %add3A_534 : i32 to vector<16xi32>
      %add3A_536 = arith.addi %get3A_533, %add3A_535 : vector<16xi32>
      %gather3A_537 = tpu.vector_load_idx %arg7[%add3A_531, %add3A_536] : memref<256x128xf32, #tpu.memory_space<vmem>>[vector<16xi32>, vector<16xi32>], vector<16xf32>,
      %swap3A_538 = arith.constant 0 : i32
      %swap3A_539 = arith.index_cast %swap3A_538 : i32 to index
      %swap3A_540 = arith.constant 16 : index
      %swap3A_541 = tpu.vector_load %arg8[%swap3A_539, %swap3A_540] {strides = array<i32>} : memref<16x256xf32, #tpu.memory_space<vmem>>, vector<16xf32>,
      tpu.vector_store %arg8[%swap3A_539, %swap3A_540], %gather3A_537 {strides = array<i32>} : memref<16x256xf32, #tpu.memory_space<vmem>>, vector<16xf32>,
      %add3A_542 = arith.constant 1 : i32
      %add3A_543 = vector.broadcast %add3A_542 : i32 to vector<16xi32>
      %add3A_544 = arith.addi %get3A_533, %add3A_543 : vector<16xi32>
      %gather3A_545 = tpu.vector_load_idx %arg7[%add3A_531, %add3A_544] : memref<256x128xf32, #tpu.memory_space<vmem>>[vector<16xi32>, vector<16xi32>], vector<16xf32>,
      %swap3A_546 = arith.constant 1 : i32
      %swap3A_547 = arith.index_cast %swap3A_546 : i32 to index
      %swap3A_548 = arith.constant 16 : index
      %swap3A_549 = tpu.vector_load %arg8[%swap3A_547, %swap3A_548] {strides = array<i32>} : memref<16x256xf32, #tpu.memory_space<vmem>>, vector<16xf32>,
      tpu.vector_store %arg8[%swap3A_547, %swap3A_548], %gather3A_545 {strides = array<i32>} : memref<16x256xf32, #tpu.memory_space<vmem>>, vector<16xf32>,
      %add3A_550 = arith.constant 2 : i32
      %add3A_551 = vector.broadcast %add3A_550 : i32 to vector<16xi32>
      %add3A_552 = arith.addi %get3A_533, %add3A_551 : vector<16xi32>
      %gather3A_553 = tpu.vector_load_idx %arg7[%add3A_531, %add3A_552] : memref<256x128xf32, #tpu.memory_space<vmem>>[vector<16xi32>, vector<16xi32>], vector<16xf32>,
      %swap3A_554 = arith.constant 2 : i32
      %swap3A_555 = arith.index_cast %swap3A_554 : i32 to index
      %swap3A_556 = arith.constant 16 : index
      %swap3A_557 = tpu.vector_load %arg8[%swap3A_555, %swap3A_556] {strides = array<i32>} : memref<16x256xf32, #tpu.memory_space<vmem>>, vector<16xf32>,
      tpu.vector_store %arg8[%swap3A_555, %swap3A_556], %gather3A_553 {strides = array<i32>} : memref<16x256xf32, #tpu.memory_space<vmem>>, vector<16xf32>,
      %add3A_558 = arith.constant 3 : i32
      %add3A_559 = vector.broadcast %add3A_558 : i32 to vector<16xi32>
      %add3A_560 = arith.addi %get3A_533, %add3A_559 : vector<16xi32>
      %gather3A_561 = tpu.vector_load_idx %arg7[%add3A_531, %add3A_560] : memref<256x128xf32, #tpu.memory_space<vmem>>[vector<16xi32>, vector<16xi32>], vector<16xf32>,
      %swap3A_562 = arith.constant 3 : i32
      %swap3A_563 = arith.index_cast %swap3A_562 : i32 to index
      %swap3A_564 = arith.constant 16 : index
      %swap3A_565 = tpu.vector_load %arg8[%swap3A_563, %swap3A_564] {strides = array<i32>} : memref<16x256xf32, #tpu.memory_space<vmem>>, vector<16xf32>,
      tpu.vector_store %arg8[%swap3A_563, %swap3A_564], %gather3A_561 {strides = array<i32>} : memref<16x256xf32, #tpu.memory_space<vmem>>, vector<16xf32>,
      %add3A_566 = arith.constant 4 : i32
      %add3A_567 = vector.broadcast %add3A_566 : i32 to vector<16xi32>
      %add3A_568 = arith.addi %get3A_533, %add3A_567 : vector<16xi32>
      %gather3A_569 = tpu.vector_load_idx %arg7[%add3A_531, %add3A_568] : memref<256x128xf32, #tpu.memory_space<vmem>>[vector<16xi32>, vector<16xi32>], vector<16xf32>,
      %swap3A_570 = arith.constant 4 : i32
      %swap3A_571 = arith.index_cast %swap3A_570 : i32 to index
      %swap3A_572 = arith.constant 16 : index
      %swap3A_573 = tpu.vector_load %arg8[%swap3A_571, %swap3A_572] {strides = array<i32>} : memref<16x256xf32, #tpu.memory_space<vmem>>, vector<16xf32>,
      tpu.vector_store %arg8[%swap3A_571, %swap3A_572], %gather3A_569 {strides = array<i32>} : memref<16x256xf32, #tpu.memory_space<vmem>>, vector<16xf32>,
      %add3A_574 = arith.constant 5 : i32
      %add3A_575 = vector.broadcast %add3A_574 : i32 to vector<16xi32>
      %add3A_576 = arith.addi %get3A_533, %add3A_575 : vector<16xi32>
      %gather3A_577 = tpu.vector_load_idx %arg7[%add3A_531, %add3A_576] : memref<256x128xf32, #tpu.memory_space<vmem>>[vector<16xi32>, vector<16xi32>], vector<16xf32>,
      %swap3A_578 = arith.constant 5 : i32
      %swap3A_579 = arith.index_cast %swap3A_578 : i32 to index
      %swap3A_580 = arith.constant 16 : index
      %swap3A_581 = tpu.vector_load %arg8[%swap3A_579, %swap3A_580] {strides = array<i32>} : memref<16x256xf32, #tpu.memory_space<vmem>>, vector<16xf32>,
      tpu.vector_store %arg8[%swap3A_579, %swap3A_580], %gather3A_577 {strides = array<i32>} : memref<16x256xf32, #tpu.memory_space<vmem>>, vector<16xf32>,
      %add3A_582 = arith.constant 6 : i32
      %add3A_583 = vector.broadcast %add3A_582 : i32 to vector<16xi32>
      %add3A_584 = arith.addi %get3A_533, %add3A_583 : vector<16xi32>
      %gather3A_585 = tpu.vector_load_idx %arg7[%add3A_531, %add3A_584] : memref<256x128xf32, #tpu.memory_space<vmem>>[vector<16xi32>, vector<16xi32>], vector<16xf32>,
      %swap3A_586 = arith.constant 6 : i32
      %swap3A_587 = arith.index_cast %swap3A_586 : i32 to index
      %swap3A_588 = arith.constant 16 : index
      %swap3A_589 = tpu.vector_load %arg8[%swap3A_587, %swap3A_588] {strides = array<i32>} : memref<16x256xf32, #tpu.memory_space<vmem>>, vector<16xf32>,
      tpu.vector_store %arg8[%swap3A_587, %swap3A_588], %gather3A_585 {strides = array<i32>} : memref<16x256xf32, #tpu.memory_space<vmem>>, vector<16xf32>,
      %add3A_590 = arith.constant 7 : i32
      %add3A_591 = vector.broadcast %add3A_590 : i32 to vector<16xi32>
      %add3A_592 = arith.addi %get3A_533, %add3A_591 : vector<16xi32>
      %gather3A_593 = tpu.vector_load_idx %arg7[%add3A_531, %add3A_592] : memref<256x128xf32, #tpu.memory_space<vmem>>[vector<16xi32>, vector<16xi32>], vector<16xf32>,
      %swap3A_594 = arith.constant 7 : i32
      %swap3A_595 = arith.index_cast %swap3A_594 : i32 to index
      %swap3A_596 = arith.constant 16 : index
      %swap3A_597 = tpu.vector_load %arg8[%swap3A_595, %swap3A_596] {strides = array<i32>} : memref<16x256xf32, #tpu.memory_space<vmem>>, vector<16xf32>,
      tpu.vector_store %arg8[%swap3A_595, %swap3A_596], %gather3A_593 {strides = array<i32>} : memref<16x256xf32, #tpu.memory_space<vmem>>, vector<16xf32>,
      %add3A_598 = arith.constant 8 : i32
      %add3A_599 = vector.broadcast %add3A_598 : i32 to vector<16xi32>
      %add3A_600 = arith.addi %get3A_533, %add3A_599 : vector<16xi32>
      %gather3A_601 = tpu.vector_load_idx %arg7[%add3A_531, %add3A_600] : memref<256x128xf32, #tpu.memory_space<vmem>>[vector<16xi32>, vector<16xi32>], vector<16xf32>,
      %swap3A_602 = arith.constant 8 : i32
      %swap3A_603 = arith.index_cast %swap3A_602 : i32 to index
      %swap3A_604 = arith.constant 16 : index
      %swap3A_605 = tpu.vector_load %arg8[%swap3A_603, %swap3A_604] {strides = array<i32>} : memref<16x256xf32, #tpu.memory_space<vmem>>, vector<16xf32>,
      tpu.vector_store %arg8[%swap3A_603, %swap3A_604], %gather3A_601 {strides = array<i32>} : memref<16x256xf32, #tpu.memory_space<vmem>>, vector<16xf32>,
      %add3A_606 = arith.constant 9 : i32
      %add3A_607 = vector.broadcast %add3A_606 : i32 to vector<16xi32>
      %add3A_608 = arith.addi %get3A_533, %add3A_607 : vector<16xi32>
      %gather3A_609 = tpu.vector_load_idx %arg7[%add3A_531, %add3A_608] : memref<256x128xf32, #tpu.memory_space<vmem>>[vector<16xi32>, vector<16xi32>], vector<16xf32>,
      %swap3A_610 = arith.constant 9 : i32
      %swap3A_611 = arith.index_cast %swap3A_610 : i32 to index
      %swap3A_612 = arith.constant 16 : index
      %swap3A_613 = tpu.vector_load %arg8[%swap3A_611, %swap3A_612] {strides = array<i32>} : memref<16x256xf32, #tpu.memory_space<vmem>>, vector<16xf32>,
      tpu.vector_store %arg8[%swap3A_611, %swap3A_612], %gather3A_609 {strides = array<i32>} : memref<16x256xf32, #tpu.memory_space<vmem>>, vector<16xf32>,
      %add3A_614 = arith.constant 10 : i32
      %add3A_615 = vector.broadcast %add3A_614 : i32 to vector<16xi32>
      %add3A_616 = arith.addi %get3A_533, %add3A_615 : vector<16xi32>
      %gather3A_617 = tpu.vector_load_idx %arg7[%add3A_531, %add3A_616] : memref<256x128xf32, #tpu.memory_space<vmem>>[vector<16xi32>, vector<16xi32>], vector<16xf32>,
      %swap3A_618 = arith.constant 10 : i32
      %swap3A_619 = arith.index_cast %swap3A_618 : i32 to index
      %swap3A_620 = arith.constant 16 : index
      %swap3A_621 = tpu.vector_load %arg8[%swap3A_619, %swap3A_620] {strides = array<i32>} : memref<16x256xf32, #tpu.memory_space<vmem>>, vector<16xf32>,
      tpu.vector_store %arg8[%swap3A_619, %swap3A_620], %gather3A_617 {strides = array<i32>} : memref<16x256xf32, #tpu.memory_space<vmem>>, vector<16xf32>,
      %add3A_622 = arith.constant 11 : i32
      %add3A_623 = vector.broadcast %add3A_622 : i32 to vector<16xi32>
      %add3A_624 = arith.addi %get3A_533, %add3A_623 : vector<16xi32>
      %gather3A_625 = tpu.vector_load_idx %arg7[%add3A_531, %add3A_624] : memref<256x128xf32, #tpu.memory_space<vmem>>[vector<16xi32>, vector<16xi32>], vector<16xf32>,
      %swap3A_626 = arith.constant 11 : i32
      %swap3A_627 = arith.index_cast %swap3A_626 : i32 to index
      %swap3A_628 = arith.constant 16 : index
      %swap3A_629 = tpu.vector_load %arg8[%swap3A_627, %swap3A_628] {strides = array<i32>} : memref<16x256xf32, #tpu.memory_space<vmem>>, vector<16xf32>,
      tpu.vector_store %arg8[%swap3A_627, %swap3A_628], %gather3A_625 {strides = array<i32>} : memref<16x256xf32, #tpu.memory_space<vmem>>, vector<16xf32>,
      %add3A_630 = arith.constant 12 : i32
      %add3A_631 = vector.broadcast %add3A_630 : i32 to vector<16xi32>
      %add3A_632 = arith.addi %get3A_533, %add3A_631 : vector<16xi32>
      %gather3A_633 = tpu.vector_load_idx %arg7[%add3A_531, %add3A_632] : memref<256x128xf32, #tpu.memory_space<vmem>>[vector<16xi32>, vector<16xi32>], vector<16xf32>,
      %swap3A_634 = arith.constant 12 : i32
      %swap3A_635 = arith.index_cast %swap3A_634 : i32 to index
      %swap3A_636 = arith.constant 16 : index
      %swap3A_637 = tpu.vector_load %arg8[%swap3A_635, %swap3A_636] {strides = array<i32>} : memref<16x256xf32, #tpu.memory_space<vmem>>, vector<16xf32>,
      tpu.vector_store %arg8[%swap3A_635, %swap3A_636], %gather3A_633 {strides = array<i32>} : memref<16x256xf32, #tpu.memory_space<vmem>>, vector<16xf32>,
      %add3A_638 = arith.constant 13 : i32
      %add3A_639 = vector.broadcast %add3A_638 : i32 to vector<16xi32>
      %add3A_640 = arith.addi %get3A_533, %add3A_639 : vector<16xi32>
      %gather3A_641 = tpu.vector_load_idx %arg7[%add3A_531, %add3A_640] : memref<256x128xf32, #tpu.memory_space<vmem>>[vector<16xi32>, vector<16xi32>], vector<16xf32>,
      %swap3A_642 = arith.constant 13 : i32
      %swap3A_643 = arith.index_cast %swap3A_642 : i32 to index
      %swap3A_644 = arith.constant 16 : index
      %swap3A_645 = tpu.vector_load %arg8[%swap3A_643, %swap3A_644] {strides = array<i32>} : memref<16x256xf32, #tpu.memory_space<vmem>>, vector<16xf32>,
      tpu.vector_store %arg8[%swap3A_643, %swap3A_644], %gather3A_641 {strides = array<i32>} : memref<16x256xf32, #tpu.memory_space<vmem>>, vector<16xf32>,
      %add3A_646 = arith.constant 14 : i32
      %add3A_647 = vector.broadcast %add3A_646 : i32 to vector<16xi32>
      %add3A_648 = arith.addi %get3A_533, %add3A_647 : vector<16xi32>
      %gather3A_649 = tpu.vector_load_idx %arg7[%add3A_531, %add3A_648] : memref<256x128xf32, #tpu.memory_space<vmem>>[vector<16xi32>, vector<16xi32>], vector<16xf32>,
      %swap3A_650 = arith.constant 14 : i32
      %swap3A_651 = arith.index_cast %swap3A_650 : i32 to index
      %swap3A_652 = arith.constant 16 : index
      %swap3A_653 = tpu.vector_load %arg8[%swap3A_651, %swap3A_652] {strides = array<i32>} : memref<16x256xf32, #tpu.memory_space<vmem>>, vector<16xf32>,
      tpu.vector_store %arg8[%swap3A_651, %swap3A_652], %gather3A_649 {strides = array<i32>} : memref<16x256xf32, #tpu.memory_space<vmem>>, vector<16xf32>,
      %add3A_654 = arith.constant 15 : i32
      %add3A_655 = vector.broadcast %add3A_654 : i32 to vector<16xi32>
      %add3A_656 = arith.addi %get3A_533, %add3A_655 : vector<16xi32>
      %gather3A_657 = tpu.vector_load_idx %arg7[%add3A_531, %add3A_656] : memref<256x128xf32, #tpu.memory_space<vmem>>[vector<16xi32>, vector<16xi32>], vector<16xf32>,
      %swap3A_658 = arith.constant 15 : i32
      %swap3A_659 = arith.index_cast %swap3A_658 : i32 to index
      %swap3A_660 = arith.constant 16 : index
      %swap3A_661 = tpu.vector_load %arg8[%swap3A_659, %swap3A_660] {strides = array<i32>} : memref<16x256xf32, #tpu.memory_space<vmem>>, vector<16xf32>,
      tpu.vector_store %arg8[%swap3A_659, %swap3A_660], %gather3A_657 {strides = array<i32>} : memref<16x256xf32, #tpu.memory_space<vmem>>, vector<16xf32>,
      %add3A_662 = arith.constant 32 : i32
      %add3A_663 = vector.broadcast %add3A_662 : i32 to vector<16xi32>
      %add3A_664 = arith.addi %add3A_663, %iota3A : vector<16xi32>
      %get3A_665 = arith.constant 32 : index
      %get3A_666 = tpu.vector_load %arg6[%get3A_665] {strides = array<i32>} : memref<256xi32, #tpu.memory_space<vmem>>, vector<16xi32>,
      %add3A_667 = arith.constant 0 : i32
      %add3A_668 = vector.broadcast %add3A_667 : i32 to vector<16xi32>
      %add3A_669 = arith.addi %get3A_666, %add3A_668 : vector<16xi32>
      %gather3A_670 = tpu.vector_load_idx %arg7[%add3A_664, %add3A_669] : memref<256x128xf32, #tpu.memory_space<vmem>>[vector<16xi32>, vector<16xi32>], vector<16xf32>,
      %swap3A_671 = arith.constant 0 : i32
      %swap3A_672 = arith.index_cast %swap3A_671 : i32 to index
      %swap3A_673 = arith.constant 32 : index
      %swap3A_674 = tpu.vector_load %arg8[%swap3A_672, %swap3A_673] {strides = array<i32>} : memref<16x256xf32, #tpu.memory_space<vmem>>, vector<16xf32>,
      tpu.vector_store %arg8[%swap3A_672, %swap3A_673], %gather3A_670 {strides = array<i32>} : memref<16x256xf32, #tpu.memory_space<vmem>>, vector<16xf32>,
      %add3A_675 = arith.constant 1 : i32
      %add3A_676 = vector.broadcast %add3A_675 : i32 to vector<16xi32>
      %add3A_677 = arith.addi %get3A_666, %add3A_676 : vector<16xi32>
      %gather3A_678 = tpu.vector_load_idx %arg7[%add3A_664, %add3A_677] : memref<256x128xf32, #tpu.memory_space<vmem>>[vector<16xi32>, vector<16xi32>], vector<16xf32>,
      %swap3A_679 = arith.constant 1 : i32
      %swap3A_680 = arith.index_cast %swap3A_679 : i32 to index
      %swap3A_681 = arith.constant 32 : index
      %swap3A_682 = tpu.vector_load %arg8[%swap3A_680, %swap3A_681] {strides = array<i32>} : memref<16x256xf32, #tpu.memory_space<vmem>>, vector<16xf32>,
      tpu.vector_store %arg8[%swap3A_680, %swap3A_681], %gather3A_678 {strides = array<i32>} : memref<16x256xf32, #tpu.memory_space<vmem>>, vector<16xf32>,
      %add3A_683 = arith.constant 2 : i32
      %add3A_684 = vector.broadcast %add3A_683 : i32 to vector<16xi32>
      %add3A_685 = arith.addi %get3A_666, %add3A_684 : vector<16xi32>
      %gather3A_686 = tpu.vector_load_idx %arg7[%add3A_664, %add3A_685] : memref<256x128xf32, #tpu.memory_space<vmem>>[vector<16xi32>, vector<16xi32>], vector<16xf32>,
      %swap3A_687 = arith.constant 2 : i32
      %swap3A_688 = arith.index_cast %swap3A_687 : i32 to index
      %swap3A_689 = arith.constant 32 : index
      %swap3A_690 = tpu.vector_load %arg8[%swap3A_688, %swap3A_689] {strides = array<i32>} : memref<16x256xf32, #tpu.memory_space<vmem>>, vector<16xf32>,
      tpu.vector_store %arg8[%swap3A_688, %swap3A_689], %gather3A_686 {strides = array<i32>} : memref<16x256xf32, #tpu.memory_space<vmem>>, vector<16xf32>,
      %add3A_691 = arith.constant 3 : i32
      %add3A_692 = vector.broadcast %add3A_691 : i32 to vector<16xi32>
      %add3A_693 = arith.addi %get3A_666, %add3A_692 : vector<16xi32>
      %gather3A_694 = tpu.vector_load_idx %arg7[%add3A_664, %add3A_693] : memref<256x128xf32, #tpu.memory_space<vmem>>[vector<16xi32>, vector<16xi32>], vector<16xf32>,
      %swap3A_695 = arith.constant 3 : i32
      %swap3A_696 = arith.index_cast %swap3A_695 : i32 to index
      %swap3A_697 = arith.constant 32 : index
      %swap3A_698 = tpu.vector_load %arg8[%swap3A_696, %swap3A_697] {strides = array<i32>} : memref<16x256xf32, #tpu.memory_space<vmem>>, vector<16xf32>,
      tpu.vector_store %arg8[%swap3A_696, %swap3A_697], %gather3A_694 {strides = array<i32>} : memref<16x256xf32, #tpu.memory_space<vmem>>, vector<16xf32>,
      %add3A_699 = arith.constant 4 : i32
      %add3A_700 = vector.broadcast %add3A_699 : i32 to vector<16xi32>
      %add3A_701 = arith.addi %get3A_666, %add3A_700 : vector<16xi32>
      %gather3A_702 = tpu.vector_load_idx %arg7[%add3A_664, %add3A_701] : memref<256x128xf32, #tpu.memory_space<vmem>>[vector<16xi32>, vector<16xi32>], vector<16xf32>,
      %swap3A_703 = arith.constant 4 : i32
      %swap3A_704 = arith.index_cast %swap3A_703 : i32 to index
      %swap3A_705 = arith.constant 32 : index
      %swap3A_706 = tpu.vector_load %arg8[%swap3A_704, %swap3A_705] {strides = array<i32>} : memref<16x256xf32, #tpu.memory_space<vmem>>, vector<16xf32>,
      tpu.vector_store %arg8[%swap3A_704, %swap3A_705], %gather3A_702 {strides = array<i32>} : memref<16x256xf32, #tpu.memory_space<vmem>>, vector<16xf32>,
      %add3A_707 = arith.constant 5 : i32
      %add3A_708 = vector.broadcast %add3A_707 : i32 to vector<16xi32>
      %add3A_709 = arith.addi %get3A_666, %add3A_708 : vector<16xi32>
      %gather3A_710 = tpu.vector_load_idx %arg7[%add3A_664, %add3A_709] : memref<256x128xf32, #tpu.memory_space<vmem>>[vector<16xi32>, vector<16xi32>], vector<16xf32>,
      %swap3A_711 = arith.constant 5 : i32
      %swap3A_712 = arith.index_cast %swap3A_711 : i32 to index
      %swap3A_713 = arith.constant 32 : index
      %swap3A_714 = tpu.vector_load %arg8[%swap3A_712, %swap3A_713] {strides = array<i32>} : memref<16x256xf32, #tpu.memory_space<vmem>>, vector<16xf32>,
      tpu.vector_store %arg8[%swap3A_712, %swap3A_713], %gather3A_710 {strides = array<i32>} : memref<16x256xf32, #tpu.memory_space<vmem>>, vector<16xf32>,
      %add3A_715 = arith.constant 6 : i32
      %add3A_716 = vector.broadcast %add3A_715 : i32 to vector<16xi32>
      %add3A_717 = arith.addi %get3A_666, %add3A_716 : vector<16xi32>
      %gather3A_718 = tpu.vector_load_idx %arg7[%add3A_664, %add3A_717] : memref<256x128xf32, #tpu.memory_space<vmem>>[vector<16xi32>, vector<16xi32>], vector<16xf32>,
      %swap3A_719 = arith.constant 6 : i32
      %swap3A_720 = arith.index_cast %swap3A_719 : i32 to index
      %swap3A_721 = arith.constant 32 : index
      %swap3A_722 = tpu.vector_load %arg8[%swap3A_720, %swap3A_721] {strides = array<i32>} : memref<16x256xf32, #tpu.memory_space<vmem>>, vector<16xf32>,
      tpu.vector_store %arg8[%swap3A_720, %swap3A_721], %gather3A_718 {strides = array<i32>} : memref<16x256xf32, #tpu.memory_space<vmem>>, vector<16xf32>,
      %add3A_723 = arith.constant 7 : i32
      %add3A_724 = vector.broadcast %add3A_723 : i32 to vector<16xi32>
      %add3A_725 = arith.addi %get3A_666, %add3A_724 : vector<16xi32>
      %gather3A_726 = tpu.vector_load_idx %arg7[%add3A_664, %add3A_725] : memref<256x128xf32, #tpu.memory_space<vmem>>[vector<16xi32>, vector<16xi32>], vector<16xf32>,
      %swap3A_727 = arith.constant 7 : i32
      %swap3A_728 = arith.index_cast %swap3A_727 : i32 to index
      %swap3A_729 = arith.constant 32 : index
      %swap3A_730 = tpu.vector_load %arg8[%swap3A_728, %swap3A_729] {strides = array<i32>} : memref<16x256xf32, #tpu.memory_space<vmem>>, vector<16xf32>,
      tpu.vector_store %arg8[%swap3A_728, %swap3A_729], %gather3A_726 {strides = array<i32>} : memref<16x256xf32, #tpu.memory_space<vmem>>, vector<16xf32>,
      %add3A_731 = arith.constant 8 : i32
      %add3A_732 = vector.broadcast %add3A_731 : i32 to vector<16xi32>
      %add3A_733 = arith.addi %get3A_666, %add3A_732 : vector<16xi32>
      %gather3A_734 = tpu.vector_load_idx %arg7[%add3A_664, %add3A_733] : memref<256x128xf32, #tpu.memory_space<vmem>>[vector<16xi32>, vector<16xi32>], vector<16xf32>,
      %swap3A_735 = arith.constant 8 : i32
      %swap3A_736 = arith.index_cast %swap3A_735 : i32 to index
      %swap3A_737 = arith.constant 32 : index
      %swap3A_738 = tpu.vector_load %arg8[%swap3A_736, %swap3A_737] {strides = array<i32>} : memref<16x256xf32, #tpu.memory_space<vmem>>, vector<16xf32>,
      tpu.vector_store %arg8[%swap3A_736, %swap3A_737], %gather3A_734 {strides = array<i32>} : memref<16x256xf32, #tpu.memory_space<vmem>>, vector<16xf32>,
      %add3A_739 = arith.constant 9 : i32
      %add3A_740 = vector.broadcast %add3A_739 : i32 to vector<16xi32>
      %add3A_741 = arith.addi %get3A_666, %add3A_740 : vector<16xi32>
      %gather3A_742 = tpu.vector_load_idx %arg7[%add3A_664, %add3A_741] : memref<256x128xf32, #tpu.memory_space<vmem>>[vector<16xi32>, vector<16xi32>], vector<16xf32>,
      %swap3A_743 = arith.constant 9 : i32
      %swap3A_744 = arith.index_cast %swap3A_743 : i32 to index
      %swap3A_745 = arith.constant 32 : index
      %swap3A_746 = tpu.vector_load %arg8[%swap3A_744, %swap3A_745] {strides = array<i32>} : memref<16x256xf32, #tpu.memory_space<vmem>>, vector<16xf32>,
      tpu.vector_store %arg8[%swap3A_744, %swap3A_745], %gather3A_742 {strides = array<i32>} : memref<16x256xf32, #tpu.memory_space<vmem>>, vector<16xf32>,
      %add3A_747 = arith.constant 10 : i32
      %add3A_748 = vector.broadcast %add3A_747 : i32 to vector<16xi32>
      %add3A_749 = arith.addi %get3A_666, %add3A_748 : vector<16xi32>
      %gather3A_750 = tpu.vector_load_idx %arg7[%add3A_664, %add3A_749] : memref<256x128xf32, #tpu.memory_space<vmem>>[vector<16xi32>, vector<16xi32>], vector<16xf32>,
      %swap3A_751 = arith.constant 10 : i32
      %swap3A_752 = arith.index_cast %swap3A_751 : i32 to index
      %swap3A_753 = arith.constant 32 : index
      %swap3A_754 = tpu.vector_load %arg8[%swap3A_752, %swap3A_753] {strides = array<i32>} : memref<16x256xf32, #tpu.memory_space<vmem>>, vector<16xf32>,
      tpu.vector_store %arg8[%swap3A_752, %swap3A_753], %gather3A_750 {strides = array<i32>} : memref<16x256xf32, #tpu.memory_space<vmem>>, vector<16xf32>,
      %add3A_755 = arith.constant 11 : i32
      %add3A_756 = vector.broadcast %add3A_755 : i32 to vector<16xi32>
      %add3A_757 = arith.addi %get3A_666, %add3A_756 : vector<16xi32>
      %gather3A_758 = tpu.vector_load_idx %arg7[%add3A_664, %add3A_757] : memref<256x128xf32, #tpu.memory_space<vmem>>[vector<16xi32>, vector<16xi32>], vector<16xf32>,
      %swap3A_759 = arith.constant 11 : i32
      %swap3A_760 = arith.index_cast %swap3A_759 : i32 to index
      %swap3A_761 = arith.constant 32 : index
      %swap3A_762 = tpu.vector_load %arg8[%swap3A_760, %swap3A_761] {strides = array<i32>} : memref<16x256xf32, #tpu.memory_space<vmem>>, vector<16xf32>,
      tpu.vector_store %arg8[%swap3A_760, %swap3A_761], %gather3A_758 {strides = array<i32>} : memref<16x256xf32, #tpu.memory_space<vmem>>, vector<16xf32>,
      %add3A_763 = arith.constant 12 : i32
      %add3A_764 = vector.broadcast %add3A_763 : i32 to vector<16xi32>
      %add3A_765 = arith.addi %get3A_666, %add3A_764 : vector<16xi32>
      %gather3A_766 = tpu.vector_load_idx %arg7[%add3A_664, %add3A_765] : memref<256x128xf32, #tpu.memory_space<vmem>>[vector<16xi32>, vector<16xi32>], vector<16xf32>,
      %swap3A_767 = arith.constant 12 : i32
      %swap3A_768 = arith.index_cast %swap3A_767 : i32 to index
      %swap3A_769 = arith.constant 32 : index
      %swap3A_770 = tpu.vector_load %arg8[%swap3A_768, %swap3A_769] {strides = array<i32>} : memref<16x256xf32, #tpu.memory_space<vmem>>, vector<16xf32>,
      tpu.vector_store %arg8[%swap3A_768, %swap3A_769], %gather3A_766 {strides = array<i32>} : memref<16x256xf32, #tpu.memory_space<vmem>>, vector<16xf32>,
      %add3A_771 = arith.constant 13 : i32
      %add3A_772 = vector.broadcast %add3A_771 : i32 to vector<16xi32>
      %add3A_773 = arith.addi %get3A_666, %add3A_772 : vector<16xi32>
      %gather3A_774 = tpu.vector_load_idx %arg7[%add3A_664, %add3A_773] : memref<256x128xf32, #tpu.memory_space<vmem>>[vector<16xi32>, vector<16xi32>], vector<16xf32>,
      %swap3A_775 = arith.constant 13 : i32
      %swap3A_776 = arith.index_cast %swap3A_775 : i32 to index
      %swap3A_777 = arith.constant 32 : index
      %swap3A_778 = tpu.vector_load %arg8[%swap3A_776, %swap3A_777] {strides = array<i32>} : memref<16x256xf32, #tpu.memory_space<vmem>>, vector<16xf32>,
      tpu.vector_store %arg8[%swap3A_776, %swap3A_777], %gather3A_774 {strides = array<i32>} : memref<16x256xf32, #tpu.memory_space<vmem>>, vector<16xf32>,
      %add3A_779 = arith.constant 14 : i32
      %add3A_780 = vector.broadcast %add3A_779 : i32 to vector<16xi32>
      %add3A_781 = arith.addi %get3A_666, %add3A_780 : vector<16xi32>
      %gather3A_782 = tpu.vector_load_idx %arg7[%add3A_664, %add3A_781] : memref<256x128xf32, #tpu.memory_space<vmem>>[vector<16xi32>, vector<16xi32>], vector<16xf32>,
      %swap3A_783 = arith.constant 14 : i32
      %swap3A_784 = arith.index_cast %swap3A_783 : i32 to index
      %swap3A_785 = arith.constant 32 : index
      %swap3A_786 = tpu.vector_load %arg8[%swap3A_784, %swap3A_785] {strides = array<i32>} : memref<16x256xf32, #tpu.memory_space<vmem>>, vector<16xf32>,
      tpu.vector_store %arg8[%swap3A_784, %swap3A_785], %gather3A_782 {strides = array<i32>} : memref<16x256xf32, #tpu.memory_space<vmem>>, vector<16xf32>,
      %add3A_787 = arith.constant 15 : i32
      %add3A_788 = vector.broadcast %add3A_787 : i32 to vector<16xi32>
      %add3A_789 = arith.addi %get3A_666, %add3A_788 : vector<16xi32>
      %gather3A_790 = tpu.vector_load_idx %arg7[%add3A_664, %add3A_789] : memref<256x128xf32, #tpu.memory_space<vmem>>[vector<16xi32>, vector<16xi32>], vector<16xf32>,
      %swap3A_791 = arith.constant 15 : i32
      %swap3A_792 = arith.index_cast %swap3A_791 : i32 to index
      %swap3A_793 = arith.constant 32 : index
      %swap3A_794 = tpu.vector_load %arg8[%swap3A_792, %swap3A_793] {strides = array<i32>} : memref<16x256xf32, #tpu.memory_space<vmem>>, vector<16xf32>,
      tpu.vector_store %arg8[%swap3A_792, %swap3A_793], %gather3A_790 {strides = array<i32>} : memref<16x256xf32, #tpu.memory_space<vmem>>, vector<16xf32>,
      %add3A_795 = arith.constant 48 : i32
      %add3A_796 = vector.broadcast %add3A_795 : i32 to vector<16xi32>
      %add3A_797 = arith.addi %add3A_796, %iota3A : vector<16xi32>
      %get3A_798 = arith.constant 48 : index
      %get3A_799 = tpu.vector_load %arg6[%get3A_798] {strides = array<i32>} : memref<256xi32, #tpu.memory_space<vmem>>, vector<16xi32>,
      %add3A_800 = arith.constant 0 : i32
      %add3A_801 = vector.broadcast %add3A_800 : i32 to vector<16xi32>
      %add3A_802 = arith.addi %get3A_799, %add3A_801 : vector<16xi32>
      %gather3A_803 = tpu.vector_load_idx %arg7[%add3A_797, %add3A_802] : memref<256x128xf32, #tpu.memory_space<vmem>>[vector<16xi32>, vector<16xi32>], vector<16xf32>,
      %swap3A_804 = arith.constant 0 : i32
      %swap3A_805 = arith.index_cast %swap3A_804 : i32 to index
      %swap3A_806 = arith.constant 48 : index
      %swap3A_807 = tpu.vector_load %arg8[%swap3A_805, %swap3A_806] {strides = array<i32>} : memref<16x256xf32, #tpu.memory_space<vmem>>, vector<16xf32>,
      tpu.vector_store %arg8[%swap3A_805, %swap3A_806], %gather3A_803 {strides = array<i32>} : memref<16x256xf32, #tpu.memory_space<vmem>>, vector<16xf32>,
      %add3A_808 = arith.constant 1 : i32
      %add3A_809 = vector.broadcast %add3A_808 : i32 to vector<16xi32>
      %add3A_810 = arith.addi %get3A_799, %add3A_809 : vector<16xi32>
      %gather3A_811 = tpu.vector_load_idx %arg7[%add3A_797, %add3A_810] : memref<256x128xf32, #tpu.memory_space<vmem>>[vector<16xi32>, vector<16xi32>], vector<16xf32>,
      %swap3A_812 = arith.constant 1 : i32
      %swap3A_813 = arith.index_cast %swap3A_812 : i32 to index
      %swap3A_814 = arith.constant 48 : index
      %swap3A_815 = tpu.vector_load %arg8[%swap3A_813, %swap3A_814] {strides = array<i32>} : memref<16x256xf32, #tpu.memory_space<vmem>>, vector<16xf32>,
      tpu.vector_store %arg8[%swap3A_813, %swap3A_814], %gather3A_811 {strides = array<i32>} : memref<16x256xf32, #tpu.memory_space<vmem>>, vector<16xf32>,
      %add3A_816 = arith.constant 2 : i32
      %add3A_817 = vector.broadcast %add3A_816 : i32 to vector<16xi32>
      %add3A_818 = arith.addi %get3A_799, %add3A_817 : vector<16xi32>
      %gather3A_819 = tpu.vector_load_idx %arg7[%add3A_797, %add3A_818] : memref<256x128xf32, #tpu.memory_space<vmem>>[vector<16xi32>, vector<16xi32>], vector<16xf32>,
      %swap3A_820 = arith.constant 2 : i32
      %swap3A_821 = arith.index_cast %swap3A_820 : i32 to index
      %swap3A_822 = arith.constant 48 : index
      %swap3A_823 = tpu.vector_load %arg8[%swap3A_821, %swap3A_822] {strides = array<i32>} : memref<16x256xf32, #tpu.memory_space<vmem>>, vector<16xf32>,
      tpu.vector_store %arg8[%swap3A_821, %swap3A_822], %gather3A_819 {strides = array<i32>} : memref<16x256xf32, #tpu.memory_space<vmem>>, vector<16xf32>,
      %add3A_824 = arith.constant 3 : i32
      %add3A_825 = vector.broadcast %add3A_824 : i32 to vector<16xi32>
      %add3A_826 = arith.addi %get3A_799, %add3A_825 : vector<16xi32>
      %gather3A_827 = tpu.vector_load_idx %arg7[%add3A_797, %add3A_826] : memref<256x128xf32, #tpu.memory_space<vmem>>[vector<16xi32>, vector<16xi32>], vector<16xf32>,
      %swap3A_828 = arith.constant 3 : i32
      %swap3A_829 = arith.index_cast %swap3A_828 : i32 to index
      %swap3A_830 = arith.constant 48 : index
      %swap3A_831 = tpu.vector_load %arg8[%swap3A_829, %swap3A_830] {strides = array<i32>} : memref<16x256xf32, #tpu.memory_space<vmem>>, vector<16xf32>,
      tpu.vector_store %arg8[%swap3A_829, %swap3A_830], %gather3A_827 {strides = array<i32>} : memref<16x256xf32, #tpu.memory_space<vmem>>, vector<16xf32>,
      %add3A_832 = arith.constant 4 : i32
      %add3A_833 = vector.broadcast %add3A_832 : i32 to vector<16xi32>
      %add3A_834 = arith.addi %get3A_799, %add3A_833 : vector<16xi32>
      %gather3A_835 = tpu.vector_load_idx %arg7[%add3A_797, %add3A_834] : memref<256x128xf32, #tpu.memory_space<vmem>>[vector<16xi32>, vector<16xi32>], vector<16xf32>,
      %swap3A_836 = arith.constant 4 : i32
      %swap3A_837 = arith.index_cast %swap3A_836 : i32 to index
      %swap3A_838 = arith.constant 48 : index
      %swap3A_839 = tpu.vector_load %arg8[%swap3A_837, %swap3A_838] {strides = array<i32>} : memref<16x256xf32, #tpu.memory_space<vmem>>, vector<16xf32>,
      tpu.vector_store %arg8[%swap3A_837, %swap3A_838], %gather3A_835 {strides = array<i32>} : memref<16x256xf32, #tpu.memory_space<vmem>>, vector<16xf32>,
      %add3A_840 = arith.constant 5 : i32
      %add3A_841 = vector.broadcast %add3A_840 : i32 to vector<16xi32>
      %add3A_842 = arith.addi %get3A_799, %add3A_841 : vector<16xi32>
      %gather3A_843 = tpu.vector_load_idx %arg7[%add3A_797, %add3A_842] : memref<256x128xf32, #tpu.memory_space<vmem>>[vector<16xi32>, vector<16xi32>], vector<16xf32>,
      %swap3A_844 = arith.constant 5 : i32
      %swap3A_845 = arith.index_cast %swap3A_844 : i32 to index
      %swap3A_846 = arith.constant 48 : index
      %swap3A_847 = tpu.vector_load %arg8[%swap3A_845, %swap3A_846] {strides = array<i32>} : memref<16x256xf32, #tpu.memory_space<vmem>>, vector<16xf32>,
      tpu.vector_store %arg8[%swap3A_845, %swap3A_846], %gather3A_843 {strides = array<i32>} : memref<16x256xf32, #tpu.memory_space<vmem>>, vector<16xf32>,
      %add3A_848 = arith.constant 6 : i32
      %add3A_849 = vector.broadcast %add3A_848 : i32 to vector<16xi32>
      %add3A_850 = arith.addi %get3A_799, %add3A_849 : vector<16xi32>
      %gather3A_851 = tpu.vector_load_idx %arg7[%add3A_797, %add3A_850] : memref<256x128xf32, #tpu.memory_space<vmem>>[vector<16xi32>, vector<16xi32>], vector<16xf32>,
      %swap3A_852 = arith.constant 6 : i32
      %swap3A_853 = arith.index_cast %swap3A_852 : i32 to index
      %swap3A_854 = arith.constant 48 : index
      %swap3A_855 = tpu.vector_load %arg8[%swap3A_853, %swap3A_854] {strides = array<i32>} : memref<16x256xf32, #tpu.memory_space<vmem>>, vector<16xf32>,
      tpu.vector_store %arg8[%swap3A_853, %swap3A_854], %gather3A_851 {strides = array<i32>} : memref<16x256xf32, #tpu.memory_space<vmem>>, vector<16xf32>,
      %add3A_856 = arith.constant 7 : i32
      %add3A_857 = vector.broadcast %add3A_856 : i32 to vector<16xi32>
      %add3A_858 = arith.addi %get3A_799, %add3A_857 : vector<16xi32>
      %gather3A_859 = tpu.vector_load_idx %arg7[%add3A_797, %add3A_858] : memref<256x128xf32, #tpu.memory_space<vmem>>[vector<16xi32>, vector<16xi32>], vector<16xf32>,
      %swap3A_860 = arith.constant 7 : i32
      %swap3A_861 = arith.index_cast %swap3A_860 : i32 to index
      %swap3A_862 = arith.constant 48 : index
      %swap3A_863 = tpu.vector_load %arg8[%swap3A_861, %swap3A_862] {strides = array<i32>} : memref<16x256xf32, #tpu.memory_space<vmem>>, vector<16xf32>,
      tpu.vector_store %arg8[%swap3A_861, %swap3A_862], %gather3A_859 {strides = array<i32>} : memref<16x256xf32, #tpu.memory_space<vmem>>, vector<16xf32>,
      %add3A_864 = arith.constant 8 : i32
      %add3A_865 = vector.broadcast %add3A_864 : i32 to vector<16xi32>
      %add3A_866 = arith.addi %get3A_799, %add3A_865 : vector<16xi32>
      %gather3A_867 = tpu.vector_load_idx %arg7[%add3A_797, %add3A_866] : memref<256x128xf32, #tpu.memory_space<vmem>>[vector<16xi32>, vector<16xi32>], vector<16xf32>,
      %swap3A_868 = arith.constant 8 : i32
      %swap3A_869 = arith.index_cast %swap3A_868 : i32 to index
      %swap3A_870 = arith.constant 48 : index
      %swap3A_871 = tpu.vector_load %arg8[%swap3A_869, %swap3A_870] {strides = array<i32>} : memref<16x256xf32, #tpu.memory_space<vmem>>, vector<16xf32>,
      tpu.vector_store %arg8[%swap3A_869, %swap3A_870], %gather3A_867 {strides = array<i32>} : memref<16x256xf32, #tpu.memory_space<vmem>>, vector<16xf32>,
      %add3A_872 = arith.constant 9 : i32
      %add3A_873 = vector.broadcast %add3A_872 : i32 to vector<16xi32>
      %add3A_874 = arith.addi %get3A_799, %add3A_873 : vector<16xi32>
      %gather3A_875 = tpu.vector_load_idx %arg7[%add3A_797, %add3A_874] : memref<256x128xf32, #tpu.memory_space<vmem>>[vector<16xi32>, vector<16xi32>], vector<16xf32>,
      %swap3A_876 = arith.constant 9 : i32
      %swap3A_877 = arith.index_cast %swap3A_876 : i32 to index
      %swap3A_878 = arith.constant 48 : index
      %swap3A_879 = tpu.vector_load %arg8[%swap3A_877, %swap3A_878] {strides = array<i32>} : memref<16x256xf32, #tpu.memory_space<vmem>>, vector<16xf32>,
      tpu.vector_store %arg8[%swap3A_877, %swap3A_878], %gather3A_875 {strides = array<i32>} : memref<16x256xf32, #tpu.memory_space<vmem>>, vector<16xf32>,
      %add3A_880 = arith.constant 10 : i32
      %add3A_881 = vector.broadcast %add3A_880 : i32 to vector<16xi32>
      %add3A_882 = arith.addi %get3A_799, %add3A_881 : vector<16xi32>
      %gather3A_883 = tpu.vector_load_idx %arg7[%add3A_797, %add3A_882] : memref<256x128xf32, #tpu.memory_space<vmem>>[vector<16xi32>, vector<16xi32>], vector<16xf32>,
      %swap3A_884 = arith.constant 10 : i32
      %swap3A_885 = arith.index_cast %swap3A_884 : i32 to index
      %swap3A_886 = arith.constant 48 : index
      %swap3A_887 = tpu.vector_load %arg8[%swap3A_885, %swap3A_886] {strides = array<i32>} : memref<16x256xf32, #tpu.memory_space<vmem>>, vector<16xf32>,
      tpu.vector_store %arg8[%swap3A_885, %swap3A_886], %gather3A_883 {strides = array<i32>} : memref<16x256xf32, #tpu.memory_space<vmem>>, vector<16xf32>,
      %add3A_888 = arith.constant 11 : i32
      %add3A_889 = vector.broadcast %add3A_888 : i32 to vector<16xi32>
      %add3A_890 = arith.addi %get3A_799, %add3A_889 : vector<16xi32>
      %gather3A_891 = tpu.vector_load_idx %arg7[%add3A_797, %add3A_890] : memref<256x128xf32, #tpu.memory_space<vmem>>[vector<16xi32>, vector<16xi32>], vector<16xf32>,
      %swap3A_892 = arith.constant 11 : i32
      %swap3A_893 = arith.index_cast %swap3A_892 : i32 to index
      %swap3A_894 = arith.constant 48 : index
      %swap3A_895 = tpu.vector_load %arg8[%swap3A_893, %swap3A_894] {strides = array<i32>} : memref<16x256xf32, #tpu.memory_space<vmem>>, vector<16xf32>,
      tpu.vector_store %arg8[%swap3A_893, %swap3A_894], %gather3A_891 {strides = array<i32>} : memref<16x256xf32, #tpu.memory_space<vmem>>, vector<16xf32>,
      %add3A_896 = arith.constant 12 : i32
      %add3A_897 = vector.broadcast %add3A_896 : i32 to vector<16xi32>
      %add3A_898 = arith.addi %get3A_799, %add3A_897 : vector<16xi32>
      %gather3A_899 = tpu.vector_load_idx %arg7[%add3A_797, %add3A_898] : memref<256x128xf32, #tpu.memory_space<vmem>>[vector<16xi32>, vector<16xi32>], vector<16xf32>,
      %swap3A_900 = arith.constant 12 : i32
      %swap3A_901 = arith.index_cast %swap3A_900 : i32 to index
      %swap3A_902 = arith.constant 48 : index
      %swap3A_903 = tpu.vector_load %arg8[%swap3A_901, %swap3A_902] {strides = array<i32>} : memref<16x256xf32, #tpu.memory_space<vmem>>, vector<16xf32>,
      tpu.vector_store %arg8[%swap3A_901, %swap3A_902], %gather3A_899 {strides = array<i32>} : memref<16x256xf32, #tpu.memory_space<vmem>>, vector<16xf32>,
      %add3A_904 = arith.constant 13 : i32
      %add3A_905 = vector.broadcast %add3A_904 : i32 to vector<16xi32>
      %add3A_906 = arith.addi %get3A_799, %add3A_905 : vector<16xi32>
      %gather3A_907 = tpu.vector_load_idx %arg7[%add3A_797, %add3A_906] : memref<256x128xf32, #tpu.memory_space<vmem>>[vector<16xi32>, vector<16xi32>], vector<16xf32>,
      %swap3A_908 = arith.constant 13 : i32
      %swap3A_909 = arith.index_cast %swap3A_908 : i32 to index
      %swap3A_910 = arith.constant 48 : index
      %swap3A_911 = tpu.vector_load %arg8[%swap3A_909, %swap3A_910] {strides = array<i32>} : memref<16x256xf32, #tpu.memory_space<vmem>>, vector<16xf32>,
      tpu.vector_store %arg8[%swap3A_909, %swap3A_910], %gather3A_907 {strides = array<i32>} : memref<16x256xf32, #tpu.memory_space<vmem>>, vector<16xf32>,
      %add3A_912 = arith.constant 14 : i32
      %add3A_913 = vector.broadcast %add3A_912 : i32 to vector<16xi32>
      %add3A_914 = arith.addi %get3A_799, %add3A_913 : vector<16xi32>
      %gather3A_915 = tpu.vector_load_idx %arg7[%add3A_797, %add3A_914] : memref<256x128xf32, #tpu.memory_space<vmem>>[vector<16xi32>, vector<16xi32>], vector<16xf32>,
      %swap3A_916 = arith.constant 14 : i32
      %swap3A_917 = arith.index_cast %swap3A_916 : i32 to index
      %swap3A_918 = arith.constant 48 : index
      %swap3A_919 = tpu.vector_load %arg8[%swap3A_917, %swap3A_918] {strides = array<i32>} : memref<16x256xf32, #tpu.memory_space<vmem>>, vector<16xf32>,
      tpu.vector_store %arg8[%swap3A_917, %swap3A_918], %gather3A_915 {strides = array<i32>} : memref<16x256xf32, #tpu.memory_space<vmem>>, vector<16xf32>,
      %add3A_920 = arith.constant 15 : i32
      %add3A_921 = vector.broadcast %add3A_920 : i32 to vector<16xi32>
      %add3A_922 = arith.addi %get3A_799, %add3A_921 : vector<16xi32>
      %gather3A_923 = tpu.vector_load_idx %arg7[%add3A_797, %add3A_922] : memref<256x128xf32, #tpu.memory_space<vmem>>[vector<16xi32>, vector<16xi32>], vector<16xf32>,
      %swap3A_924 = arith.constant 15 : i32
      %swap3A_925 = arith.index_cast %swap3A_924 : i32 to index
      %swap3A_926 = arith.constant 48 : index
      %swap3A_927 = tpu.vector_load %arg8[%swap3A_925, %swap3A_926] {strides = array<i32>} : memref<16x256xf32, #tpu.memory_space<vmem>>, vector<16xf32>,
      tpu.vector_store %arg8[%swap3A_925, %swap3A_926], %gather3A_923 {strides = array<i32>} : memref<16x256xf32, #tpu.memory_space<vmem>>, vector<16xf32>,
      %add3A_928 = arith.constant 64 : i32
      %add3A_929 = vector.broadcast %add3A_928 : i32 to vector<16xi32>
      %add3A_930 = arith.addi %add3A_929, %iota3A : vector<16xi32>
      %get3A_931 = arith.constant 64 : index
      %get3A_932 = tpu.vector_load %arg6[%get3A_931] {strides = array<i32>} : memref<256xi32, #tpu.memory_space<vmem>>, vector<16xi32>,
      %add3A_933 = arith.constant 0 : i32
      %add3A_934 = vector.broadcast %add3A_933 : i32 to vector<16xi32>
      %add3A_935 = arith.addi %get3A_932, %add3A_934 : vector<16xi32>
      %gather3A_936 = tpu.vector_load_idx %arg7[%add3A_930, %add3A_935] : memref<256x128xf32, #tpu.memory_space<vmem>>[vector<16xi32>, vector<16xi32>], vector<16xf32>,
      %swap3A_937 = arith.constant 0 : i32
      %swap3A_938 = arith.index_cast %swap3A_937 : i32 to index
      %swap3A_939 = arith.constant 64 : index
      %swap3A_940 = tpu.vector_load %arg8[%swap3A_938, %swap3A_939] {strides = array<i32>} : memref<16x256xf32, #tpu.memory_space<vmem>>, vector<16xf32>,
      tpu.vector_store %arg8[%swap3A_938, %swap3A_939], %gather3A_936 {strides = array<i32>} : memref<16x256xf32, #tpu.memory_space<vmem>>, vector<16xf32>,
      %add3A_941 = arith.constant 1 : i32
      %add3A_942 = vector.broadcast %add3A_941 : i32 to vector<16xi32>
      %add3A_943 = arith.addi %get3A_932, %add3A_942 : vector<16xi32>
      %gather3A_944 = tpu.vector_load_idx %arg7[%add3A_930, %add3A_943] : memref<256x128xf32, #tpu.memory_space<vmem>>[vector<16xi32>, vector<16xi32>], vector<16xf32>,
      %swap3A_945 = arith.constant 1 : i32
      %swap3A_946 = arith.index_cast %swap3A_945 : i32 to index
      %swap3A_947 = arith.constant 64 : index
      %swap3A_948 = tpu.vector_load %arg8[%swap3A_946, %swap3A_947] {strides = array<i32>} : memref<16x256xf32, #tpu.memory_space<vmem>>, vector<16xf32>,
      tpu.vector_store %arg8[%swap3A_946, %swap3A_947], %gather3A_944 {strides = array<i32>} : memref<16x256xf32, #tpu.memory_space<vmem>>, vector<16xf32>,
      %add3A_949 = arith.constant 2 : i32
      %add3A_950 = vector.broadcast %add3A_949 : i32 to vector<16xi32>
      %add3A_951 = arith.addi %get3A_932, %add3A_950 : vector<16xi32>
      %gather3A_952 = tpu.vector_load_idx %arg7[%add3A_930, %add3A_951] : memref<256x128xf32, #tpu.memory_space<vmem>>[vector<16xi32>, vector<16xi32>], vector<16xf32>,
      %swap3A_953 = arith.constant 2 : i32
      %swap3A_954 = arith.index_cast %swap3A_953 : i32 to index
      %swap3A_955 = arith.constant 64 : index
      %swap3A_956 = tpu.vector_load %arg8[%swap3A_954, %swap3A_955] {strides = array<i32>} : memref<16x256xf32, #tpu.memory_space<vmem>>, vector<16xf32>,
      tpu.vector_store %arg8[%swap3A_954, %swap3A_955], %gather3A_952 {strides = array<i32>} : memref<16x256xf32, #tpu.memory_space<vmem>>, vector<16xf32>,
      %add3A_957 = arith.constant 3 : i32
      %add3A_958 = vector.broadcast %add3A_957 : i32 to vector<16xi32>
      %add3A_959 = arith.addi %get3A_932, %add3A_958 : vector<16xi32>
      %gather3A_960 = tpu.vector_load_idx %arg7[%add3A_930, %add3A_959] : memref<256x128xf32, #tpu.memory_space<vmem>>[vector<16xi32>, vector<16xi32>], vector<16xf32>,
      %swap3A_961 = arith.constant 3 : i32
      %swap3A_962 = arith.index_cast %swap3A_961 : i32 to index
      %swap3A_963 = arith.constant 64 : index
      %swap3A_964 = tpu.vector_load %arg8[%swap3A_962, %swap3A_963] {strides = array<i32>} : memref<16x256xf32, #tpu.memory_space<vmem>>, vector<16xf32>,
      tpu.vector_store %arg8[%swap3A_962, %swap3A_963], %gather3A_960 {strides = array<i32>} : memref<16x256xf32, #tpu.memory_space<vmem>>, vector<16xf32>,
      %add3A_965 = arith.constant 4 : i32
      %add3A_966 = vector.broadcast %add3A_965 : i32 to vector<16xi32>
      %add3A_967 = arith.addi %get3A_932, %add3A_966 : vector<16xi32>
      %gather3A_968 = tpu.vector_load_idx %arg7[%add3A_930, %add3A_967] : memref<256x128xf32, #tpu.memory_space<vmem>>[vector<16xi32>, vector<16xi32>], vector<16xf32>,
      %swap3A_969 = arith.constant 4 : i32
      %swap3A_970 = arith.index_cast %swap3A_969 : i32 to index
      %swap3A_971 = arith.constant 64 : index
      %swap3A_972 = tpu.vector_load %arg8[%swap3A_970, %swap3A_971] {strides = array<i32>} : memref<16x256xf32, #tpu.memory_space<vmem>>, vector<16xf32>,
      tpu.vector_store %arg8[%swap3A_970, %swap3A_971], %gather3A_968 {strides = array<i32>} : memref<16x256xf32, #tpu.memory_space<vmem>>, vector<16xf32>,
      %add3A_973 = arith.constant 5 : i32
      %add3A_974 = vector.broadcast %add3A_973 : i32 to vector<16xi32>
      %add3A_975 = arith.addi %get3A_932, %add3A_974 : vector<16xi32>
      %gather3A_976 = tpu.vector_load_idx %arg7[%add3A_930, %add3A_975] : memref<256x128xf32, #tpu.memory_space<vmem>>[vector<16xi32>, vector<16xi32>], vector<16xf32>,
      %swap3A_977 = arith.constant 5 : i32
      %swap3A_978 = arith.index_cast %swap3A_977 : i32 to index
      %swap3A_979 = arith.constant 64 : index
      %swap3A_980 = tpu.vector_load %arg8[%swap3A_978, %swap3A_979] {strides = array<i32>} : memref<16x256xf32, #tpu.memory_space<vmem>>, vector<16xf32>,
      tpu.vector_store %arg8[%swap3A_978, %swap3A_979], %gather3A_976 {strides = array<i32>} : memref<16x256xf32, #tpu.memory_space<vmem>>, vector<16xf32>,
      %add3A_981 = arith.constant 6 : i32
      %add3A_982 = vector.broadcast %add3A_981 : i32 to vector<16xi32>
      %add3A_983 = arith.addi %get3A_932, %add3A_982 : vector<16xi32>
      %gather3A_984 = tpu.vector_load_idx %arg7[%add3A_930, %add3A_983] : memref<256x128xf32, #tpu.memory_space<vmem>>[vector<16xi32>, vector<16xi32>], vector<16xf32>,
      %swap3A_985 = arith.constant 6 : i32
      %swap3A_986 = arith.index_cast %swap3A_985 : i32 to index
      %swap3A_987 = arith.constant 64 : index
      %swap3A_988 = tpu.vector_load %arg8[%swap3A_986, %swap3A_987] {strides = array<i32>} : memref<16x256xf32, #tpu.memory_space<vmem>>, vector<16xf32>,
      tpu.vector_store %arg8[%swap3A_986, %swap3A_987], %gather3A_984 {strides = array<i32>} : memref<16x256xf32, #tpu.memory_space<vmem>>, vector<16xf32>,
      %add3A_989 = arith.constant 7 : i32
      %add3A_990 = vector.broadcast %add3A_989 : i32 to vector<16xi32>
      %add3A_991 = arith.addi %get3A_932, %add3A_990 : vector<16xi32>
      %gather3A_992 = tpu.vector_load_idx %arg7[%add3A_930, %add3A_991] : memref<256x128xf32, #tpu.memory_space<vmem>>[vector<16xi32>, vector<16xi32>], vector<16xf32>,
      %swap3A_993 = arith.constant 7 : i32
      %swap3A_994 = arith.index_cast %swap3A_993 : i32 to index
      %swap3A_995 = arith.constant 64 : index
      %swap3A_996 = tpu.vector_load %arg8[%swap3A_994, %swap3A_995] {strides = array<i32>} : memref<16x256xf32, #tpu.memory_space<vmem>>, vector<16xf32>,
      tpu.vector_store %arg8[%swap3A_994, %swap3A_995], %gather3A_992 {strides = array<i32>} : memref<16x256xf32, #tpu.memory_space<vmem>>, vector<16xf32>,
      %add3A_997 = arith.constant 8 : i32
      %add3A_998 = vector.broadcast %add3A_997 : i32 to vector<16xi32>
      %add3A_999 = arith.addi %get3A_932, %add3A_998 : vector<16xi32>
      %gather3A_1000 = tpu.vector_load_idx %arg7[%add3A_930, %add3A_999] : memref<256x128xf32, #tpu.memory_space<vmem>>[vector<16xi32>, vector<16xi32>], vector<16xf32>,
      %swap3A_1001 = arith.constant 8 : i32
      %swap3A_1002 = arith.index_cast %swap3A_1001 : i32 to index
      %swap3A_1003 = arith.constant 64 : index
      %swap3A_1004 = tpu.vector_load %arg8[%swap3A_1002, %swap3A_1003] {strides = array<i32>} : memref<16x256xf32, #tpu.memory_space<vmem>>, vector<16xf32>,
      tpu.vector_store %arg8[%swap3A_1002, %swap3A_1003], %gather3A_1000 {strides = array<i32>} : memref<16x256xf32, #tpu.memory_space<vmem>>, vector<16xf32>,
      %add3A_1005 = arith.constant 9 : i32
      %add3A_1006 = vector.broadcast %add3A_1005 : i32 to vector<16xi32>
      %add3A_1007 = arith.addi %get3A_932, %add3A_1006 : vector<16xi32>
      %gather3A_1008 = tpu.vector_load_idx %arg7[%add3A_930, %add3A_1007] : memref<256x128xf32, #tpu.memory_space<vmem>>[vector<16xi32>, vector<16xi32>], vector<16xf32>,
      %swap3A_1009 = arith.constant 9 : i32
      %swap3A_1010 = arith.index_cast %swap3A_1009 : i32 to index
      %swap3A_1011 = arith.constant 64 : index
      %swap3A_1012 = tpu.vector_load %arg8[%swap3A_1010, %swap3A_1011] {strides = array<i32>} : memref<16x256xf32, #tpu.memory_space<vmem>>, vector<16xf32>,
      tpu.vector_store %arg8[%swap3A_1010, %swap3A_1011], %gather3A_1008 {strides = array<i32>} : memref<16x256xf32, #tpu.memory_space<vmem>>, vector<16xf32>,
      %add3A_1013 = arith.constant 10 : i32
      %add3A_1014 = vector.broadcast %add3A_1013 : i32 to vector<16xi32>
      %add3A_1015 = arith.addi %get3A_932, %add3A_1014 : vector<16xi32>
      %gather3A_1016 = tpu.vector_load_idx %arg7[%add3A_930, %add3A_1015] : memref<256x128xf32, #tpu.memory_space<vmem>>[vector<16xi32>, vector<16xi32>], vector<16xf32>,
      %swap3A_1017 = arith.constant 10 : i32
      %swap3A_1018 = arith.index_cast %swap3A_1017 : i32 to index
      %swap3A_1019 = arith.constant 64 : index
      %swap3A_1020 = tpu.vector_load %arg8[%swap3A_1018, %swap3A_1019] {strides = array<i32>} : memref<16x256xf32, #tpu.memory_space<vmem>>, vector<16xf32>,
      tpu.vector_store %arg8[%swap3A_1018, %swap3A_1019], %gather3A_1016 {strides = array<i32>} : memref<16x256xf32, #tpu.memory_space<vmem>>, vector<16xf32>,
      %add3A_1021 = arith.constant 11 : i32
      %add3A_1022 = vector.broadcast %add3A_1021 : i32 to vector<16xi32>
      %add3A_1023 = arith.addi %get3A_932, %add3A_1022 : vector<16xi32>
      %gather3A_1024 = tpu.vector_load_idx %arg7[%add3A_930, %add3A_1023] : memref<256x128xf32, #tpu.memory_space<vmem>>[vector<16xi32>, vector<16xi32>], vector<16xf32>,
      %swap3A_1025 = arith.constant 11 : i32
      %swap3A_1026 = arith.index_cast %swap3A_1025 : i32 to index
      %swap3A_1027 = arith.constant 64 : index
      %swap3A_1028 = tpu.vector_load %arg8[%swap3A_1026, %swap3A_1027] {strides = array<i32>} : memref<16x256xf32, #tpu.memory_space<vmem>>, vector<16xf32>,
      tpu.vector_store %arg8[%swap3A_1026, %swap3A_1027], %gather3A_1024 {strides = array<i32>} : memref<16x256xf32, #tpu.memory_space<vmem>>, vector<16xf32>,
      %add3A_1029 = arith.constant 12 : i32
      %add3A_1030 = vector.broadcast %add3A_1029 : i32 to vector<16xi32>
      %add3A_1031 = arith.addi %get3A_932, %add3A_1030 : vector<16xi32>
      %gather3A_1032 = tpu.vector_load_idx %arg7[%add3A_930, %add3A_1031] : memref<256x128xf32, #tpu.memory_space<vmem>>[vector<16xi32>, vector<16xi32>], vector<16xf32>,
      %swap3A_1033 = arith.constant 12 : i32
      %swap3A_1034 = arith.index_cast %swap3A_1033 : i32 to index
      %swap3A_1035 = arith.constant 64 : index
      %swap3A_1036 = tpu.vector_load %arg8[%swap3A_1034, %swap3A_1035] {strides = array<i32>} : memref<16x256xf32, #tpu.memory_space<vmem>>, vector<16xf32>,
      tpu.vector_store %arg8[%swap3A_1034, %swap3A_1035], %gather3A_1032 {strides = array<i32>} : memref<16x256xf32, #tpu.memory_space<vmem>>, vector<16xf32>,
      %add3A_1037 = arith.constant 13 : i32
      %add3A_1038 = vector.broadcast %add3A_1037 : i32 to vector<16xi32>
      %add3A_1039 = arith.addi %get3A_932, %add3A_1038 : vector<16xi32>
      %gather3A_1040 = tpu.vector_load_idx %arg7[%add3A_930, %add3A_1039] : memref<256x128xf32, #tpu.memory_space<vmem>>[vector<16xi32>, vector<16xi32>], vector<16xf32>,
      %swap3A_1041 = arith.constant 13 : i32
      %swap3A_1042 = arith.index_cast %swap3A_1041 : i32 to index
      %swap3A_1043 = arith.constant 64 : index
      %swap3A_1044 = tpu.vector_load %arg8[%swap3A_1042, %swap3A_1043] {strides = array<i32>} : memref<16x256xf32, #tpu.memory_space<vmem>>, vector<16xf32>,
      tpu.vector_store %arg8[%swap3A_1042, %swap3A_1043], %gather3A_1040 {strides = array<i32>} : memref<16x256xf32, #tpu.memory_space<vmem>>, vector<16xf32>,
      %add3A_1045 = arith.constant 14 : i32
      %add3A_1046 = vector.broadcast %add3A_1045 : i32 to vector<16xi32>
      %add3A_1047 = arith.addi %get3A_932, %add3A_1046 : vector<16xi32>
      %gather3A_1048 = tpu.vector_load_idx %arg7[%add3A_930, %add3A_1047] : memref<256x128xf32, #tpu.memory_space<vmem>>[vector<16xi32>, vector<16xi32>], vector<16xf32>,
      %swap3A_1049 = arith.constant 14 : i32
      %swap3A_1050 = arith.index_cast %swap3A_1049 : i32 to index
      %swap3A_1051 = arith.constant 64 : index
      %swap3A_1052 = tpu.vector_load %arg8[%swap3A_1050, %swap3A_1051] {strides = array<i32>} : memref<16x256xf32, #tpu.memory_space<vmem>>, vector<16xf32>,
      tpu.vector_store %arg8[%swap3A_1050, %swap3A_1051], %gather3A_1048 {strides = array<i32>} : memref<16x256xf32, #tpu.memory_space<vmem>>, vector<16xf32>,
      %add3A_1053 = arith.constant 15 : i32
      %add3A_1054 = vector.broadcast %add3A_1053 : i32 to vector<16xi32>
      %add3A_1055 = arith.addi %get3A_932, %add3A_1054 : vector<16xi32>
      %gather3A_1056 = tpu.vector_load_idx %arg7[%add3A_930, %add3A_1055] : memref<256x128xf32, #tpu.memory_space<vmem>>[vector<16xi32>, vector<16xi32>], vector<16xf32>,
      %swap3A_1057 = arith.constant 15 : i32
      %swap3A_1058 = arith.index_cast %swap3A_1057 : i32 to index
      %swap3A_1059 = arith.constant 64 : index
      %swap3A_1060 = tpu.vector_load %arg8[%swap3A_1058, %swap3A_1059] {strides = array<i32>} : memref<16x256xf32, #tpu.memory_space<vmem>>, vector<16xf32>,
      tpu.vector_store %arg8[%swap3A_1058, %swap3A_1059], %gather3A_1056 {strides = array<i32>} : memref<16x256xf32, #tpu.memory_space<vmem>>, vector<16xf32>,
      %add3A_1061 = arith.constant 80 : i32
      %add3A_1062 = vector.broadcast %add3A_1061 : i32 to vector<16xi32>
      %add3A_1063 = arith.addi %add3A_1062, %iota3A : vector<16xi32>
      %get3A_1064 = arith.constant 80 : index
      %get3A_1065 = tpu.vector_load %arg6[%get3A_1064] {strides = array<i32>} : memref<256xi32, #tpu.memory_space<vmem>>, vector<16xi32>,
      %add3A_1066 = arith.constant 0 : i32
      %add3A_1067 = vector.broadcast %add3A_1066 : i32 to vector<16xi32>
      %add3A_1068 = arith.addi %get3A_1065, %add3A_1067 : vector<16xi32>
      %gather3A_1069 = tpu.vector_load_idx %arg7[%add3A_1063, %add3A_1068] : memref<256x128xf32, #tpu.memory_space<vmem>>[vector<16xi32>, vector<16xi32>], vector<16xf32>,
      %swap3A_1070 = arith.constant 0 : i32
      %swap3A_1071 = arith.index_cast %swap3A_1070 : i32 to index
      %swap3A_1072 = arith.constant 80 : index
      %swap3A_1073 = tpu.vector_load %arg8[%swap3A_1071, %swap3A_1072] {strides = array<i32>} : memref<16x256xf32, #tpu.memory_space<vmem>>, vector<16xf32>,
      tpu.vector_store %arg8[%swap3A_1071, %swap3A_1072], %gather3A_1069 {strides = array<i32>} : memref<16x256xf32, #tpu.memory_space<vmem>>, vector<16xf32>,
      %add3A_1074 = arith.constant 1 : i32
      %add3A_1075 = vector.broadcast %add3A_1074 : i32 to vector<16xi32>
      %add3A_1076 = arith.addi %get3A_1065, %add3A_1075 : vector<16xi32>
      %gather3A_1077 = tpu.vector_load_idx %arg7[%add3A_1063, %add3A_1076] : memref<256x128xf32, #tpu.memory_space<vmem>>[vector<16xi32>, vector<16xi32>], vector<16xf32>,
      %swap3A_1078 = arith.constant 1 : i32
      %swap3A_1079 = arith.index_cast %swap3A_1078 : i32 to index
      %swap3A_1080 = arith.constant 80 : index
      %swap3A_1081 = tpu.vector_load %arg8[%swap3A_1079, %swap3A_1080] {strides = array<i32>} : memref<16x256xf32, #tpu.memory_space<vmem>>, vector<16xf32>,
      tpu.vector_store %arg8[%swap3A_1079, %swap3A_1080], %gather3A_1077 {strides = array<i32>} : memref<16x256xf32, #tpu.memory_space<vmem>>, vector<16xf32>,
      %add3A_1082 = arith.constant 2 : i32
      %add3A_1083 = vector.broadcast %add3A_1082 : i32 to vector<16xi32>
      %add3A_1084 = arith.addi %get3A_1065, %add3A_1083 : vector<16xi32>
      %gather3A_1085 = tpu.vector_load_idx %arg7[%add3A_1063, %add3A_1084] : memref<256x128xf32, #tpu.memory_space<vmem>>[vector<16xi32>, vector<16xi32>], vector<16xf32>,
      %swap3A_1086 = arith.constant 2 : i32
      %swap3A_1087 = arith.index_cast %swap3A_1086 : i32 to index
      %swap3A_1088 = arith.constant 80 : index
      %swap3A_1089 = tpu.vector_load %arg8[%swap3A_1087, %swap3A_1088] {strides = array<i32>} : memref<16x256xf32, #tpu.memory_space<vmem>>, vector<16xf32>,
      tpu.vector_store %arg8[%swap3A_1087, %swap3A_1088], %gather3A_1085 {strides = array<i32>} : memref<16x256xf32, #tpu.memory_space<vmem>>, vector<16xf32>,
      %add3A_1090 = arith.constant 3 : i32
      %add3A_1091 = vector.broadcast %add3A_1090 : i32 to vector<16xi32>
      %add3A_1092 = arith.addi %get3A_1065, %add3A_1091 : vector<16xi32>
      %gather3A_1093 = tpu.vector_load_idx %arg7[%add3A_1063, %add3A_1092] : memref<256x128xf32, #tpu.memory_space<vmem>>[vector<16xi32>, vector<16xi32>], vector<16xf32>,
      %swap3A_1094 = arith.constant 3 : i32
      %swap3A_1095 = arith.index_cast %swap3A_1094 : i32 to index
      %swap3A_1096 = arith.constant 80 : index
      %swap3A_1097 = tpu.vector_load %arg8[%swap3A_1095, %swap3A_1096] {strides = array<i32>} : memref<16x256xf32, #tpu.memory_space<vmem>>, vector<16xf32>,
      tpu.vector_store %arg8[%swap3A_1095, %swap3A_1096], %gather3A_1093 {strides = array<i32>} : memref<16x256xf32, #tpu.memory_space<vmem>>, vector<16xf32>,
      %add3A_1098 = arith.constant 4 : i32
      %add3A_1099 = vector.broadcast %add3A_1098 : i32 to vector<16xi32>
      %add3A_1100 = arith.addi %get3A_1065, %add3A_1099 : vector<16xi32>
      %gather3A_1101 = tpu.vector_load_idx %arg7[%add3A_1063, %add3A_1100] : memref<256x128xf32, #tpu.memory_space<vmem>>[vector<16xi32>, vector<16xi32>], vector<16xf32>,
      %swap3A_1102 = arith.constant 4 : i32
      %swap3A_1103 = arith.index_cast %swap3A_1102 : i32 to index
      %swap3A_1104 = arith.constant 80 : index
      %swap3A_1105 = tpu.vector_load %arg8[%swap3A_1103, %swap3A_1104] {strides = array<i32>} : memref<16x256xf32, #tpu.memory_space<vmem>>, vector<16xf32>,
      tpu.vector_store %arg8[%swap3A_1103, %swap3A_1104], %gather3A_1101 {strides = array<i32>} : memref<16x256xf32, #tpu.memory_space<vmem>>, vector<16xf32>,
      %add3A_1106 = arith.constant 5 : i32
      %add3A_1107 = vector.broadcast %add3A_1106 : i32 to vector<16xi32>
      %add3A_1108 = arith.addi %get3A_1065, %add3A_1107 : vector<16xi32>
      %gather3A_1109 = tpu.vector_load_idx %arg7[%add3A_1063, %add3A_1108] : memref<256x128xf32, #tpu.memory_space<vmem>>[vector<16xi32>, vector<16xi32>], vector<16xf32>,
      %swap3A_1110 = arith.constant 5 : i32
      %swap3A_1111 = arith.index_cast %swap3A_1110 : i32 to index
      %swap3A_1112 = arith.constant 80 : index
      %swap3A_1113 = tpu.vector_load %arg8[%swap3A_1111, %swap3A_1112] {strides = array<i32>} : memref<16x256xf32, #tpu.memory_space<vmem>>, vector<16xf32>,
      tpu.vector_store %arg8[%swap3A_1111, %swap3A_1112], %gather3A_1109 {strides = array<i32>} : memref<16x256xf32, #tpu.memory_space<vmem>>, vector<16xf32>,
      %add3A_1114 = arith.constant 6 : i32
      %add3A_1115 = vector.broadcast %add3A_1114 : i32 to vector<16xi32>
      %add3A_1116 = arith.addi %get3A_1065, %add3A_1115 : vector<16xi32>
      %gather3A_1117 = tpu.vector_load_idx %arg7[%add3A_1063, %add3A_1116] : memref<256x128xf32, #tpu.memory_space<vmem>>[vector<16xi32>, vector<16xi32>], vector<16xf32>,
      %swap3A_1118 = arith.constant 6 : i32
      %swap3A_1119 = arith.index_cast %swap3A_1118 : i32 to index
      %swap3A_1120 = arith.constant 80 : index
      %swap3A_1121 = tpu.vector_load %arg8[%swap3A_1119, %swap3A_1120] {strides = array<i32>} : memref<16x256xf32, #tpu.memory_space<vmem>>, vector<16xf32>,
      tpu.vector_store %arg8[%swap3A_1119, %swap3A_1120], %gather3A_1117 {strides = array<i32>} : memref<16x256xf32, #tpu.memory_space<vmem>>, vector<16xf32>,
      %add3A_1122 = arith.constant 7 : i32
      %add3A_1123 = vector.broadcast %add3A_1122 : i32 to vector<16xi32>
      %add3A_1124 = arith.addi %get3A_1065, %add3A_1123 : vector<16xi32>
      %gather3A_1125 = tpu.vector_load_idx %arg7[%add3A_1063, %add3A_1124] : memref<256x128xf32, #tpu.memory_space<vmem>>[vector<16xi32>, vector<16xi32>], vector<16xf32>,
      %swap3A_1126 = arith.constant 7 : i32
      %swap3A_1127 = arith.index_cast %swap3A_1126 : i32 to index
      %swap3A_1128 = arith.constant 80 : index
      %swap3A_1129 = tpu.vector_load %arg8[%swap3A_1127, %swap3A_1128] {strides = array<i32>} : memref<16x256xf32, #tpu.memory_space<vmem>>, vector<16xf32>,
      tpu.vector_store %arg8[%swap3A_1127, %swap3A_1128], %gather3A_1125 {strides = array<i32>} : memref<16x256xf32, #tpu.memory_space<vmem>>, vector<16xf32>,
      %add3A_1130 = arith.constant 8 : i32
      %add3A_1131 = vector.broadcast %add3A_1130 : i32 to vector<16xi32>
      %add3A_1132 = arith.addi %get3A_1065, %add3A_1131 : vector<16xi32>
      %gather3A_1133 = tpu.vector_load_idx %arg7[%add3A_1063, %add3A_1132] : memref<256x128xf32, #tpu.memory_space<vmem>>[vector<16xi32>, vector<16xi32>], vector<16xf32>,
      %swap3A_1134 = arith.constant 8 : i32
      %swap3A_1135 = arith.index_cast %swap3A_1134 : i32 to index
      %swap3A_1136 = arith.constant 80 : index
      %swap3A_1137 = tpu.vector_load %arg8[%swap3A_1135, %swap3A_1136] {strides = array<i32>} : memref<16x256xf32, #tpu.memory_space<vmem>>, vector<16xf32>,
      tpu.vector_store %arg8[%swap3A_1135, %swap3A_1136], %gather3A_1133 {strides = array<i32>} : memref<16x256xf32, #tpu.memory_space<vmem>>, vector<16xf32>,
      %add3A_1138 = arith.constant 9 : i32
      %add3A_1139 = vector.broadcast %add3A_1138 : i32 to vector<16xi32>
      %add3A_1140 = arith.addi %get3A_1065, %add3A_1139 : vector<16xi32>
      %gather3A_1141 = tpu.vector_load_idx %arg7[%add3A_1063, %add3A_1140] : memref<256x128xf32, #tpu.memory_space<vmem>>[vector<16xi32>, vector<16xi32>], vector<16xf32>,
      %swap3A_1142 = arith.constant 9 : i32
      %swap3A_1143 = arith.index_cast %swap3A_1142 : i32 to index
      %swap3A_1144 = arith.constant 80 : index
      %swap3A_1145 = tpu.vector_load %arg8[%swap3A_1143, %swap3A_1144] {strides = array<i32>} : memref<16x256xf32, #tpu.memory_space<vmem>>, vector<16xf32>,
      tpu.vector_store %arg8[%swap3A_1143, %swap3A_1144], %gather3A_1141 {strides = array<i32>} : memref<16x256xf32, #tpu.memory_space<vmem>>, vector<16xf32>,
      %add3A_1146 = arith.constant 10 : i32
      %add3A_1147 = vector.broadcast %add3A_1146 : i32 to vector<16xi32>
      %add3A_1148 = arith.addi %get3A_1065, %add3A_1147 : vector<16xi32>
      %gather3A_1149 = tpu.vector_load_idx %arg7[%add3A_1063, %add3A_1148] : memref<256x128xf32, #tpu.memory_space<vmem>>[vector<16xi32>, vector<16xi32>], vector<16xf32>,
      %swap3A_1150 = arith.constant 10 : i32
      %swap3A_1151 = arith.index_cast %swap3A_1150 : i32 to index
      %swap3A_1152 = arith.constant 80 : index
      %swap3A_1153 = tpu.vector_load %arg8[%swap3A_1151, %swap3A_1152] {strides = array<i32>} : memref<16x256xf32, #tpu.memory_space<vmem>>, vector<16xf32>,
      tpu.vector_store %arg8[%swap3A_1151, %swap3A_1152], %gather3A_1149 {strides = array<i32>} : memref<16x256xf32, #tpu.memory_space<vmem>>, vector<16xf32>,
      %add3A_1154 = arith.constant 11 : i32
      %add3A_1155 = vector.broadcast %add3A_1154 : i32 to vector<16xi32>
      %add3A_1156 = arith.addi %get3A_1065, %add3A_1155 : vector<16xi32>
      %gather3A_1157 = tpu.vector_load_idx %arg7[%add3A_1063, %add3A_1156] : memref<256x128xf32, #tpu.memory_space<vmem>>[vector<16xi32>, vector<16xi32>], vector<16xf32>,
      %swap3A_1158 = arith.constant 11 : i32
      %swap3A_1159 = arith.index_cast %swap3A_1158 : i32 to index
      %swap3A_1160 = arith.constant 80 : index
      %swap3A_1161 = tpu.vector_load %arg8[%swap3A_1159, %swap3A_1160] {strides = array<i32>} : memref<16x256xf32, #tpu.memory_space<vmem>>, vector<16xf32>,
      tpu.vector_store %arg8[%swap3A_1159, %swap3A_1160], %gather3A_1157 {strides = array<i32>} : memref<16x256xf32, #tpu.memory_space<vmem>>, vector<16xf32>,
      %add3A_1162 = arith.constant 12 : i32
      %add3A_1163 = vector.broadcast %add3A_1162 : i32 to vector<16xi32>
      %add3A_1164 = arith.addi %get3A_1065, %add3A_1163 : vector<16xi32>
      %gather3A_1165 = tpu.vector_load_idx %arg7[%add3A_1063, %add3A_1164] : memref<256x128xf32, #tpu.memory_space<vmem>>[vector<16xi32>, vector<16xi32>], vector<16xf32>,
      %swap3A_1166 = arith.constant 12 : i32
      %swap3A_1167 = arith.index_cast %swap3A_1166 : i32 to index
      %swap3A_1168 = arith.constant 80 : index
      %swap3A_1169 = tpu.vector_load %arg8[%swap3A_1167, %swap3A_1168] {strides = array<i32>} : memref<16x256xf32, #tpu.memory_space<vmem>>, vector<16xf32>,
      tpu.vector_store %arg8[%swap3A_1167, %swap3A_1168], %gather3A_1165 {strides = array<i32>} : memref<16x256xf32, #tpu.memory_space<vmem>>, vector<16xf32>,
      %add3A_1170 = arith.constant 13 : i32
      %add3A_1171 = vector.broadcast %add3A_1170 : i32 to vector<16xi32>
      %add3A_1172 = arith.addi %get3A_1065, %add3A_1171 : vector<16xi32>
      %gather3A_1173 = tpu.vector_load_idx %arg7[%add3A_1063, %add3A_1172] : memref<256x128xf32, #tpu.memory_space<vmem>>[vector<16xi32>, vector<16xi32>], vector<16xf32>,
      %swap3A_1174 = arith.constant 13 : i32
      %swap3A_1175 = arith.index_cast %swap3A_1174 : i32 to index
      %swap3A_1176 = arith.constant 80 : index
      %swap3A_1177 = tpu.vector_load %arg8[%swap3A_1175, %swap3A_1176] {strides = array<i32>} : memref<16x256xf32, #tpu.memory_space<vmem>>, vector<16xf32>,
      tpu.vector_store %arg8[%swap3A_1175, %swap3A_1176], %gather3A_1173 {strides = array<i32>} : memref<16x256xf32, #tpu.memory_space<vmem>>, vector<16xf32>,
      %add3A_1178 = arith.constant 14 : i32
      %add3A_1179 = vector.broadcast %add3A_1178 : i32 to vector<16xi32>
      %add3A_1180 = arith.addi %get3A_1065, %add3A_1179 : vector<16xi32>
      %gather3A_1181 = tpu.vector_load_idx %arg7[%add3A_1063, %add3A_1180] : memref<256x128xf32, #tpu.memory_space<vmem>>[vector<16xi32>, vector<16xi32>], vector<16xf32>,
      %swap3A_1182 = arith.constant 14 : i32
      %swap3A_1183 = arith.index_cast %swap3A_1182 : i32 to index
      %swap3A_1184 = arith.constant 80 : index
      %swap3A_1185 = tpu.vector_load %arg8[%swap3A_1183, %swap3A_1184] {strides = array<i32>} : memref<16x256xf32, #tpu.memory_space<vmem>>, vector<16xf32>,
      tpu.vector_store %arg8[%swap3A_1183, %swap3A_1184], %gather3A_1181 {strides = array<i32>} : memref<16x256xf32, #tpu.memory_space<vmem>>, vector<16xf32>,
      %add3A_1186 = arith.constant 15 : i32
      %add3A_1187 = vector.broadcast %add3A_1186 : i32 to vector<16xi32>
      %add3A_1188 = arith.addi %get3A_1065, %add3A_1187 : vector<16xi32>
      %gather3A_1189 = tpu.vector_load_idx %arg7[%add3A_1063, %add3A_1188] : memref<256x128xf32, #tpu.memory_space<vmem>>[vector<16xi32>, vector<16xi32>], vector<16xf32>,
      %swap3A_1190 = arith.constant 15 : i32
      %swap3A_1191 = arith.index_cast %swap3A_1190 : i32 to index
      %swap3A_1192 = arith.constant 80 : index
      %swap3A_1193 = tpu.vector_load %arg8[%swap3A_1191, %swap3A_1192] {strides = array<i32>} : memref<16x256xf32, #tpu.memory_space<vmem>>, vector<16xf32>,
      tpu.vector_store %arg8[%swap3A_1191, %swap3A_1192], %gather3A_1189 {strides = array<i32>} : memref<16x256xf32, #tpu.memory_space<vmem>>, vector<16xf32>,
      %add3A_1194 = arith.constant 96 : i32
      %add3A_1195 = vector.broadcast %add3A_1194 : i32 to vector<16xi32>
      %add3A_1196 = arith.addi %add3A_1195, %iota3A : vector<16xi32>
      %get3A_1197 = arith.constant 96 : index
      %get3A_1198 = tpu.vector_load %arg6[%get3A_1197] {strides = array<i32>} : memref<256xi32, #tpu.memory_space<vmem>>, vector<16xi32>,
      %add3A_1199 = arith.constant 0 : i32
      %add3A_1200 = vector.broadcast %add3A_1199 : i32 to vector<16xi32>
      %add3A_1201 = arith.addi %get3A_1198, %add3A_1200 : vector<16xi32>
      %gather3A_1202 = tpu.vector_load_idx %arg7[%add3A_1196, %add3A_1201] : memref<256x128xf32, #tpu.memory_space<vmem>>[vector<16xi32>, vector<16xi32>], vector<16xf32>,
      %swap3A_1203 = arith.constant 0 : i32
      %swap3A_1204 = arith.index_cast %swap3A_1203 : i32 to index
      %swap3A_1205 = arith.constant 96 : index
      %swap3A_1206 = tpu.vector_load %arg8[%swap3A_1204, %swap3A_1205] {strides = array<i32>} : memref<16x256xf32, #tpu.memory_space<vmem>>, vector<16xf32>,
      tpu.vector_store %arg8[%swap3A_1204, %swap3A_1205], %gather3A_1202 {strides = array<i32>} : memref<16x256xf32, #tpu.memory_space<vmem>>, vector<16xf32>,
      %add3A_1207 = arith.constant 1 : i32
      %add3A_1208 = vector.broadcast %add3A_1207 : i32 to vector<16xi32>
      %add3A_1209 = arith.addi %get3A_1198, %add3A_1208 : vector<16xi32>
      %gather3A_1210 = tpu.vector_load_idx %arg7[%add3A_1196, %add3A_1209] : memref<256x128xf32, #tpu.memory_space<vmem>>[vector<16xi32>, vector<16xi32>], vector<16xf32>,
      %swap3A_1211 = arith.constant 1 : i32
      %swap3A_1212 = arith.index_cast %swap3A_1211 : i32 to index
      %swap3A_1213 = arith.constant 96 : index
      %swap3A_1214 = tpu.vector_load %arg8[%swap3A_1212, %swap3A_1213] {strides = array<i32>} : memref<16x256xf32, #tpu.memory_space<vmem>>, vector<16xf32>,
      tpu.vector_store %arg8[%swap3A_1212, %swap3A_1213], %gather3A_1210 {strides = array<i32>} : memref<16x256xf32, #tpu.memory_space<vmem>>, vector<16xf32>,
      %add3A_1215 = arith.constant 2 : i32
      %add3A_1216 = vector.broadcast %add3A_1215 : i32 to vector<16xi32>
      %add3A_1217 = arith.addi %get3A_1198, %add3A_1216 : vector<16xi32>
      %gather3A_1218 = tpu.vector_load_idx %arg7[%add3A_1196, %add3A_1217] : memref<256x128xf32, #tpu.memory_space<vmem>>[vector<16xi32>, vector<16xi32>], vector<16xf32>,
      %swap3A_1219 = arith.constant 2 : i32
      %swap3A_1220 = arith.index_cast %swap3A_1219 : i32 to index
      %swap3A_1221 = arith.constant 96 : index
      %swap3A_1222 = tpu.vector_load %arg8[%swap3A_1220, %swap3A_1221] {strides = array<i32>} : memref<16x256xf32, #tpu.memory_space<vmem>>, vector<16xf32>,
      tpu.vector_store %arg8[%swap3A_1220, %swap3A_1221], %gather3A_1218 {strides = array<i32>} : memref<16x256xf32, #tpu.memory_space<vmem>>, vector<16xf32>,
      %add3A_1223 = arith.constant 3 : i32
      %add3A_1224 = vector.broadcast %add3A_1223 : i32 to vector<16xi32>
      %add3A_1225 = arith.addi %get3A_1198, %add3A_1224 : vector<16xi32>
      %gather3A_1226 = tpu.vector_load_idx %arg7[%add3A_1196, %add3A_1225] : memref<256x128xf32, #tpu.memory_space<vmem>>[vector<16xi32>, vector<16xi32>], vector<16xf32>,
      %swap3A_1227 = arith.constant 3 : i32
      %swap3A_1228 = arith.index_cast %swap3A_1227 : i32 to index
      %swap3A_1229 = arith.constant 96 : index
      %swap3A_1230 = tpu.vector_load %arg8[%swap3A_1228, %swap3A_1229] {strides = array<i32>} : memref<16x256xf32, #tpu.memory_space<vmem>>, vector<16xf32>,
      tpu.vector_store %arg8[%swap3A_1228, %swap3A_1229], %gather3A_1226 {strides = array<i32>} : memref<16x256xf32, #tpu.memory_space<vmem>>, vector<16xf32>,
      %add3A_1231 = arith.constant 4 : i32
      %add3A_1232 = vector.broadcast %add3A_1231 : i32 to vector<16xi32>
      %add3A_1233 = arith.addi %get3A_1198, %add3A_1232 : vector<16xi32>
      %gather3A_1234 = tpu.vector_load_idx %arg7[%add3A_1196, %add3A_1233] : memref<256x128xf32, #tpu.memory_space<vmem>>[vector<16xi32>, vector<16xi32>], vector<16xf32>,
      %swap3A_1235 = arith.constant 4 : i32
      %swap3A_1236 = arith.index_cast %swap3A_1235 : i32 to index
      %swap3A_1237 = arith.constant 96 : index
      %swap3A_1238 = tpu.vector_load %arg8[%swap3A_1236, %swap3A_1237] {strides = array<i32>} : memref<16x256xf32, #tpu.memory_space<vmem>>, vector<16xf32>,
      tpu.vector_store %arg8[%swap3A_1236, %swap3A_1237], %gather3A_1234 {strides = array<i32>} : memref<16x256xf32, #tpu.memory_space<vmem>>, vector<16xf32>,
      %add3A_1239 = arith.constant 5 : i32
      %add3A_1240 = vector.broadcast %add3A_1239 : i32 to vector<16xi32>
      %add3A_1241 = arith.addi %get3A_1198, %add3A_1240 : vector<16xi32>
      %gather3A_1242 = tpu.vector_load_idx %arg7[%add3A_1196, %add3A_1241] : memref<256x128xf32, #tpu.memory_space<vmem>>[vector<16xi32>, vector<16xi32>], vector<16xf32>,
      %swap3A_1243 = arith.constant 5 : i32
      %swap3A_1244 = arith.index_cast %swap3A_1243 : i32 to index
      %swap3A_1245 = arith.constant 96 : index
      %swap3A_1246 = tpu.vector_load %arg8[%swap3A_1244, %swap3A_1245] {strides = array<i32>} : memref<16x256xf32, #tpu.memory_space<vmem>>, vector<16xf32>,
      tpu.vector_store %arg8[%swap3A_1244, %swap3A_1245], %gather3A_1242 {strides = array<i32>} : memref<16x256xf32, #tpu.memory_space<vmem>>, vector<16xf32>,
      %add3A_1247 = arith.constant 6 : i32
      %add3A_1248 = vector.broadcast %add3A_1247 : i32 to vector<16xi32>
      %add3A_1249 = arith.addi %get3A_1198, %add3A_1248 : vector<16xi32>
      %gather3A_1250 = tpu.vector_load_idx %arg7[%add3A_1196, %add3A_1249] : memref<256x128xf32, #tpu.memory_space<vmem>>[vector<16xi32>, vector<16xi32>], vector<16xf32>,
      %swap3A_1251 = arith.constant 6 : i32
      %swap3A_1252 = arith.index_cast %swap3A_1251 : i32 to index
      %swap3A_1253 = arith.constant 96 : index
      %swap3A_1254 = tpu.vector_load %arg8[%swap3A_1252, %swap3A_1253] {strides = array<i32>} : memref<16x256xf32, #tpu.memory_space<vmem>>, vector<16xf32>,
      tpu.vector_store %arg8[%swap3A_1252, %swap3A_1253], %gather3A_1250 {strides = array<i32>} : memref<16x256xf32, #tpu.memory_space<vmem>>, vector<16xf32>,
      %add3A_1255 = arith.constant 7 : i32
      %add3A_1256 = vector.broadcast %add3A_1255 : i32 to vector<16xi32>
      %add3A_1257 = arith.addi %get3A_1198, %add3A_1256 : vector<16xi32>
      %gather3A_1258 = tpu.vector_load_idx %arg7[%add3A_1196, %add3A_1257] : memref<256x128xf32, #tpu.memory_space<vmem>>[vector<16xi32>, vector<16xi32>], vector<16xf32>,
      %swap3A_1259 = arith.constant 7 : i32
      %swap3A_1260 = arith.index_cast %swap3A_1259 : i32 to index
      %swap3A_1261 = arith.constant 96 : index
      %swap3A_1262 = tpu.vector_load %arg8[%swap3A_1260, %swap3A_1261] {strides = array<i32>} : memref<16x256xf32, #tpu.memory_space<vmem>>, vector<16xf32>,
      tpu.vector_store %arg8[%swap3A_1260, %swap3A_1261], %gather3A_1258 {strides = array<i32>} : memref<16x256xf32, #tpu.memory_space<vmem>>, vector<16xf32>,
      %add3A_1263 = arith.constant 8 : i32
      %add3A_1264 = vector.broadcast %add3A_1263 : i32 to vector<16xi32>
      %add3A_1265 = arith.addi %get3A_1198, %add3A_1264 : vector<16xi32>
      %gather3A_1266 = tpu.vector_load_idx %arg7[%add3A_1196, %add3A_1265] : memref<256x128xf32, #tpu.memory_space<vmem>>[vector<16xi32>, vector<16xi32>], vector<16xf32>,
      %swap3A_1267 = arith.constant 8 : i32
      %swap3A_1268 = arith.index_cast %swap3A_1267 : i32 to index
      %swap3A_1269 = arith.constant 96 : index
      %swap3A_1270 = tpu.vector_load %arg8[%swap3A_1268, %swap3A_1269] {strides = array<i32>} : memref<16x256xf32, #tpu.memory_space<vmem>>, vector<16xf32>,
      tpu.vector_store %arg8[%swap3A_1268, %swap3A_1269], %gather3A_1266 {strides = array<i32>} : memref<16x256xf32, #tpu.memory_space<vmem>>, vector<16xf32>,
      %add3A_1271 = arith.constant 9 : i32
      %add3A_1272 = vector.broadcast %add3A_1271 : i32 to vector<16xi32>
      %add3A_1273 = arith.addi %get3A_1198, %add3A_1272 : vector<16xi32>
      %gather3A_1274 = tpu.vector_load_idx %arg7[%add3A_1196, %add3A_1273] : memref<256x128xf32, #tpu.memory_space<vmem>>[vector<16xi32>, vector<16xi32>], vector<16xf32>,
      %swap3A_1275 = arith.constant 9 : i32
      %swap3A_1276 = arith.index_cast %swap3A_1275 : i32 to index
      %swap3A_1277 = arith.constant 96 : index
      %swap3A_1278 = tpu.vector_load %arg8[%swap3A_1276, %swap3A_1277] {strides = array<i32>} : memref<16x256xf32, #tpu.memory_space<vmem>>, vector<16xf32>,
      tpu.vector_store %arg8[%swap3A_1276, %swap3A_1277], %gather3A_1274 {strides = array<i32>} : memref<16x256xf32, #tpu.memory_space<vmem>>, vector<16xf32>,
      %add3A_1279 = arith.constant 10 : i32
      %add3A_1280 = vector.broadcast %add3A_1279 : i32 to vector<16xi32>
      %add3A_1281 = arith.addi %get3A_1198, %add3A_1280 : vector<16xi32>
      %gather3A_1282 = tpu.vector_load_idx %arg7[%add3A_1196, %add3A_1281] : memref<256x128xf32, #tpu.memory_space<vmem>>[vector<16xi32>, vector<16xi32>], vector<16xf32>,
      %swap3A_1283 = arith.constant 10 : i32
      %swap3A_1284 = arith.index_cast %swap3A_1283 : i32 to index
      %swap3A_1285 = arith.constant 96 : index
      %swap3A_1286 = tpu.vector_load %arg8[%swap3A_1284, %swap3A_1285] {strides = array<i32>} : memref<16x256xf32, #tpu.memory_space<vmem>>, vector<16xf32>,
      tpu.vector_store %arg8[%swap3A_1284, %swap3A_1285], %gather3A_1282 {strides = array<i32>} : memref<16x256xf32, #tpu.memory_space<vmem>>, vector<16xf32>,
      %add3A_1287 = arith.constant 11 : i32
      %add3A_1288 = vector.broadcast %add3A_1287 : i32 to vector<16xi32>
      %add3A_1289 = arith.addi %get3A_1198, %add3A_1288 : vector<16xi32>
      %gather3A_1290 = tpu.vector_load_idx %arg7[%add3A_1196, %add3A_1289] : memref<256x128xf32, #tpu.memory_space<vmem>>[vector<16xi32>, vector<16xi32>], vector<16xf32>,
      %swap3A_1291 = arith.constant 11 : i32
      %swap3A_1292 = arith.index_cast %swap3A_1291 : i32 to index
      %swap3A_1293 = arith.constant 96 : index
      %swap3A_1294 = tpu.vector_load %arg8[%swap3A_1292, %swap3A_1293] {strides = array<i32>} : memref<16x256xf32, #tpu.memory_space<vmem>>, vector<16xf32>,
      tpu.vector_store %arg8[%swap3A_1292, %swap3A_1293], %gather3A_1290 {strides = array<i32>} : memref<16x256xf32, #tpu.memory_space<vmem>>, vector<16xf32>,
      %add3A_1295 = arith.constant 12 : i32
      %add3A_1296 = vector.broadcast %add3A_1295 : i32 to vector<16xi32>
      %add3A_1297 = arith.addi %get3A_1198, %add3A_1296 : vector<16xi32>
      %gather3A_1298 = tpu.vector_load_idx %arg7[%add3A_1196, %add3A_1297] : memref<256x128xf32, #tpu.memory_space<vmem>>[vector<16xi32>, vector<16xi32>], vector<16xf32>,
      %swap3A_1299 = arith.constant 12 : i32
      %swap3A_1300 = arith.index_cast %swap3A_1299 : i32 to index
      %swap3A_1301 = arith.constant 96 : index
      %swap3A_1302 = tpu.vector_load %arg8[%swap3A_1300, %swap3A_1301] {strides = array<i32>} : memref<16x256xf32, #tpu.memory_space<vmem>>, vector<16xf32>,
      tpu.vector_store %arg8[%swap3A_1300, %swap3A_1301], %gather3A_1298 {strides = array<i32>} : memref<16x256xf32, #tpu.memory_space<vmem>>, vector<16xf32>,
      %add3A_1303 = arith.constant 13 : i32
      %add3A_1304 = vector.broadcast %add3A_1303 : i32 to vector<16xi32>
      %add3A_1305 = arith.addi %get3A_1198, %add3A_1304 : vector<16xi32>
      %gather3A_1306 = tpu.vector_load_idx %arg7[%add3A_1196, %add3A_1305] : memref<256x128xf32, #tpu.memory_space<vmem>>[vector<16xi32>, vector<16xi32>], vector<16xf32>,
      %swap3A_1307 = arith.constant 13 : i32
      %swap3A_1308 = arith.index_cast %swap3A_1307 : i32 to index
      %swap3A_1309 = arith.constant 96 : index
      %swap3A_1310 = tpu.vector_load %arg8[%swap3A_1308, %swap3A_1309] {strides = array<i32>} : memref<16x256xf32, #tpu.memory_space<vmem>>, vector<16xf32>,
      tpu.vector_store %arg8[%swap3A_1308, %swap3A_1309], %gather3A_1306 {strides = array<i32>} : memref<16x256xf32, #tpu.memory_space<vmem>>, vector<16xf32>,
      %add3A_1311 = arith.constant 14 : i32
      %add3A_1312 = vector.broadcast %add3A_1311 : i32 to vector<16xi32>
      %add3A_1313 = arith.addi %get3A_1198, %add3A_1312 : vector<16xi32>
      %gather3A_1314 = tpu.vector_load_idx %arg7[%add3A_1196, %add3A_1313] : memref<256x128xf32, #tpu.memory_space<vmem>>[vector<16xi32>, vector<16xi32>], vector<16xf32>,
      %swap3A_1315 = arith.constant 14 : i32
      %swap3A_1316 = arith.index_cast %swap3A_1315 : i32 to index
      %swap3A_1317 = arith.constant 96 : index
      %swap3A_1318 = tpu.vector_load %arg8[%swap3A_1316, %swap3A_1317] {strides = array<i32>} : memref<16x256xf32, #tpu.memory_space<vmem>>, vector<16xf32>,
      tpu.vector_store %arg8[%swap3A_1316, %swap3A_1317], %gather3A_1314 {strides = array<i32>} : memref<16x256xf32, #tpu.memory_space<vmem>>, vector<16xf32>,
      %add3A_1319 = arith.constant 15 : i32
      %add3A_1320 = vector.broadcast %add3A_1319 : i32 to vector<16xi32>
      %add3A_1321 = arith.addi %get3A_1198, %add3A_1320 : vector<16xi32>
      %gather3A_1322 = tpu.vector_load_idx %arg7[%add3A_1196, %add3A_1321] : memref<256x128xf32, #tpu.memory_space<vmem>>[vector<16xi32>, vector<16xi32>], vector<16xf32>,
      %swap3A_1323 = arith.constant 15 : i32
      %swap3A_1324 = arith.index_cast %swap3A_1323 : i32 to index
      %swap3A_1325 = arith.constant 96 : index
      %swap3A_1326 = tpu.vector_load %arg8[%swap3A_1324, %swap3A_1325] {strides = array<i32>} : memref<16x256xf32, #tpu.memory_space<vmem>>, vector<16xf32>,
      tpu.vector_store %arg8[%swap3A_1324, %swap3A_1325], %gather3A_1322 {strides = array<i32>} : memref<16x256xf32, #tpu.memory_space<vmem>>, vector<16xf32>,
      %add3A_1327 = arith.constant 112 : i32
      %add3A_1328 = vector.broadcast %add3A_1327 : i32 to vector<16xi32>
      %add3A_1329 = arith.addi %add3A_1328, %iota3A : vector<16xi32>
      %get3A_1330 = arith.constant 112 : index
      %get3A_1331 = tpu.vector_load %arg6[%get3A_1330] {strides = array<i32>} : memref<256xi32, #tpu.memory_space<vmem>>, vector<16xi32>,
      %add3A_1332 = arith.constant 0 : i32
      %add3A_1333 = vector.broadcast %add3A_1332 : i32 to vector<16xi32>
      %add3A_1334 = arith.addi %get3A_1331, %add3A_1333 : vector<16xi32>
      %gather3A_1335 = tpu.vector_load_idx %arg7[%add3A_1329, %add3A_1334] : memref<256x128xf32, #tpu.memory_space<vmem>>[vector<16xi32>, vector<16xi32>], vector<16xf32>,
      %swap3A_1336 = arith.constant 0 : i32
      %swap3A_1337 = arith.index_cast %swap3A_1336 : i32 to index
      %swap3A_1338 = arith.constant 112 : index
      %swap3A_1339 = tpu.vector_load %arg8[%swap3A_1337, %swap3A_1338] {strides = array<i32>} : memref<16x256xf32, #tpu.memory_space<vmem>>, vector<16xf32>,
      tpu.vector_store %arg8[%swap3A_1337, %swap3A_1338], %gather3A_1335 {strides = array<i32>} : memref<16x256xf32, #tpu.memory_space<vmem>>, vector<16xf32>,
      %add3A_1340 = arith.constant 1 : i32
      %add3A_1341 = vector.broadcast %add3A_1340 : i32 to vector<16xi32>
      %add3A_1342 = arith.addi %get3A_1331, %add3A_1341 : vector<16xi32>
      %gather3A_1343 = tpu.vector_load_idx %arg7[%add3A_1329, %add3A_1342] : memref<256x128xf32, #tpu.memory_space<vmem>>[vector<16xi32>, vector<16xi32>], vector<16xf32>,
      %swap3A_1344 = arith.constant 1 : i32
      %swap3A_1345 = arith.index_cast %swap3A_1344 : i32 to index
      %swap3A_1346 = arith.constant 112 : index
      %swap3A_1347 = tpu.vector_load %arg8[%swap3A_1345, %swap3A_1346] {strides = array<i32>} : memref<16x256xf32, #tpu.memory_space<vmem>>, vector<16xf32>,
      tpu.vector_store %arg8[%swap3A_1345, %swap3A_1346], %gather3A_1343 {strides = array<i32>} : memref<16x256xf32, #tpu.memory_space<vmem>>, vector<16xf32>,
      %add3A_1348 = arith.constant 2 : i32
      %add3A_1349 = vector.broadcast %add3A_1348 : i32 to vector<16xi32>
      %add3A_1350 = arith.addi %get3A_1331, %add3A_1349 : vector<16xi32>
      %gather3A_1351 = tpu.vector_load_idx %arg7[%add3A_1329, %add3A_1350] : memref<256x128xf32, #tpu.memory_space<vmem>>[vector<16xi32>, vector<16xi32>], vector<16xf32>,
      %swap3A_1352 = arith.constant 2 : i32
      %swap3A_1353 = arith.index_cast %swap3A_1352 : i32 to index
      %swap3A_1354 = arith.constant 112 : index
      %swap3A_1355 = tpu.vector_load %arg8[%swap3A_1353, %swap3A_1354] {strides = array<i32>} : memref<16x256xf32, #tpu.memory_space<vmem>>, vector<16xf32>,
      tpu.vector_store %arg8[%swap3A_1353, %swap3A_1354], %gather3A_1351 {strides = array<i32>} : memref<16x256xf32, #tpu.memory_space<vmem>>, vector<16xf32>,
      %add3A_1356 = arith.constant 3 : i32
      %add3A_1357 = vector.broadcast %add3A_1356 : i32 to vector<16xi32>
      %add3A_1358 = arith.addi %get3A_1331, %add3A_1357 : vector<16xi32>
      %gather3A_1359 = tpu.vector_load_idx %arg7[%add3A_1329, %add3A_1358] : memref<256x128xf32, #tpu.memory_space<vmem>>[vector<16xi32>, vector<16xi32>], vector<16xf32>,
      %swap3A_1360 = arith.constant 3 : i32
      %swap3A_1361 = arith.index_cast %swap3A_1360 : i32 to index
      %swap3A_1362 = arith.constant 112 : index
      %swap3A_1363 = tpu.vector_load %arg8[%swap3A_1361, %swap3A_1362] {strides = array<i32>} : memref<16x256xf32, #tpu.memory_space<vmem>>, vector<16xf32>,
      tpu.vector_store %arg8[%swap3A_1361, %swap3A_1362], %gather3A_1359 {strides = array<i32>} : memref<16x256xf32, #tpu.memory_space<vmem>>, vector<16xf32>,
      %add3A_1364 = arith.constant 4 : i32
      %add3A_1365 = vector.broadcast %add3A_1364 : i32 to vector<16xi32>
      %add3A_1366 = arith.addi %get3A_1331, %add3A_1365 : vector<16xi32>
      %gather3A_1367 = tpu.vector_load_idx %arg7[%add3A_1329, %add3A_1366] : memref<256x128xf32, #tpu.memory_space<vmem>>[vector<16xi32>, vector<16xi32>], vector<16xf32>,
      %swap3A_1368 = arith.constant 4 : i32
      %swap3A_1369 = arith.index_cast %swap3A_1368 : i32 to index
      %swap3A_1370 = arith.constant 112 : index
      %swap3A_1371 = tpu.vector_load %arg8[%swap3A_1369, %swap3A_1370] {strides = array<i32>} : memref<16x256xf32, #tpu.memory_space<vmem>>, vector<16xf32>,
      tpu.vector_store %arg8[%swap3A_1369, %swap3A_1370], %gather3A_1367 {strides = array<i32>} : memref<16x256xf32, #tpu.memory_space<vmem>>, vector<16xf32>,
      %add3A_1372 = arith.constant 5 : i32
      %add3A_1373 = vector.broadcast %add3A_1372 : i32 to vector<16xi32>
      %add3A_1374 = arith.addi %get3A_1331, %add3A_1373 : vector<16xi32>
      %gather3A_1375 = tpu.vector_load_idx %arg7[%add3A_1329, %add3A_1374] : memref<256x128xf32, #tpu.memory_space<vmem>>[vector<16xi32>, vector<16xi32>], vector<16xf32>,
      %swap3A_1376 = arith.constant 5 : i32
      %swap3A_1377 = arith.index_cast %swap3A_1376 : i32 to index
      %swap3A_1378 = arith.constant 112 : index
      %swap3A_1379 = tpu.vector_load %arg8[%swap3A_1377, %swap3A_1378] {strides = array<i32>} : memref<16x256xf32, #tpu.memory_space<vmem>>, vector<16xf32>,
      tpu.vector_store %arg8[%swap3A_1377, %swap3A_1378], %gather3A_1375 {strides = array<i32>} : memref<16x256xf32, #tpu.memory_space<vmem>>, vector<16xf32>,
      %add3A_1380 = arith.constant 6 : i32
      %add3A_1381 = vector.broadcast %add3A_1380 : i32 to vector<16xi32>
      %add3A_1382 = arith.addi %get3A_1331, %add3A_1381 : vector<16xi32>
      %gather3A_1383 = tpu.vector_load_idx %arg7[%add3A_1329, %add3A_1382] : memref<256x128xf32, #tpu.memory_space<vmem>>[vector<16xi32>, vector<16xi32>], vector<16xf32>,
      %swap3A_1384 = arith.constant 6 : i32
      %swap3A_1385 = arith.index_cast %swap3A_1384 : i32 to index
      %swap3A_1386 = arith.constant 112 : index
      %swap3A_1387 = tpu.vector_load %arg8[%swap3A_1385, %swap3A_1386] {strides = array<i32>} : memref<16x256xf32, #tpu.memory_space<vmem>>, vector<16xf32>,
      tpu.vector_store %arg8[%swap3A_1385, %swap3A_1386], %gather3A_1383 {strides = array<i32>} : memref<16x256xf32, #tpu.memory_space<vmem>>, vector<16xf32>,
      %add3A_1388 = arith.constant 7 : i32
      %add3A_1389 = vector.broadcast %add3A_1388 : i32 to vector<16xi32>
      %add3A_1390 = arith.addi %get3A_1331, %add3A_1389 : vector<16xi32>
      %gather3A_1391 = tpu.vector_load_idx %arg7[%add3A_1329, %add3A_1390] : memref<256x128xf32, #tpu.memory_space<vmem>>[vector<16xi32>, vector<16xi32>], vector<16xf32>,
      %swap3A_1392 = arith.constant 7 : i32
      %swap3A_1393 = arith.index_cast %swap3A_1392 : i32 to index
      %swap3A_1394 = arith.constant 112 : index
      %swap3A_1395 = tpu.vector_load %arg8[%swap3A_1393, %swap3A_1394] {strides = array<i32>} : memref<16x256xf32, #tpu.memory_space<vmem>>, vector<16xf32>,
      tpu.vector_store %arg8[%swap3A_1393, %swap3A_1394], %gather3A_1391 {strides = array<i32>} : memref<16x256xf32, #tpu.memory_space<vmem>>, vector<16xf32>,
      %add3A_1396 = arith.constant 8 : i32
      %add3A_1397 = vector.broadcast %add3A_1396 : i32 to vector<16xi32>
      %add3A_1398 = arith.addi %get3A_1331, %add3A_1397 : vector<16xi32>
      %gather3A_1399 = tpu.vector_load_idx %arg7[%add3A_1329, %add3A_1398] : memref<256x128xf32, #tpu.memory_space<vmem>>[vector<16xi32>, vector<16xi32>], vector<16xf32>,
      %swap3A_1400 = arith.constant 8 : i32
      %swap3A_1401 = arith.index_cast %swap3A_1400 : i32 to index
      %swap3A_1402 = arith.constant 112 : index
      %swap3A_1403 = tpu.vector_load %arg8[%swap3A_1401, %swap3A_1402] {strides = array<i32>} : memref<16x256xf32, #tpu.memory_space<vmem>>, vector<16xf32>,
      tpu.vector_store %arg8[%swap3A_1401, %swap3A_1402], %gather3A_1399 {strides = array<i32>} : memref<16x256xf32, #tpu.memory_space<vmem>>, vector<16xf32>,
      %add3A_1404 = arith.constant 9 : i32
      %add3A_1405 = vector.broadcast %add3A_1404 : i32 to vector<16xi32>
      %add3A_1406 = arith.addi %get3A_1331, %add3A_1405 : vector<16xi32>
      %gather3A_1407 = tpu.vector_load_idx %arg7[%add3A_1329, %add3A_1406] : memref<256x128xf32, #tpu.memory_space<vmem>>[vector<16xi32>, vector<16xi32>], vector<16xf32>,
      %swap3A_1408 = arith.constant 9 : i32
      %swap3A_1409 = arith.index_cast %swap3A_1408 : i32 to index
      %swap3A_1410 = arith.constant 112 : index
      %swap3A_1411 = tpu.vector_load %arg8[%swap3A_1409, %swap3A_1410] {strides = array<i32>} : memref<16x256xf32, #tpu.memory_space<vmem>>, vector<16xf32>,
      tpu.vector_store %arg8[%swap3A_1409, %swap3A_1410], %gather3A_1407 {strides = array<i32>} : memref<16x256xf32, #tpu.memory_space<vmem>>, vector<16xf32>,
      %add3A_1412 = arith.constant 10 : i32
      %add3A_1413 = vector.broadcast %add3A_1412 : i32 to vector<16xi32>
      %add3A_1414 = arith.addi %get3A_1331, %add3A_1413 : vector<16xi32>
      %gather3A_1415 = tpu.vector_load_idx %arg7[%add3A_1329, %add3A_1414] : memref<256x128xf32, #tpu.memory_space<vmem>>[vector<16xi32>, vector<16xi32>], vector<16xf32>,
      %swap3A_1416 = arith.constant 10 : i32
      %swap3A_1417 = arith.index_cast %swap3A_1416 : i32 to index
      %swap3A_1418 = arith.constant 112 : index
      %swap3A_1419 = tpu.vector_load %arg8[%swap3A_1417, %swap3A_1418] {strides = array<i32>} : memref<16x256xf32, #tpu.memory_space<vmem>>, vector<16xf32>,
      tpu.vector_store %arg8[%swap3A_1417, %swap3A_1418], %gather3A_1415 {strides = array<i32>} : memref<16x256xf32, #tpu.memory_space<vmem>>, vector<16xf32>,
      %add3A_1420 = arith.constant 11 : i32
      %add3A_1421 = vector.broadcast %add3A_1420 : i32 to vector<16xi32>
      %add3A_1422 = arith.addi %get3A_1331, %add3A_1421 : vector<16xi32>
      %gather3A_1423 = tpu.vector_load_idx %arg7[%add3A_1329, %add3A_1422] : memref<256x128xf32, #tpu.memory_space<vmem>>[vector<16xi32>, vector<16xi32>], vector<16xf32>,
      %swap3A_1424 = arith.constant 11 : i32
      %swap3A_1425 = arith.index_cast %swap3A_1424 : i32 to index
      %swap3A_1426 = arith.constant 112 : index
      %swap3A_1427 = tpu.vector_load %arg8[%swap3A_1425, %swap3A_1426] {strides = array<i32>} : memref<16x256xf32, #tpu.memory_space<vmem>>, vector<16xf32>,
      tpu.vector_store %arg8[%swap3A_1425, %swap3A_1426], %gather3A_1423 {strides = array<i32>} : memref<16x256xf32, #tpu.memory_space<vmem>>, vector<16xf32>,
      %add3A_1428 = arith.constant 12 : i32
      %add3A_1429 = vector.broadcast %add3A_1428 : i32 to vector<16xi32>
      %add3A_1430 = arith.addi %get3A_1331, %add3A_1429 : vector<16xi32>
      %gather3A_1431 = tpu.vector_load_idx %arg7[%add3A_1329, %add3A_1430] : memref<256x128xf32, #tpu.memory_space<vmem>>[vector<16xi32>, vector<16xi32>], vector<16xf32>,
      %swap3A_1432 = arith.constant 12 : i32
      %swap3A_1433 = arith.index_cast %swap3A_1432 : i32 to index
      %swap3A_1434 = arith.constant 112 : index
      %swap3A_1435 = tpu.vector_load %arg8[%swap3A_1433, %swap3A_1434] {strides = array<i32>} : memref<16x256xf32, #tpu.memory_space<vmem>>, vector<16xf32>,
      tpu.vector_store %arg8[%swap3A_1433, %swap3A_1434], %gather3A_1431 {strides = array<i32>} : memref<16x256xf32, #tpu.memory_space<vmem>>, vector<16xf32>,
      %add3A_1436 = arith.constant 13 : i32
      %add3A_1437 = vector.broadcast %add3A_1436 : i32 to vector<16xi32>
      %add3A_1438 = arith.addi %get3A_1331, %add3A_1437 : vector<16xi32>
      %gather3A_1439 = tpu.vector_load_idx %arg7[%add3A_1329, %add3A_1438] : memref<256x128xf32, #tpu.memory_space<vmem>>[vector<16xi32>, vector<16xi32>], vector<16xf32>,
      %swap3A_1440 = arith.constant 13 : i32
      %swap3A_1441 = arith.index_cast %swap3A_1440 : i32 to index
      %swap3A_1442 = arith.constant 112 : index
      %swap3A_1443 = tpu.vector_load %arg8[%swap3A_1441, %swap3A_1442] {strides = array<i32>} : memref<16x256xf32, #tpu.memory_space<vmem>>, vector<16xf32>,
      tpu.vector_store %arg8[%swap3A_1441, %swap3A_1442], %gather3A_1439 {strides = array<i32>} : memref<16x256xf32, #tpu.memory_space<vmem>>, vector<16xf32>,
      %add3A_1444 = arith.constant 14 : i32
      %add3A_1445 = vector.broadcast %add3A_1444 : i32 to vector<16xi32>
      %add3A_1446 = arith.addi %get3A_1331, %add3A_1445 : vector<16xi32>
      %gather3A_1447 = tpu.vector_load_idx %arg7[%add3A_1329, %add3A_1446] : memref<256x128xf32, #tpu.memory_space<vmem>>[vector<16xi32>, vector<16xi32>], vector<16xf32>,
      %swap3A_1448 = arith.constant 14 : i32
      %swap3A_1449 = arith.index_cast %swap3A_1448 : i32 to index
      %swap3A_1450 = arith.constant 112 : index
      %swap3A_1451 = tpu.vector_load %arg8[%swap3A_1449, %swap3A_1450] {strides = array<i32>} : memref<16x256xf32, #tpu.memory_space<vmem>>, vector<16xf32>,
      tpu.vector_store %arg8[%swap3A_1449, %swap3A_1450], %gather3A_1447 {strides = array<i32>} : memref<16x256xf32, #tpu.memory_space<vmem>>, vector<16xf32>,
      %add3A_1452 = arith.constant 15 : i32
      %add3A_1453 = vector.broadcast %add3A_1452 : i32 to vector<16xi32>
      %add3A_1454 = arith.addi %get3A_1331, %add3A_1453 : vector<16xi32>
      %gather3A_1455 = tpu.vector_load_idx %arg7[%add3A_1329, %add3A_1454] : memref<256x128xf32, #tpu.memory_space<vmem>>[vector<16xi32>, vector<16xi32>], vector<16xf32>,
      %swap3A_1456 = arith.constant 15 : i32
      %swap3A_1457 = arith.index_cast %swap3A_1456 : i32 to index
      %swap3A_1458 = arith.constant 112 : index
      %swap3A_1459 = tpu.vector_load %arg8[%swap3A_1457, %swap3A_1458] {strides = array<i32>} : memref<16x256xf32, #tpu.memory_space<vmem>>, vector<16xf32>,
      tpu.vector_store %arg8[%swap3A_1457, %swap3A_1458], %gather3A_1455 {strides = array<i32>} : memref<16x256xf32, #tpu.memory_space<vmem>>, vector<16xf32>,
      %add3A_1460 = arith.constant 128 : i32
      %add3A_1461 = vector.broadcast %add3A_1460 : i32 to vector<16xi32>
      %add3A_1462 = arith.addi %add3A_1461, %iota3A : vector<16xi32>
      %get3A_1463 = arith.constant 128 : index
      %get3A_1464 = tpu.vector_load %arg6[%get3A_1463] {strides = array<i32>} : memref<256xi32, #tpu.memory_space<vmem>>, vector<16xi32>,
      %add3A_1465 = arith.constant 0 : i32
      %add3A_1466 = vector.broadcast %add3A_1465 : i32 to vector<16xi32>
      %add3A_1467 = arith.addi %get3A_1464, %add3A_1466 : vector<16xi32>
      %gather3A_1468 = tpu.vector_load_idx %arg7[%add3A_1462, %add3A_1467] : memref<256x128xf32, #tpu.memory_space<vmem>>[vector<16xi32>, vector<16xi32>], vector<16xf32>,
      %swap3A_1469 = arith.constant 0 : i32
      %swap3A_1470 = arith.index_cast %swap3A_1469 : i32 to index
      %swap3A_1471 = arith.constant 128 : index
      %swap3A_1472 = tpu.vector_load %arg8[%swap3A_1470, %swap3A_1471] {strides = array<i32>} : memref<16x256xf32, #tpu.memory_space<vmem>>, vector<16xf32>,
      tpu.vector_store %arg8[%swap3A_1470, %swap3A_1471], %gather3A_1468 {strides = array<i32>} : memref<16x256xf32, #tpu.memory_space<vmem>>, vector<16xf32>,
      %add3A_1473 = arith.constant 1 : i32
      %add3A_1474 = vector.broadcast %add3A_1473 : i32 to vector<16xi32>
      %add3A_1475 = arith.addi %get3A_1464, %add3A_1474 : vector<16xi32>
      %gather3A_1476 = tpu.vector_load_idx %arg7[%add3A_1462, %add3A_1475] : memref<256x128xf32, #tpu.memory_space<vmem>>[vector<16xi32>, vector<16xi32>], vector<16xf32>,
      %swap3A_1477 = arith.constant 1 : i32
      %swap3A_1478 = arith.index_cast %swap3A_1477 : i32 to index
      %swap3A_1479 = arith.constant 128 : index
      %swap3A_1480 = tpu.vector_load %arg8[%swap3A_1478, %swap3A_1479] {strides = array<i32>} : memref<16x256xf32, #tpu.memory_space<vmem>>, vector<16xf32>,
      tpu.vector_store %arg8[%swap3A_1478, %swap3A_1479], %gather3A_1476 {strides = array<i32>} : memref<16x256xf32, #tpu.memory_space<vmem>>, vector<16xf32>,
      %add3A_1481 = arith.constant 2 : i32
      %add3A_1482 = vector.broadcast %add3A_1481 : i32 to vector<16xi32>
      %add3A_1483 = arith.addi %get3A_1464, %add3A_1482 : vector<16xi32>
      %gather3A_1484 = tpu.vector_load_idx %arg7[%add3A_1462, %add3A_1483] : memref<256x128xf32, #tpu.memory_space<vmem>>[vector<16xi32>, vector<16xi32>], vector<16xf32>,
      %swap3A_1485 = arith.constant 2 : i32
      %swap3A_1486 = arith.index_cast %swap3A_1485 : i32 to index
      %swap3A_1487 = arith.constant 128 : index
      %swap3A_1488 = tpu.vector_load %arg8[%swap3A_1486, %swap3A_1487] {strides = array<i32>} : memref<16x256xf32, #tpu.memory_space<vmem>>, vector<16xf32>,
      tpu.vector_store %arg8[%swap3A_1486, %swap3A_1487], %gather3A_1484 {strides = array<i32>} : memref<16x256xf32, #tpu.memory_space<vmem>>, vector<16xf32>,
      %add3A_1489 = arith.constant 3 : i32
      %add3A_1490 = vector.broadcast %add3A_1489 : i32 to vector<16xi32>
      %add3A_1491 = arith.addi %get3A_1464, %add3A_1490 : vector<16xi32>
      %gather3A_1492 = tpu.vector_load_idx %arg7[%add3A_1462, %add3A_1491] : memref<256x128xf32, #tpu.memory_space<vmem>>[vector<16xi32>, vector<16xi32>], vector<16xf32>,
      %swap3A_1493 = arith.constant 3 : i32
      %swap3A_1494 = arith.index_cast %swap3A_1493 : i32 to index
      %swap3A_1495 = arith.constant 128 : index
      %swap3A_1496 = tpu.vector_load %arg8[%swap3A_1494, %swap3A_1495] {strides = array<i32>} : memref<16x256xf32, #tpu.memory_space<vmem>>, vector<16xf32>,
      tpu.vector_store %arg8[%swap3A_1494, %swap3A_1495], %gather3A_1492 {strides = array<i32>} : memref<16x256xf32, #tpu.memory_space<vmem>>, vector<16xf32>,
      %add3A_1497 = arith.constant 4 : i32
      %add3A_1498 = vector.broadcast %add3A_1497 : i32 to vector<16xi32>
      %add3A_1499 = arith.addi %get3A_1464, %add3A_1498 : vector<16xi32>
      %gather3A_1500 = tpu.vector_load_idx %arg7[%add3A_1462, %add3A_1499] : memref<256x128xf32, #tpu.memory_space<vmem>>[vector<16xi32>, vector<16xi32>], vector<16xf32>,
      %swap3A_1501 = arith.constant 4 : i32
      %swap3A_1502 = arith.index_cast %swap3A_1501 : i32 to index
      %swap3A_1503 = arith.constant 128 : index
      %swap3A_1504 = tpu.vector_load %arg8[%swap3A_1502, %swap3A_1503] {strides = array<i32>} : memref<16x256xf32, #tpu.memory_space<vmem>>, vector<16xf32>,
      tpu.vector_store %arg8[%swap3A_1502, %swap3A_1503], %gather3A_1500 {strides = array<i32>} : memref<16x256xf32, #tpu.memory_space<vmem>>, vector<16xf32>,
      %add3A_1505 = arith.constant 5 : i32
      %add3A_1506 = vector.broadcast %add3A_1505 : i32 to vector<16xi32>
      %add3A_1507 = arith.addi %get3A_1464, %add3A_1506 : vector<16xi32>
      %gather3A_1508 = tpu.vector_load_idx %arg7[%add3A_1462, %add3A_1507] : memref<256x128xf32, #tpu.memory_space<vmem>>[vector<16xi32>, vector<16xi32>], vector<16xf32>,
      %swap3A_1509 = arith.constant 5 : i32
      %swap3A_1510 = arith.index_cast %swap3A_1509 : i32 to index
      %swap3A_1511 = arith.constant 128 : index
      %swap3A_1512 = tpu.vector_load %arg8[%swap3A_1510, %swap3A_1511] {strides = array<i32>} : memref<16x256xf32, #tpu.memory_space<vmem>>, vector<16xf32>,
      tpu.vector_store %arg8[%swap3A_1510, %swap3A_1511], %gather3A_1508 {strides = array<i32>} : memref<16x256xf32, #tpu.memory_space<vmem>>, vector<16xf32>,
      %add3A_1513 = arith.constant 6 : i32
      %add3A_1514 = vector.broadcast %add3A_1513 : i32 to vector<16xi32>
      %add3A_1515 = arith.addi %get3A_1464, %add3A_1514 : vector<16xi32>
      %gather3A_1516 = tpu.vector_load_idx %arg7[%add3A_1462, %add3A_1515] : memref<256x128xf32, #tpu.memory_space<vmem>>[vector<16xi32>, vector<16xi32>], vector<16xf32>,
      %swap3A_1517 = arith.constant 6 : i32
      %swap3A_1518 = arith.index_cast %swap3A_1517 : i32 to index
      %swap3A_1519 = arith.constant 128 : index
      %swap3A_1520 = tpu.vector_load %arg8[%swap3A_1518, %swap3A_1519] {strides = array<i32>} : memref<16x256xf32, #tpu.memory_space<vmem>>, vector<16xf32>,
      tpu.vector_store %arg8[%swap3A_1518, %swap3A_1519], %gather3A_1516 {strides = array<i32>} : memref<16x256xf32, #tpu.memory_space<vmem>>, vector<16xf32>,
      %add3A_1521 = arith.constant 7 : i32
      %add3A_1522 = vector.broadcast %add3A_1521 : i32 to vector<16xi32>
      %add3A_1523 = arith.addi %get3A_1464, %add3A_1522 : vector<16xi32>
      %gather3A_1524 = tpu.vector_load_idx %arg7[%add3A_1462, %add3A_1523] : memref<256x128xf32, #tpu.memory_space<vmem>>[vector<16xi32>, vector<16xi32>], vector<16xf32>,
      %swap3A_1525 = arith.constant 7 : i32
      %swap3A_1526 = arith.index_cast %swap3A_1525 : i32 to index
      %swap3A_1527 = arith.constant 128 : index
      %swap3A_1528 = tpu.vector_load %arg8[%swap3A_1526, %swap3A_1527] {strides = array<i32>} : memref<16x256xf32, #tpu.memory_space<vmem>>, vector<16xf32>,
      tpu.vector_store %arg8[%swap3A_1526, %swap3A_1527], %gather3A_1524 {strides = array<i32>} : memref<16x256xf32, #tpu.memory_space<vmem>>, vector<16xf32>,
      %add3A_1529 = arith.constant 8 : i32
      %add3A_1530 = vector.broadcast %add3A_1529 : i32 to vector<16xi32>
      %add3A_1531 = arith.addi %get3A_1464, %add3A_1530 : vector<16xi32>
      %gather3A_1532 = tpu.vector_load_idx %arg7[%add3A_1462, %add3A_1531] : memref<256x128xf32, #tpu.memory_space<vmem>>[vector<16xi32>, vector<16xi32>], vector<16xf32>,
      %swap3A_1533 = arith.constant 8 : i32
      %swap3A_1534 = arith.index_cast %swap3A_1533 : i32 to index
      %swap3A_1535 = arith.constant 128 : index
      %swap3A_1536 = tpu.vector_load %arg8[%swap3A_1534, %swap3A_1535] {strides = array<i32>} : memref<16x256xf32, #tpu.memory_space<vmem>>, vector<16xf32>,
      tpu.vector_store %arg8[%swap3A_1534, %swap3A_1535], %gather3A_1532 {strides = array<i32>} : memref<16x256xf32, #tpu.memory_space<vmem>>, vector<16xf32>,
      %add3A_1537 = arith.constant 9 : i32
      %add3A_1538 = vector.broadcast %add3A_1537 : i32 to vector<16xi32>
      %add3A_1539 = arith.addi %get3A_1464, %add3A_1538 : vector<16xi32>
      %gather3A_1540 = tpu.vector_load_idx %arg7[%add3A_1462, %add3A_1539] : memref<256x128xf32, #tpu.memory_space<vmem>>[vector<16xi32>, vector<16xi32>], vector<16xf32>,
      %swap3A_1541 = arith.constant 9 : i32
      %swap3A_1542 = arith.index_cast %swap3A_1541 : i32 to index
      %swap3A_1543 = arith.constant 128 : index
      %swap3A_1544 = tpu.vector_load %arg8[%swap3A_1542, %swap3A_1543] {strides = array<i32>} : memref<16x256xf32, #tpu.memory_space<vmem>>, vector<16xf32>,
      tpu.vector_store %arg8[%swap3A_1542, %swap3A_1543], %gather3A_1540 {strides = array<i32>} : memref<16x256xf32, #tpu.memory_space<vmem>>, vector<16xf32>,
      %add3A_1545 = arith.constant 10 : i32
      %add3A_1546 = vector.broadcast %add3A_1545 : i32 to vector<16xi32>
      %add3A_1547 = arith.addi %get3A_1464, %add3A_1546 : vector<16xi32>
      %gather3A_1548 = tpu.vector_load_idx %arg7[%add3A_1462, %add3A_1547] : memref<256x128xf32, #tpu.memory_space<vmem>>[vector<16xi32>, vector<16xi32>], vector<16xf32>,
      %swap3A_1549 = arith.constant 10 : i32
      %swap3A_1550 = arith.index_cast %swap3A_1549 : i32 to index
      %swap3A_1551 = arith.constant 128 : index
      %swap3A_1552 = tpu.vector_load %arg8[%swap3A_1550, %swap3A_1551] {strides = array<i32>} : memref<16x256xf32, #tpu.memory_space<vmem>>, vector<16xf32>,
      tpu.vector_store %arg8[%swap3A_1550, %swap3A_1551], %gather3A_1548 {strides = array<i32>} : memref<16x256xf32, #tpu.memory_space<vmem>>, vector<16xf32>,
      %add3A_1553 = arith.constant 11 : i32
      %add3A_1554 = vector.broadcast %add3A_1553 : i32 to vector<16xi32>
      %add3A_1555 = arith.addi %get3A_1464, %add3A_1554 : vector<16xi32>
      %gather3A_1556 = tpu.vector_load_idx %arg7[%add3A_1462, %add3A_1555] : memref<256x128xf32, #tpu.memory_space<vmem>>[vector<16xi32>, vector<16xi32>], vector<16xf32>,
      %swap3A_1557 = arith.constant 11 : i32
      %swap3A_1558 = arith.index_cast %swap3A_1557 : i32 to index
      %swap3A_1559 = arith.constant 128 : index
      %swap3A_1560 = tpu.vector_load %arg8[%swap3A_1558, %swap3A_1559] {strides = array<i32>} : memref<16x256xf32, #tpu.memory_space<vmem>>, vector<16xf32>,
      tpu.vector_store %arg8[%swap3A_1558, %swap3A_1559], %gather3A_1556 {strides = array<i32>} : memref<16x256xf32, #tpu.memory_space<vmem>>, vector<16xf32>,
      %add3A_1561 = arith.constant 12 : i32
      %add3A_1562 = vector.broadcast %add3A_1561 : i32 to vector<16xi32>
      %add3A_1563 = arith.addi %get3A_1464, %add3A_1562 : vector<16xi32>
      %gather3A_1564 = tpu.vector_load_idx %arg7[%add3A_1462, %add3A_1563] : memref<256x128xf32, #tpu.memory_space<vmem>>[vector<16xi32>, vector<16xi32>], vector<16xf32>,
      %swap3A_1565 = arith.constant 12 : i32
      %swap3A_1566 = arith.index_cast %swap3A_1565 : i32 to index
      %swap3A_1567 = arith.constant 128 : index
      %swap3A_1568 = tpu.vector_load %arg8[%swap3A_1566, %swap3A_1567] {strides = array<i32>} : memref<16x256xf32, #tpu.memory_space<vmem>>, vector<16xf32>,
      tpu.vector_store %arg8[%swap3A_1566, %swap3A_1567], %gather3A_1564 {strides = array<i32>} : memref<16x256xf32, #tpu.memory_space<vmem>>, vector<16xf32>,
      %add3A_1569 = arith.constant 13 : i32
      %add3A_1570 = vector.broadcast %add3A_1569 : i32 to vector<16xi32>
      %add3A_1571 = arith.addi %get3A_1464, %add3A_1570 : vector<16xi32>
      %gather3A_1572 = tpu.vector_load_idx %arg7[%add3A_1462, %add3A_1571] : memref<256x128xf32, #tpu.memory_space<vmem>>[vector<16xi32>, vector<16xi32>], vector<16xf32>,
      %swap3A_1573 = arith.constant 13 : i32
      %swap3A_1574 = arith.index_cast %swap3A_1573 : i32 to index
      %swap3A_1575 = arith.constant 128 : index
      %swap3A_1576 = tpu.vector_load %arg8[%swap3A_1574, %swap3A_1575] {strides = array<i32>} : memref<16x256xf32, #tpu.memory_space<vmem>>, vector<16xf32>,
      tpu.vector_store %arg8[%swap3A_1574, %swap3A_1575], %gather3A_1572 {strides = array<i32>} : memref<16x256xf32, #tpu.memory_space<vmem>>, vector<16xf32>,
      %add3A_1577 = arith.constant 14 : i32
      %add3A_1578 = vector.broadcast %add3A_1577 : i32 to vector<16xi32>
      %add3A_1579 = arith.addi %get3A_1464, %add3A_1578 : vector<16xi32>
      %gather3A_1580 = tpu.vector_load_idx %arg7[%add3A_1462, %add3A_1579] : memref<256x128xf32, #tpu.memory_space<vmem>>[vector<16xi32>, vector<16xi32>], vector<16xf32>,
      %swap3A_1581 = arith.constant 14 : i32
      %swap3A_1582 = arith.index_cast %swap3A_1581 : i32 to index
      %swap3A_1583 = arith.constant 128 : index
      %swap3A_1584 = tpu.vector_load %arg8[%swap3A_1582, %swap3A_1583] {strides = array<i32>} : memref<16x256xf32, #tpu.memory_space<vmem>>, vector<16xf32>,
      tpu.vector_store %arg8[%swap3A_1582, %swap3A_1583], %gather3A_1580 {strides = array<i32>} : memref<16x256xf32, #tpu.memory_space<vmem>>, vector<16xf32>,
      %add3A_1585 = arith.constant 15 : i32
      %add3A_1586 = vector.broadcast %add3A_1585 : i32 to vector<16xi32>
      %add3A_1587 = arith.addi %get3A_1464, %add3A_1586 : vector<16xi32>
      %gather3A_1588 = tpu.vector_load_idx %arg7[%add3A_1462, %add3A_1587] : memref<256x128xf32, #tpu.memory_space<vmem>>[vector<16xi32>, vector<16xi32>], vector<16xf32>,
      %swap3A_1589 = arith.constant 15 : i32
      %swap3A_1590 = arith.index_cast %swap3A_1589 : i32 to index
      %swap3A_1591 = arith.constant 128 : index
      %swap3A_1592 = tpu.vector_load %arg8[%swap3A_1590, %swap3A_1591] {strides = array<i32>} : memref<16x256xf32, #tpu.memory_space<vmem>>, vector<16xf32>,
      tpu.vector_store %arg8[%swap3A_1590, %swap3A_1591], %gather3A_1588 {strides = array<i32>} : memref<16x256xf32, #tpu.memory_space<vmem>>, vector<16xf32>,
      %add3A_1593 = arith.constant 144 : i32
      %add3A_1594 = vector.broadcast %add3A_1593 : i32 to vector<16xi32>
      %add3A_1595 = arith.addi %add3A_1594, %iota3A : vector<16xi32>
      %get3A_1596 = arith.constant 144 : index
      %get3A_1597 = tpu.vector_load %arg6[%get3A_1596] {strides = array<i32>} : memref<256xi32, #tpu.memory_space<vmem>>, vector<16xi32>,
      %add3A_1598 = arith.constant 0 : i32
      %add3A_1599 = vector.broadcast %add3A_1598 : i32 to vector<16xi32>
      %add3A_1600 = arith.addi %get3A_1597, %add3A_1599 : vector<16xi32>
      %gather3A_1601 = tpu.vector_load_idx %arg7[%add3A_1595, %add3A_1600] : memref<256x128xf32, #tpu.memory_space<vmem>>[vector<16xi32>, vector<16xi32>], vector<16xf32>,
      %swap3A_1602 = arith.constant 0 : i32
      %swap3A_1603 = arith.index_cast %swap3A_1602 : i32 to index
      %swap3A_1604 = arith.constant 144 : index
      %swap3A_1605 = tpu.vector_load %arg8[%swap3A_1603, %swap3A_1604] {strides = array<i32>} : memref<16x256xf32, #tpu.memory_space<vmem>>, vector<16xf32>,
      tpu.vector_store %arg8[%swap3A_1603, %swap3A_1604], %gather3A_1601 {strides = array<i32>} : memref<16x256xf32, #tpu.memory_space<vmem>>, vector<16xf32>,
      %add3A_1606 = arith.constant 1 : i32
      %add3A_1607 = vector.broadcast %add3A_1606 : i32 to vector<16xi32>
      %add3A_1608 = arith.addi %get3A_1597, %add3A_1607 : vector<16xi32>
      %gather3A_1609 = tpu.vector_load_idx %arg7[%add3A_1595, %add3A_1608] : memref<256x128xf32, #tpu.memory_space<vmem>>[vector<16xi32>, vector<16xi32>], vector<16xf32>,
      %swap3A_1610 = arith.constant 1 : i32
      %swap3A_1611 = arith.index_cast %swap3A_1610 : i32 to index
      %swap3A_1612 = arith.constant 144 : index
      %swap3A_1613 = tpu.vector_load %arg8[%swap3A_1611, %swap3A_1612] {strides = array<i32>} : memref<16x256xf32, #tpu.memory_space<vmem>>, vector<16xf32>,
      tpu.vector_store %arg8[%swap3A_1611, %swap3A_1612], %gather3A_1609 {strides = array<i32>} : memref<16x256xf32, #tpu.memory_space<vmem>>, vector<16xf32>,
      %add3A_1614 = arith.constant 2 : i32
      %add3A_1615 = vector.broadcast %add3A_1614 : i32 to vector<16xi32>
      %add3A_1616 = arith.addi %get3A_1597, %add3A_1615 : vector<16xi32>
      %gather3A_1617 = tpu.vector_load_idx %arg7[%add3A_1595, %add3A_1616] : memref<256x128xf32, #tpu.memory_space<vmem>>[vector<16xi32>, vector<16xi32>], vector<16xf32>,
      %swap3A_1618 = arith.constant 2 : i32
      %swap3A_1619 = arith.index_cast %swap3A_1618 : i32 to index
      %swap3A_1620 = arith.constant 144 : index
      %swap3A_1621 = tpu.vector_load %arg8[%swap3A_1619, %swap3A_1620] {strides = array<i32>} : memref<16x256xf32, #tpu.memory_space<vmem>>, vector<16xf32>,
      tpu.vector_store %arg8[%swap3A_1619, %swap3A_1620], %gather3A_1617 {strides = array<i32>} : memref<16x256xf32, #tpu.memory_space<vmem>>, vector<16xf32>,
      %add3A_1622 = arith.constant 3 : i32
      %add3A_1623 = vector.broadcast %add3A_1622 : i32 to vector<16xi32>
      %add3A_1624 = arith.addi %get3A_1597, %add3A_1623 : vector<16xi32>
      %gather3A_1625 = tpu.vector_load_idx %arg7[%add3A_1595, %add3A_1624] : memref<256x128xf32, #tpu.memory_space<vmem>>[vector<16xi32>, vector<16xi32>], vector<16xf32>,
      %swap3A_1626 = arith.constant 3 : i32
      %swap3A_1627 = arith.index_cast %swap3A_1626 : i32 to index
      %swap3A_1628 = arith.constant 144 : index
      %swap3A_1629 = tpu.vector_load %arg8[%swap3A_1627, %swap3A_1628] {strides = array<i32>} : memref<16x256xf32, #tpu.memory_space<vmem>>, vector<16xf32>,
      tpu.vector_store %arg8[%swap3A_1627, %swap3A_1628], %gather3A_1625 {strides = array<i32>} : memref<16x256xf32, #tpu.memory_space<vmem>>, vector<16xf32>,
      %add3A_1630 = arith.constant 4 : i32
      %add3A_1631 = vector.broadcast %add3A_1630 : i32 to vector<16xi32>
      %add3A_1632 = arith.addi %get3A_1597, %add3A_1631 : vector<16xi32>
      %gather3A_1633 = tpu.vector_load_idx %arg7[%add3A_1595, %add3A_1632] : memref<256x128xf32, #tpu.memory_space<vmem>>[vector<16xi32>, vector<16xi32>], vector<16xf32>,
      %swap3A_1634 = arith.constant 4 : i32
      %swap3A_1635 = arith.index_cast %swap3A_1634 : i32 to index
      %swap3A_1636 = arith.constant 144 : index
      %swap3A_1637 = tpu.vector_load %arg8[%swap3A_1635, %swap3A_1636] {strides = array<i32>} : memref<16x256xf32, #tpu.memory_space<vmem>>, vector<16xf32>,
      tpu.vector_store %arg8[%swap3A_1635, %swap3A_1636], %gather3A_1633 {strides = array<i32>} : memref<16x256xf32, #tpu.memory_space<vmem>>, vector<16xf32>,
      %add3A_1638 = arith.constant 5 : i32
      %add3A_1639 = vector.broadcast %add3A_1638 : i32 to vector<16xi32>
      %add3A_1640 = arith.addi %get3A_1597, %add3A_1639 : vector<16xi32>
      %gather3A_1641 = tpu.vector_load_idx %arg7[%add3A_1595, %add3A_1640] : memref<256x128xf32, #tpu.memory_space<vmem>>[vector<16xi32>, vector<16xi32>], vector<16xf32>,
      %swap3A_1642 = arith.constant 5 : i32
      %swap3A_1643 = arith.index_cast %swap3A_1642 : i32 to index
      %swap3A_1644 = arith.constant 144 : index
      %swap3A_1645 = tpu.vector_load %arg8[%swap3A_1643, %swap3A_1644] {strides = array<i32>} : memref<16x256xf32, #tpu.memory_space<vmem>>, vector<16xf32>,
      tpu.vector_store %arg8[%swap3A_1643, %swap3A_1644], %gather3A_1641 {strides = array<i32>} : memref<16x256xf32, #tpu.memory_space<vmem>>, vector<16xf32>,
      %add3A_1646 = arith.constant 6 : i32
      %add3A_1647 = vector.broadcast %add3A_1646 : i32 to vector<16xi32>
      %add3A_1648 = arith.addi %get3A_1597, %add3A_1647 : vector<16xi32>
      %gather3A_1649 = tpu.vector_load_idx %arg7[%add3A_1595, %add3A_1648] : memref<256x128xf32, #tpu.memory_space<vmem>>[vector<16xi32>, vector<16xi32>], vector<16xf32>,
      %swap3A_1650 = arith.constant 6 : i32
      %swap3A_1651 = arith.index_cast %swap3A_1650 : i32 to index
      %swap3A_1652 = arith.constant 144 : index
      %swap3A_1653 = tpu.vector_load %arg8[%swap3A_1651, %swap3A_1652] {strides = array<i32>} : memref<16x256xf32, #tpu.memory_space<vmem>>, vector<16xf32>,
      tpu.vector_store %arg8[%swap3A_1651, %swap3A_1652], %gather3A_1649 {strides = array<i32>} : memref<16x256xf32, #tpu.memory_space<vmem>>, vector<16xf32>,
      %add3A_1654 = arith.constant 7 : i32
      %add3A_1655 = vector.broadcast %add3A_1654 : i32 to vector<16xi32>
      %add3A_1656 = arith.addi %get3A_1597, %add3A_1655 : vector<16xi32>
      %gather3A_1657 = tpu.vector_load_idx %arg7[%add3A_1595, %add3A_1656] : memref<256x128xf32, #tpu.memory_space<vmem>>[vector<16xi32>, vector<16xi32>], vector<16xf32>,
      %swap3A_1658 = arith.constant 7 : i32
      %swap3A_1659 = arith.index_cast %swap3A_1658 : i32 to index
      %swap3A_1660 = arith.constant 144 : index
      %swap3A_1661 = tpu.vector_load %arg8[%swap3A_1659, %swap3A_1660] {strides = array<i32>} : memref<16x256xf32, #tpu.memory_space<vmem>>, vector<16xf32>,
      tpu.vector_store %arg8[%swap3A_1659, %swap3A_1660], %gather3A_1657 {strides = array<i32>} : memref<16x256xf32, #tpu.memory_space<vmem>>, vector<16xf32>,
      %add3A_1662 = arith.constant 8 : i32
      %add3A_1663 = vector.broadcast %add3A_1662 : i32 to vector<16xi32>
      %add3A_1664 = arith.addi %get3A_1597, %add3A_1663 : vector<16xi32>
      %gather3A_1665 = tpu.vector_load_idx %arg7[%add3A_1595, %add3A_1664] : memref<256x128xf32, #tpu.memory_space<vmem>>[vector<16xi32>, vector<16xi32>], vector<16xf32>,
      %swap3A_1666 = arith.constant 8 : i32
      %swap3A_1667 = arith.index_cast %swap3A_1666 : i32 to index
      %swap3A_1668 = arith.constant 144 : index
      %swap3A_1669 = tpu.vector_load %arg8[%swap3A_1667, %swap3A_1668] {strides = array<i32>} : memref<16x256xf32, #tpu.memory_space<vmem>>, vector<16xf32>,
      tpu.vector_store %arg8[%swap3A_1667, %swap3A_1668], %gather3A_1665 {strides = array<i32>} : memref<16x256xf32, #tpu.memory_space<vmem>>, vector<16xf32>,
      %add3A_1670 = arith.constant 9 : i32
      %add3A_1671 = vector.broadcast %add3A_1670 : i32 to vector<16xi32>
      %add3A_1672 = arith.addi %get3A_1597, %add3A_1671 : vector<16xi32>
      %gather3A_1673 = tpu.vector_load_idx %arg7[%add3A_1595, %add3A_1672] : memref<256x128xf32, #tpu.memory_space<vmem>>[vector<16xi32>, vector<16xi32>], vector<16xf32>,
      %swap3A_1674 = arith.constant 9 : i32
      %swap3A_1675 = arith.index_cast %swap3A_1674 : i32 to index
      %swap3A_1676 = arith.constant 144 : index
      %swap3A_1677 = tpu.vector_load %arg8[%swap3A_1675, %swap3A_1676] {strides = array<i32>} : memref<16x256xf32, #tpu.memory_space<vmem>>, vector<16xf32>,
      tpu.vector_store %arg8[%swap3A_1675, %swap3A_1676], %gather3A_1673 {strides = array<i32>} : memref<16x256xf32, #tpu.memory_space<vmem>>, vector<16xf32>,
      %add3A_1678 = arith.constant 10 : i32
      %add3A_1679 = vector.broadcast %add3A_1678 : i32 to vector<16xi32>
      %add3A_1680 = arith.addi %get3A_1597, %add3A_1679 : vector<16xi32>
      %gather3A_1681 = tpu.vector_load_idx %arg7[%add3A_1595, %add3A_1680] : memref<256x128xf32, #tpu.memory_space<vmem>>[vector<16xi32>, vector<16xi32>], vector<16xf32>,
      %swap3A_1682 = arith.constant 10 : i32
      %swap3A_1683 = arith.index_cast %swap3A_1682 : i32 to index
      %swap3A_1684 = arith.constant 144 : index
      %swap3A_1685 = tpu.vector_load %arg8[%swap3A_1683, %swap3A_1684] {strides = array<i32>} : memref<16x256xf32, #tpu.memory_space<vmem>>, vector<16xf32>,
      tpu.vector_store %arg8[%swap3A_1683, %swap3A_1684], %gather3A_1681 {strides = array<i32>} : memref<16x256xf32, #tpu.memory_space<vmem>>, vector<16xf32>,
      %add3A_1686 = arith.constant 11 : i32
      %add3A_1687 = vector.broadcast %add3A_1686 : i32 to vector<16xi32>
      %add3A_1688 = arith.addi %get3A_1597, %add3A_1687 : vector<16xi32>
      %gather3A_1689 = tpu.vector_load_idx %arg7[%add3A_1595, %add3A_1688] : memref<256x128xf32, #tpu.memory_space<vmem>>[vector<16xi32>, vector<16xi32>], vector<16xf32>,
      %swap3A_1690 = arith.constant 11 : i32
      %swap3A_1691 = arith.index_cast %swap3A_1690 : i32 to index
      %swap3A_1692 = arith.constant 144 : index
      %swap3A_1693 = tpu.vector_load %arg8[%swap3A_1691, %swap3A_1692] {strides = array<i32>} : memref<16x256xf32, #tpu.memory_space<vmem>>, vector<16xf32>,
      tpu.vector_store %arg8[%swap3A_1691, %swap3A_1692], %gather3A_1689 {strides = array<i32>} : memref<16x256xf32, #tpu.memory_space<vmem>>, vector<16xf32>,
      %add3A_1694 = arith.constant 12 : i32
      %add3A_1695 = vector.broadcast %add3A_1694 : i32 to vector<16xi32>
      %add3A_1696 = arith.addi %get3A_1597, %add3A_1695 : vector<16xi32>
      %gather3A_1697 = tpu.vector_load_idx %arg7[%add3A_1595, %add3A_1696] : memref<256x128xf32, #tpu.memory_space<vmem>>[vector<16xi32>, vector<16xi32>], vector<16xf32>,
      %swap3A_1698 = arith.constant 12 : i32
      %swap3A_1699 = arith.index_cast %swap3A_1698 : i32 to index
      %swap3A_1700 = arith.constant 144 : index
      %swap3A_1701 = tpu.vector_load %arg8[%swap3A_1699, %swap3A_1700] {strides = array<i32>} : memref<16x256xf32, #tpu.memory_space<vmem>>, vector<16xf32>,
      tpu.vector_store %arg8[%swap3A_1699, %swap3A_1700], %gather3A_1697 {strides = array<i32>} : memref<16x256xf32, #tpu.memory_space<vmem>>, vector<16xf32>,
      %add3A_1702 = arith.constant 13 : i32
      %add3A_1703 = vector.broadcast %add3A_1702 : i32 to vector<16xi32>
      %add3A_1704 = arith.addi %get3A_1597, %add3A_1703 : vector<16xi32>
      %gather3A_1705 = tpu.vector_load_idx %arg7[%add3A_1595, %add3A_1704] : memref<256x128xf32, #tpu.memory_space<vmem>>[vector<16xi32>, vector<16xi32>], vector<16xf32>,
      %swap3A_1706 = arith.constant 13 : i32
      %swap3A_1707 = arith.index_cast %swap3A_1706 : i32 to index
      %swap3A_1708 = arith.constant 144 : index
      %swap3A_1709 = tpu.vector_load %arg8[%swap3A_1707, %swap3A_1708] {strides = array<i32>} : memref<16x256xf32, #tpu.memory_space<vmem>>, vector<16xf32>,
      tpu.vector_store %arg8[%swap3A_1707, %swap3A_1708], %gather3A_1705 {strides = array<i32>} : memref<16x256xf32, #tpu.memory_space<vmem>>, vector<16xf32>,
      %add3A_1710 = arith.constant 14 : i32
      %add3A_1711 = vector.broadcast %add3A_1710 : i32 to vector<16xi32>
      %add3A_1712 = arith.addi %get3A_1597, %add3A_1711 : vector<16xi32>
      %gather3A_1713 = tpu.vector_load_idx %arg7[%add3A_1595, %add3A_1712] : memref<256x128xf32, #tpu.memory_space<vmem>>[vector<16xi32>, vector<16xi32>], vector<16xf32>,
      %swap3A_1714 = arith.constant 14 : i32
      %swap3A_1715 = arith.index_cast %swap3A_1714 : i32 to index
      %swap3A_1716 = arith.constant 144 : index
      %swap3A_1717 = tpu.vector_load %arg8[%swap3A_1715, %swap3A_1716] {strides = array<i32>} : memref<16x256xf32, #tpu.memory_space<vmem>>, vector<16xf32>,
      tpu.vector_store %arg8[%swap3A_1715, %swap3A_1716], %gather3A_1713 {strides = array<i32>} : memref<16x256xf32, #tpu.memory_space<vmem>>, vector<16xf32>,
      %add3A_1718 = arith.constant 15 : i32
      %add3A_1719 = vector.broadcast %add3A_1718 : i32 to vector<16xi32>
      %add3A_1720 = arith.addi %get3A_1597, %add3A_1719 : vector<16xi32>
      %gather3A_1721 = tpu.vector_load_idx %arg7[%add3A_1595, %add3A_1720] : memref<256x128xf32, #tpu.memory_space<vmem>>[vector<16xi32>, vector<16xi32>], vector<16xf32>,
      %swap3A_1722 = arith.constant 15 : i32
      %swap3A_1723 = arith.index_cast %swap3A_1722 : i32 to index
      %swap3A_1724 = arith.constant 144 : index
      %swap3A_1725 = tpu.vector_load %arg8[%swap3A_1723, %swap3A_1724] {strides = array<i32>} : memref<16x256xf32, #tpu.memory_space<vmem>>, vector<16xf32>,
      tpu.vector_store %arg8[%swap3A_1723, %swap3A_1724], %gather3A_1721 {strides = array<i32>} : memref<16x256xf32, #tpu.memory_space<vmem>>, vector<16xf32>,
      %add3A_1726 = arith.constant 160 : i32
      %add3A_1727 = vector.broadcast %add3A_1726 : i32 to vector<16xi32>
      %add3A_1728 = arith.addi %add3A_1727, %iota3A : vector<16xi32>
      %get3A_1729 = arith.constant 160 : index
      %get3A_1730 = tpu.vector_load %arg6[%get3A_1729] {strides = array<i32>} : memref<256xi32, #tpu.memory_space<vmem>>, vector<16xi32>,
      %add3A_1731 = arith.constant 0 : i32
      %add3A_1732 = vector.broadcast %add3A_1731 : i32 to vector<16xi32>
      %add3A_1733 = arith.addi %get3A_1730, %add3A_1732 : vector<16xi32>
      %gather3A_1734 = tpu.vector_load_idx %arg7[%add3A_1728, %add3A_1733] : memref<256x128xf32, #tpu.memory_space<vmem>>[vector<16xi32>, vector<16xi32>], vector<16xf32>,
      %swap3A_1735 = arith.constant 0 : i32
      %swap3A_1736 = arith.index_cast %swap3A_1735 : i32 to index
      %swap3A_1737 = arith.constant 160 : index
      %swap3A_1738 = tpu.vector_load %arg8[%swap3A_1736, %swap3A_1737] {strides = array<i32>} : memref<16x256xf32, #tpu.memory_space<vmem>>, vector<16xf32>,
      tpu.vector_store %arg8[%swap3A_1736, %swap3A_1737], %gather3A_1734 {strides = array<i32>} : memref<16x256xf32, #tpu.memory_space<vmem>>, vector<16xf32>,
      %add3A_1739 = arith.constant 1 : i32
      %add3A_1740 = vector.broadcast %add3A_1739 : i32 to vector<16xi32>
      %add3A_1741 = arith.addi %get3A_1730, %add3A_1740 : vector<16xi32>
      %gather3A_1742 = tpu.vector_load_idx %arg7[%add3A_1728, %add3A_1741] : memref<256x128xf32, #tpu.memory_space<vmem>>[vector<16xi32>, vector<16xi32>], vector<16xf32>,
      %swap3A_1743 = arith.constant 1 : i32
      %swap3A_1744 = arith.index_cast %swap3A_1743 : i32 to index
      %swap3A_1745 = arith.constant 160 : index
      %swap3A_1746 = tpu.vector_load %arg8[%swap3A_1744, %swap3A_1745] {strides = array<i32>} : memref<16x256xf32, #tpu.memory_space<vmem>>, vector<16xf32>,
      tpu.vector_store %arg8[%swap3A_1744, %swap3A_1745], %gather3A_1742 {strides = array<i32>} : memref<16x256xf32, #tpu.memory_space<vmem>>, vector<16xf32>,
      %add3A_1747 = arith.constant 2 : i32
      %add3A_1748 = vector.broadcast %add3A_1747 : i32 to vector<16xi32>
      %add3A_1749 = arith.addi %get3A_1730, %add3A_1748 : vector<16xi32>
      %gather3A_1750 = tpu.vector_load_idx %arg7[%add3A_1728, %add3A_1749] : memref<256x128xf32, #tpu.memory_space<vmem>>[vector<16xi32>, vector<16xi32>], vector<16xf32>,
      %swap3A_1751 = arith.constant 2 : i32
      %swap3A_1752 = arith.index_cast %swap3A_1751 : i32 to index
      %swap3A_1753 = arith.constant 160 : index
      %swap3A_1754 = tpu.vector_load %arg8[%swap3A_1752, %swap3A_1753] {strides = array<i32>} : memref<16x256xf32, #tpu.memory_space<vmem>>, vector<16xf32>,
      tpu.vector_store %arg8[%swap3A_1752, %swap3A_1753], %gather3A_1750 {strides = array<i32>} : memref<16x256xf32, #tpu.memory_space<vmem>>, vector<16xf32>,
      %add3A_1755 = arith.constant 3 : i32
      %add3A_1756 = vector.broadcast %add3A_1755 : i32 to vector<16xi32>
      %add3A_1757 = arith.addi %get3A_1730, %add3A_1756 : vector<16xi32>
      %gather3A_1758 = tpu.vector_load_idx %arg7[%add3A_1728, %add3A_1757] : memref<256x128xf32, #tpu.memory_space<vmem>>[vector<16xi32>, vector<16xi32>], vector<16xf32>,
      %swap3A_1759 = arith.constant 3 : i32
      %swap3A_1760 = arith.index_cast %swap3A_1759 : i32 to index
      %swap3A_1761 = arith.constant 160 : index
      %swap3A_1762 = tpu.vector_load %arg8[%swap3A_1760, %swap3A_1761] {strides = array<i32>} : memref<16x256xf32, #tpu.memory_space<vmem>>, vector<16xf32>,
      tpu.vector_store %arg8[%swap3A_1760, %swap3A_1761], %gather3A_1758 {strides = array<i32>} : memref<16x256xf32, #tpu.memory_space<vmem>>, vector<16xf32>,
      %add3A_1763 = arith.constant 4 : i32
      %add3A_1764 = vector.broadcast %add3A_1763 : i32 to vector<16xi32>
      %add3A_1765 = arith.addi %get3A_1730, %add3A_1764 : vector<16xi32>
      %gather3A_1766 = tpu.vector_load_idx %arg7[%add3A_1728, %add3A_1765] : memref<256x128xf32, #tpu.memory_space<vmem>>[vector<16xi32>, vector<16xi32>], vector<16xf32>,
      %swap3A_1767 = arith.constant 4 : i32
      %swap3A_1768 = arith.index_cast %swap3A_1767 : i32 to index
      %swap3A_1769 = arith.constant 160 : index
      %swap3A_1770 = tpu.vector_load %arg8[%swap3A_1768, %swap3A_1769] {strides = array<i32>} : memref<16x256xf32, #tpu.memory_space<vmem>>, vector<16xf32>,
      tpu.vector_store %arg8[%swap3A_1768, %swap3A_1769], %gather3A_1766 {strides = array<i32>} : memref<16x256xf32, #tpu.memory_space<vmem>>, vector<16xf32>,
      %add3A_1771 = arith.constant 5 : i32
      %add3A_1772 = vector.broadcast %add3A_1771 : i32 to vector<16xi32>
      %add3A_1773 = arith.addi %get3A_1730, %add3A_1772 : vector<16xi32>
      %gather3A_1774 = tpu.vector_load_idx %arg7[%add3A_1728, %add3A_1773] : memref<256x128xf32, #tpu.memory_space<vmem>>[vector<16xi32>, vector<16xi32>], vector<16xf32>,
      %swap3A_1775 = arith.constant 5 : i32
      %swap3A_1776 = arith.index_cast %swap3A_1775 : i32 to index
      %swap3A_1777 = arith.constant 160 : index
      %swap3A_1778 = tpu.vector_load %arg8[%swap3A_1776, %swap3A_1777] {strides = array<i32>} : memref<16x256xf32, #tpu.memory_space<vmem>>, vector<16xf32>,
      tpu.vector_store %arg8[%swap3A_1776, %swap3A_1777], %gather3A_1774 {strides = array<i32>} : memref<16x256xf32, #tpu.memory_space<vmem>>, vector<16xf32>,
      %add3A_1779 = arith.constant 6 : i32
      %add3A_1780 = vector.broadcast %add3A_1779 : i32 to vector<16xi32>
      %add3A_1781 = arith.addi %get3A_1730, %add3A_1780 : vector<16xi32>
      %gather3A_1782 = tpu.vector_load_idx %arg7[%add3A_1728, %add3A_1781] : memref<256x128xf32, #tpu.memory_space<vmem>>[vector<16xi32>, vector<16xi32>], vector<16xf32>,
      %swap3A_1783 = arith.constant 6 : i32
      %swap3A_1784 = arith.index_cast %swap3A_1783 : i32 to index
      %swap3A_1785 = arith.constant 160 : index
      %swap3A_1786 = tpu.vector_load %arg8[%swap3A_1784, %swap3A_1785] {strides = array<i32>} : memref<16x256xf32, #tpu.memory_space<vmem>>, vector<16xf32>,
      tpu.vector_store %arg8[%swap3A_1784, %swap3A_1785], %gather3A_1782 {strides = array<i32>} : memref<16x256xf32, #tpu.memory_space<vmem>>, vector<16xf32>,
      %add3A_1787 = arith.constant 7 : i32
      %add3A_1788 = vector.broadcast %add3A_1787 : i32 to vector<16xi32>
      %add3A_1789 = arith.addi %get3A_1730, %add3A_1788 : vector<16xi32>
      %gather3A_1790 = tpu.vector_load_idx %arg7[%add3A_1728, %add3A_1789] : memref<256x128xf32, #tpu.memory_space<vmem>>[vector<16xi32>, vector<16xi32>], vector<16xf32>,
      %swap3A_1791 = arith.constant 7 : i32
      %swap3A_1792 = arith.index_cast %swap3A_1791 : i32 to index
      %swap3A_1793 = arith.constant 160 : index
      %swap3A_1794 = tpu.vector_load %arg8[%swap3A_1792, %swap3A_1793] {strides = array<i32>} : memref<16x256xf32, #tpu.memory_space<vmem>>, vector<16xf32>,
      tpu.vector_store %arg8[%swap3A_1792, %swap3A_1793], %gather3A_1790 {strides = array<i32>} : memref<16x256xf32, #tpu.memory_space<vmem>>, vector<16xf32>,
      %add3A_1795 = arith.constant 8 : i32
      %add3A_1796 = vector.broadcast %add3A_1795 : i32 to vector<16xi32>
      %add3A_1797 = arith.addi %get3A_1730, %add3A_1796 : vector<16xi32>
      %gather3A_1798 = tpu.vector_load_idx %arg7[%add3A_1728, %add3A_1797] : memref<256x128xf32, #tpu.memory_space<vmem>>[vector<16xi32>, vector<16xi32>], vector<16xf32>,
      %swap3A_1799 = arith.constant 8 : i32
      %swap3A_1800 = arith.index_cast %swap3A_1799 : i32 to index
      %swap3A_1801 = arith.constant 160 : index
      %swap3A_1802 = tpu.vector_load %arg8[%swap3A_1800, %swap3A_1801] {strides = array<i32>} : memref<16x256xf32, #tpu.memory_space<vmem>>, vector<16xf32>,
      tpu.vector_store %arg8[%swap3A_1800, %swap3A_1801], %gather3A_1798 {strides = array<i32>} : memref<16x256xf32, #tpu.memory_space<vmem>>, vector<16xf32>,
      %add3A_1803 = arith.constant 9 : i32
      %add3A_1804 = vector.broadcast %add3A_1803 : i32 to vector<16xi32>
      %add3A_1805 = arith.addi %get3A_1730, %add3A_1804 : vector<16xi32>
      %gather3A_1806 = tpu.vector_load_idx %arg7[%add3A_1728, %add3A_1805] : memref<256x128xf32, #tpu.memory_space<vmem>>[vector<16xi32>, vector<16xi32>], vector<16xf32>,
      %swap3A_1807 = arith.constant 9 : i32
      %swap3A_1808 = arith.index_cast %swap3A_1807 : i32 to index
      %swap3A_1809 = arith.constant 160 : index
      %swap3A_1810 = tpu.vector_load %arg8[%swap3A_1808, %swap3A_1809] {strides = array<i32>} : memref<16x256xf32, #tpu.memory_space<vmem>>, vector<16xf32>,
      tpu.vector_store %arg8[%swap3A_1808, %swap3A_1809], %gather3A_1806 {strides = array<i32>} : memref<16x256xf32, #tpu.memory_space<vmem>>, vector<16xf32>,
      %add3A_1811 = arith.constant 10 : i32
      %add3A_1812 = vector.broadcast %add3A_1811 : i32 to vector<16xi32>
      %add3A_1813 = arith.addi %get3A_1730, %add3A_1812 : vector<16xi32>
      %gather3A_1814 = tpu.vector_load_idx %arg7[%add3A_1728, %add3A_1813] : memref<256x128xf32, #tpu.memory_space<vmem>>[vector<16xi32>, vector<16xi32>], vector<16xf32>,
      %swap3A_1815 = arith.constant 10 : i32
      %swap3A_1816 = arith.index_cast %swap3A_1815 : i32 to index
      %swap3A_1817 = arith.constant 160 : index
      %swap3A_1818 = tpu.vector_load %arg8[%swap3A_1816, %swap3A_1817] {strides = array<i32>} : memref<16x256xf32, #tpu.memory_space<vmem>>, vector<16xf32>,
      tpu.vector_store %arg8[%swap3A_1816, %swap3A_1817], %gather3A_1814 {strides = array<i32>} : memref<16x256xf32, #tpu.memory_space<vmem>>, vector<16xf32>,
      %add3A_1819 = arith.constant 11 : i32
      %add3A_1820 = vector.broadcast %add3A_1819 : i32 to vector<16xi32>
      %add3A_1821 = arith.addi %get3A_1730, %add3A_1820 : vector<16xi32>
      %gather3A_1822 = tpu.vector_load_idx %arg7[%add3A_1728, %add3A_1821] : memref<256x128xf32, #tpu.memory_space<vmem>>[vector<16xi32>, vector<16xi32>], vector<16xf32>,
      %swap3A_1823 = arith.constant 11 : i32
      %swap3A_1824 = arith.index_cast %swap3A_1823 : i32 to index
      %swap3A_1825 = arith.constant 160 : index
      %swap3A_1826 = tpu.vector_load %arg8[%swap3A_1824, %swap3A_1825] {strides = array<i32>} : memref<16x256xf32, #tpu.memory_space<vmem>>, vector<16xf32>,
      tpu.vector_store %arg8[%swap3A_1824, %swap3A_1825], %gather3A_1822 {strides = array<i32>} : memref<16x256xf32, #tpu.memory_space<vmem>>, vector<16xf32>,
      %add3A_1827 = arith.constant 12 : i32
      %add3A_1828 = vector.broadcast %add3A_1827 : i32 to vector<16xi32>
      %add3A_1829 = arith.addi %get3A_1730, %add3A_1828 : vector<16xi32>
      %gather3A_1830 = tpu.vector_load_idx %arg7[%add3A_1728, %add3A_1829] : memref<256x128xf32, #tpu.memory_space<vmem>>[vector<16xi32>, vector<16xi32>], vector<16xf32>,
      %swap3A_1831 = arith.constant 12 : i32
      %swap3A_1832 = arith.index_cast %swap3A_1831 : i32 to index
      %swap3A_1833 = arith.constant 160 : index
      %swap3A_1834 = tpu.vector_load %arg8[%swap3A_1832, %swap3A_1833] {strides = array<i32>} : memref<16x256xf32, #tpu.memory_space<vmem>>, vector<16xf32>,
      tpu.vector_store %arg8[%swap3A_1832, %swap3A_1833], %gather3A_1830 {strides = array<i32>} : memref<16x256xf32, #tpu.memory_space<vmem>>, vector<16xf32>,
      %add3A_1835 = arith.constant 13 : i32
      %add3A_1836 = vector.broadcast %add3A_1835 : i32 to vector<16xi32>
      %add3A_1837 = arith.addi %get3A_1730, %add3A_1836 : vector<16xi32>
      %gather3A_1838 = tpu.vector_load_idx %arg7[%add3A_1728, %add3A_1837] : memref<256x128xf32, #tpu.memory_space<vmem>>[vector<16xi32>, vector<16xi32>], vector<16xf32>,
      %swap3A_1839 = arith.constant 13 : i32
      %swap3A_1840 = arith.index_cast %swap3A_1839 : i32 to index
      %swap3A_1841 = arith.constant 160 : index
      %swap3A_1842 = tpu.vector_load %arg8[%swap3A_1840, %swap3A_1841] {strides = array<i32>} : memref<16x256xf32, #tpu.memory_space<vmem>>, vector<16xf32>,
      tpu.vector_store %arg8[%swap3A_1840, %swap3A_1841], %gather3A_1838 {strides = array<i32>} : memref<16x256xf32, #tpu.memory_space<vmem>>, vector<16xf32>,
      %add3A_1843 = arith.constant 14 : i32
      %add3A_1844 = vector.broadcast %add3A_1843 : i32 to vector<16xi32>
      %add3A_1845 = arith.addi %get3A_1730, %add3A_1844 : vector<16xi32>
      %gather3A_1846 = tpu.vector_load_idx %arg7[%add3A_1728, %add3A_1845] : memref<256x128xf32, #tpu.memory_space<vmem>>[vector<16xi32>, vector<16xi32>], vector<16xf32>,
      %swap3A_1847 = arith.constant 14 : i32
      %swap3A_1848 = arith.index_cast %swap3A_1847 : i32 to index
      %swap3A_1849 = arith.constant 160 : index
      %swap3A_1850 = tpu.vector_load %arg8[%swap3A_1848, %swap3A_1849] {strides = array<i32>} : memref<16x256xf32, #tpu.memory_space<vmem>>, vector<16xf32>,
      tpu.vector_store %arg8[%swap3A_1848, %swap3A_1849], %gather3A_1846 {strides = array<i32>} : memref<16x256xf32, #tpu.memory_space<vmem>>, vector<16xf32>,
      %add3A_1851 = arith.constant 15 : i32
      %add3A_1852 = vector.broadcast %add3A_1851 : i32 to vector<16xi32>
      %add3A_1853 = arith.addi %get3A_1730, %add3A_1852 : vector<16xi32>
      %gather3A_1854 = tpu.vector_load_idx %arg7[%add3A_1728, %add3A_1853] : memref<256x128xf32, #tpu.memory_space<vmem>>[vector<16xi32>, vector<16xi32>], vector<16xf32>,
      %swap3A_1855 = arith.constant 15 : i32
      %swap3A_1856 = arith.index_cast %swap3A_1855 : i32 to index
      %swap3A_1857 = arith.constant 160 : index
      %swap3A_1858 = tpu.vector_load %arg8[%swap3A_1856, %swap3A_1857] {strides = array<i32>} : memref<16x256xf32, #tpu.memory_space<vmem>>, vector<16xf32>,
      tpu.vector_store %arg8[%swap3A_1856, %swap3A_1857], %gather3A_1854 {strides = array<i32>} : memref<16x256xf32, #tpu.memory_space<vmem>>, vector<16xf32>,
      %add3A_1859 = arith.constant 176 : i32
      %add3A_1860 = vector.broadcast %add3A_1859 : i32 to vector<16xi32>
      %add3A_1861 = arith.addi %add3A_1860, %iota3A : vector<16xi32>
      %get3A_1862 = arith.constant 176 : index
      %get3A_1863 = tpu.vector_load %arg6[%get3A_1862] {strides = array<i32>} : memref<256xi32, #tpu.memory_space<vmem>>, vector<16xi32>,
      %add3A_1864 = arith.constant 0 : i32
      %add3A_1865 = vector.broadcast %add3A_1864 : i32 to vector<16xi32>
      %add3A_1866 = arith.addi %get3A_1863, %add3A_1865 : vector<16xi32>
      %gather3A_1867 = tpu.vector_load_idx %arg7[%add3A_1861, %add3A_1866] : memref<256x128xf32, #tpu.memory_space<vmem>>[vector<16xi32>, vector<16xi32>], vector<16xf32>,
      %swap3A_1868 = arith.constant 0 : i32
      %swap3A_1869 = arith.index_cast %swap3A_1868 : i32 to index
      %swap3A_1870 = arith.constant 176 : index
      %swap3A_1871 = tpu.vector_load %arg8[%swap3A_1869, %swap3A_1870] {strides = array<i32>} : memref<16x256xf32, #tpu.memory_space<vmem>>, vector<16xf32>,
      tpu.vector_store %arg8[%swap3A_1869, %swap3A_1870], %gather3A_1867 {strides = array<i32>} : memref<16x256xf32, #tpu.memory_space<vmem>>, vector<16xf32>,
      %add3A_1872 = arith.constant 1 : i32
      %add3A_1873 = vector.broadcast %add3A_1872 : i32 to vector<16xi32>
      %add3A_1874 = arith.addi %get3A_1863, %add3A_1873 : vector<16xi32>
      %gather3A_1875 = tpu.vector_load_idx %arg7[%add3A_1861, %add3A_1874] : memref<256x128xf32, #tpu.memory_space<vmem>>[vector<16xi32>, vector<16xi32>], vector<16xf32>,
      %swap3A_1876 = arith.constant 1 : i32
      %swap3A_1877 = arith.index_cast %swap3A_1876 : i32 to index
      %swap3A_1878 = arith.constant 176 : index
      %swap3A_1879 = tpu.vector_load %arg8[%swap3A_1877, %swap3A_1878] {strides = array<i32>} : memref<16x256xf32, #tpu.memory_space<vmem>>, vector<16xf32>,
      tpu.vector_store %arg8[%swap3A_1877, %swap3A_1878], %gather3A_1875 {strides = array<i32>} : memref<16x256xf32, #tpu.memory_space<vmem>>, vector<16xf32>,
      %add3A_1880 = arith.constant 2 : i32
      %add3A_1881 = vector.broadcast %add3A_1880 : i32 to vector<16xi32>
      %add3A_1882 = arith.addi %get3A_1863, %add3A_1881 : vector<16xi32>
      %gather3A_1883 = tpu.vector_load_idx %arg7[%add3A_1861, %add3A_1882] : memref<256x128xf32, #tpu.memory_space<vmem>>[vector<16xi32>, vector<16xi32>], vector<16xf32>,
      %swap3A_1884 = arith.constant 2 : i32
      %swap3A_1885 = arith.index_cast %swap3A_1884 : i32 to index
      %swap3A_1886 = arith.constant 176 : index
      %swap3A_1887 = tpu.vector_load %arg8[%swap3A_1885, %swap3A_1886] {strides = array<i32>} : memref<16x256xf32, #tpu.memory_space<vmem>>, vector<16xf32>,
      tpu.vector_store %arg8[%swap3A_1885, %swap3A_1886], %gather3A_1883 {strides = array<i32>} : memref<16x256xf32, #tpu.memory_space<vmem>>, vector<16xf32>,
      %add3A_1888 = arith.constant 3 : i32
      %add3A_1889 = vector.broadcast %add3A_1888 : i32 to vector<16xi32>
      %add3A_1890 = arith.addi %get3A_1863, %add3A_1889 : vector<16xi32>
      %gather3A_1891 = tpu.vector_load_idx %arg7[%add3A_1861, %add3A_1890] : memref<256x128xf32, #tpu.memory_space<vmem>>[vector<16xi32>, vector<16xi32>], vector<16xf32>,
      %swap3A_1892 = arith.constant 3 : i32
      %swap3A_1893 = arith.index_cast %swap3A_1892 : i32 to index
      %swap3A_1894 = arith.constant 176 : index
      %swap3A_1895 = tpu.vector_load %arg8[%swap3A_1893, %swap3A_1894] {strides = array<i32>} : memref<16x256xf32, #tpu.memory_space<vmem>>, vector<16xf32>,
      tpu.vector_store %arg8[%swap3A_1893, %swap3A_1894], %gather3A_1891 {strides = array<i32>} : memref<16x256xf32, #tpu.memory_space<vmem>>, vector<16xf32>,
      %add3A_1896 = arith.constant 4 : i32
      %add3A_1897 = vector.broadcast %add3A_1896 : i32 to vector<16xi32>
      %add3A_1898 = arith.addi %get3A_1863, %add3A_1897 : vector<16xi32>
      %gather3A_1899 = tpu.vector_load_idx %arg7[%add3A_1861, %add3A_1898] : memref<256x128xf32, #tpu.memory_space<vmem>>[vector<16xi32>, vector<16xi32>], vector<16xf32>,
      %swap3A_1900 = arith.constant 4 : i32
      %swap3A_1901 = arith.index_cast %swap3A_1900 : i32 to index
      %swap3A_1902 = arith.constant 176 : index
      %swap3A_1903 = tpu.vector_load %arg8[%swap3A_1901, %swap3A_1902] {strides = array<i32>} : memref<16x256xf32, #tpu.memory_space<vmem>>, vector<16xf32>,
      tpu.vector_store %arg8[%swap3A_1901, %swap3A_1902], %gather3A_1899 {strides = array<i32>} : memref<16x256xf32, #tpu.memory_space<vmem>>, vector<16xf32>,
      %add3A_1904 = arith.constant 5 : i32
      %add3A_1905 = vector.broadcast %add3A_1904 : i32 to vector<16xi32>
      %add3A_1906 = arith.addi %get3A_1863, %add3A_1905 : vector<16xi32>
      %gather3A_1907 = tpu.vector_load_idx %arg7[%add3A_1861, %add3A_1906] : memref<256x128xf32, #tpu.memory_space<vmem>>[vector<16xi32>, vector<16xi32>], vector<16xf32>,
      %swap3A_1908 = arith.constant 5 : i32
      %swap3A_1909 = arith.index_cast %swap3A_1908 : i32 to index
      %swap3A_1910 = arith.constant 176 : index
      %swap3A_1911 = tpu.vector_load %arg8[%swap3A_1909, %swap3A_1910] {strides = array<i32>} : memref<16x256xf32, #tpu.memory_space<vmem>>, vector<16xf32>,
      tpu.vector_store %arg8[%swap3A_1909, %swap3A_1910], %gather3A_1907 {strides = array<i32>} : memref<16x256xf32, #tpu.memory_space<vmem>>, vector<16xf32>,
      %add3A_1912 = arith.constant 6 : i32
      %add3A_1913 = vector.broadcast %add3A_1912 : i32 to vector<16xi32>
      %add3A_1914 = arith.addi %get3A_1863, %add3A_1913 : vector<16xi32>
      %gather3A_1915 = tpu.vector_load_idx %arg7[%add3A_1861, %add3A_1914] : memref<256x128xf32, #tpu.memory_space<vmem>>[vector<16xi32>, vector<16xi32>], vector<16xf32>,
      %swap3A_1916 = arith.constant 6 : i32
      %swap3A_1917 = arith.index_cast %swap3A_1916 : i32 to index
      %swap3A_1918 = arith.constant 176 : index
      %swap3A_1919 = tpu.vector_load %arg8[%swap3A_1917, %swap3A_1918] {strides = array<i32>} : memref<16x256xf32, #tpu.memory_space<vmem>>, vector<16xf32>,
      tpu.vector_store %arg8[%swap3A_1917, %swap3A_1918], %gather3A_1915 {strides = array<i32>} : memref<16x256xf32, #tpu.memory_space<vmem>>, vector<16xf32>,
      %add3A_1920 = arith.constant 7 : i32
      %add3A_1921 = vector.broadcast %add3A_1920 : i32 to vector<16xi32>
      %add3A_1922 = arith.addi %get3A_1863, %add3A_1921 : vector<16xi32>
      %gather3A_1923 = tpu.vector_load_idx %arg7[%add3A_1861, %add3A_1922] : memref<256x128xf32, #tpu.memory_space<vmem>>[vector<16xi32>, vector<16xi32>], vector<16xf32>,
      %swap3A_1924 = arith.constant 7 : i32
      %swap3A_1925 = arith.index_cast %swap3A_1924 : i32 to index
      %swap3A_1926 = arith.constant 176 : index
      %swap3A_1927 = tpu.vector_load %arg8[%swap3A_1925, %swap3A_1926] {strides = array<i32>} : memref<16x256xf32, #tpu.memory_space<vmem>>, vector<16xf32>,
      tpu.vector_store %arg8[%swap3A_1925, %swap3A_1926], %gather3A_1923 {strides = array<i32>} : memref<16x256xf32, #tpu.memory_space<vmem>>, vector<16xf32>,
      %add3A_1928 = arith.constant 8 : i32
      %add3A_1929 = vector.broadcast %add3A_1928 : i32 to vector<16xi32>
      %add3A_1930 = arith.addi %get3A_1863, %add3A_1929 : vector<16xi32>
      %gather3A_1931 = tpu.vector_load_idx %arg7[%add3A_1861, %add3A_1930] : memref<256x128xf32, #tpu.memory_space<vmem>>[vector<16xi32>, vector<16xi32>], vector<16xf32>,
      %swap3A_1932 = arith.constant 8 : i32
      %swap3A_1933 = arith.index_cast %swap3A_1932 : i32 to index
      %swap3A_1934 = arith.constant 176 : index
      %swap3A_1935 = tpu.vector_load %arg8[%swap3A_1933, %swap3A_1934] {strides = array<i32>} : memref<16x256xf32, #tpu.memory_space<vmem>>, vector<16xf32>,
      tpu.vector_store %arg8[%swap3A_1933, %swap3A_1934], %gather3A_1931 {strides = array<i32>} : memref<16x256xf32, #tpu.memory_space<vmem>>, vector<16xf32>,
      %add3A_1936 = arith.constant 9 : i32
      %add3A_1937 = vector.broadcast %add3A_1936 : i32 to vector<16xi32>
      %add3A_1938 = arith.addi %get3A_1863, %add3A_1937 : vector<16xi32>
      %gather3A_1939 = tpu.vector_load_idx %arg7[%add3A_1861, %add3A_1938] : memref<256x128xf32, #tpu.memory_space<vmem>>[vector<16xi32>, vector<16xi32>], vector<16xf32>,
      %swap3A_1940 = arith.constant 9 : i32
      %swap3A_1941 = arith.index_cast %swap3A_1940 : i32 to index
      %swap3A_1942 = arith.constant 176 : index
      %swap3A_1943 = tpu.vector_load %arg8[%swap3A_1941, %swap3A_1942] {strides = array<i32>} : memref<16x256xf32, #tpu.memory_space<vmem>>, vector<16xf32>,
      tpu.vector_store %arg8[%swap3A_1941, %swap3A_1942], %gather3A_1939 {strides = array<i32>} : memref<16x256xf32, #tpu.memory_space<vmem>>, vector<16xf32>,
      %add3A_1944 = arith.constant 10 : i32
      %add3A_1945 = vector.broadcast %add3A_1944 : i32 to vector<16xi32>
      %add3A_1946 = arith.addi %get3A_1863, %add3A_1945 : vector<16xi32>
      %gather3A_1947 = tpu.vector_load_idx %arg7[%add3A_1861, %add3A_1946] : memref<256x128xf32, #tpu.memory_space<vmem>>[vector<16xi32>, vector<16xi32>], vector<16xf32>,
      %swap3A_1948 = arith.constant 10 : i32
      %swap3A_1949 = arith.index_cast %swap3A_1948 : i32 to index
      %swap3A_1950 = arith.constant 176 : index
      %swap3A_1951 = tpu.vector_load %arg8[%swap3A_1949, %swap3A_1950] {strides = array<i32>} : memref<16x256xf32, #tpu.memory_space<vmem>>, vector<16xf32>,
      tpu.vector_store %arg8[%swap3A_1949, %swap3A_1950], %gather3A_1947 {strides = array<i32>} : memref<16x256xf32, #tpu.memory_space<vmem>>, vector<16xf32>,
      %add3A_1952 = arith.constant 11 : i32
      %add3A_1953 = vector.broadcast %add3A_1952 : i32 to vector<16xi32>
      %add3A_1954 = arith.addi %get3A_1863, %add3A_1953 : vector<16xi32>
      %gather3A_1955 = tpu.vector_load_idx %arg7[%add3A_1861, %add3A_1954] : memref<256x128xf32, #tpu.memory_space<vmem>>[vector<16xi32>, vector<16xi32>], vector<16xf32>,
      %swap3A_1956 = arith.constant 11 : i32
      %swap3A_1957 = arith.index_cast %swap3A_1956 : i32 to index
      %swap3A_1958 = arith.constant 176 : index
      %swap3A_1959 = tpu.vector_load %arg8[%swap3A_1957, %swap3A_1958] {strides = array<i32>} : memref<16x256xf32, #tpu.memory_space<vmem>>, vector<16xf32>,
      tpu.vector_store %arg8[%swap3A_1957, %swap3A_1958], %gather3A_1955 {strides = array<i32>} : memref<16x256xf32, #tpu.memory_space<vmem>>, vector<16xf32>,
      %add3A_1960 = arith.constant 12 : i32
      %add3A_1961 = vector.broadcast %add3A_1960 : i32 to vector<16xi32>
      %add3A_1962 = arith.addi %get3A_1863, %add3A_1961 : vector<16xi32>
      %gather3A_1963 = tpu.vector_load_idx %arg7[%add3A_1861, %add3A_1962] : memref<256x128xf32, #tpu.memory_space<vmem>>[vector<16xi32>, vector<16xi32>], vector<16xf32>,
      %swap3A_1964 = arith.constant 12 : i32
      %swap3A_1965 = arith.index_cast %swap3A_1964 : i32 to index
      %swap3A_1966 = arith.constant 176 : index
      %swap3A_1967 = tpu.vector_load %arg8[%swap3A_1965, %swap3A_1966] {strides = array<i32>} : memref<16x256xf32, #tpu.memory_space<vmem>>, vector<16xf32>,
      tpu.vector_store %arg8[%swap3A_1965, %swap3A_1966], %gather3A_1963 {strides = array<i32>} : memref<16x256xf32, #tpu.memory_space<vmem>>, vector<16xf32>,
      %add3A_1968 = arith.constant 13 : i32
      %add3A_1969 = vector.broadcast %add3A_1968 : i32 to vector<16xi32>
      %add3A_1970 = arith.addi %get3A_1863, %add3A_1969 : vector<16xi32>
      %gather3A_1971 = tpu.vector_load_idx %arg7[%add3A_1861, %add3A_1970] : memref<256x128xf32, #tpu.memory_space<vmem>>[vector<16xi32>, vector<16xi32>], vector<16xf32>,
      %swap3A_1972 = arith.constant 13 : i32
      %swap3A_1973 = arith.index_cast %swap3A_1972 : i32 to index
      %swap3A_1974 = arith.constant 176 : index
      %swap3A_1975 = tpu.vector_load %arg8[%swap3A_1973, %swap3A_1974] {strides = array<i32>} : memref<16x256xf32, #tpu.memory_space<vmem>>, vector<16xf32>,
      tpu.vector_store %arg8[%swap3A_1973, %swap3A_1974], %gather3A_1971 {strides = array<i32>} : memref<16x256xf32, #tpu.memory_space<vmem>>, vector<16xf32>,
      %add3A_1976 = arith.constant 14 : i32
      %add3A_1977 = vector.broadcast %add3A_1976 : i32 to vector<16xi32>
      %add3A_1978 = arith.addi %get3A_1863, %add3A_1977 : vector<16xi32>
      %gather3A_1979 = tpu.vector_load_idx %arg7[%add3A_1861, %add3A_1978] : memref<256x128xf32, #tpu.memory_space<vmem>>[vector<16xi32>, vector<16xi32>], vector<16xf32>,
      %swap3A_1980 = arith.constant 14 : i32
      %swap3A_1981 = arith.index_cast %swap3A_1980 : i32 to index
      %swap3A_1982 = arith.constant 176 : index
      %swap3A_1983 = tpu.vector_load %arg8[%swap3A_1981, %swap3A_1982] {strides = array<i32>} : memref<16x256xf32, #tpu.memory_space<vmem>>, vector<16xf32>,
      tpu.vector_store %arg8[%swap3A_1981, %swap3A_1982], %gather3A_1979 {strides = array<i32>} : memref<16x256xf32, #tpu.memory_space<vmem>>, vector<16xf32>,
      %add3A_1984 = arith.constant 15 : i32
      %add3A_1985 = vector.broadcast %add3A_1984 : i32 to vector<16xi32>
      %add3A_1986 = arith.addi %get3A_1863, %add3A_1985 : vector<16xi32>
      %gather3A_1987 = tpu.vector_load_idx %arg7[%add3A_1861, %add3A_1986] : memref<256x128xf32, #tpu.memory_space<vmem>>[vector<16xi32>, vector<16xi32>], vector<16xf32>,
      %swap3A_1988 = arith.constant 15 : i32
      %swap3A_1989 = arith.index_cast %swap3A_1988 : i32 to index
      %swap3A_1990 = arith.constant 176 : index
      %swap3A_1991 = tpu.vector_load %arg8[%swap3A_1989, %swap3A_1990] {strides = array<i32>} : memref<16x256xf32, #tpu.memory_space<vmem>>, vector<16xf32>,
      tpu.vector_store %arg8[%swap3A_1989, %swap3A_1990], %gather3A_1987 {strides = array<i32>} : memref<16x256xf32, #tpu.memory_space<vmem>>, vector<16xf32>,
      %add3A_1992 = arith.constant 192 : i32
      %add3A_1993 = vector.broadcast %add3A_1992 : i32 to vector<16xi32>
      %add3A_1994 = arith.addi %add3A_1993, %iota3A : vector<16xi32>
      %get3A_1995 = arith.constant 192 : index
      %get3A_1996 = tpu.vector_load %arg6[%get3A_1995] {strides = array<i32>} : memref<256xi32, #tpu.memory_space<vmem>>, vector<16xi32>,
      %add3A_1997 = arith.constant 0 : i32
      %add3A_1998 = vector.broadcast %add3A_1997 : i32 to vector<16xi32>
      %add3A_1999 = arith.addi %get3A_1996, %add3A_1998 : vector<16xi32>
      %gather3A_2000 = tpu.vector_load_idx %arg7[%add3A_1994, %add3A_1999] : memref<256x128xf32, #tpu.memory_space<vmem>>[vector<16xi32>, vector<16xi32>], vector<16xf32>,
      %swap3A_2001 = arith.constant 0 : i32
      %swap3A_2002 = arith.index_cast %swap3A_2001 : i32 to index
      %swap3A_2003 = arith.constant 192 : index
      %swap3A_2004 = tpu.vector_load %arg8[%swap3A_2002, %swap3A_2003] {strides = array<i32>} : memref<16x256xf32, #tpu.memory_space<vmem>>, vector<16xf32>,
      tpu.vector_store %arg8[%swap3A_2002, %swap3A_2003], %gather3A_2000 {strides = array<i32>} : memref<16x256xf32, #tpu.memory_space<vmem>>, vector<16xf32>,
      %add3A_2005 = arith.constant 1 : i32
      %add3A_2006 = vector.broadcast %add3A_2005 : i32 to vector<16xi32>
      %add3A_2007 = arith.addi %get3A_1996, %add3A_2006 : vector<16xi32>
      %gather3A_2008 = tpu.vector_load_idx %arg7[%add3A_1994, %add3A_2007] : memref<256x128xf32, #tpu.memory_space<vmem>>[vector<16xi32>, vector<16xi32>], vector<16xf32>,
      %swap3A_2009 = arith.constant 1 : i32
      %swap3A_2010 = arith.index_cast %swap3A_2009 : i32 to index
      %swap3A_2011 = arith.constant 192 : index
      %swap3A_2012 = tpu.vector_load %arg8[%swap3A_2010, %swap3A_2011] {strides = array<i32>} : memref<16x256xf32, #tpu.memory_space<vmem>>, vector<16xf32>,
      tpu.vector_store %arg8[%swap3A_2010, %swap3A_2011], %gather3A_2008 {strides = array<i32>} : memref<16x256xf32, #tpu.memory_space<vmem>>, vector<16xf32>,
      %add3A_2013 = arith.constant 2 : i32
      %add3A_2014 = vector.broadcast %add3A_2013 : i32 to vector<16xi32>
      %add3A_2015 = arith.addi %get3A_1996, %add3A_2014 : vector<16xi32>
      %gather3A_2016 = tpu.vector_load_idx %arg7[%add3A_1994, %add3A_2015] : memref<256x128xf32, #tpu.memory_space<vmem>>[vector<16xi32>, vector<16xi32>], vector<16xf32>,
      %swap3A_2017 = arith.constant 2 : i32
      %swap3A_2018 = arith.index_cast %swap3A_2017 : i32 to index
      %swap3A_2019 = arith.constant 192 : index
      %swap3A_2020 = tpu.vector_load %arg8[%swap3A_2018, %swap3A_2019] {strides = array<i32>} : memref<16x256xf32, #tpu.memory_space<vmem>>, vector<16xf32>,
      tpu.vector_store %arg8[%swap3A_2018, %swap3A_2019], %gather3A_2016 {strides = array<i32>} : memref<16x256xf32, #tpu.memory_space<vmem>>, vector<16xf32>,
      %add3A_2021 = arith.constant 3 : i32
      %add3A_2022 = vector.broadcast %add3A_2021 : i32 to vector<16xi32>
      %add3A_2023 = arith.addi %get3A_1996, %add3A_2022 : vector<16xi32>
      %gather3A_2024 = tpu.vector_load_idx %arg7[%add3A_1994, %add3A_2023] : memref<256x128xf32, #tpu.memory_space<vmem>>[vector<16xi32>, vector<16xi32>], vector<16xf32>,
      %swap3A_2025 = arith.constant 3 : i32
      %swap3A_2026 = arith.index_cast %swap3A_2025 : i32 to index
      %swap3A_2027 = arith.constant 192 : index
      %swap3A_2028 = tpu.vector_load %arg8[%swap3A_2026, %swap3A_2027] {strides = array<i32>} : memref<16x256xf32, #tpu.memory_space<vmem>>, vector<16xf32>,
      tpu.vector_store %arg8[%swap3A_2026, %swap3A_2027], %gather3A_2024 {strides = array<i32>} : memref<16x256xf32, #tpu.memory_space<vmem>>, vector<16xf32>,
      %add3A_2029 = arith.constant 4 : i32
      %add3A_2030 = vector.broadcast %add3A_2029 : i32 to vector<16xi32>
      %add3A_2031 = arith.addi %get3A_1996, %add3A_2030 : vector<16xi32>
      %gather3A_2032 = tpu.vector_load_idx %arg7[%add3A_1994, %add3A_2031] : memref<256x128xf32, #tpu.memory_space<vmem>>[vector<16xi32>, vector<16xi32>], vector<16xf32>,
      %swap3A_2033 = arith.constant 4 : i32
      %swap3A_2034 = arith.index_cast %swap3A_2033 : i32 to index
      %swap3A_2035 = arith.constant 192 : index
      %swap3A_2036 = tpu.vector_load %arg8[%swap3A_2034, %swap3A_2035] {strides = array<i32>} : memref<16x256xf32, #tpu.memory_space<vmem>>, vector<16xf32>,
      tpu.vector_store %arg8[%swap3A_2034, %swap3A_2035], %gather3A_2032 {strides = array<i32>} : memref<16x256xf32, #tpu.memory_space<vmem>>, vector<16xf32>,
      %add3A_2037 = arith.constant 5 : i32
      %add3A_2038 = vector.broadcast %add3A_2037 : i32 to vector<16xi32>
      %add3A_2039 = arith.addi %get3A_1996, %add3A_2038 : vector<16xi32>
      %gather3A_2040 = tpu.vector_load_idx %arg7[%add3A_1994, %add3A_2039] : memref<256x128xf32, #tpu.memory_space<vmem>>[vector<16xi32>, vector<16xi32>], vector<16xf32>,
      %swap3A_2041 = arith.constant 5 : i32
      %swap3A_2042 = arith.index_cast %swap3A_2041 : i32 to index
      %swap3A_2043 = arith.constant 192 : index
      %swap3A_2044 = tpu.vector_load %arg8[%swap3A_2042, %swap3A_2043] {strides = array<i32>} : memref<16x256xf32, #tpu.memory_space<vmem>>, vector<16xf32>,
      tpu.vector_store %arg8[%swap3A_2042, %swap3A_2043], %gather3A_2040 {strides = array<i32>} : memref<16x256xf32, #tpu.memory_space<vmem>>, vector<16xf32>,
      %add3A_2045 = arith.constant 6 : i32
      %add3A_2046 = vector.broadcast %add3A_2045 : i32 to vector<16xi32>
      %add3A_2047 = arith.addi %get3A_1996, %add3A_2046 : vector<16xi32>
      %gather3A_2048 = tpu.vector_load_idx %arg7[%add3A_1994, %add3A_2047] : memref<256x128xf32, #tpu.memory_space<vmem>>[vector<16xi32>, vector<16xi32>], vector<16xf32>,
      %swap3A_2049 = arith.constant 6 : i32
      %swap3A_2050 = arith.index_cast %swap3A_2049 : i32 to index
      %swap3A_2051 = arith.constant 192 : index
      %swap3A_2052 = tpu.vector_load %arg8[%swap3A_2050, %swap3A_2051] {strides = array<i32>} : memref<16x256xf32, #tpu.memory_space<vmem>>, vector<16xf32>,
      tpu.vector_store %arg8[%swap3A_2050, %swap3A_2051], %gather3A_2048 {strides = array<i32>} : memref<16x256xf32, #tpu.memory_space<vmem>>, vector<16xf32>,
      %add3A_2053 = arith.constant 7 : i32
      %add3A_2054 = vector.broadcast %add3A_2053 : i32 to vector<16xi32>
      %add3A_2055 = arith.addi %get3A_1996, %add3A_2054 : vector<16xi32>
      %gather3A_2056 = tpu.vector_load_idx %arg7[%add3A_1994, %add3A_2055] : memref<256x128xf32, #tpu.memory_space<vmem>>[vector<16xi32>, vector<16xi32>], vector<16xf32>,
      %swap3A_2057 = arith.constant 7 : i32
      %swap3A_2058 = arith.index_cast %swap3A_2057 : i32 to index
      %swap3A_2059 = arith.constant 192 : index
      %swap3A_2060 = tpu.vector_load %arg8[%swap3A_2058, %swap3A_2059] {strides = array<i32>} : memref<16x256xf32, #tpu.memory_space<vmem>>, vector<16xf32>,
      tpu.vector_store %arg8[%swap3A_2058, %swap3A_2059], %gather3A_2056 {strides = array<i32>} : memref<16x256xf32, #tpu.memory_space<vmem>>, vector<16xf32>,
      %add3A_2061 = arith.constant 8 : i32
      %add3A_2062 = vector.broadcast %add3A_2061 : i32 to vector<16xi32>
      %add3A_2063 = arith.addi %get3A_1996, %add3A_2062 : vector<16xi32>
      %gather3A_2064 = tpu.vector_load_idx %arg7[%add3A_1994, %add3A_2063] : memref<256x128xf32, #tpu.memory_space<vmem>>[vector<16xi32>, vector<16xi32>], vector<16xf32>,
      %swap3A_2065 = arith.constant 8 : i32
      %swap3A_2066 = arith.index_cast %swap3A_2065 : i32 to index
      %swap3A_2067 = arith.constant 192 : index
      %swap3A_2068 = tpu.vector_load %arg8[%swap3A_2066, %swap3A_2067] {strides = array<i32>} : memref<16x256xf32, #tpu.memory_space<vmem>>, vector<16xf32>,
      tpu.vector_store %arg8[%swap3A_2066, %swap3A_2067], %gather3A_2064 {strides = array<i32>} : memref<16x256xf32, #tpu.memory_space<vmem>>, vector<16xf32>,
      %add3A_2069 = arith.constant 9 : i32
      %add3A_2070 = vector.broadcast %add3A_2069 : i32 to vector<16xi32>
      %add3A_2071 = arith.addi %get3A_1996, %add3A_2070 : vector<16xi32>
      %gather3A_2072 = tpu.vector_load_idx %arg7[%add3A_1994, %add3A_2071] : memref<256x128xf32, #tpu.memory_space<vmem>>[vector<16xi32>, vector<16xi32>], vector<16xf32>,
      %swap3A_2073 = arith.constant 9 : i32
      %swap3A_2074 = arith.index_cast %swap3A_2073 : i32 to index
      %swap3A_2075 = arith.constant 192 : index
      %swap3A_2076 = tpu.vector_load %arg8[%swap3A_2074, %swap3A_2075] {strides = array<i32>} : memref<16x256xf32, #tpu.memory_space<vmem>>, vector<16xf32>,
      tpu.vector_store %arg8[%swap3A_2074, %swap3A_2075], %gather3A_2072 {strides = array<i32>} : memref<16x256xf32, #tpu.memory_space<vmem>>, vector<16xf32>,
      %add3A_2077 = arith.constant 10 : i32
      %add3A_2078 = vector.broadcast %add3A_2077 : i32 to vector<16xi32>
      %add3A_2079 = arith.addi %get3A_1996, %add3A_2078 : vector<16xi32>
      %gather3A_2080 = tpu.vector_load_idx %arg7[%add3A_1994, %add3A_2079] : memref<256x128xf32, #tpu.memory_space<vmem>>[vector<16xi32>, vector<16xi32>], vector<16xf32>,
      %swap3A_2081 = arith.constant 10 : i32
      %swap3A_2082 = arith.index_cast %swap3A_2081 : i32 to index
      %swap3A_2083 = arith.constant 192 : index
      %swap3A_2084 = tpu.vector_load %arg8[%swap3A_2082, %swap3A_2083] {strides = array<i32>} : memref<16x256xf32, #tpu.memory_space<vmem>>, vector<16xf32>,
      tpu.vector_store %arg8[%swap3A_2082, %swap3A_2083], %gather3A_2080 {strides = array<i32>} : memref<16x256xf32, #tpu.memory_space<vmem>>, vector<16xf32>,
      %add3A_2085 = arith.constant 11 : i32
      %add3A_2086 = vector.broadcast %add3A_2085 : i32 to vector<16xi32>
      %add3A_2087 = arith.addi %get3A_1996, %add3A_2086 : vector<16xi32>
      %gather3A_2088 = tpu.vector_load_idx %arg7[%add3A_1994, %add3A_2087] : memref<256x128xf32, #tpu.memory_space<vmem>>[vector<16xi32>, vector<16xi32>], vector<16xf32>,
      %swap3A_2089 = arith.constant 11 : i32
      %swap3A_2090 = arith.index_cast %swap3A_2089 : i32 to index
      %swap3A_2091 = arith.constant 192 : index
      %swap3A_2092 = tpu.vector_load %arg8[%swap3A_2090, %swap3A_2091] {strides = array<i32>} : memref<16x256xf32, #tpu.memory_space<vmem>>, vector<16xf32>,
      tpu.vector_store %arg8[%swap3A_2090, %swap3A_2091], %gather3A_2088 {strides = array<i32>} : memref<16x256xf32, #tpu.memory_space<vmem>>, vector<16xf32>,
      %add3A_2093 = arith.constant 12 : i32
      %add3A_2094 = vector.broadcast %add3A_2093 : i32 to vector<16xi32>
      %add3A_2095 = arith.addi %get3A_1996, %add3A_2094 : vector<16xi32>
      %gather3A_2096 = tpu.vector_load_idx %arg7[%add3A_1994, %add3A_2095] : memref<256x128xf32, #tpu.memory_space<vmem>>[vector<16xi32>, vector<16xi32>], vector<16xf32>,
      %swap3A_2097 = arith.constant 12 : i32
      %swap3A_2098 = arith.index_cast %swap3A_2097 : i32 to index
      %swap3A_2099 = arith.constant 192 : index
      %swap3A_2100 = tpu.vector_load %arg8[%swap3A_2098, %swap3A_2099] {strides = array<i32>} : memref<16x256xf32, #tpu.memory_space<vmem>>, vector<16xf32>,
      tpu.vector_store %arg8[%swap3A_2098, %swap3A_2099], %gather3A_2096 {strides = array<i32>} : memref<16x256xf32, #tpu.memory_space<vmem>>, vector<16xf32>,
      %add3A_2101 = arith.constant 13 : i32
      %add3A_2102 = vector.broadcast %add3A_2101 : i32 to vector<16xi32>
      %add3A_2103 = arith.addi %get3A_1996, %add3A_2102 : vector<16xi32>
      %gather3A_2104 = tpu.vector_load_idx %arg7[%add3A_1994, %add3A_2103] : memref<256x128xf32, #tpu.memory_space<vmem>>[vector<16xi32>, vector<16xi32>], vector<16xf32>,
      %swap3A_2105 = arith.constant 13 : i32
      %swap3A_2106 = arith.index_cast %swap3A_2105 : i32 to index
      %swap3A_2107 = arith.constant 192 : index
      %swap3A_2108 = tpu.vector_load %arg8[%swap3A_2106, %swap3A_2107] {strides = array<i32>} : memref<16x256xf32, #tpu.memory_space<vmem>>, vector<16xf32>,
      tpu.vector_store %arg8[%swap3A_2106, %swap3A_2107], %gather3A_2104 {strides = array<i32>} : memref<16x256xf32, #tpu.memory_space<vmem>>, vector<16xf32>,
      %add3A_2109 = arith.constant 14 : i32
      %add3A_2110 = vector.broadcast %add3A_2109 : i32 to vector<16xi32>
      %add3A_2111 = arith.addi %get3A_1996, %add3A_2110 : vector<16xi32>
      %gather3A_2112 = tpu.vector_load_idx %arg7[%add3A_1994, %add3A_2111] : memref<256x128xf32, #tpu.memory_space<vmem>>[vector<16xi32>, vector<16xi32>], vector<16xf32>,
      %swap3A_2113 = arith.constant 14 : i32
      %swap3A_2114 = arith.index_cast %swap3A_2113 : i32 to index
      %swap3A_2115 = arith.constant 192 : index
      %swap3A_2116 = tpu.vector_load %arg8[%swap3A_2114, %swap3A_2115] {strides = array<i32>} : memref<16x256xf32, #tpu.memory_space<vmem>>, vector<16xf32>,
      tpu.vector_store %arg8[%swap3A_2114, %swap3A_2115], %gather3A_2112 {strides = array<i32>} : memref<16x256xf32, #tpu.memory_space<vmem>>, vector<16xf32>,
      %add3A_2117 = arith.constant 15 : i32
      %add3A_2118 = vector.broadcast %add3A_2117 : i32 to vector<16xi32>
      %add3A_2119 = arith.addi %get3A_1996, %add3A_2118 : vector<16xi32>
      %gather3A_2120 = tpu.vector_load_idx %arg7[%add3A_1994, %add3A_2119] : memref<256x128xf32, #tpu.memory_space<vmem>>[vector<16xi32>, vector<16xi32>], vector<16xf32>,
      %swap3A_2121 = arith.constant 15 : i32
      %swap3A_2122 = arith.index_cast %swap3A_2121 : i32 to index
      %swap3A_2123 = arith.constant 192 : index
      %swap3A_2124 = tpu.vector_load %arg8[%swap3A_2122, %swap3A_2123] {strides = array<i32>} : memref<16x256xf32, #tpu.memory_space<vmem>>, vector<16xf32>,
      tpu.vector_store %arg8[%swap3A_2122, %swap3A_2123], %gather3A_2120 {strides = array<i32>} : memref<16x256xf32, #tpu.memory_space<vmem>>, vector<16xf32>,
      %add3A_2125 = arith.constant 208 : i32
      %add3A_2126 = vector.broadcast %add3A_2125 : i32 to vector<16xi32>
      %add3A_2127 = arith.addi %add3A_2126, %iota3A : vector<16xi32>
      %get3A_2128 = arith.constant 208 : index
      %get3A_2129 = tpu.vector_load %arg6[%get3A_2128] {strides = array<i32>} : memref<256xi32, #tpu.memory_space<vmem>>, vector<16xi32>,
      %add3A_2130 = arith.constant 0 : i32
      %add3A_2131 = vector.broadcast %add3A_2130 : i32 to vector<16xi32>
      %add3A_2132 = arith.addi %get3A_2129, %add3A_2131 : vector<16xi32>
      %gather3A_2133 = tpu.vector_load_idx %arg7[%add3A_2127, %add3A_2132] : memref<256x128xf32, #tpu.memory_space<vmem>>[vector<16xi32>, vector<16xi32>], vector<16xf32>,
      %swap3A_2134 = arith.constant 0 : i32
      %swap3A_2135 = arith.index_cast %swap3A_2134 : i32 to index
      %swap3A_2136 = arith.constant 208 : index
      %swap3A_2137 = tpu.vector_load %arg8[%swap3A_2135, %swap3A_2136] {strides = array<i32>} : memref<16x256xf32, #tpu.memory_space<vmem>>, vector<16xf32>,
      tpu.vector_store %arg8[%swap3A_2135, %swap3A_2136], %gather3A_2133 {strides = array<i32>} : memref<16x256xf32, #tpu.memory_space<vmem>>, vector<16xf32>,
      %add3A_2138 = arith.constant 1 : i32
      %add3A_2139 = vector.broadcast %add3A_2138 : i32 to vector<16xi32>
      %add3A_2140 = arith.addi %get3A_2129, %add3A_2139 : vector<16xi32>
      %gather3A_2141 = tpu.vector_load_idx %arg7[%add3A_2127, %add3A_2140] : memref<256x128xf32, #tpu.memory_space<vmem>>[vector<16xi32>, vector<16xi32>], vector<16xf32>,
      %swap3A_2142 = arith.constant 1 : i32
      %swap3A_2143 = arith.index_cast %swap3A_2142 : i32 to index
      %swap3A_2144 = arith.constant 208 : index
      %swap3A_2145 = tpu.vector_load %arg8[%swap3A_2143, %swap3A_2144] {strides = array<i32>} : memref<16x256xf32, #tpu.memory_space<vmem>>, vector<16xf32>,
      tpu.vector_store %arg8[%swap3A_2143, %swap3A_2144], %gather3A_2141 {strides = array<i32>} : memref<16x256xf32, #tpu.memory_space<vmem>>, vector<16xf32>,
      %add3A_2146 = arith.constant 2 : i32
      %add3A_2147 = vector.broadcast %add3A_2146 : i32 to vector<16xi32>
      %add3A_2148 = arith.addi %get3A_2129, %add3A_2147 : vector<16xi32>
      %gather3A_2149 = tpu.vector_load_idx %arg7[%add3A_2127, %add3A_2148] : memref<256x128xf32, #tpu.memory_space<vmem>>[vector<16xi32>, vector<16xi32>], vector<16xf32>,
      %swap3A_2150 = arith.constant 2 : i32
      %swap3A_2151 = arith.index_cast %swap3A_2150 : i32 to index
      %swap3A_2152 = arith.constant 208 : index
      %swap3A_2153 = tpu.vector_load %arg8[%swap3A_2151, %swap3A_2152] {strides = array<i32>} : memref<16x256xf32, #tpu.memory_space<vmem>>, vector<16xf32>,
      tpu.vector_store %arg8[%swap3A_2151, %swap3A_2152], %gather3A_2149 {strides = array<i32>} : memref<16x256xf32, #tpu.memory_space<vmem>>, vector<16xf32>,
      %add3A_2154 = arith.constant 3 : i32
      %add3A_2155 = vector.broadcast %add3A_2154 : i32 to vector<16xi32>
      %add3A_2156 = arith.addi %get3A_2129, %add3A_2155 : vector<16xi32>
      %gather3A_2157 = tpu.vector_load_idx %arg7[%add3A_2127, %add3A_2156] : memref<256x128xf32, #tpu.memory_space<vmem>>[vector<16xi32>, vector<16xi32>], vector<16xf32>,
      %swap3A_2158 = arith.constant 3 : i32
      %swap3A_2159 = arith.index_cast %swap3A_2158 : i32 to index
      %swap3A_2160 = arith.constant 208 : index
      %swap3A_2161 = tpu.vector_load %arg8[%swap3A_2159, %swap3A_2160] {strides = array<i32>} : memref<16x256xf32, #tpu.memory_space<vmem>>, vector<16xf32>,
      tpu.vector_store %arg8[%swap3A_2159, %swap3A_2160], %gather3A_2157 {strides = array<i32>} : memref<16x256xf32, #tpu.memory_space<vmem>>, vector<16xf32>,
      %add3A_2162 = arith.constant 4 : i32
      %add3A_2163 = vector.broadcast %add3A_2162 : i32 to vector<16xi32>
      %add3A_2164 = arith.addi %get3A_2129, %add3A_2163 : vector<16xi32>
      %gather3A_2165 = tpu.vector_load_idx %arg7[%add3A_2127, %add3A_2164] : memref<256x128xf32, #tpu.memory_space<vmem>>[vector<16xi32>, vector<16xi32>], vector<16xf32>,
      %swap3A_2166 = arith.constant 4 : i32
      %swap3A_2167 = arith.index_cast %swap3A_2166 : i32 to index
      %swap3A_2168 = arith.constant 208 : index
      %swap3A_2169 = tpu.vector_load %arg8[%swap3A_2167, %swap3A_2168] {strides = array<i32>} : memref<16x256xf32, #tpu.memory_space<vmem>>, vector<16xf32>,
      tpu.vector_store %arg8[%swap3A_2167, %swap3A_2168], %gather3A_2165 {strides = array<i32>} : memref<16x256xf32, #tpu.memory_space<vmem>>, vector<16xf32>,
      %add3A_2170 = arith.constant 5 : i32
      %add3A_2171 = vector.broadcast %add3A_2170 : i32 to vector<16xi32>
      %add3A_2172 = arith.addi %get3A_2129, %add3A_2171 : vector<16xi32>
      %gather3A_2173 = tpu.vector_load_idx %arg7[%add3A_2127, %add3A_2172] : memref<256x128xf32, #tpu.memory_space<vmem>>[vector<16xi32>, vector<16xi32>], vector<16xf32>,
      %swap3A_2174 = arith.constant 5 : i32
      %swap3A_2175 = arith.index_cast %swap3A_2174 : i32 to index
      %swap3A_2176 = arith.constant 208 : index
      %swap3A_2177 = tpu.vector_load %arg8[%swap3A_2175, %swap3A_2176] {strides = array<i32>} : memref<16x256xf32, #tpu.memory_space<vmem>>, vector<16xf32>,
      tpu.vector_store %arg8[%swap3A_2175, %swap3A_2176], %gather3A_2173 {strides = array<i32>} : memref<16x256xf32, #tpu.memory_space<vmem>>, vector<16xf32>,
      %add3A_2178 = arith.constant 6 : i32
      %add3A_2179 = vector.broadcast %add3A_2178 : i32 to vector<16xi32>
      %add3A_2180 = arith.addi %get3A_2129, %add3A_2179 : vector<16xi32>
      %gather3A_2181 = tpu.vector_load_idx %arg7[%add3A_2127, %add3A_2180] : memref<256x128xf32, #tpu.memory_space<vmem>>[vector<16xi32>, vector<16xi32>], vector<16xf32>,
      %swap3A_2182 = arith.constant 6 : i32
      %swap3A_2183 = arith.index_cast %swap3A_2182 : i32 to index
      %swap3A_2184 = arith.constant 208 : index
      %swap3A_2185 = tpu.vector_load %arg8[%swap3A_2183, %swap3A_2184] {strides = array<i32>} : memref<16x256xf32, #tpu.memory_space<vmem>>, vector<16xf32>,
      tpu.vector_store %arg8[%swap3A_2183, %swap3A_2184], %gather3A_2181 {strides = array<i32>} : memref<16x256xf32, #tpu.memory_space<vmem>>, vector<16xf32>,
      %add3A_2186 = arith.constant 7 : i32
      %add3A_2187 = vector.broadcast %add3A_2186 : i32 to vector<16xi32>
      %add3A_2188 = arith.addi %get3A_2129, %add3A_2187 : vector<16xi32>
      %gather3A_2189 = tpu.vector_load_idx %arg7[%add3A_2127, %add3A_2188] : memref<256x128xf32, #tpu.memory_space<vmem>>[vector<16xi32>, vector<16xi32>], vector<16xf32>,
      %swap3A_2190 = arith.constant 7 : i32
      %swap3A_2191 = arith.index_cast %swap3A_2190 : i32 to index
      %swap3A_2192 = arith.constant 208 : index
      %swap3A_2193 = tpu.vector_load %arg8[%swap3A_2191, %swap3A_2192] {strides = array<i32>} : memref<16x256xf32, #tpu.memory_space<vmem>>, vector<16xf32>,
      tpu.vector_store %arg8[%swap3A_2191, %swap3A_2192], %gather3A_2189 {strides = array<i32>} : memref<16x256xf32, #tpu.memory_space<vmem>>, vector<16xf32>,
      %add3A_2194 = arith.constant 8 : i32
      %add3A_2195 = vector.broadcast %add3A_2194 : i32 to vector<16xi32>
      %add3A_2196 = arith.addi %get3A_2129, %add3A_2195 : vector<16xi32>
      %gather3A_2197 = tpu.vector_load_idx %arg7[%add3A_2127, %add3A_2196] : memref<256x128xf32, #tpu.memory_space<vmem>>[vector<16xi32>, vector<16xi32>], vector<16xf32>,
      %swap3A_2198 = arith.constant 8 : i32
      %swap3A_2199 = arith.index_cast %swap3A_2198 : i32 to index
      %swap3A_2200 = arith.constant 208 : index
      %swap3A_2201 = tpu.vector_load %arg8[%swap3A_2199, %swap3A_2200] {strides = array<i32>} : memref<16x256xf32, #tpu.memory_space<vmem>>, vector<16xf32>,
      tpu.vector_store %arg8[%swap3A_2199, %swap3A_2200], %gather3A_2197 {strides = array<i32>} : memref<16x256xf32, #tpu.memory_space<vmem>>, vector<16xf32>,
      %add3A_2202 = arith.constant 9 : i32
      %add3A_2203 = vector.broadcast %add3A_2202 : i32 to vector<16xi32>
      %add3A_2204 = arith.addi %get3A_2129, %add3A_2203 : vector<16xi32>
      %gather3A_2205 = tpu.vector_load_idx %arg7[%add3A_2127, %add3A_2204] : memref<256x128xf32, #tpu.memory_space<vmem>>[vector<16xi32>, vector<16xi32>], vector<16xf32>,
      %swap3A_2206 = arith.constant 9 : i32
      %swap3A_2207 = arith.index_cast %swap3A_2206 : i32 to index
      %swap3A_2208 = arith.constant 208 : index
      %swap3A_2209 = tpu.vector_load %arg8[%swap3A_2207, %swap3A_2208] {strides = array<i32>} : memref<16x256xf32, #tpu.memory_space<vmem>>, vector<16xf32>,
      tpu.vector_store %arg8[%swap3A_2207, %swap3A_2208], %gather3A_2205 {strides = array<i32>} : memref<16x256xf32, #tpu.memory_space<vmem>>, vector<16xf32>,
      %add3A_2210 = arith.constant 10 : i32
      %add3A_2211 = vector.broadcast %add3A_2210 : i32 to vector<16xi32>
      %add3A_2212 = arith.addi %get3A_2129, %add3A_2211 : vector<16xi32>
      %gather3A_2213 = tpu.vector_load_idx %arg7[%add3A_2127, %add3A_2212] : memref<256x128xf32, #tpu.memory_space<vmem>>[vector<16xi32>, vector<16xi32>], vector<16xf32>,
      %swap3A_2214 = arith.constant 10 : i32
      %swap3A_2215 = arith.index_cast %swap3A_2214 : i32 to index
      %swap3A_2216 = arith.constant 208 : index
      %swap3A_2217 = tpu.vector_load %arg8[%swap3A_2215, %swap3A_2216] {strides = array<i32>} : memref<16x256xf32, #tpu.memory_space<vmem>>, vector<16xf32>,
      tpu.vector_store %arg8[%swap3A_2215, %swap3A_2216], %gather3A_2213 {strides = array<i32>} : memref<16x256xf32, #tpu.memory_space<vmem>>, vector<16xf32>,
      %add3A_2218 = arith.constant 11 : i32
      %add3A_2219 = vector.broadcast %add3A_2218 : i32 to vector<16xi32>
      %add3A_2220 = arith.addi %get3A_2129, %add3A_2219 : vector<16xi32>
      %gather3A_2221 = tpu.vector_load_idx %arg7[%add3A_2127, %add3A_2220] : memref<256x128xf32, #tpu.memory_space<vmem>>[vector<16xi32>, vector<16xi32>], vector<16xf32>,
      %swap3A_2222 = arith.constant 11 : i32
      %swap3A_2223 = arith.index_cast %swap3A_2222 : i32 to index
      %swap3A_2224 = arith.constant 208 : index
      %swap3A_2225 = tpu.vector_load %arg8[%swap3A_2223, %swap3A_2224] {strides = array<i32>} : memref<16x256xf32, #tpu.memory_space<vmem>>, vector<16xf32>,
      tpu.vector_store %arg8[%swap3A_2223, %swap3A_2224], %gather3A_2221 {strides = array<i32>} : memref<16x256xf32, #tpu.memory_space<vmem>>, vector<16xf32>,
      %add3A_2226 = arith.constant 12 : i32
      %add3A_2227 = vector.broadcast %add3A_2226 : i32 to vector<16xi32>
      %add3A_2228 = arith.addi %get3A_2129, %add3A_2227 : vector<16xi32>
      %gather3A_2229 = tpu.vector_load_idx %arg7[%add3A_2127, %add3A_2228] : memref<256x128xf32, #tpu.memory_space<vmem>>[vector<16xi32>, vector<16xi32>], vector<16xf32>,
      %swap3A_2230 = arith.constant 12 : i32
      %swap3A_2231 = arith.index_cast %swap3A_2230 : i32 to index
      %swap3A_2232 = arith.constant 208 : index
      %swap3A_2233 = tpu.vector_load %arg8[%swap3A_2231, %swap3A_2232] {strides = array<i32>} : memref<16x256xf32, #tpu.memory_space<vmem>>, vector<16xf32>,
      tpu.vector_store %arg8[%swap3A_2231, %swap3A_2232], %gather3A_2229 {strides = array<i32>} : memref<16x256xf32, #tpu.memory_space<vmem>>, vector<16xf32>,
      %add3A_2234 = arith.constant 13 : i32
      %add3A_2235 = vector.broadcast %add3A_2234 : i32 to vector<16xi32>
      %add3A_2236 = arith.addi %get3A_2129, %add3A_2235 : vector<16xi32>
      %gather3A_2237 = tpu.vector_load_idx %arg7[%add3A_2127, %add3A_2236] : memref<256x128xf32, #tpu.memory_space<vmem>>[vector<16xi32>, vector<16xi32>], vector<16xf32>,
      %swap3A_2238 = arith.constant 13 : i32
      %swap3A_2239 = arith.index_cast %swap3A_2238 : i32 to index
      %swap3A_2240 = arith.constant 208 : index
      %swap3A_2241 = tpu.vector_load %arg8[%swap3A_2239, %swap3A_2240] {strides = array<i32>} : memref<16x256xf32, #tpu.memory_space<vmem>>, vector<16xf32>,
      tpu.vector_store %arg8[%swap3A_2239, %swap3A_2240], %gather3A_2237 {strides = array<i32>} : memref<16x256xf32, #tpu.memory_space<vmem>>, vector<16xf32>,
      %add3A_2242 = arith.constant 14 : i32
      %add3A_2243 = vector.broadcast %add3A_2242 : i32 to vector<16xi32>
      %add3A_2244 = arith.addi %get3A_2129, %add3A_2243 : vector<16xi32>
      %gather3A_2245 = tpu.vector_load_idx %arg7[%add3A_2127, %add3A_2244] : memref<256x128xf32, #tpu.memory_space<vmem>>[vector<16xi32>, vector<16xi32>], vector<16xf32>,
      %swap3A_2246 = arith.constant 14 : i32
      %swap3A_2247 = arith.index_cast %swap3A_2246 : i32 to index
      %swap3A_2248 = arith.constant 208 : index
      %swap3A_2249 = tpu.vector_load %arg8[%swap3A_2247, %swap3A_2248] {strides = array<i32>} : memref<16x256xf32, #tpu.memory_space<vmem>>, vector<16xf32>,
      tpu.vector_store %arg8[%swap3A_2247, %swap3A_2248], %gather3A_2245 {strides = array<i32>} : memref<16x256xf32, #tpu.memory_space<vmem>>, vector<16xf32>,
      %add3A_2250 = arith.constant 15 : i32
      %add3A_2251 = vector.broadcast %add3A_2250 : i32 to vector<16xi32>
      %add3A_2252 = arith.addi %get3A_2129, %add3A_2251 : vector<16xi32>
      %gather3A_2253 = tpu.vector_load_idx %arg7[%add3A_2127, %add3A_2252] : memref<256x128xf32, #tpu.memory_space<vmem>>[vector<16xi32>, vector<16xi32>], vector<16xf32>,
      %swap3A_2254 = arith.constant 15 : i32
      %swap3A_2255 = arith.index_cast %swap3A_2254 : i32 to index
      %swap3A_2256 = arith.constant 208 : index
      %swap3A_2257 = tpu.vector_load %arg8[%swap3A_2255, %swap3A_2256] {strides = array<i32>} : memref<16x256xf32, #tpu.memory_space<vmem>>, vector<16xf32>,
      tpu.vector_store %arg8[%swap3A_2255, %swap3A_2256], %gather3A_2253 {strides = array<i32>} : memref<16x256xf32, #tpu.memory_space<vmem>>, vector<16xf32>,
      %add3A_2258 = arith.constant 224 : i32
      %add3A_2259 = vector.broadcast %add3A_2258 : i32 to vector<16xi32>
      %add3A_2260 = arith.addi %add3A_2259, %iota3A : vector<16xi32>
      %get3A_2261 = arith.constant 224 : index
      %get3A_2262 = tpu.vector_load %arg6[%get3A_2261] {strides = array<i32>} : memref<256xi32, #tpu.memory_space<vmem>>, vector<16xi32>,
      %add3A_2263 = arith.constant 0 : i32
      %add3A_2264 = vector.broadcast %add3A_2263 : i32 to vector<16xi32>
      %add3A_2265 = arith.addi %get3A_2262, %add3A_2264 : vector<16xi32>
      %gather3A_2266 = tpu.vector_load_idx %arg7[%add3A_2260, %add3A_2265] : memref<256x128xf32, #tpu.memory_space<vmem>>[vector<16xi32>, vector<16xi32>], vector<16xf32>,
      %swap3A_2267 = arith.constant 0 : i32
      %swap3A_2268 = arith.index_cast %swap3A_2267 : i32 to index
      %swap3A_2269 = arith.constant 224 : index
      %swap3A_2270 = tpu.vector_load %arg8[%swap3A_2268, %swap3A_2269] {strides = array<i32>} : memref<16x256xf32, #tpu.memory_space<vmem>>, vector<16xf32>,
      tpu.vector_store %arg8[%swap3A_2268, %swap3A_2269], %gather3A_2266 {strides = array<i32>} : memref<16x256xf32, #tpu.memory_space<vmem>>, vector<16xf32>,
      %add3A_2271 = arith.constant 1 : i32
      %add3A_2272 = vector.broadcast %add3A_2271 : i32 to vector<16xi32>
      %add3A_2273 = arith.addi %get3A_2262, %add3A_2272 : vector<16xi32>
      %gather3A_2274 = tpu.vector_load_idx %arg7[%add3A_2260, %add3A_2273] : memref<256x128xf32, #tpu.memory_space<vmem>>[vector<16xi32>, vector<16xi32>], vector<16xf32>,
      %swap3A_2275 = arith.constant 1 : i32
      %swap3A_2276 = arith.index_cast %swap3A_2275 : i32 to index
      %swap3A_2277 = arith.constant 224 : index
      %swap3A_2278 = tpu.vector_load %arg8[%swap3A_2276, %swap3A_2277] {strides = array<i32>} : memref<16x256xf32, #tpu.memory_space<vmem>>, vector<16xf32>,
      tpu.vector_store %arg8[%swap3A_2276, %swap3A_2277], %gather3A_2274 {strides = array<i32>} : memref<16x256xf32, #tpu.memory_space<vmem>>, vector<16xf32>,
      %add3A_2279 = arith.constant 2 : i32
      %add3A_2280 = vector.broadcast %add3A_2279 : i32 to vector<16xi32>
      %add3A_2281 = arith.addi %get3A_2262, %add3A_2280 : vector<16xi32>
      %gather3A_2282 = tpu.vector_load_idx %arg7[%add3A_2260, %add3A_2281] : memref<256x128xf32, #tpu.memory_space<vmem>>[vector<16xi32>, vector<16xi32>], vector<16xf32>,
      %swap3A_2283 = arith.constant 2 : i32
      %swap3A_2284 = arith.index_cast %swap3A_2283 : i32 to index
      %swap3A_2285 = arith.constant 224 : index
      %swap3A_2286 = tpu.vector_load %arg8[%swap3A_2284, %swap3A_2285] {strides = array<i32>} : memref<16x256xf32, #tpu.memory_space<vmem>>, vector<16xf32>,
      tpu.vector_store %arg8[%swap3A_2284, %swap3A_2285], %gather3A_2282 {strides = array<i32>} : memref<16x256xf32, #tpu.memory_space<vmem>>, vector<16xf32>,
      %add3A_2287 = arith.constant 3 : i32
      %add3A_2288 = vector.broadcast %add3A_2287 : i32 to vector<16xi32>
      %add3A_2289 = arith.addi %get3A_2262, %add3A_2288 : vector<16xi32>
      %gather3A_2290 = tpu.vector_load_idx %arg7[%add3A_2260, %add3A_2289] : memref<256x128xf32, #tpu.memory_space<vmem>>[vector<16xi32>, vector<16xi32>], vector<16xf32>,
      %swap3A_2291 = arith.constant 3 : i32
      %swap3A_2292 = arith.index_cast %swap3A_2291 : i32 to index
      %swap3A_2293 = arith.constant 224 : index
      %swap3A_2294 = tpu.vector_load %arg8[%swap3A_2292, %swap3A_2293] {strides = array<i32>} : memref<16x256xf32, #tpu.memory_space<vmem>>, vector<16xf32>,
      tpu.vector_store %arg8[%swap3A_2292, %swap3A_2293], %gather3A_2290 {strides = array<i32>} : memref<16x256xf32, #tpu.memory_space<vmem>>, vector<16xf32>,
      %add3A_2295 = arith.constant 4 : i32
      %add3A_2296 = vector.broadcast %add3A_2295 : i32 to vector<16xi32>
      %add3A_2297 = arith.addi %get3A_2262, %add3A_2296 : vector<16xi32>
      %gather3A_2298 = tpu.vector_load_idx %arg7[%add3A_2260, %add3A_2297] : memref<256x128xf32, #tpu.memory_space<vmem>>[vector<16xi32>, vector<16xi32>], vector<16xf32>,
      %swap3A_2299 = arith.constant 4 : i32
      %swap3A_2300 = arith.index_cast %swap3A_2299 : i32 to index
      %swap3A_2301 = arith.constant 224 : index
      %swap3A_2302 = tpu.vector_load %arg8[%swap3A_2300, %swap3A_2301] {strides = array<i32>} : memref<16x256xf32, #tpu.memory_space<vmem>>, vector<16xf32>,
      tpu.vector_store %arg8[%swap3A_2300, %swap3A_2301], %gather3A_2298 {strides = array<i32>} : memref<16x256xf32, #tpu.memory_space<vmem>>, vector<16xf32>,
      %add3A_2303 = arith.constant 5 : i32
      %add3A_2304 = vector.broadcast %add3A_2303 : i32 to vector<16xi32>
      %add3A_2305 = arith.addi %get3A_2262, %add3A_2304 : vector<16xi32>
      %gather3A_2306 = tpu.vector_load_idx %arg7[%add3A_2260, %add3A_2305] : memref<256x128xf32, #tpu.memory_space<vmem>>[vector<16xi32>, vector<16xi32>], vector<16xf32>,
      %swap3A_2307 = arith.constant 5 : i32
      %swap3A_2308 = arith.index_cast %swap3A_2307 : i32 to index
      %swap3A_2309 = arith.constant 224 : index
      %swap3A_2310 = tpu.vector_load %arg8[%swap3A_2308, %swap3A_2309] {strides = array<i32>} : memref<16x256xf32, #tpu.memory_space<vmem>>, vector<16xf32>,
      tpu.vector_store %arg8[%swap3A_2308, %swap3A_2309], %gather3A_2306 {strides = array<i32>} : memref<16x256xf32, #tpu.memory_space<vmem>>, vector<16xf32>,
      %add3A_2311 = arith.constant 6 : i32
      %add3A_2312 = vector.broadcast %add3A_2311 : i32 to vector<16xi32>
      %add3A_2313 = arith.addi %get3A_2262, %add3A_2312 : vector<16xi32>
      %gather3A_2314 = tpu.vector_load_idx %arg7[%add3A_2260, %add3A_2313] : memref<256x128xf32, #tpu.memory_space<vmem>>[vector<16xi32>, vector<16xi32>], vector<16xf32>,
      %swap3A_2315 = arith.constant 6 : i32
      %swap3A_2316 = arith.index_cast %swap3A_2315 : i32 to index
      %swap3A_2317 = arith.constant 224 : index
      %swap3A_2318 = tpu.vector_load %arg8[%swap3A_2316, %swap3A_2317] {strides = array<i32>} : memref<16x256xf32, #tpu.memory_space<vmem>>, vector<16xf32>,
      tpu.vector_store %arg8[%swap3A_2316, %swap3A_2317], %gather3A_2314 {strides = array<i32>} : memref<16x256xf32, #tpu.memory_space<vmem>>, vector<16xf32>,
      %add3A_2319 = arith.constant 7 : i32
      %add3A_2320 = vector.broadcast %add3A_2319 : i32 to vector<16xi32>
      %add3A_2321 = arith.addi %get3A_2262, %add3A_2320 : vector<16xi32>
      %gather3A_2322 = tpu.vector_load_idx %arg7[%add3A_2260, %add3A_2321] : memref<256x128xf32, #tpu.memory_space<vmem>>[vector<16xi32>, vector<16xi32>], vector<16xf32>,
      %swap3A_2323 = arith.constant 7 : i32
      %swap3A_2324 = arith.index_cast %swap3A_2323 : i32 to index
      %swap3A_2325 = arith.constant 224 : index
      %swap3A_2326 = tpu.vector_load %arg8[%swap3A_2324, %swap3A_2325] {strides = array<i32>} : memref<16x256xf32, #tpu.memory_space<vmem>>, vector<16xf32>,
      tpu.vector_store %arg8[%swap3A_2324, %swap3A_2325], %gather3A_2322 {strides = array<i32>} : memref<16x256xf32, #tpu.memory_space<vmem>>, vector<16xf32>,
      %add3A_2327 = arith.constant 8 : i32
      %add3A_2328 = vector.broadcast %add3A_2327 : i32 to vector<16xi32>
      %add3A_2329 = arith.addi %get3A_2262, %add3A_2328 : vector<16xi32>
      %gather3A_2330 = tpu.vector_load_idx %arg7[%add3A_2260, %add3A_2329] : memref<256x128xf32, #tpu.memory_space<vmem>>[vector<16xi32>, vector<16xi32>], vector<16xf32>,
      %swap3A_2331 = arith.constant 8 : i32
      %swap3A_2332 = arith.index_cast %swap3A_2331 : i32 to index
      %swap3A_2333 = arith.constant 224 : index
      %swap3A_2334 = tpu.vector_load %arg8[%swap3A_2332, %swap3A_2333] {strides = array<i32>} : memref<16x256xf32, #tpu.memory_space<vmem>>, vector<16xf32>,
      tpu.vector_store %arg8[%swap3A_2332, %swap3A_2333], %gather3A_2330 {strides = array<i32>} : memref<16x256xf32, #tpu.memory_space<vmem>>, vector<16xf32>,
      %add3A_2335 = arith.constant 9 : i32
      %add3A_2336 = vector.broadcast %add3A_2335 : i32 to vector<16xi32>
      %add3A_2337 = arith.addi %get3A_2262, %add3A_2336 : vector<16xi32>
      %gather3A_2338 = tpu.vector_load_idx %arg7[%add3A_2260, %add3A_2337] : memref<256x128xf32, #tpu.memory_space<vmem>>[vector<16xi32>, vector<16xi32>], vector<16xf32>,
      %swap3A_2339 = arith.constant 9 : i32
      %swap3A_2340 = arith.index_cast %swap3A_2339 : i32 to index
      %swap3A_2341 = arith.constant 224 : index
      %swap3A_2342 = tpu.vector_load %arg8[%swap3A_2340, %swap3A_2341] {strides = array<i32>} : memref<16x256xf32, #tpu.memory_space<vmem>>, vector<16xf32>,
      tpu.vector_store %arg8[%swap3A_2340, %swap3A_2341], %gather3A_2338 {strides = array<i32>} : memref<16x256xf32, #tpu.memory_space<vmem>>, vector<16xf32>,
      %add3A_2343 = arith.constant 10 : i32
      %add3A_2344 = vector.broadcast %add3A_2343 : i32 to vector<16xi32>
      %add3A_2345 = arith.addi %get3A_2262, %add3A_2344 : vector<16xi32>
      %gather3A_2346 = tpu.vector_load_idx %arg7[%add3A_2260, %add3A_2345] : memref<256x128xf32, #tpu.memory_space<vmem>>[vector<16xi32>, vector<16xi32>], vector<16xf32>,
      %swap3A_2347 = arith.constant 10 : i32
      %swap3A_2348 = arith.index_cast %swap3A_2347 : i32 to index
      %swap3A_2349 = arith.constant 224 : index
      %swap3A_2350 = tpu.vector_load %arg8[%swap3A_2348, %swap3A_2349] {strides = array<i32>} : memref<16x256xf32, #tpu.memory_space<vmem>>, vector<16xf32>,
      tpu.vector_store %arg8[%swap3A_2348, %swap3A_2349], %gather3A_2346 {strides = array<i32>} : memref<16x256xf32, #tpu.memory_space<vmem>>, vector<16xf32>,
      %add3A_2351 = arith.constant 11 : i32
      %add3A_2352 = vector.broadcast %add3A_2351 : i32 to vector<16xi32>
      %add3A_2353 = arith.addi %get3A_2262, %add3A_2352 : vector<16xi32>
      %gather3A_2354 = tpu.vector_load_idx %arg7[%add3A_2260, %add3A_2353] : memref<256x128xf32, #tpu.memory_space<vmem>>[vector<16xi32>, vector<16xi32>], vector<16xf32>,
      %swap3A_2355 = arith.constant 11 : i32
      %swap3A_2356 = arith.index_cast %swap3A_2355 : i32 to index
      %swap3A_2357 = arith.constant 224 : index
      %swap3A_2358 = tpu.vector_load %arg8[%swap3A_2356, %swap3A_2357] {strides = array<i32>} : memref<16x256xf32, #tpu.memory_space<vmem>>, vector<16xf32>,
      tpu.vector_store %arg8[%swap3A_2356, %swap3A_2357], %gather3A_2354 {strides = array<i32>} : memref<16x256xf32, #tpu.memory_space<vmem>>, vector<16xf32>,
      %add3A_2359 = arith.constant 12 : i32
      %add3A_2360 = vector.broadcast %add3A_2359 : i32 to vector<16xi32>
      %add3A_2361 = arith.addi %get3A_2262, %add3A_2360 : vector<16xi32>
      %gather3A_2362 = tpu.vector_load_idx %arg7[%add3A_2260, %add3A_2361] : memref<256x128xf32, #tpu.memory_space<vmem>>[vector<16xi32>, vector<16xi32>], vector<16xf32>,
      %swap3A_2363 = arith.constant 12 : i32
      %swap3A_2364 = arith.index_cast %swap3A_2363 : i32 to index
      %swap3A_2365 = arith.constant 224 : index
      %swap3A_2366 = tpu.vector_load %arg8[%swap3A_2364, %swap3A_2365] {strides = array<i32>} : memref<16x256xf32, #tpu.memory_space<vmem>>, vector<16xf32>,
      tpu.vector_store %arg8[%swap3A_2364, %swap3A_2365], %gather3A_2362 {strides = array<i32>} : memref<16x256xf32, #tpu.memory_space<vmem>>, vector<16xf32>,
      %add3A_2367 = arith.constant 13 : i32
      %add3A_2368 = vector.broadcast %add3A_2367 : i32 to vector<16xi32>
      %add3A_2369 = arith.addi %get3A_2262, %add3A_2368 : vector<16xi32>
      %gather3A_2370 = tpu.vector_load_idx %arg7[%add3A_2260, %add3A_2369] : memref<256x128xf32, #tpu.memory_space<vmem>>[vector<16xi32>, vector<16xi32>], vector<16xf32>,
      %swap3A_2371 = arith.constant 13 : i32
      %swap3A_2372 = arith.index_cast %swap3A_2371 : i32 to index
      %swap3A_2373 = arith.constant 224 : index
      %swap3A_2374 = tpu.vector_load %arg8[%swap3A_2372, %swap3A_2373] {strides = array<i32>} : memref<16x256xf32, #tpu.memory_space<vmem>>, vector<16xf32>,
      tpu.vector_store %arg8[%swap3A_2372, %swap3A_2373], %gather3A_2370 {strides = array<i32>} : memref<16x256xf32, #tpu.memory_space<vmem>>, vector<16xf32>,
      %add3A_2375 = arith.constant 14 : i32
      %add3A_2376 = vector.broadcast %add3A_2375 : i32 to vector<16xi32>
      %add3A_2377 = arith.addi %get3A_2262, %add3A_2376 : vector<16xi32>
      %gather3A_2378 = tpu.vector_load_idx %arg7[%add3A_2260, %add3A_2377] : memref<256x128xf32, #tpu.memory_space<vmem>>[vector<16xi32>, vector<16xi32>], vector<16xf32>,
      %swap3A_2379 = arith.constant 14 : i32
      %swap3A_2380 = arith.index_cast %swap3A_2379 : i32 to index
      %swap3A_2381 = arith.constant 224 : index
      %swap3A_2382 = tpu.vector_load %arg8[%swap3A_2380, %swap3A_2381] {strides = array<i32>} : memref<16x256xf32, #tpu.memory_space<vmem>>, vector<16xf32>,
      tpu.vector_store %arg8[%swap3A_2380, %swap3A_2381], %gather3A_2378 {strides = array<i32>} : memref<16x256xf32, #tpu.memory_space<vmem>>, vector<16xf32>,
      %add3A_2383 = arith.constant 15 : i32
      %add3A_2384 = vector.broadcast %add3A_2383 : i32 to vector<16xi32>
      %add3A_2385 = arith.addi %get3A_2262, %add3A_2384 : vector<16xi32>
      %gather3A_2386 = tpu.vector_load_idx %arg7[%add3A_2260, %add3A_2385] : memref<256x128xf32, #tpu.memory_space<vmem>>[vector<16xi32>, vector<16xi32>], vector<16xf32>,
      %swap3A_2387 = arith.constant 15 : i32
      %swap3A_2388 = arith.index_cast %swap3A_2387 : i32 to index
      %swap3A_2389 = arith.constant 224 : index
      %swap3A_2390 = tpu.vector_load %arg8[%swap3A_2388, %swap3A_2389] {strides = array<i32>} : memref<16x256xf32, #tpu.memory_space<vmem>>, vector<16xf32>,
      tpu.vector_store %arg8[%swap3A_2388, %swap3A_2389], %gather3A_2386 {strides = array<i32>} : memref<16x256xf32, #tpu.memory_space<vmem>>, vector<16xf32>,
      %add3A_2391 = arith.constant 240 : i32
      %add3A_2392 = vector.broadcast %add3A_2391 : i32 to vector<16xi32>
      %add3A_2393 = arith.addi %add3A_2392, %iota3A : vector<16xi32>
      %get3A_2394 = arith.constant 240 : index
      %get3A_2395 = tpu.vector_load %arg6[%get3A_2394] {strides = array<i32>} : memref<256xi32, #tpu.memory_space<vmem>>, vector<16xi32>,
      %add3A_2396 = arith.constant 0 : i32
      %add3A_2397 = vector.broadcast %add3A_2396 : i32 to vector<16xi32>
      %add3A_2398 = arith.addi %get3A_2395, %add3A_2397 : vector<16xi32>
      %gather3A_2399 = tpu.vector_load_idx %arg7[%add3A_2393, %add3A_2398] : memref<256x128xf32, #tpu.memory_space<vmem>>[vector<16xi32>, vector<16xi32>], vector<16xf32>,
      %swap3A_2400 = arith.constant 0 : i32
      %swap3A_2401 = arith.index_cast %swap3A_2400 : i32 to index
      %swap3A_2402 = arith.constant 240 : index
      %swap3A_2403 = tpu.vector_load %arg8[%swap3A_2401, %swap3A_2402] {strides = array<i32>} : memref<16x256xf32, #tpu.memory_space<vmem>>, vector<16xf32>,
      tpu.vector_store %arg8[%swap3A_2401, %swap3A_2402], %gather3A_2399 {strides = array<i32>} : memref<16x256xf32, #tpu.memory_space<vmem>>, vector<16xf32>,
      %add3A_2404 = arith.constant 1 : i32
      %add3A_2405 = vector.broadcast %add3A_2404 : i32 to vector<16xi32>
      %add3A_2406 = arith.addi %get3A_2395, %add3A_2405 : vector<16xi32>
      %gather3A_2407 = tpu.vector_load_idx %arg7[%add3A_2393, %add3A_2406] : memref<256x128xf32, #tpu.memory_space<vmem>>[vector<16xi32>, vector<16xi32>], vector<16xf32>,
      %swap3A_2408 = arith.constant 1 : i32
      %swap3A_2409 = arith.index_cast %swap3A_2408 : i32 to index
      %swap3A_2410 = arith.constant 240 : index
      %swap3A_2411 = tpu.vector_load %arg8[%swap3A_2409, %swap3A_2410] {strides = array<i32>} : memref<16x256xf32, #tpu.memory_space<vmem>>, vector<16xf32>,
      tpu.vector_store %arg8[%swap3A_2409, %swap3A_2410], %gather3A_2407 {strides = array<i32>} : memref<16x256xf32, #tpu.memory_space<vmem>>, vector<16xf32>,
      %add3A_2412 = arith.constant 2 : i32
      %add3A_2413 = vector.broadcast %add3A_2412 : i32 to vector<16xi32>
      %add3A_2414 = arith.addi %get3A_2395, %add3A_2413 : vector<16xi32>
      %gather3A_2415 = tpu.vector_load_idx %arg7[%add3A_2393, %add3A_2414] : memref<256x128xf32, #tpu.memory_space<vmem>>[vector<16xi32>, vector<16xi32>], vector<16xf32>,
      %swap3A_2416 = arith.constant 2 : i32
      %swap3A_2417 = arith.index_cast %swap3A_2416 : i32 to index
      %swap3A_2418 = arith.constant 240 : index
      %swap3A_2419 = tpu.vector_load %arg8[%swap3A_2417, %swap3A_2418] {strides = array<i32>} : memref<16x256xf32, #tpu.memory_space<vmem>>, vector<16xf32>,
      tpu.vector_store %arg8[%swap3A_2417, %swap3A_2418], %gather3A_2415 {strides = array<i32>} : memref<16x256xf32, #tpu.memory_space<vmem>>, vector<16xf32>,
      %add3A_2420 = arith.constant 3 : i32
      %add3A_2421 = vector.broadcast %add3A_2420 : i32 to vector<16xi32>
      %add3A_2422 = arith.addi %get3A_2395, %add3A_2421 : vector<16xi32>
      %gather3A_2423 = tpu.vector_load_idx %arg7[%add3A_2393, %add3A_2422] : memref<256x128xf32, #tpu.memory_space<vmem>>[vector<16xi32>, vector<16xi32>], vector<16xf32>,
      %swap3A_2424 = arith.constant 3 : i32
      %swap3A_2425 = arith.index_cast %swap3A_2424 : i32 to index
      %swap3A_2426 = arith.constant 240 : index
      %swap3A_2427 = tpu.vector_load %arg8[%swap3A_2425, %swap3A_2426] {strides = array<i32>} : memref<16x256xf32, #tpu.memory_space<vmem>>, vector<16xf32>,
      tpu.vector_store %arg8[%swap3A_2425, %swap3A_2426], %gather3A_2423 {strides = array<i32>} : memref<16x256xf32, #tpu.memory_space<vmem>>, vector<16xf32>,
      %add3A_2428 = arith.constant 4 : i32
      %add3A_2429 = vector.broadcast %add3A_2428 : i32 to vector<16xi32>
      %add3A_2430 = arith.addi %get3A_2395, %add3A_2429 : vector<16xi32>
      %gather3A_2431 = tpu.vector_load_idx %arg7[%add3A_2393, %add3A_2430] : memref<256x128xf32, #tpu.memory_space<vmem>>[vector<16xi32>, vector<16xi32>], vector<16xf32>,
      %swap3A_2432 = arith.constant 4 : i32
      %swap3A_2433 = arith.index_cast %swap3A_2432 : i32 to index
      %swap3A_2434 = arith.constant 240 : index
      %swap3A_2435 = tpu.vector_load %arg8[%swap3A_2433, %swap3A_2434] {strides = array<i32>} : memref<16x256xf32, #tpu.memory_space<vmem>>, vector<16xf32>,
      tpu.vector_store %arg8[%swap3A_2433, %swap3A_2434], %gather3A_2431 {strides = array<i32>} : memref<16x256xf32, #tpu.memory_space<vmem>>, vector<16xf32>,
      %add3A_2436 = arith.constant 5 : i32
      %add3A_2437 = vector.broadcast %add3A_2436 : i32 to vector<16xi32>
      %add3A_2438 = arith.addi %get3A_2395, %add3A_2437 : vector<16xi32>
      %gather3A_2439 = tpu.vector_load_idx %arg7[%add3A_2393, %add3A_2438] : memref<256x128xf32, #tpu.memory_space<vmem>>[vector<16xi32>, vector<16xi32>], vector<16xf32>,
      %swap3A_2440 = arith.constant 5 : i32
      %swap3A_2441 = arith.index_cast %swap3A_2440 : i32 to index
      %swap3A_2442 = arith.constant 240 : index
      %swap3A_2443 = tpu.vector_load %arg8[%swap3A_2441, %swap3A_2442] {strides = array<i32>} : memref<16x256xf32, #tpu.memory_space<vmem>>, vector<16xf32>,
      tpu.vector_store %arg8[%swap3A_2441, %swap3A_2442], %gather3A_2439 {strides = array<i32>} : memref<16x256xf32, #tpu.memory_space<vmem>>, vector<16xf32>,
      %add3A_2444 = arith.constant 6 : i32
      %add3A_2445 = vector.broadcast %add3A_2444 : i32 to vector<16xi32>
      %add3A_2446 = arith.addi %get3A_2395, %add3A_2445 : vector<16xi32>
      %gather3A_2447 = tpu.vector_load_idx %arg7[%add3A_2393, %add3A_2446] : memref<256x128xf32, #tpu.memory_space<vmem>>[vector<16xi32>, vector<16xi32>], vector<16xf32>,
      %swap3A_2448 = arith.constant 6 : i32
      %swap3A_2449 = arith.index_cast %swap3A_2448 : i32 to index
      %swap3A_2450 = arith.constant 240 : index
      %swap3A_2451 = tpu.vector_load %arg8[%swap3A_2449, %swap3A_2450] {strides = array<i32>} : memref<16x256xf32, #tpu.memory_space<vmem>>, vector<16xf32>,
      tpu.vector_store %arg8[%swap3A_2449, %swap3A_2450], %gather3A_2447 {strides = array<i32>} : memref<16x256xf32, #tpu.memory_space<vmem>>, vector<16xf32>,
      %add3A_2452 = arith.constant 7 : i32
      %add3A_2453 = vector.broadcast %add3A_2452 : i32 to vector<16xi32>
      %add3A_2454 = arith.addi %get3A_2395, %add3A_2453 : vector<16xi32>
      %gather3A_2455 = tpu.vector_load_idx %arg7[%add3A_2393, %add3A_2454] : memref<256x128xf32, #tpu.memory_space<vmem>>[vector<16xi32>, vector<16xi32>], vector<16xf32>,
      %swap3A_2456 = arith.constant 7 : i32
      %swap3A_2457 = arith.index_cast %swap3A_2456 : i32 to index
      %swap3A_2458 = arith.constant 240 : index
      %swap3A_2459 = tpu.vector_load %arg8[%swap3A_2457, %swap3A_2458] {strides = array<i32>} : memref<16x256xf32, #tpu.memory_space<vmem>>, vector<16xf32>,
      tpu.vector_store %arg8[%swap3A_2457, %swap3A_2458], %gather3A_2455 {strides = array<i32>} : memref<16x256xf32, #tpu.memory_space<vmem>>, vector<16xf32>,
      %add3A_2460 = arith.constant 8 : i32
      %add3A_2461 = vector.broadcast %add3A_2460 : i32 to vector<16xi32>
      %add3A_2462 = arith.addi %get3A_2395, %add3A_2461 : vector<16xi32>
      %gather3A_2463 = tpu.vector_load_idx %arg7[%add3A_2393, %add3A_2462] : memref<256x128xf32, #tpu.memory_space<vmem>>[vector<16xi32>, vector<16xi32>], vector<16xf32>,
      %swap3A_2464 = arith.constant 8 : i32
      %swap3A_2465 = arith.index_cast %swap3A_2464 : i32 to index
      %swap3A_2466 = arith.constant 240 : index
      %swap3A_2467 = tpu.vector_load %arg8[%swap3A_2465, %swap3A_2466] {strides = array<i32>} : memref<16x256xf32, #tpu.memory_space<vmem>>, vector<16xf32>,
      tpu.vector_store %arg8[%swap3A_2465, %swap3A_2466], %gather3A_2463 {strides = array<i32>} : memref<16x256xf32, #tpu.memory_space<vmem>>, vector<16xf32>,
      %add3A_2468 = arith.constant 9 : i32
      %add3A_2469 = vector.broadcast %add3A_2468 : i32 to vector<16xi32>
      %add3A_2470 = arith.addi %get3A_2395, %add3A_2469 : vector<16xi32>
      %gather3A_2471 = tpu.vector_load_idx %arg7[%add3A_2393, %add3A_2470] : memref<256x128xf32, #tpu.memory_space<vmem>>[vector<16xi32>, vector<16xi32>], vector<16xf32>,
      %swap3A_2472 = arith.constant 9 : i32
      %swap3A_2473 = arith.index_cast %swap3A_2472 : i32 to index
      %swap3A_2474 = arith.constant 240 : index
      %swap3A_2475 = tpu.vector_load %arg8[%swap3A_2473, %swap3A_2474] {strides = array<i32>} : memref<16x256xf32, #tpu.memory_space<vmem>>, vector<16xf32>,
      tpu.vector_store %arg8[%swap3A_2473, %swap3A_2474], %gather3A_2471 {strides = array<i32>} : memref<16x256xf32, #tpu.memory_space<vmem>>, vector<16xf32>,
      %add3A_2476 = arith.constant 10 : i32
      %add3A_2477 = vector.broadcast %add3A_2476 : i32 to vector<16xi32>
      %add3A_2478 = arith.addi %get3A_2395, %add3A_2477 : vector<16xi32>
      %gather3A_2479 = tpu.vector_load_idx %arg7[%add3A_2393, %add3A_2478] : memref<256x128xf32, #tpu.memory_space<vmem>>[vector<16xi32>, vector<16xi32>], vector<16xf32>,
      %swap3A_2480 = arith.constant 10 : i32
      %swap3A_2481 = arith.index_cast %swap3A_2480 : i32 to index
      %swap3A_2482 = arith.constant 240 : index
      %swap3A_2483 = tpu.vector_load %arg8[%swap3A_2481, %swap3A_2482] {strides = array<i32>} : memref<16x256xf32, #tpu.memory_space<vmem>>, vector<16xf32>,
      tpu.vector_store %arg8[%swap3A_2481, %swap3A_2482], %gather3A_2479 {strides = array<i32>} : memref<16x256xf32, #tpu.memory_space<vmem>>, vector<16xf32>,
      %add3A_2484 = arith.constant 11 : i32
      %add3A_2485 = vector.broadcast %add3A_2484 : i32 to vector<16xi32>
      %add3A_2486 = arith.addi %get3A_2395, %add3A_2485 : vector<16xi32>
      %gather3A_2487 = tpu.vector_load_idx %arg7[%add3A_2393, %add3A_2486] : memref<256x128xf32, #tpu.memory_space<vmem>>[vector<16xi32>, vector<16xi32>], vector<16xf32>,
      %swap3A_2488 = arith.constant 11 : i32
      %swap3A_2489 = arith.index_cast %swap3A_2488 : i32 to index
      %swap3A_2490 = arith.constant 240 : index
      %swap3A_2491 = tpu.vector_load %arg8[%swap3A_2489, %swap3A_2490] {strides = array<i32>} : memref<16x256xf32, #tpu.memory_space<vmem>>, vector<16xf32>,
      tpu.vector_store %arg8[%swap3A_2489, %swap3A_2490], %gather3A_2487 {strides = array<i32>} : memref<16x256xf32, #tpu.memory_space<vmem>>, vector<16xf32>,
      %add3A_2492 = arith.constant 12 : i32
      %add3A_2493 = vector.broadcast %add3A_2492 : i32 to vector<16xi32>
      %add3A_2494 = arith.addi %get3A_2395, %add3A_2493 : vector<16xi32>
      %gather3A_2495 = tpu.vector_load_idx %arg7[%add3A_2393, %add3A_2494] : memref<256x128xf32, #tpu.memory_space<vmem>>[vector<16xi32>, vector<16xi32>], vector<16xf32>,
      %swap3A_2496 = arith.constant 12 : i32
      %swap3A_2497 = arith.index_cast %swap3A_2496 : i32 to index
      %swap3A_2498 = arith.constant 240 : index
      %swap3A_2499 = tpu.vector_load %arg8[%swap3A_2497, %swap3A_2498] {strides = array<i32>} : memref<16x256xf32, #tpu.memory_space<vmem>>, vector<16xf32>,
      tpu.vector_store %arg8[%swap3A_2497, %swap3A_2498], %gather3A_2495 {strides = array<i32>} : memref<16x256xf32, #tpu.memory_space<vmem>>, vector<16xf32>,
      %add3A_2500 = arith.constant 13 : i32
      %add3A_2501 = vector.broadcast %add3A_2500 : i32 to vector<16xi32>
      %add3A_2502 = arith.addi %get3A_2395, %add3A_2501 : vector<16xi32>
      %gather3A_2503 = tpu.vector_load_idx %arg7[%add3A_2393, %add3A_2502] : memref<256x128xf32, #tpu.memory_space<vmem>>[vector<16xi32>, vector<16xi32>], vector<16xf32>,
      %swap3A_2504 = arith.constant 13 : i32
      %swap3A_2505 = arith.index_cast %swap3A_2504 : i32 to index
      %swap3A_2506 = arith.constant 240 : index
      %swap3A_2507 = tpu.vector_load %arg8[%swap3A_2505, %swap3A_2506] {strides = array<i32>} : memref<16x256xf32, #tpu.memory_space<vmem>>, vector<16xf32>,
      tpu.vector_store %arg8[%swap3A_2505, %swap3A_2506], %gather3A_2503 {strides = array<i32>} : memref<16x256xf32, #tpu.memory_space<vmem>>, vector<16xf32>,
      %add3A_2508 = arith.constant 14 : i32
      %add3A_2509 = vector.broadcast %add3A_2508 : i32 to vector<16xi32>
      %add3A_2510 = arith.addi %get3A_2395, %add3A_2509 : vector<16xi32>
      %gather3A_2511 = tpu.vector_load_idx %arg7[%add3A_2393, %add3A_2510] : memref<256x128xf32, #tpu.memory_space<vmem>>[vector<16xi32>, vector<16xi32>], vector<16xf32>,
      %swap3A_2512 = arith.constant 14 : i32
      %swap3A_2513 = arith.index_cast %swap3A_2512 : i32 to index
      %swap3A_2514 = arith.constant 240 : index
      %swap3A_2515 = tpu.vector_load %arg8[%swap3A_2513, %swap3A_2514] {strides = array<i32>} : memref<16x256xf32, #tpu.memory_space<vmem>>, vector<16xf32>,
      tpu.vector_store %arg8[%swap3A_2513, %swap3A_2514], %gather3A_2511 {strides = array<i32>} : memref<16x256xf32, #tpu.memory_space<vmem>>, vector<16xf32>,
      %add3A_2516 = arith.constant 15 : i32
      %add3A_2517 = vector.broadcast %add3A_2516 : i32 to vector<16xi32>
      %add3A_2518 = arith.addi %get3A_2395, %add3A_2517 : vector<16xi32>
      %gather3A_2519 = tpu.vector_load_idx %arg7[%add3A_2393, %add3A_2518] : memref<256x128xf32, #tpu.memory_space<vmem>>[vector<16xi32>, vector<16xi32>], vector<16xf32>,
      %swap3A_2520 = arith.constant 15 : i32
      %swap3A_2521 = arith.index_cast %swap3A_2520 : i32 to index
      %swap3A_2522 = arith.constant 240 : index
      %swap3A_2523 = tpu.vector_load %arg8[%swap3A_2521, %swap3A_2522] {strides = array<i32>} : memref<16x256xf32, #tpu.memory_space<vmem>>, vector<16xf32>,
      tpu.vector_store %arg8[%swap3A_2521, %swap3A_2522], %gather3A_2519 {strides = array<i32>} : memref<16x256xf32, #tpu.memory_space<vmem>>, vector<16xf32>,
      %mul3A_2524 = arith.constant 16 : i32
      %mul3A_2525 = arith.muli %select_n3A, %mul3A_2524 : i32
      "tpu.region"() ({
        %run_scoped3A = tpu.sem_alloc : memref<!tpu.dma_semaphore, #tpu.memory_space<semaphore_mem>>
        %dma_start3A_2526 = tpu.memref_slice %arg4[%mul3A_2525, %add3A_41] : memref<416x16384xf32, #tpu.memory_space<hbm>> -> memref<16x256xf32, #tpu.memory_space<hbm>>
        %dma_start3A_2527 = tpu.memref_slice %arg4[%mul3A_2525, %add3A_41] : memref<416x16384xf32, #tpu.memory_space<hbm>> -> memref<16x256xf32, #tpu.memory_space<hbm>>
        tpu.enqueue_dma source(%arg8 : memref<16x256xf32, #tpu.memory_space<vmem>>) target(%dma_start3A_2527 : memref<16x256xf32, #tpu.memory_space<hbm>>) target_semaphore(%run_scoped3A : memref<!tpu.dma_semaphore, #tpu.memory_space<semaphore_mem>>)
        %dma_wait3A_2528 = tpu.memref_slice %arg4[%mul3A_2525, %add3A_41] : memref<416x16384xf32, #tpu.memory_space<hbm>> -> memref<16x256xf32, #tpu.memory_space<hbm>>
        %dma_wait3A_2529 = tpu.memref_slice %arg4[%mul3A_2525, %add3A_41] : memref<416x16384xf32, #tpu.memory_space<hbm>> -> memref<16x256xf32, #tpu.memory_space<hbm>>
        tpu.wait_dma2 semaphore(%run_scoped3A : memref<!tpu.dma_semaphore, #tpu.memory_space<semaphore_mem>>) src(%arg8 : memref<16x256xf32, #tpu.memory_space<vmem>>) dst(%dma_wait3A_2529 : memref<16x256xf32, #tpu.memory_space<hbm>>)
        tpu.yield
      }) : () -> ()
    }
    %scan3A_7 = arith.constant 52 : i32
    return
  }
}

</mosaic_0001>

<sc_bundles>
// kernel: kernel.3.cloned.1.call-start
scs
__scs_entry_jumppad:
0x0: {  	(pc) =	sbr.rel $0x88, $3  }
0x1: {  	(tag) =	ssettag $0x0;
	lr =	simm.s32 $0x1  }
0x2: {  	[smem:$0x3F9F] =	sst lr;
	_ =	strace $0xD0000000  }
0x3: {  	_ = 	snop  }
0x4: {  	_ = 	snop  }
0x5: {  	_ = 	snop  }
0x6: {  	_ = 	snop  }
0x7: {  	_ = 	snop  }
__scs_overlays_trampoline_lowered:
0x8: {  	[smem:$0x3FAE] =	sst s0  }
0x9: {  	[smem:$0x3FAF] =	sst s1  }
0xa: {  	[smem:$0x3FB0] =	sst s2  }
0xb: {  	[smem:$0x3FB1] =	sst s3  }
0xc: {  	[smem:$0x3FB2] =	sst s4  }
0xd: {  	[smem:$0x3FB3] =	sst s5  }
0xe: {  	[smem:$0x3FB4] =	sst s6  }
0xf: {  	[smem:$0x3FB5] =	sst s7  }
0x10: {  	[smem:$0x3FB6] =	sst s8  }
0x11: {  	[smem:$0x3FB7] =	sst s9;
	s0 =	simm.s32 @!p0 $0x0  }
0x12: {  	s1 =	sld [smem:$0x3F9D];
	s0 =	simm.s32 @p0 $0x1  }
0x13: {  	[smem:$0x3FB8] =	sst s0;
	s0 =	simm.s32 @!p1 $0x0  }
0x14: {  	s2 =	sld [smem:$0x3F9C];
	s0 =	simm.s32 @p1 $0x1  }
0x15: {  	[smem:$0x3FB9] =	sst s0;
	s0 =	simm.s32 @!p2 $0x0  }
0x16: {  	s3 =	sld [smem:$0x3FDB];
	s0 =	simm.s32 @p2 $0x1  }
0x17: {  	s4 =	simm.s32 $0x1BF5;
	[smem:$0x3FBB] =	sst s0  }
0x18: {  	s0 =	sld [smem:$0x3F9E];
	_ =	swait.ge [sflag:s4], $0x0  }
0x19: {  	s7 =	sld [smem:$0x3F9F]  }
0x1a: {  	s8 =	sadd.s32 $0xFFFFE003, lr  }
0x1b: {  	s9 =	sadd.s32 $0xFFFFFEF7, lr;
	s5 =	simm.s32 $0xFFFFFFFF;
	p2 =	slt.u32 s8, $0xFFFFF086  }
0x1c: {  	p1 =	slt.u32 s9, $0xF7A;
	s5 =	simm.s32 @!p2 $0x0  }
0x1d: {  	s5 =	simm.s32 @p1 $0x1;
	p0 =	seq.s32 s7, s2  }
0x1e: {  	s7 =	smul.u32 @!p0 $0xF7A, s2;
	p2 =	seq.s32 @!p0 s5, $0x0  }
0x1f: {  	s9 =	smul.u32 $0xF7A, s1;
	s8 =	simm.s32 @!p0 $0x1BF5;
	p2 =	por !p2, p0  }
0x20: {  	[sflag:s8] =	ssyncset.s32 @!p0 $0xFFFFF086;
	s6 =	sadd.s32 @!p0 s3, s7;
	s7 =	simm.s32 @!p0 $0x108  }
0x21: {  	s3 =	sadd.s32 s3, s9;
	s6 =	sadd.s32 @!p0 $0x88, s6;
	s7 =	simm.s32 @p2 $0x1082  }
0x22: {  	[simem:s7], [sflag:s8] =	dma.local @!p0 [hbm:s6], $0xF7A  }
0x23: {  	s9 =	sor.u32 $0xD0000000, s2;
	s6 =	simm.s32 $0x108;
	_ =	swait.ge @!p0 [sflag:s8], $0x0  }
0x24: {  	s3 =	sadd.s32 $0x88, s3;
	s6 =	simm.s32 @!p1 $0x1082;
	[sflag:s4] =	ssyncset.s32 $0xFFFFF086  }
0x25: {  	[simem:s6], [sflag:s4] =	dma.local [hbm:s3], $0xF7A  }
0x26: {  	[smem:$0x3F9F] =	sst s1;
	(tag) =	ssettag s2;
	_ =	strace s9  }
0x27: {  	s1 =	sld [smem:$0x3FAF]  }
0x28: {  	s2 =	sld [smem:$0x3FB0]  }
0x29: {  	s4 =	sld [smem:$0x3FB2]  }
0x2a: {  	p0 =	seq.s32 s5, $0x0;
	s5 =	sld [smem:$0x3FB3]  }
0x2b: {  	s6 =	sld [smem:$0x3FB4]  }
0x2c: {  	s7 =	sld [smem:$0x3FB5]  }
0x2d: {  	s3 =	simm.s32 $0x108;
	s8 =	sld [smem:$0x3FB6]  }
0x2e: {  	s3 =	simm.s32 @!p0 $0x1082;
	s9 =	sld [smem:$0x3FB7]  }
0x2f: {  	lr =	sadd.s32 s0, s3;
	s0 =	sld [smem:$0x3FAE]  }
0x30: {  	s3 =	sld [smem:$0x3FB1]  }
0x31: {  	[smem:$0x3FBA] =	sst s10  }
0x32: {  	s10 =	sld [smem:$0x3FB8];
	_ =	sdelay $0x3  }
0x33: {  	p0 =	seq.s32 s10, $0x1;
	s10 =	sld [smem:$0x3FBA];
	_ =	sdelay $0x3  }
0x34: {  	[smem:$0x3FBA] =	sst s10  }
0x35: {  	s10 =	sld [smem:$0x3FB9];
	_ =	sdelay $0x3  }
0x36: {  	p1 =	seq.s32 s10, $0x1;
	s10 =	sld [smem:$0x3FBA];
	_ =	sdelay $0x3  }
0x37: {  	[smem:$0x3FBA] =	sst s10  }
0x38: {  	s10 =	sld [smem:$0x3FBB]  }
0x39: {  	_ = 	snop;
	(pc) =	sbr.ind lr, $3  }
0x3a: {  	_ = 	snop  }
0x3b: {  	_ = 	snop  }
0x3c: {  	p2 =	seq.s32 s10, $0x1;
	s10 =	sld [smem:$0x3FBA]  }
0x3d: {  	_ =	shalt  }
0x3e: {  	_ =	shalt  }
0x3f: {  	_ =	shalt  }
0x40: {  	_ =	shalt  }
0x41: {  	_ =	shalt  }
0x42: {  	_ =	shalt  }
0x43: {  	_ =	shalt  }
0x44: {  	_ =	shalt  }
0x45: {  	_ =	shalt  }
0x46: {  	_ =	shalt  }
0x47: {  	_ =	shalt  }
0x48: {  	_ =	shalt  }
0x49: {  	_ =	shalt  }
0x4a: {  	_ =	shalt  }
0x4b: {  	_ =	shalt  }
0x4c: {  	_ =	shalt  }
0x4d: {  	_ =	shalt  }
0x4e: {  	_ =	shalt  }
0x4f: {  	_ =	shalt  }
0x50: {  	_ =	shalt  }
0x51: {  	_ =	shalt  }
0x52: {  	_ =	shalt  }
0x53: {  	_ =	shalt  }
0x54: {  	_ =	shalt  }
0x55: {  	_ =	shalt  }
0x56: {  	_ =	shalt  }
0x57: {  	_ =	shalt  }
0x58: {  	_ =	shalt  }
0x59: {  	_ =	shalt  }
0x5a: {  	_ =	shalt  }
0x5b: {  	_ =	shalt  }
0x5c: {  	_ =	shalt  }
0x5d: {  	_ =	shalt  }
0x5e: {  	_ =	shalt  }
0x5f: {  	_ =	shalt  }
0x60: {  	_ =	shalt  }
0x61: {  	_ =	shalt  }
0x62: {  	_ =	shalt  }
0x63: {  	_ =	shalt  }
0x64: {  	_ =	shalt  }
0x65: {  	_ =	shalt  }
0x66: {  	_ =	shalt  }
0x67: {  	_ =	shalt  }
0x68: {  	_ =	shalt  }
0x69: {  	_ =	shalt  }
0x6a: {  	_ =	shalt  }
0x6b: {  	_ =	shalt  }
0x6c: {  	_ =	shalt  }
0x6d: {  	_ =	shalt  }
0x6e: {  	_ =	shalt  }
0x6f: {  	_ =	shalt  }
0x70: {  	_ =	shalt  }
0x71: {  	_ =	shalt  }
0x72: {  	_ =	shalt  }
0x73: {  	_ =	shalt  }
0x74: {  	_ =	shalt  }
0x75: {  	_ =	shalt  }
0x76: {  	_ =	shalt  }
0x77: {  	_ =	shalt  }
0x78: {  	_ =	shalt  }
0x79: {  	_ =	shalt  }
0x7a: {  	_ =	shalt  }
0x7b: {  	_ =	shalt  }
0x7c: {  	_ =	shalt  }
0x7d: {  	_ =	shalt  }
0x7e: {  	_ =	shalt  }
0x7f: {  	_ =	shalt  }
0x80: {  	_ =	shalt  }
0x81: {  	_ =	shalt  }
0x82: {  	_ =	shalt  }
0x83: {  	_ =	shalt  }
0x84: {  	_ =	shalt  }
0x85: {  	_ =	shalt  }
0x86: {  	_ =	shalt  }
0x87: {  	_ =	shalt  }
.Lfunc_end0:
.L_simem_size_0:
called_computation_lowered:
.L_overlay_start_0:
0x88: {  	s2 =	sld [smem:$0x3FD9]  }
0x89: {  	s3 =	sld [smem:$0x3FFE];
	_ =	sdelay $0x1  }
0x8a: {  	s1 =	srdreg.scid  }
0x8b: {  	s0 =	sand.u32 $0x1, s1  }
0x8c: {  	s17 =	sshll.u32 s0, $0xA;
	s2 =	sadd.s32 s3, s2  }
0x8d: {  	s2 =	sadd.s32 s2, s17  }
0x8e: {  	[smem:$0x3FC6] =	sst s2  }
0x8f: {  	_ = 	snop  }
0x90: {  	s2 =	sld [smem:$0x3FD0];
	(tm) =	ssettm $0x1  }
0x91: {  	s18 =	sld [smem:$0x3FFB];
	_ =	sdelay $0x3  }
0x92: {  	_ =	strace s18  }
0x93: {  	s3 =	sld [smem:$0x3FFC];
	_ =	sdelay $0x3  }
0x94: {  	_ =	strace s3  }
0x95: {  	s3 =	sld [smem:$0x3FFD];
	_ =	sdelay $0x3  }
0x96: {  	_ =	strace s3  }
0x97: {  	_ =	strace $0x8FFFFFFF  }
0x98: {  	s19 =	sld [smem:$0x3FDB];
	_ =	sdelay $0x1  }
0x99: {  	s4 =	simm.s32 $_scs_section_size  }
0x9a: {  	s5 =	simm.s32 $_size__tile_overlayer_lowered;
	s6 =	simm.s32 $_tile_overlayer_lowered  }
0x9b: {  	s22 =	simm.s32 $0x1BFF;
	s21 =	sshll.u32 s6, $0x1;
	s3 =	sadd.s32 s4, s19  }
0x9c: {  	s7 =	simm.s32 $0x0;
	s20 =	sshll.u32 s5, $0x1;
	s5 =	sadd.s32 s21, s3  }
0x9d: {  	[timem:s7], [sflag:s22] =	dma.local [hbm:s5], s20  }
0x9e: {  	_ =	swait.ge [sflag:s22], s20  }
0x9f: {  	s4 =	ssub.s32 $0x0, s20;
	[sflag:s22] =	ssyncset.done $0x0  }
0xa0: {  	[sflag:s22] =	ssyncadd.s32 s4;
	_ =	sdelay $0x1  }
0xa1: {  	s23 =	simm.s32 $0x1B8B  }
0xa2: {  	_ =	swait.ge [sflag:s23], $0x1  }
0xa3: {  	[sflag:s23] =	ssyncset.done $0x0  }
0xa4: {  	s25 =	simm.s32 $0x1B8E;
	s24 =	sld [smem:$0x3FFE];
	[sflag:s23] =	ssyncadd.s32 $0xFFFFFFFF  }
0xa5: {  	s26 =	simm.s32 $execute0_lowered;
	[smem:$0x3FD2] =	sst s25  }
0xa6: {  	s5 =	sshll.u32 s26, $0x1;
	_ =	strace $0x80000046;
	[dreg:$0x1] =	wrdreg $0xFFFFFFFF  }
0xa7: {  	s28 =	simm.s32 $_size_execute0_lowered;
	s3 =	sadd.s32 s3, s5;
	[dreg:$0x0] =	wrdreg $0x0  }
0xa8: {  	s5 =	sshll.u32 s28, $0x1;
	[dreg:$0x2] =	wrdreg s3  }
0xa9: {  	[dreg:$0x3] =	wrdreg s5  }
0xaa: {  	[dreg:$0x4] =	wrdreg $0xC0  }
0xab: {  	_ =	task [dreg:s7], $0x5FFFF  }
0xac: {  	[dreg:$0x1] =	wrdreg $0xFFFFFFFF  }
0xad: {  	[dreg:$0x0] =	wrdreg $0x60  }
0xae: {  	[dreg:$0x2] =	wrdreg s24  }
0xaf: {  	[dreg:$0x3] =	wrdreg s2  }
0xb0: {  	[dreg:$0x4] =	wrdreg $0x9  }
0xb1: {  	_ =	task.clear_ibuf [dreg:s7], $0x5FFFF;
	_ =	strace $0x90000046  }
0xb2: {  	s29 =	simm.s32 $0x9;
	_ =	strace $0x80000048  }
0xb3: {  	_ =	swait.ge [sflag:s29], $0x1  }
0xb4: {  	[sflag:s29] =	ssyncadd.s32 $0xFFFFFFFF  }
0xb5: {  	_ =	strace $0x90000048  }
0xb6: {  	_ =	sfence  }
0xb7: {  	s30 =	sld [smem:$0x0];
	_ =	sdelay $0x2  }
0xb8: {  	s31 =	sshll.u32 s1, $0xD;
	s1 =	sshrl.u32 s1, $0x2  }
0xb9: {  	s3 =	sand.u32 $0x4000, s31;
	s1 =	sadd.s32 s1, s30  }
0xba: {  	s0 =	sor.u32 s3, s0;
	s1 =	sshll.u32 s1, $0x11  }
0xbb: {  	s0 =	sor.u32 s1, s0  }
0xbc: {  	s0 =	sadd.s32 $0x8F2B, s0  }
0xbd: {  	[sflag:s0] =	ssyncadd.remote.s32 $0x1  }
0xbe: {  	_ =	sfence.sel $0xFFFF  }
0xbf: {  	[dreg:$0x0] =	wrdreg $0xFFFFFFFF;
	(pc) =	sbr.abs _section_cstart, $3  }
0xc0: {  	[dreg:$0x1] =	wrdreg $0xFFFFFFFF  }
0xc1: {  	_ =	task.clear_ibuf [dreg:s7], $0x2FFFF;
	_ =	strace $0x9FFFFFFF  }
0xc2: {  	(tm) =	ssettm $0x7FFFFFFF  }
0xc3: {  	_ =	shalt  }
tec
execute0_lowered:
.L_overlay_start_1:
0x0: {  	(tag) =	ssettag $0x1  }
0x1: {  	v0 =	vlaneseq.u32  }
0x2: {  	v0 =	vmul.u32 $0x80, v0;
	_ =	sdelay $0x1  }
0x3: {  	v4 =	vor.u32 $0x1, v0;
	v5 =	vor.u32 $0x2, v0;
	v6 =	vor.u32 $0x3, v0  }
0x4: {  	v7 =	vor.u32 $0x4, v0;
	v8 =	vor.u32 $0x5, v0;
	v9 =	vor.u32 $0x6, v0  }
0x5: {  	v10 =	vor.u32 $0x7, v0;
	v11 =	vor.u32 $0x8, v0;
	v12 =	vor.u32 $0x9, v0  }
0x6: {  	v13 =	vor.u32 $0xA, v0;
	v14 =	vor.u32 $0xB, v0;
	v15 =	vor.u32 $0xC, v0  }
0x7: {  	v16 =	vor.u32 $0xD, v0;
	v17 =	vor.u32 $0xE, v0;
	v18 =	vor.u32 $0xF, v0  }
0x8: {  	v19 =	vor.u32 $0x800, v0;
	v20 =	vor.u32 $0x801, v0;
	v21 =	vor.u32 $0x802, v0  }
0x9: {  	v22 =	vor.u32 $0x803, v0;
	v23 =	vor.u32 $0x804, v0;
	v24 =	vor.u32 $0x805, v0  }
0xa: {  	v25 =	vor.u32 $0x806, v0;
	v26 =	vor.u32 $0x807, v0;
	v27 =	vor.u32 $0x808, v0  }
0xb: {  	v28 =	vor.u32 $0x809, v0;
	v29 =	vor.u32 $0x80A, v0;
	v30 =	vor.u32 $0x80B, v0  }
0xc: {  	v31 =	vor.u32 $0x80C, v0;
	v32 =	vor.u32 $0x80D, v0;
	v33 =	vor.u32 $0x80E, v0  }
0xd: {  	v34 =	vor.u32 $0x80F, v0;
	v35 =	vor.u32 $0x1000, v0;
	v36 =	vor.u32 $0x1001, v0  }
0xe: {  	s5 =	rddreg [dreg:$0x0];
	v37 =	vor.u32 $0x1002, v0;
	v38 =	vor.u32 $0x1003, v0;
	v39 =	vor.u32 $0x1004, v0  }
0xf: {  	s1 =	rddreg [dreg:$0x1];
	v40 =	vor.u32 $0x1005, v0;
	v41 =	vor.u32 $0x1006, v0;
	v42 =	vor.u32 $0x1007, v0  }
0x10: {  	s0 =	rddreg [dreg:$0x2];
	s2 =	simm.s32 $0x0;
	s10 =	simm.s32 $0x200;
	v43 =	vor.u32 $0x1008, v0;
	v44 =	vor.u32 $0x1009, v0;
	v45 =	vor.u32 $0x100A, v0  }
0x11: {  	s12 =	simm.s32 $0x800;
	s13 =	simm.s32 $0x20000;
	[smem:$0x7FF] =	sst s2;
	v46 =	vor.u32 $0x100B, v0;
	v47 =	vor.u32 $0x100C, v0;
	v1 =	vor.u32 $0x180D, v0  }
0x12: {  	s3 =	srdreg.scid;
	s11 =	simm.s32 $0x1;
	_ =	strace $0x80000047;
	v48 =	vor.u32 $0x100D, v0;
	v49 =	vor.u32 $0x100E, v0;
	v61 =	vor.u32 $0x180A, v0;
	[tilespmem:$0x1FFA0] =	vst v1  }
0x13: {  	s14 =	simm.s32 $0x8200;
	s15 =	simm.s32 $0x0;
	s6 =	sand.u32 $0x1, s3;
	v50 =	vor.u32 $0x100F, v0;
	v51 =	vor.u32 $0x1800, v0;
	v58 =	vor.u32 $0x1807, v0;
	[tilespmem:$0x1FFD0] =	vst v61  }
0x14: {  	s4 =	sadd.s32 $0x600, s5;
	s3 =	stileid.u32;
	s7 =	ssub.s32 $0x2, s6;
	v52 =	vor.u32 $0x1801, v0;
	v53 =	vor.u32 $0x1802, v0;
	v55 =	vor.u32 $0x1804, v0;
	[tilespmem:$0x1FFE0] =	vst v58  }
0x15: {  	s9 =	sshll.u32 s3, $0xA;
	s6 =	sshll.u32 s6, $0x9;
	s8 =	sshrl.u32 s7, $0x1;
	v54 =	vor.u32 $0x1803, v0;
	v56 =	vor.u32 $0x1805, v0;
	v1 =	vor.u32 $0x180E, v0;
	[tilespmem:$0x1FFF0] =	vst v55  }
0x16: {  	s5 =	sadd.s32 $0x27ACA00, s5;
	s6 =	sor.u32 s6, s9;
	v57 =	vor.u32 $0x1806, v0;
	v59 =	vor.u32 $0x1808, v0;
	s7 =	ssub.s32 s7, s8;
	[tilespmem:$0x1FFB0] =	vst v1;
	v1 =	vor.u32 $0x180F, v0  }
0x17: {  	s9 =	simm.s32 $0x100;
	v60 =	vor.u32 $0x1809, v0;
	v62 =	vor.u32 $0x180B, v0;
	v63 =	vor.u32 $0x180C, v0;
	s8 =	simm.s32 $0x2;
	s7 =	smax.u32 s7, $0x1;
	[tilespmem:$0x1FFC0] =	vst v1  }
.LBB2_1:
0x18: {  	s16 =	simm.s32 $0x0;
	s17 =	simm.s32 $0x0  }
.LBB2_2:
0x19: {  	s19 =	sshrl.u32 s17, $0x1;
	s18 =	sand.u32 $0x100, s16  }
0x1a: {  	s18 =	sor.u32 s6, s18;
	s20 =	sshll.u32 s19, $0xE  }
0x1b: {  	s20 =	sor.u32 s20, s18  }
0x1c: {  	s20 =	sshrl.u32 s20, $0x3  }
0x1d: {  	s20 =	sadd.s32 s4, s20  }
0x1e: {  	[tilespmem:s2], [sflag:$0x2] =	stream.linear.gather [hbm4b:s20+s2], $0x100, $0x38;
	[tilespmem:$0x9200] =	vst v63  }
0x1f: {  	_ =	swait.ge [sflag:s8], $0x100  }
0x20: {  	[sflag:s8] =	ssyncset.done $0x0  }
0x21: {  	[sflag:s8] =	ssyncadd.s32 $0xFFFFFF00  }
0x22: {  	v1 =	vld [tilespmem:$0x0];
	_ =	sdelay $0x1  }
0x23: {  	v2 =	vld [tilespmem:$0x10]  }
0x24: {  	v61 =	vmovc v52;
	v58 =	vmovc v49;
	v55 =	vmov v46;
	v52 =	vmov v43;
	v49 =	vmov v40  }
0x25: {  	v46 =	vmovc v37;
	v43 =	vmovc v34;
	v40 =	vmov v31;
	v37 =	vmov v28;
	v34 =	vmov v25;
	v3 =	vld [tilespmem:$0x20]  }
0x26: {  	v31 =	vmovc v22;
	v28 =	vmovc v19;
	v25 =	vmov v16;
	v22 =	vmov v13;
	s31 =	smul.u32 $0x186A0, s19;
	vm0 =	vlt.s32 v1, $0x1869F  }
0x27: {  	v19 =	vmovc v10;
	v16 =	vmovc v7;
	v13 =	vmov v4;
	v10 =	vmov v8;
	v4 =	vld [tilespmem:$0x30];
	v1 =	vnsel vm0, $0x1869F, v1  }
0x28: {  	v8 =	vmovc v5;
	v7 =	vmovc v15;
	v15 =	vmov v12;
	vm13 =	vlt.s32 v2, $0x1869F;
	v5 =	vadd.s32 s31, v1  }
0x29: {  	v12 =	vmovc v9;
	v9 =	vmovc v6;
	v6 =	vld [tilespmem:$0x40];
	v2 =	vnsel vm13, $0x1869F, v2;
	v1 =	vshll.u32 v1, $0x4;
	v5 =	vshra.s32 v5, $0x3  }
0x2a: {  	vm14 =	vlt.s32 v3, $0x1869F;
	v1 =	vand.u32 $0x70, v1;
	[tilespmem:$0x0] =	vst v5;
	v5 =	vadd.s32 s31, v2  }
0x2b: {  	v3 =	vnsel vm14, $0x1869F, v3;
	[tilespmem:$0x100] =	vst v1;
	v2 =	vshll.u32 v2, $0x4;
	v1 =	vshra.s32 v5, $0x3;
	v5 =	vld [tilespmem:$0x50]  }
0x2c: {  	vm15 =	vlt.s32 v4, $0x1869F;
	[tilespmem:$0x10] =	vst v1;
	v1 =	vand.u32 $0x70, v2;
	v2 =	vadd.s32 s31, v3  }
0x2d: {  	[tilespmem:$0x110] =	vst v1;
	v1 =	vshra.s32 v2, $0x3;
	v2 =	vshll.u32 v3, $0x4;
	v3 =	vnsel vm15, $0x1869F, v4;
	v4 =	vld [tilespmem:$0x60]  }
0x2e: {  	vm4 =	vlt.s32 v6, $0x1869F;
	[tilespmem:$0x20] =	vst v1;
	v1 =	vand.u32 $0x70, v2;
	v2 =	vadd.s32 s31, v3  }
0x2f: {  	[tilespmem:$0x120] =	vst v1;
	v1 =	vshra.s32 v2, $0x3;
	v2 =	vshll.u32 v3, $0x4;
	v3 =	vnsel vm4, $0x1869F, v6;
	v6 =	vld [tilespmem:$0x70]  }
0x30: {  	[tilespmem:$0x30] =	vst v1;
	v1 =	vand.u32 $0x70, v2;
	v2 =	vadd.s32 s31, v3;
	vm5 =	vlt.s32 v5, $0x1869F  }
0x31: {  	[tilespmem:$0x130] =	vst v1;
	v1 =	vshra.s32 v2, $0x3;
	v2 =	vshll.u32 v3, $0x4;
	v3 =	vnsel vm5, $0x1869F, v5;
	v5 =	vld [tilespmem:$0x80]  }
0x32: {  	[tilespmem:$0x40] =	vst v1;
	v1 =	vand.u32 $0x70, v2;
	v2 =	vadd.s32 s31, v3;
	vm6 =	vlt.s32 v4, $0x1869F  }
0x33: {  	[tilespmem:$0x140] =	vst v1;
	v1 =	vshra.s32 v2, $0x3;
	v2 =	vshll.u32 v3, $0x4;
	v3 =	vnsel vm6, $0x1869F, v4;
	v4 =	vld [tilespmem:$0x90]  }
0x34: {  	[tilespmem:$0x50] =	vst v1;
	v1 =	vand.u32 $0x70, v2;
	v2 =	vadd.s32 s31, v3;
	vm7 =	vlt.s32 v6, $0x1869F  }
0x35: {  	[tilespmem:$0x150] =	vst v1;
	v1 =	vshra.s32 v2, $0x3;
	v2 =	vshll.u32 v3, $0x4;
	v3 =	vnsel vm7, $0x1869F, v6;
	v6 =	vld [tilespmem:$0xA0]  }
0x36: {  	[tilespmem:$0x60] =	vst v1;
	v1 =	vand.u32 $0x70, v2;
	v2 =	vadd.s32 s31, v3;
	vm8 =	vlt.s32 v5, $0x1869F  }
0x37: {  	[tilespmem:$0x160] =	vst v1;
	v1 =	vshra.s32 v2, $0x3;
	v2 =	vshll.u32 v3, $0x4;
	v3 =	vnsel vm8, $0x1869F, v5;
	v5 =	vld [tilespmem:$0xB0]  }
0x38: {  	[tilespmem:$0x70] =	vst v1;
	v1 =	vand.u32 $0x70, v2;
	v2 =	vadd.s32 s31, v3;
	vm9 =	vlt.s32 v4, $0x1869F  }
0x39: {  	[tilespmem:$0x170] =	vst v1;
	v1 =	vshra.s32 v2, $0x3;
	v2 =	vshll.u32 v3, $0x4;
	v3 =	vnsel vm9, $0x1869F, v4;
	v4 =	vld [tilespmem:$0xC0]  }
0x3a: {  	[tilespmem:$0x80] =	vst v1;
	v1 =	vand.u32 $0x70, v2;
	v2 =	vadd.s32 s31, v3;
	vm10 =	vlt.s32 v6, $0x1869F  }
0x3b: {  	[tilespmem:$0x180] =	vst v1;
	v1 =	vshra.s32 v2, $0x3;
	v2 =	vshll.u32 v3, $0x4;
	v3 =	vnsel vm10, $0x1869F, v6;
	v6 =	vld [tilespmem:$0xD0]  }
0x3c: {  	[tilespmem:$0x90] =	vst v1;
	v1 =	vand.u32 $0x70, v2;
	v2 =	vadd.s32 s31, v3;
	vm11 =	vlt.s32 v5, $0x1869F  }
0x3d: {  	[tilespmem:$0x190] =	vst v1;
	v1 =	vshra.s32 v2, $0x3;
	v2 =	vshll.u32 v3, $0x4;
	v3 =	vnsel vm11, $0x1869F, v5;
	v5 =	vld [tilespmem:$0xE0]  }
0x3e: {  	[tilespmem:$0xA0] =	vst v1;
	v1 =	vand.u32 $0x70, v2;
	v2 =	vadd.s32 s31, v3;
	vm12 =	vlt.s32 v4, $0x1869F  }
0x3f: {  	[tilespmem:$0x1A0] =	vst v1;
	v1 =	vshra.s32 v2, $0x3;
	v2 =	vshll.u32 v3, $0x4;
	v3 =	vnsel vm12, $0x1869F, v4;
	v4 =	vld [tilespmem:$0xF0]  }
0x40: {  	[tilespmem:$0xB0] =	vst v1;
	v1 =	vand.u32 $0x70, v2;
	v2 =	vadd.s32 s31, v3;
	vm13 =	vlt.s32 v6, $0x1869F  }
0x41: {  	[tilespmem:$0x1B0] =	vst v1;
	v1 =	vshra.s32 v2, $0x3;
	v2 =	vshll.u32 v3, $0x4;
	v3 =	vnsel vm13, $0x1869F, v6  }
0x42: {  	[tilespmem:$0xC0] =	vst v1;
	v1 =	vand.u32 $0x70, v2;
	v2 =	vadd.s32 s31, v3;
	vm14 =	vlt.s32 v5, $0x1869F  }
0x43: {  	[tilespmem:$0x1C0] =	vst v1;
	v1 =	vshra.s32 v2, $0x3;
	v2 =	vshll.u32 v3, $0x4;
	v3 =	vnsel vm14, $0x1869F, v5  }
0x44: {  	[tilespmem:$0xD0] =	vst v1;
	v1 =	vand.u32 $0x70, v2;
	v2 =	vadd.s32 s31, v3;
	vm15 =	vlt.s32 v4, $0x1869F  }
0x45: {  	v3 =	vshll.u32 v3, $0x4;
	[tilespmem:$0x1D0] =	vst v1;
	v1 =	vnsel vm15, $0x1869F, v4;
	v2 =	vshra.s32 v2, $0x3  }
0x46: {  	v6 =	vmov v9;
	[tilespmem:$0xE0] =	vst v2;
	v2 =	vand.u32 $0x70, v3;
	v3 =	vadd.s32 s31, v1  }
0x47: {  	v9 =	vmovc v12;
	v12 =	vmovc v15;
	v15 =	vmov v7;
	v1 =	vshll.u32 v1, $0x4;
	[tilespmem:$0x1E0] =	vst v2;
	v2 =	vshra.s32 v3, $0x3  }
0x48: {  	v7 =	vmovc v16;
	v16 =	vmovc v25;
	v25 =	vmov v34;
	v34 =	vmov v43;
	v1 =	vand.u32 $0x70, v1;
	[tilespmem:$0xF0] =	vst v2  }
0x49: {  	v43 =	vmovc v52;
	v52 =	vmovc v61;
	v61 =	vld [tilespmem:$0x1FFD0];
	v5 =	vmov v8;
	v8 =	vmov v10;
	v10 =	vmov v19;
	[tilespmem:$0x1F0] =	vst v1  }
0x4a: {  	v19 =	vmovc v28;
	v28 =	vmovc v37;
	v37 =	vmov v46;
	v46 =	vmov v55;
	v55 =	vld [tilespmem:$0x1FFF0];
	v4 =	vmov v13;
	[tilespmem:s10], [sflag:$0x1] =	stream.indirect.gather [hbm4b:s5+s9], $0x80, s2, s9, $0xb8  }
0x4b: {  	v13 =	vmovc v22;
	v22 =	vmovc v31;
	v31 =	vmov v40;
	v40 =	vmov v49;
	v49 =	vmov v58;
	v58 =	vld [tilespmem:$0x1FFE0];
	_ =	swait.ge [sflag:s11], $0x8000  }
0x4c: {  	[sflag:s11] =	ssyncset.done $0x0  }
0x4d: {  	[sflag:s11] =	ssyncadd.s32 $0xFFFF8000  }
0x4e: {  	v1 =	vld [tilespmem:$0x100];
	_ =	sdelay $0x4  }
0x4f: {  	v2 =	vadd.s32 v0, v1;
	_ =	sdelay $0x4  }
0x50: {  	v2 =	vld.idx.msk [tilespmem:v2+s10+$0x0], $0xffff  }
0x51: {  	v3 =	vadd.s32 v4, v1;
	_ =	sdelay $0x3  }
0x52: {  	[tilespmem:$0x8200] =	vst v2  }
0x53: {  	v2 =	vld.idx.msk [tilespmem:v3+s10+$0x0], $0xffff  }
0x54: {  	v3 =	vadd.s32 v5, v1;
	_ =	sdelay $0x3  }
0x55: {  	[tilespmem:$0x8280] =	vst v2  }
0x56: {  	v2 =	vld.idx.msk [tilespmem:v3+s10+$0x0], $0xffff  }
0x57: {  	v3 =	vadd.s32 v6, v1;
	_ =	sdelay $0x3  }
0x58: {  	[tilespmem:$0x8300] =	vst v2  }
0x59: {  	v2 =	vld.idx.msk [tilespmem:v3+s10+$0x0], $0xffff  }
0x5a: {  	v3 =	vadd.s32 v7, v1;
	_ =	sdelay $0x3  }
0x5b: {  	[tilespmem:$0x8380] =	vst v2  }
0x5c: {  	v2 =	vld.idx.msk [tilespmem:v3+s10+$0x0], $0xffff  }
0x5d: {  	v3 =	vadd.s32 v8, v1;
	_ =	sdelay $0x3  }
0x5e: {  	[tilespmem:$0x8400] =	vst v2  }
0x5f: {  	v2 =	vld.idx.msk [tilespmem:v3+s10+$0x0], $0xffff  }
0x60: {  	v3 =	vadd.s32 v9, v1;
	_ =	sdelay $0x3  }
0x61: {  	[tilespmem:$0x8480] =	vst v2  }
0x62: {  	v2 =	vld.idx.msk [tilespmem:v3+s10+$0x0], $0xffff  }
0x63: {  	v3 =	vadd.s32 v10, v1;
	_ =	sdelay $0x3  }
0x64: {  	[tilespmem:$0x8500] =	vst v2  }
0x65: {  	v2 =	vld.idx.msk [tilespmem:v3+s10+$0x0], $0xffff  }
0x66: {  	v3 =	vadd.s32 v11, v1;
	_ =	sdelay $0x3  }
0x67: {  	[tilespmem:$0x8580] =	vst v2  }
0x68: {  	v2 =	vld.idx.msk [tilespmem:v3+s10+$0x0], $0xffff  }
0x69: {  	v3 =	vadd.s32 v12, v1;
	_ =	sdelay $0x3  }
0x6a: {  	[tilespmem:$0x8A00] =	vst v2  }
0x6b: {  	v2 =	vld.idx.msk [tilespmem:v3+s10+$0x0], $0xffff  }
0x6c: {  	v3 =	vadd.s32 v13, v1;
	_ =	sdelay $0x3  }
0x6d: {  	[tilespmem:$0x8A80] =	vst v2  }
0x6e: {  	v2 =	vld.idx.msk [tilespmem:v3+s10+$0x0], $0xffff  }
0x6f: {  	v3 =	vadd.s32 v14, v1;
	_ =	sdelay $0x3  }
0x70: {  	[tilespmem:$0x8B00] =	vst v2  }
0x71: {  	v2 =	vld.idx.msk [tilespmem:v3+s10+$0x0], $0xffff  }
0x72: {  	v3 =	vadd.s32 v15, v1;
	_ =	sdelay $0x3  }
0x73: {  	[tilespmem:$0x8B80] =	vst v2  }
0x74: {  	v2 =	vld.idx.msk [tilespmem:v3+s10+$0x0], $0xffff  }
0x75: {  	v3 =	vadd.s32 v16, v1;
	_ =	sdelay $0x3  }
0x76: {  	[tilespmem:$0x8C00] =	vst v2  }
0x77: {  	v2 =	vld.idx.msk [tilespmem:v3+s10+$0x0], $0xffff  }
0x78: {  	v3 =	vadd.s32 v17, v1;
	_ =	sdelay $0x3  }
0x79: {  	[tilespmem:$0x8C80] =	vst v2  }
0x7a: {  	v2 =	vld.idx.msk [tilespmem:v3+s10+$0x0], $0xffff;
	_ =	sdelay $0x3  }
0x7b: {  	v1 =	vadd.s32 v18, v1  }
0x7c: {  	[tilespmem:$0x8D00] =	vst v2;
	v2 =	vld [tilespmem:$0x110];
	_ =	sdelay $0x3  }
0x7d: {  	v1 =	vld.idx.msk [tilespmem:v1+s10+$0x0], $0xffff  }
0x7e: {  	v3 =	vadd.s32 v19, v2;
	_ =	sdelay $0x3  }
0x7f: {  	[tilespmem:$0x8D80] =	vst v1  }
0x80: {  	v1 =	vld.idx.msk [tilespmem:v3+s10+$0x0], $0xffff  }
0x81: {  	v3 =	vadd.s32 v20, v2;
	_ =	sdelay $0x3  }
0x82: {  	[tilespmem:$0x8210] =	vst v1  }
0x83: {  	v1 =	vld.idx.msk [tilespmem:v3+s10+$0x0], $0xffff  }
0x84: {  	v3 =	vadd.s32 v21, v2;
	_ =	sdelay $0x3  }
0x85: {  	[tilespmem:$0x8290] =	vst v1  }
0x86: {  	v1 =	vld.idx.msk [tilespmem:v3+s10+$0x0], $0xffff  }
0x87: {  	v3 =	vadd.s32 v22, v2;
	_ =	sdelay $0x3  }
0x88: {  	[tilespmem:$0x8310] =	vst v1  }
0x89: {  	v1 =	vld.idx.msk [tilespmem:v3+s10+$0x0], $0xffff  }
0x8a: {  	v3 =	vadd.s32 v23, v2;
	_ =	sdelay $0x3  }
0x8b: {  	[tilespmem:$0x8390] =	vst v1  }
0x8c: {  	v1 =	vld.idx.msk [tilespmem:v3+s10+$0x0], $0xffff  }
0x8d: {  	v3 =	vadd.s32 v24, v2;
	_ =	sdelay $0x3  }
0x8e: {  	[tilespmem:$0x8410] =	vst v1  }
0x8f: {  	v1 =	vld.idx.msk [tilespmem:v3+s10+$0x0], $0xffff  }
0x90: {  	v3 =	vadd.s32 v25, v2;
	_ =	sdelay $0x3  }
0x91: {  	[tilespmem:$0x8490] =	vst v1  }
0x92: {  	v1 =	vld.idx.msk [tilespmem:v3+s10+$0x0], $0xffff  }
0x93: {  	v3 =	vadd.s32 v26, v2;
	_ =	sdelay $0x3  }
0x94: {  	[tilespmem:$0x8510] =	vst v1  }
0x95: {  	v1 =	vld.idx.msk [tilespmem:v3+s10+$0x0], $0xffff  }
0x96: {  	v3 =	vadd.s32 v27, v2;
	_ =	sdelay $0x3  }
0x97: {  	[tilespmem:$0x8590] =	vst v1  }
0x98: {  	v1 =	vld.idx.msk [tilespmem:v3+s10+$0x0], $0xffff  }
0x99: {  	v3 =	vadd.s32 v28, v2;
	_ =	sdelay $0x3  }
0x9a: {  	[tilespmem:$0x8A10] =	vst v1  }
0x9b: {  	v1 =	vld.idx.msk [tilespmem:v3+s10+$0x0], $0xffff  }
0x9c: {  	v3 =	vadd.s32 v29, v2;
	_ =	sdelay $0x3  }
0x9d: {  	[tilespmem:$0x8A90] =	vst v1  }
0x9e: {  	v1 =	vld.idx.msk [tilespmem:v3+s10+$0x0], $0xffff  }
0x9f: {  	v3 =	vadd.s32 v30, v2;
	_ =	sdelay $0x3  }
0xa0: {  	[tilespmem:$0x8B10] =	vst v1  }
0xa1: {  	v1 =	vld.idx.msk [tilespmem:v3+s10+$0x0], $0xffff  }
0xa2: {  	v3 =	vadd.s32 v31, v2;
	_ =	sdelay $0x3  }
0xa3: {  	[tilespmem:$0x8B90] =	vst v1  }
0xa4: {  	v1 =	vld.idx.msk [tilespmem:v3+s10+$0x0], $0xffff  }
0xa5: {  	v3 =	vadd.s32 v32, v2;
	_ =	sdelay $0x3  }
0xa6: {  	[tilespmem:$0x8C10] =	vst v1  }
0xa7: {  	v1 =	vld.idx.msk [tilespmem:v3+s10+$0x0], $0xffff  }
0xa8: {  	v3 =	vadd.s32 v33, v2;
	_ =	sdelay $0x3  }
0xa9: {  	[tilespmem:$0x8C90] =	vst v1  }
0xaa: {  	v1 =	vld.idx.msk [tilespmem:v3+s10+$0x0], $0xffff  }
0xab: {  	v2 =	vadd.s32 v34, v2  }
0xac: {  	v3 =	vld [tilespmem:$0x120];
	_ =	sdelay $0x2  }
0xad: {  	[tilespmem:$0x8D10] =	vst v1  }
0xae: {  	v1 =	vld.idx.msk [tilespmem:v2+s10+$0x0], $0xffff  }
0xaf: {  	v2 =	vadd.s32 v35, v3;
	_ =	sdelay $0x3  }
0xb0: {  	[tilespmem:$0x8D90] =	vst v1  }
0xb1: {  	v1 =	vld.idx.msk [tilespmem:v2+s10+$0x0], $0xffff  }
0xb2: {  	v2 =	vadd.s32 v36, v3;
	_ =	sdelay $0x3  }
0xb3: {  	[tilespmem:$0x8220] =	vst v1  }
0xb4: {  	v1 =	vld.idx.msk [tilespmem:v2+s10+$0x0], $0xffff  }
0xb5: {  	v2 =	vadd.s32 v37, v3;
	_ =	sdelay $0x3  }
0xb6: {  	[tilespmem:$0x82A0] =	vst v1  }
0xb7: {  	v1 =	vld.idx.msk [tilespmem:v2+s10+$0x0], $0xffff  }
0xb8: {  	v2 =	vadd.s32 v38, v3;
	_ =	sdelay $0x3  }
0xb9: {  	[tilespmem:$0x8320] =	vst v1  }
0xba: {  	v1 =	vld.idx.msk [tilespmem:v2+s10+$0x0], $0xffff  }
0xbb: {  	v2 =	vadd.s32 v39, v3;
	_ =	sdelay $0x3  }
0xbc: {  	[tilespmem:$0x83A0] =	vst v1  }
0xbd: {  	v1 =	vld.idx.msk [tilespmem:v2+s10+$0x0], $0xffff  }
0xbe: {  	v2 =	vadd.s32 v40, v3;
	_ =	sdelay $0x3  }
0xbf: {  	[tilespmem:$0x8420] =	vst v1  }
0xc0: {  	v1 =	vld.idx.msk [tilespmem:v2+s10+$0x0], $0xffff  }
0xc1: {  	v2 =	vadd.s32 v41, v3;
	_ =	sdelay $0x3  }
0xc2: {  	[tilespmem:$0x84A0] =	vst v1  }
0xc3: {  	v1 =	vld.idx.msk [tilespmem:v2+s10+$0x0], $0xffff  }
0xc4: {  	v2 =	vadd.s32 v42, v3;
	_ =	sdelay $0x3  }
0xc5: {  	[tilespmem:$0x8520] =	vst v1  }
0xc6: {  	v1 =	vld.idx.msk [tilespmem:v2+s10+$0x0], $0xffff  }
0xc7: {  	v2 =	vadd.s32 v43, v3;
	_ =	sdelay $0x3  }
0xc8: {  	[tilespmem:$0x85A0] =	vst v1  }
0xc9: {  	v1 =	vld.idx.msk [tilespmem:v2+s10+$0x0], $0xffff  }
0xca: {  	v2 =	vadd.s32 v44, v3;
	_ =	sdelay $0x3  }
0xcb: {  	[tilespmem:$0x8A20] =	vst v1  }
0xcc: {  	v1 =	vld.idx.msk [tilespmem:v2+s10+$0x0], $0xffff  }
0xcd: {  	v2 =	vadd.s32 v45, v3;
	_ =	sdelay $0x3  }
0xce: {  	[tilespmem:$0x8AA0] =	vst v1  }
0xcf: {  	v1 =	vld.idx.msk [tilespmem:v2+s10+$0x0], $0xffff  }
0xd0: {  	v2 =	vadd.s32 v46, v3;
	_ =	sdelay $0x3  }
0xd1: {  	[tilespmem:$0x8B20] =	vst v1  }
0xd2: {  	v1 =	vld.idx.msk [tilespmem:v2+s10+$0x0], $0xffff  }
0xd3: {  	v2 =	vadd.s32 v47, v3;
	_ =	sdelay $0x3  }
0xd4: {  	[tilespmem:$0x8BA0] =	vst v1  }
0xd5: {  	v1 =	vld.idx.msk [tilespmem:v2+s10+$0x0], $0xffff  }
0xd6: {  	v2 =	vadd.s32 v48, v3;
	_ =	sdelay $0x3  }
0xd7: {  	[tilespmem:$0x8C20] =	vst v1  }
0xd8: {  	v1 =	vld.idx.msk [tilespmem:v2+s10+$0x0], $0xffff  }
0xd9: {  	v2 =	vadd.s32 v49, v3;
	_ =	sdelay $0x3  }
0xda: {  	[tilespmem:$0x8CA0] =	vst v1  }
0xdb: {  	v1 =	vld.idx.msk [tilespmem:v2+s10+$0x0], $0xffff  }
0xdc: {  	v2 =	vadd.s32 v50, v3  }
0xdd: {  	v3 =	vld [tilespmem:$0x130];
	_ =	sdelay $0x2  }
0xde: {  	[tilespmem:$0x8D20] =	vst v1  }
0xdf: {  	v1 =	vld.idx.msk [tilespmem:v2+s10+$0x0], $0xffff  }
0xe0: {  	v2 =	vadd.s32 v51, v3;
	_ =	sdelay $0x3  }
0xe1: {  	[tilespmem:$0x8DA0] =	vst v1  }
0xe2: {  	v1 =	vld.idx.msk [tilespmem:v2+s10+$0x0], $0xffff  }
0xe3: {  	v2 =	vadd.s32 v52, v3;
	_ =	sdelay $0x3  }
0xe4: {  	[tilespmem:$0x8230] =	vst v1  }
0xe5: {  	v1 =	vld.idx.msk [tilespmem:v2+s10+$0x0], $0xffff  }
0xe6: {  	v2 =	vadd.s32 v53, v3;
	_ =	sdelay $0x3  }
0xe7: {  	[tilespmem:$0x82B0] =	vst v1  }
0xe8: {  	v1 =	vld.idx.msk [tilespmem:v2+s10+$0x0], $0xffff  }
0xe9: {  	v2 =	vadd.s32 v54, v3;
	_ =	sdelay $0x3  }
0xea: {  	[tilespmem:$0x8330] =	vst v1  }
0xeb: {  	v1 =	vld.idx.msk [tilespmem:v2+s10+$0x0], $0xffff  }
0xec: {  	v2 =	vadd.s32 v55, v3;
	_ =	sdelay $0x3  }
0xed: {  	[tilespmem:$0x83B0] =	vst v1  }
0xee: {  	v1 =	vld.idx.msk [tilespmem:v2+s10+$0x0], $0xffff  }
0xef: {  	v2 =	vadd.s32 v56, v3;
	_ =	sdelay $0x3  }
0xf0: {  	[tilespmem:$0x8430] =	vst v1  }
0xf1: {  	v1 =	vld.idx.msk [tilespmem:v2+s10+$0x0], $0xffff  }
0xf2: {  	v2 =	vadd.s32 v57, v3;
	_ =	sdelay $0x3  }
0xf3: {  	[tilespmem:$0x84B0] =	vst v1  }
0xf4: {  	v1 =	vld.idx.msk [tilespmem:v2+s10+$0x0], $0xffff  }
0xf5: {  	v2 =	vadd.s32 v58, v3;
	_ =	sdelay $0x3  }
0xf6: {  	[tilespmem:$0x8530] =	vst v1  }
0xf7: {  	v1 =	vld.idx.msk [tilespmem:v2+s10+$0x0], $0xffff  }
0xf8: {  	v2 =	vadd.s32 v59, v3;
	_ =	sdelay $0x3  }
0xf9: {  	[tilespmem:$0x85B0] =	vst v1  }
0xfa: {  	v1 =	vld.idx.msk [tilespmem:v2+s10+$0x0], $0xffff  }
0xfb: {  	v2 =	vadd.s32 v60, v3;
	_ =	sdelay $0x3  }
0xfc: {  	[tilespmem:$0x8A30] =	vst v1  }
0xfd: {  	v1 =	vld.idx.msk [tilespmem:v2+s10+$0x0], $0xffff  }
0xfe: {  	v2 =	vadd.s32 v61, v3;
	_ =	sdelay $0x3  }
0xff: {  	[tilespmem:$0x8AB0] =	vst v1  }
0x100: {  	v1 =	vld.idx.msk [tilespmem:v2+s10+$0x0], $0xffff  }
0x101: {  	v2 =	vadd.s32 v62, v3;
	_ =	sdelay $0x3  }
0x102: {  	[tilespmem:$0x8B30] =	vst v1  }
0x103: {  	v1 =	vld.idx.msk [tilespmem:v2+s10+$0x0], $0xffff  }
0x104: {  	v2 =	vadd.s32 v63, v3;
	_ =	sdelay $0x3  }
0x105: {  	[tilespmem:$0x8BB0] =	vst v1  }
0x106: {  	v1 =	vld.idx.msk [tilespmem:v2+s10+$0x0], $0xffff  }
0x107: {  	v2 =	vld [tilespmem:$0x1FFA0];
	_ =	sdelay $0x4  }
0x108: {  	v2 =	vadd.s32 v2, v3;
	_ =	sdelay $0x3  }
0x109: {  	[tilespmem:$0x8C30] =	vst v1  }
0x10a: {  	v1 =	vld.idx.msk [tilespmem:v2+s10+$0x0], $0xffff  }
0x10b: {  	v2 =	vld [tilespmem:$0x1FFB0];
	_ =	sdelay $0x4  }
0x10c: {  	v2 =	vadd.s32 v2, v3;
	_ =	sdelay $0x3  }
0x10d: {  	[tilespmem:$0x8CB0] =	vst v1  }
0x10e: {  	v1 =	vld.idx.msk [tilespmem:v2+s10+$0x0], $0xffff  }
0x10f: {  	v2 =	vld [tilespmem:$0x1FFC0];
	_ =	sdelay $0x4  }
0x110: {  	v2 =	vadd.s32 v2, v3  }
0x111: {  	v3 =	vld [tilespmem:$0x140];
	_ =	sdelay $0x2  }
0x112: {  	[tilespmem:$0x8D30] =	vst v1  }
0x113: {  	v1 =	vld.idx.msk [tilespmem:v2+s10+$0x0], $0xffff;
	v2 =	vor.u32 $0x2000, v0  }
0x114: {  	v2 =	vadd.s32 v2, v3;
	_ =	sdelay $0x3  }
0x115: {  	[tilespmem:$0x8DB0] =	vst v1  }
0x116: {  	v1 =	vld.idx.msk [tilespmem:v2+s10+$0x0], $0xffff;
	v2 =	vor.u32 $0x2001, v0  }
0x117: {  	v2 =	vadd.s32 v2, v3;
	_ =	sdelay $0x3  }
0x118: {  	[tilespmem:$0x8240] =	vst v1  }
0x119: {  	v1 =	vld.idx.msk [tilespmem:v2+s10+$0x0], $0xffff;
	v2 =	vor.u32 $0x2002, v0  }
0x11a: {  	v2 =	vadd.s32 v2, v3;
	_ =	sdelay $0x3  }
0x11b: {  	[tilespmem:$0x82C0] =	vst v1  }
0x11c: {  	v1 =	vld.idx.msk [tilespmem:v2+s10+$0x0], $0xffff;
	v2 =	vor.u32 $0x2003, v0  }
0x11d: {  	v2 =	vadd.s32 v2, v3;
	_ =	sdelay $0x3  }
0x11e: {  	[tilespmem:$0x8340] =	vst v1  }
0x11f: {  	v1 =	vld.idx.msk [tilespmem:v2+s10+$0x0], $0xffff;
	v2 =	vor.u32 $0x2004, v0  }
0x120: {  	v2 =	vadd.s32 v2, v3;
	_ =	sdelay $0x3  }
0x121: {  	[tilespmem:$0x83C0] =	vst v1  }
0x122: {  	v1 =	vld.idx.msk [tilespmem:v2+s10+$0x0], $0xffff;
	v2 =	vor.u32 $0x2005, v0  }
0x123: {  	v2 =	vadd.s32 v2, v3;
	_ =	sdelay $0x3  }
0x124: {  	[tilespmem:$0x8440] =	vst v1  }
0x125: {  	v1 =	vld.idx.msk [tilespmem:v2+s10+$0x0], $0xffff;
	v2 =	vor.u32 $0x2006, v0  }
0x126: {  	v2 =	vadd.s32 v2, v3;
	_ =	sdelay $0x3  }
0x127: {  	[tilespmem:$0x84C0] =	vst v1  }
0x128: {  	v1 =	vld.idx.msk [tilespmem:v2+s10+$0x0], $0xffff;
	v2 =	vor.u32 $0x2007, v0  }
0x129: {  	v2 =	vadd.s32 v2, v3;
	_ =	sdelay $0x3  }
0x12a: {  	[tilespmem:$0x8540] =	vst v1  }
0x12b: {  	v1 =	vld.idx.msk [tilespmem:v2+s10+$0x0], $0xffff;
	v2 =	vor.u32 $0x2008, v0  }
0x12c: {  	v2 =	vadd.s32 v2, v3;
	_ =	sdelay $0x3  }
0x12d: {  	[tilespmem:$0x85C0] =	vst v1  }
0x12e: {  	v1 =	vld.idx.msk [tilespmem:v2+s10+$0x0], $0xffff;
	v2 =	vor.u32 $0x2009, v0  }
0x12f: {  	v2 =	vadd.s32 v2, v3;
	_ =	sdelay $0x3  }
0x130: {  	[tilespmem:$0x8A40] =	vst v1  }
0x131: {  	v1 =	vld.idx.msk [tilespmem:v2+s10+$0x0], $0xffff;
	v2 =	vor.u32 $0x200A, v0  }
0x132: {  	v2 =	vadd.s32 v2, v3;
	_ =	sdelay $0x3  }
0x133: {  	[tilespmem:$0x8AC0] =	vst v1  }
0x134: {  	v1 =	vld.idx.msk [tilespmem:v2+s10+$0x0], $0xffff;
	v2 =	vor.u32 $0x200B, v0  }
0x135: {  	v2 =	vadd.s32 v2, v3;
	_ =	sdelay $0x3  }
0x136: {  	[tilespmem:$0x8B40] =	vst v1  }
0x137: {  	v1 =	vld.idx.msk [tilespmem:v2+s10+$0x0], $0xffff;
	v2 =	vor.u32 $0x200C, v0  }
0x138: {  	v2 =	vadd.s32 v2, v3;
	_ =	sdelay $0x3  }
0x139: {  	[tilespmem:$0x8BC0] =	vst v1  }
0x13a: {  	v1 =	vld.idx.msk [tilespmem:v2+s10+$0x0], $0xffff;
	v2 =	vor.u32 $0x200D, v0  }
0x13b: {  	v2 =	vadd.s32 v2, v3;
	_ =	sdelay $0x3  }
0x13c: {  	[tilespmem:$0x8C40] =	vst v1  }
0x13d: {  	v1 =	vld.idx.msk [tilespmem:v2+s10+$0x0], $0xffff;
	v2 =	vor.u32 $0x200E, v0  }
0x13e: {  	v2 =	vadd.s32 v2, v3;
	_ =	sdelay $0x3  }
0x13f: {  	[tilespmem:$0x8CC0] =	vst v1  }
0x140: {  	v1 =	vld.idx.msk [tilespmem:v2+s10+$0x0], $0xffff;
	v2 =	vor.u32 $0x200F, v0  }
0x141: {  	v2 =	vadd.s32 v2, v3  }
0x142: {  	v3 =	vld [tilespmem:$0x150];
	_ =	sdelay $0x2  }
0x143: {  	[tilespmem:$0x8D40] =	vst v1  }
0x144: {  	v1 =	vld.idx.msk [tilespmem:v2+s10+$0x0], $0xffff;
	v2 =	vor.u32 $0x2800, v0  }
0x145: {  	v2 =	vadd.s32 v2, v3;
	_ =	sdelay $0x3  }
0x146: {  	[tilespmem:$0x8DC0] =	vst v1  }
0x147: {  	v1 =	vld.idx.msk [tilespmem:v2+s10+$0x0], $0xffff;
	v2 =	vor.u32 $0x2801, v0  }
0x148: {  	v2 =	vadd.s32 v2, v3;
	_ =	sdelay $0x3  }
0x149: {  	[tilespmem:$0x8250] =	vst v1  }
0x14a: {  	v1 =	vld.idx.msk [tilespmem:v2+s10+$0x0], $0xffff;
	v2 =	vor.u32 $0x2802, v0  }
0x14b: {  	v2 =	vadd.s32 v2, v3;
	_ =	sdelay $0x3  }
0x14c: {  	[tilespmem:$0x82D0] =	vst v1  }
0x14d: {  	v1 =	vld.idx.msk [tilespmem:v2+s10+$0x0], $0xffff;
	v2 =	vor.u32 $0x2803, v0  }
0x14e: {  	v2 =	vadd.s32 v2, v3;
	_ =	sdelay $0x3  }
0x14f: {  	[tilespmem:$0x8350] =	vst v1  }
0x150: {  	v1 =	vld.idx.msk [tilespmem:v2+s10+$0x0], $0xffff;
	v2 =	vor.u32 $0x2804, v0  }
0x151: {  	v2 =	vadd.s32 v2, v3;
	_ =	sdelay $0x3  }
0x152: {  	[tilespmem:$0x83D0] =	vst v1  }
0x153: {  	v1 =	vld.idx.msk [tilespmem:v2+s10+$0x0], $0xffff;
	v2 =	vor.u32 $0x2805, v0  }
0x154: {  	v2 =	vadd.s32 v2, v3;
	_ =	sdelay $0x3  }
0x155: {  	[tilespmem:$0x8450] =	vst v1  }
0x156: {  	v1 =	vld.idx.msk [tilespmem:v2+s10+$0x0], $0xffff;
	v2 =	vor.u32 $0x2806, v0  }
0x157: {  	v2 =	vadd.s32 v2, v3;
	_ =	sdelay $0x3  }
0x158: {  	[tilespmem:$0x84D0] =	vst v1  }
0x159: {  	v1 =	vld.idx.msk [tilespmem:v2+s10+$0x0], $0xffff;
	v2 =	vor.u32 $0x2807, v0  }
0x15a: {  	v2 =	vadd.s32 v2, v3;
	_ =	sdelay $0x3  }
0x15b: {  	[tilespmem:$0x8550] =	vst v1  }
0x15c: {  	v1 =	vld.idx.msk [tilespmem:v2+s10+$0x0], $0xffff;
	v2 =	vor.u32 $0x2808, v0  }
0x15d: {  	v2 =	vadd.s32 v2, v3;
	_ =	sdelay $0x3  }
0x15e: {  	[tilespmem:$0x85D0] =	vst v1  }
0x15f: {  	v1 =	vld.idx.msk [tilespmem:v2+s10+$0x0], $0xffff;
	v2 =	vor.u32 $0x2809, v0  }
0x160: {  	v2 =	vadd.s32 v2, v3;
	_ =	sdelay $0x3  }
0x161: {  	[tilespmem:$0x8A50] =	vst v1  }
0x162: {  	v1 =	vld.idx.msk [tilespmem:v2+s10+$0x0], $0xffff;
	v2 =	vor.u32 $0x280A, v0  }
0x163: {  	v2 =	vadd.s32 v2, v3;
	_ =	sdelay $0x3  }
0x164: {  	[tilespmem:$0x8AD0] =	vst v1  }
0x165: {  	v1 =	vld.idx.msk [tilespmem:v2+s10+$0x0], $0xffff;
	v2 =	vor.u32 $0x280B, v0  }
0x166: {  	v2 =	vadd.s32 v2, v3;
	_ =	sdelay $0x3  }
0x167: {  	[tilespmem:$0x8B50] =	vst v1  }
0x168: {  	v1 =	vld.idx.msk [tilespmem:v2+s10+$0x0], $0xffff;
	v2 =	vor.u32 $0x280C, v0  }
0x169: {  	v2 =	vadd.s32 v2, v3;
	_ =	sdelay $0x3  }
0x16a: {  	[tilespmem:$0x8BD0] =	vst v1  }
0x16b: {  	v1 =	vld.idx.msk [tilespmem:v2+s10+$0x0], $0xffff;
	v2 =	vor.u32 $0x280D, v0  }
0x16c: {  	v2 =	vadd.s32 v2, v3;
	_ =	sdelay $0x3  }
0x16d: {  	[tilespmem:$0x8C50] =	vst v1  }
0x16e: {  	v1 =	vld.idx.msk [tilespmem:v2+s10+$0x0], $0xffff;
	v2 =	vor.u32 $0x280E, v0  }
0x16f: {  	v2 =	vadd.s32 v2, v3;
	_ =	sdelay $0x3  }
0x170: {  	[tilespmem:$0x8CD0] =	vst v1  }
0x171: {  	v1 =	vld.idx.msk [tilespmem:v2+s10+$0x0], $0xffff;
	v2 =	vor.u32 $0x280F, v0  }
0x172: {  	v2 =	vadd.s32 v2, v3  }
0x173: {  	v3 =	vld [tilespmem:$0x160];
	_ =	sdelay $0x2  }
0x174: {  	[tilespmem:$0x8D50] =	vst v1  }
0x175: {  	v1 =	vld.idx.msk [tilespmem:v2+s10+$0x0], $0xffff;
	v2 =	vor.u32 $0x3000, v0  }
0x176: {  	v2 =	vadd.s32 v2, v3;
	_ =	sdelay $0x3  }
0x177: {  	[tilespmem:$0x8DD0] =	vst v1  }
0x178: {  	v1 =	vld.idx.msk [tilespmem:v2+s10+$0x0], $0xffff;
	v2 =	vor.u32 $0x3001, v0  }
0x179: {  	v2 =	vadd.s32 v2, v3;
	_ =	sdelay $0x3  }
0x17a: {  	[tilespmem:$0x8260] =	vst v1  }
0x17b: {  	v1 =	vld.idx.msk [tilespmem:v2+s10+$0x0], $0xffff;
	v2 =	vor.u32 $0x3002, v0  }
0x17c: {  	v2 =	vadd.s32 v2, v3;
	_ =	sdelay $0x3  }
0x17d: {  	[tilespmem:$0x82E0] =	vst v1  }
0x17e: {  	v1 =	vld.idx.msk [tilespmem:v2+s10+$0x0], $0xffff;
	v2 =	vor.u32 $0x3003, v0  }
0x17f: {  	v2 =	vadd.s32 v2, v3;
	_ =	sdelay $0x3  }
0x180: {  	[tilespmem:$0x8360] =	vst v1  }
0x181: {  	v1 =	vld.idx.msk [tilespmem:v2+s10+$0x0], $0xffff;
	v2 =	vor.u32 $0x3004, v0  }
0x182: {  	v2 =	vadd.s32 v2, v3;
	_ =	sdelay $0x3  }
0x183: {  	[tilespmem:$0x83E0] =	vst v1  }
0x184: {  	v1 =	vld.idx.msk [tilespmem:v2+s10+$0x0], $0xffff;
	v2 =	vor.u32 $0x3005, v0  }
0x185: {  	v2 =	vadd.s32 v2, v3;
	_ =	sdelay $0x3  }
0x186: {  	[tilespmem:$0x8460] =	vst v1  }
0x187: {  	v1 =	vld.idx.msk [tilespmem:v2+s10+$0x0], $0xffff;
	v2 =	vor.u32 $0x3006, v0  }
0x188: {  	v2 =	vadd.s32 v2, v3;
	_ =	sdelay $0x3  }
0x189: {  	[tilespmem:$0x84E0] =	vst v1  }
0x18a: {  	v1 =	vld.idx.msk [tilespmem:v2+s10+$0x0], $0xffff;
	v2 =	vor.u32 $0x3007, v0  }
0x18b: {  	v2 =	vadd.s32 v2, v3;
	_ =	sdelay $0x3  }
0x18c: {  	[tilespmem:$0x8560] =	vst v1  }
0x18d: {  	v1 =	vld.idx.msk [tilespmem:v2+s10+$0x0], $0xffff;
	v2 =	vor.u32 $0x3008, v0  }
0x18e: {  	v2 =	vadd.s32 v2, v3;
	_ =	sdelay $0x3  }
0x18f: {  	[tilespmem:$0x85E0] =	vst v1  }
0x190: {  	v1 =	vld.idx.msk [tilespmem:v2+s10+$0x0], $0xffff;
	v2 =	vor.u32 $0x3009, v0  }
0x191: {  	v2 =	vadd.s32 v2, v3;
	_ =	sdelay $0x3  }
0x192: {  	[tilespmem:$0x8A60] =	vst v1  }
0x193: {  	v1 =	vld.idx.msk [tilespmem:v2+s10+$0x0], $0xffff;
	v2 =	vor.u32 $0x300A, v0  }
0x194: {  	v2 =	vadd.s32 v2, v3;
	_ =	sdelay $0x3  }
0x195: {  	[tilespmem:$0x8AE0] =	vst v1  }
0x196: {  	v1 =	vld.idx.msk [tilespmem:v2+s10+$0x0], $0xffff;
	v2 =	vor.u32 $0x300B, v0  }
0x197: {  	v2 =	vadd.s32 v2, v3;
	_ =	sdelay $0x3  }
0x198: {  	[tilespmem:$0x8B60] =	vst v1  }
0x199: {  	v1 =	vld.idx.msk [tilespmem:v2+s10+$0x0], $0xffff;
	v2 =	vor.u32 $0x300C, v0  }
0x19a: {  	v2 =	vadd.s32 v2, v3;
	_ =	sdelay $0x3  }
0x19b: {  	[tilespmem:$0x8BE0] =	vst v1  }
0x19c: {  	v1 =	vld.idx.msk [tilespmem:v2+s10+$0x0], $0xffff;
	v2 =	vor.u32 $0x300D, v0  }
0x19d: {  	v2 =	vadd.s32 v2, v3;
	_ =	sdelay $0x3  }
0x19e: {  	[tilespmem:$0x8C60] =	vst v1  }
0x19f: {  	v1 =	vld.idx.msk [tilespmem:v2+s10+$0x0], $0xffff;
	v2 =	vor.u32 $0x300E, v0  }
0x1a0: {  	v2 =	vadd.s32 v2, v3;
	_ =	sdelay $0x3  }
0x1a1: {  	[tilespmem:$0x8CE0] =	vst v1  }
0x1a2: {  	v1 =	vld.idx.msk [tilespmem:v2+s10+$0x0], $0xffff;
	v2 =	vor.u32 $0x300F, v0  }
0x1a3: {  	v2 =	vadd.s32 v2, v3  }
0x1a4: {  	v3 =	vld [tilespmem:$0x170];
	_ =	sdelay $0x2  }
0x1a5: {  	[tilespmem:$0x8D60] =	vst v1  }
0x1a6: {  	v1 =	vld.idx.msk [tilespmem:v2+s10+$0x0], $0xffff;
	v2 =	vor.u32 $0x3800, v0  }
0x1a7: {  	v2 =	vadd.s32 v2, v3;
	_ =	sdelay $0x3  }
0x1a8: {  	[tilespmem:$0x8DE0] =	vst v1  }
0x1a9: {  	v1 =	vld.idx.msk [tilespmem:v2+s10+$0x0], $0xffff;
	v2 =	vor.u32 $0x3801, v0  }
0x1aa: {  	v2 =	vadd.s32 v2, v3;
	_ =	sdelay $0x3  }
0x1ab: {  	[tilespmem:$0x8270] =	vst v1  }
0x1ac: {  	v1 =	vld.idx.msk [tilespmem:v2+s10+$0x0], $0xffff;
	v2 =	vor.u32 $0x3802, v0  }
0x1ad: {  	v2 =	vadd.s32 v2, v3;
	_ =	sdelay $0x3  }
0x1ae: {  	[tilespmem:$0x82F0] =	vst v1  }
0x1af: {  	v1 =	vld.idx.msk [tilespmem:v2+s10+$0x0], $0xffff;
	v2 =	vor.u32 $0x3803, v0  }
0x1b0: {  	v2 =	vadd.s32 v2, v3;
	_ =	sdelay $0x3  }
0x1b1: {  	[tilespmem:$0x8370] =	vst v1  }
0x1b2: {  	v1 =	vld.idx.msk [tilespmem:v2+s10+$0x0], $0xffff;
	v2 =	vor.u32 $0x3804, v0  }
0x1b3: {  	v2 =	vadd.s32 v2, v3;
	_ =	sdelay $0x3  }
0x1b4: {  	[tilespmem:$0x83F0] =	vst v1  }
0x1b5: {  	v1 =	vld.idx.msk [tilespmem:v2+s10+$0x0], $0xffff;
	v2 =	vor.u32 $0x3805, v0  }
0x1b6: {  	v2 =	vadd.s32 v2, v3;
	_ =	sdelay $0x3  }
0x1b7: {  	[tilespmem:$0x8470] =	vst v1  }
0x1b8: {  	v1 =	vld.idx.msk [tilespmem:v2+s10+$0x0], $0xffff;
	v2 =	vor.u32 $0x3806, v0  }
0x1b9: {  	v2 =	vadd.s32 v2, v3;
	_ =	sdelay $0x3  }
0x1ba: {  	[tilespmem:$0x84F0] =	vst v1  }
0x1bb: {  	v1 =	vld.idx.msk [tilespmem:v2+s10+$0x0], $0xffff;
	v2 =	vor.u32 $0x3807, v0  }
0x1bc: {  	v2 =	vadd.s32 v2, v3;
	_ =	sdelay $0x3  }
0x1bd: {  	[tilespmem:$0x8570] =	vst v1  }
0x1be: {  	v1 =	vld.idx.msk [tilespmem:v2+s10+$0x0], $0xffff;
	v2 =	vor.u32 $0x3808, v0  }
0x1bf: {  	v2 =	vadd.s32 v2, v3;
	_ =	sdelay $0x3  }
0x1c0: {  	[tilespmem:$0x85F0] =	vst v1  }
0x1c1: {  	v1 =	vld.idx.msk [tilespmem:v2+s10+$0x0], $0xffff;
	v2 =	vor.u32 $0x3809, v0  }
0x1c2: {  	v2 =	vadd.s32 v2, v3;
	_ =	sdelay $0x3  }
0x1c3: {  	[tilespmem:$0x8A70] =	vst v1  }
0x1c4: {  	v1 =	vld.idx.msk [tilespmem:v2+s10+$0x0], $0xffff;
	v2 =	vor.u32 $0x380A, v0  }
0x1c5: {  	v2 =	vadd.s32 v2, v3;
	_ =	sdelay $0x3  }
0x1c6: {  	[tilespmem:$0x8AF0] =	vst v1  }
0x1c7: {  	v1 =	vld.idx.msk [tilespmem:v2+s10+$0x0], $0xffff;
	v2 =	vor.u32 $0x380B, v0  }
0x1c8: {  	v2 =	vadd.s32 v2, v3;
	_ =	sdelay $0x3  }
0x1c9: {  	[tilespmem:$0x8B70] =	vst v1  }
0x1ca: {  	v1 =	vld.idx.msk [tilespmem:v2+s10+$0x0], $0xffff;
	v2 =	vor.u32 $0x380C, v0  }
0x1cb: {  	v2 =	vadd.s32 v2, v3;
	_ =	sdelay $0x3  }
0x1cc: {  	[tilespmem:$0x8BF0] =	vst v1  }
0x1cd: {  	v1 =	vld.idx.msk [tilespmem:v2+s10+$0x0], $0xffff;
	v2 =	vor.u32 $0x380D, v0  }
0x1ce: {  	v2 =	vadd.s32 v2, v3;
	_ =	sdelay $0x3  }
0x1cf: {  	[tilespmem:$0x8C70] =	vst v1  }
0x1d0: {  	v1 =	vld.idx.msk [tilespmem:v2+s10+$0x0], $0xffff;
	v2 =	vor.u32 $0x380E, v0  }
0x1d1: {  	v2 =	vadd.s32 v2, v3;
	_ =	sdelay $0x3  }
0x1d2: {  	[tilespmem:$0x8CF0] =	vst v1  }
0x1d3: {  	v1 =	vld.idx.msk [tilespmem:v2+s10+$0x0], $0xffff;
	v2 =	vor.u32 $0x380F, v0  }
0x1d4: {  	v2 =	vadd.s32 v2, v3  }
0x1d5: {  	v3 =	vld [tilespmem:$0x180];
	_ =	sdelay $0x2  }
0x1d6: {  	[tilespmem:$0x8D70] =	vst v1  }
0x1d7: {  	v1 =	vld.idx.msk [tilespmem:v2+s10+$0x0], $0xffff;
	v2 =	vor.u32 $0x4000, v0  }
0x1d8: {  	v2 =	vadd.s32 v2, v3;
	_ =	sdelay $0x3  }
0x1d9: {  	[tilespmem:$0x8DF0] =	vst v1  }
0x1da: {  	v1 =	vld.idx.msk [tilespmem:v2+s10+$0x0], $0xffff;
	v2 =	vor.u32 $0x4001, v0  }
0x1db: {  	v2 =	vadd.s32 v2, v3;
	_ =	sdelay $0x3  }
0x1dc: {  	[tilespmem:$0x8600] =	vst v1  }
0x1dd: {  	v1 =	vld.idx.msk [tilespmem:v2+s10+$0x0], $0xffff;
	v2 =	vor.u32 $0x4002, v0  }
0x1de: {  	v2 =	vadd.s32 v2, v3;
	_ =	sdelay $0x3  }
0x1df: {  	[tilespmem:$0x8680] =	vst v1  }
0x1e0: {  	v1 =	vld.idx.msk [tilespmem:v2+s10+$0x0], $0xffff;
	v2 =	vor.u32 $0x4003, v0  }
0x1e1: {  	v2 =	vadd.s32 v2, v3;
	_ =	sdelay $0x3  }
0x1e2: {  	[tilespmem:$0x8700] =	vst v1  }
0x1e3: {  	v1 =	vld.idx.msk [tilespmem:v2+s10+$0x0], $0xffff;
	v2 =	vor.u32 $0x4004, v0  }
0x1e4: {  	v2 =	vadd.s32 v2, v3;
	_ =	sdelay $0x3  }
0x1e5: {  	[tilespmem:$0x8780] =	vst v1  }
0x1e6: {  	v1 =	vld.idx.msk [tilespmem:v2+s10+$0x0], $0xffff;
	v2 =	vor.u32 $0x4005, v0  }
0x1e7: {  	v2 =	vadd.s32 v2, v3;
	_ =	sdelay $0x3  }
0x1e8: {  	[tilespmem:$0x8800] =	vst v1  }
0x1e9: {  	v1 =	vld.idx.msk [tilespmem:v2+s10+$0x0], $0xffff;
	v2 =	vor.u32 $0x4006, v0  }
0x1ea: {  	v2 =	vadd.s32 v2, v3;
	_ =	sdelay $0x3  }
0x1eb: {  	[tilespmem:$0x8880] =	vst v1  }
0x1ec: {  	v1 =	vld.idx.msk [tilespmem:v2+s10+$0x0], $0xffff;
	v2 =	vor.u32 $0x4007, v0  }
0x1ed: {  	v2 =	vadd.s32 v2, v3;
	_ =	sdelay $0x3  }
0x1ee: {  	[tilespmem:$0x8900] =	vst v1  }
0x1ef: {  	v1 =	vld.idx.msk [tilespmem:v2+s10+$0x0], $0xffff;
	v2 =	vor.u32 $0x4008, v0  }
0x1f0: {  	v2 =	vadd.s32 v2, v3;
	_ =	sdelay $0x3  }
0x1f1: {  	[tilespmem:$0x8980] =	vst v1  }
0x1f2: {  	v1 =	vld.idx.msk [tilespmem:v2+s10+$0x0], $0xffff;
	v2 =	vor.u32 $0x4009, v0  }
0x1f3: {  	v2 =	vadd.s32 v2, v3;
	_ =	sdelay $0x3  }
0x1f4: {  	[tilespmem:$0x8E00] =	vst v1  }
0x1f5: {  	v1 =	vld.idx.msk [tilespmem:v2+s10+$0x0], $0xffff;
	v2 =	vor.u32 $0x400A, v0  }
0x1f6: {  	v2 =	vadd.s32 v2, v3;
	_ =	sdelay $0x3  }
0x1f7: {  	[tilespmem:$0x8E80] =	vst v1  }
0x1f8: {  	v1 =	vld.idx.msk [tilespmem:v2+s10+$0x0], $0xffff;
	v2 =	vor.u32 $0x400B, v0  }
0x1f9: {  	v2 =	vadd.s32 v2, v3;
	_ =	sdelay $0x3  }
0x1fa: {  	[tilespmem:$0x8F00] =	vst v1  }
0x1fb: {  	v1 =	vld.idx.msk [tilespmem:v2+s10+$0x0], $0xffff;
	v2 =	vor.u32 $0x400C, v0  }
0x1fc: {  	v2 =	vadd.s32 v2, v3;
	_ =	sdelay $0x3  }
0x1fd: {  	[tilespmem:$0x8F80] =	vst v1  }
0x1fe: {  	v1 =	vld.idx.msk [tilespmem:v2+s10+$0x0], $0xffff;
	v2 =	vor.u32 $0x400D, v0  }
0x1ff: {  	v2 =	vadd.s32 v2, v3;
	_ =	sdelay $0x3  }
0x200: {  	[tilespmem:$0x9000] =	vst v1  }
0x201: {  	v1 =	vld.idx.msk [tilespmem:v2+s10+$0x0], $0xffff;
	v2 =	vor.u32 $0x400E, v0  }
0x202: {  	v2 =	vadd.s32 v2, v3;
	_ =	sdelay $0x3  }
0x203: {  	[tilespmem:$0x9080] =	vst v1  }
0x204: {  	v1 =	vld.idx.msk [tilespmem:v2+s10+$0x0], $0xffff;
	v2 =	vor.u32 $0x400F, v0  }
0x205: {  	v2 =	vadd.s32 v2, v3  }
0x206: {  	v3 =	vld [tilespmem:$0x190];
	_ =	sdelay $0x2  }
0x207: {  	[tilespmem:$0x9100] =	vst v1  }
0x208: {  	v1 =	vld.idx.msk [tilespmem:v2+s10+$0x0], $0xffff;
	v2 =	vor.u32 $0x4800, v0  }
0x209: {  	v2 =	vadd.s32 v2, v3;
	_ =	sdelay $0x3  }
0x20a: {  	[tilespmem:$0x9180] =	vst v1  }
0x20b: {  	v1 =	vld.idx.msk [tilespmem:v2+s10+$0x0], $0xffff;
	v2 =	vor.u32 $0x4801, v0  }
0x20c: {  	v2 =	vadd.s32 v2, v3;
	_ =	sdelay $0x3  }
0x20d: {  	[tilespmem:$0x8610] =	vst v1  }
0x20e: {  	v1 =	vld.idx.msk [tilespmem:v2+s10+$0x0], $0xffff;
	v2 =	vor.u32 $0x4802, v0  }
0x20f: {  	v2 =	vadd.s32 v2, v3;
	_ =	sdelay $0x3  }
0x210: {  	[tilespmem:$0x8690] =	vst v1  }
0x211: {  	v1 =	vld.idx.msk [tilespmem:v2+s10+$0x0], $0xffff;
	v2 =	vor.u32 $0x4803, v0  }
0x212: {  	v2 =	vadd.s32 v2, v3;
	_ =	sdelay $0x3  }
0x213: {  	[tilespmem:$0x8710] =	vst v1  }
0x214: {  	v1 =	vld.idx.msk [tilespmem:v2+s10+$0x0], $0xffff;
	v2 =	vor.u32 $0x4804, v0  }
0x215: {  	v2 =	vadd.s32 v2, v3;
	_ =	sdelay $0x3  }
0x216: {  	[tilespmem:$0x8790] =	vst v1  }
0x217: {  	v1 =	vld.idx.msk [tilespmem:v2+s10+$0x0], $0xffff;
	v2 =	vor.u32 $0x4805, v0  }
0x218: {  	v2 =	vadd.s32 v2, v3;
	_ =	sdelay $0x3  }
0x219: {  	[tilespmem:$0x8810] =	vst v1  }
0x21a: {  	v1 =	vld.idx.msk [tilespmem:v2+s10+$0x0], $0xffff;
	v2 =	vor.u32 $0x4806, v0  }
0x21b: {  	v2 =	vadd.s32 v2, v3;
	_ =	sdelay $0x3  }
0x21c: {  	[tilespmem:$0x8890] =	vst v1  }
0x21d: {  	v1 =	vld.idx.msk [tilespmem:v2+s10+$0x0], $0xffff;
	v2 =	vor.u32 $0x4807, v0  }
0x21e: {  	v2 =	vadd.s32 v2, v3;
	_ =	sdelay $0x3  }
0x21f: {  	[tilespmem:$0x8910] =	vst v1  }
0x220: {  	v1 =	vld.idx.msk [tilespmem:v2+s10+$0x0], $0xffff;
	v2 =	vor.u32 $0x4808, v0  }
0x221: {  	v2 =	vadd.s32 v2, v3;
	_ =	sdelay $0x3  }
0x222: {  	[tilespmem:$0x8990] =	vst v1  }
0x223: {  	v1 =	vld.idx.msk [tilespmem:v2+s10+$0x0], $0xffff;
	v2 =	vor.u32 $0x4809, v0  }
0x224: {  	v2 =	vadd.s32 v2, v3;
	_ =	sdelay $0x3  }
0x225: {  	[tilespmem:$0x8E10] =	vst v1  }
0x226: {  	v1 =	vld.idx.msk [tilespmem:v2+s10+$0x0], $0xffff;
	v2 =	vor.u32 $0x480A, v0  }
0x227: {  	v2 =	vadd.s32 v2, v3;
	_ =	sdelay $0x3  }
0x228: {  	[tilespmem:$0x8E90] =	vst v1  }
0x229: {  	v1 =	vld.idx.msk [tilespmem:v2+s10+$0x0], $0xffff;
	v2 =	vor.u32 $0x480B, v0  }
0x22a: {  	v2 =	vadd.s32 v2, v3;
	_ =	sdelay $0x3  }
0x22b: {  	[tilespmem:$0x8F10] =	vst v1  }
0x22c: {  	v1 =	vld.idx.msk [tilespmem:v2+s10+$0x0], $0xffff;
	v2 =	vor.u32 $0x480C, v0  }
0x22d: {  	v2 =	vadd.s32 v2, v3;
	_ =	sdelay $0x3  }
0x22e: {  	[tilespmem:$0x8F90] =	vst v1  }
0x22f: {  	v1 =	vld.idx.msk [tilespmem:v2+s10+$0x0], $0xffff;
	v2 =	vor.u32 $0x480D, v0  }
0x230: {  	v2 =	vadd.s32 v2, v3;
	_ =	sdelay $0x3  }
0x231: {  	[tilespmem:$0x9010] =	vst v1  }
0x232: {  	v1 =	vld.idx.msk [tilespmem:v2+s10+$0x0], $0xffff;
	v2 =	vor.u32 $0x480E, v0  }
0x233: {  	v2 =	vadd.s32 v2, v3;
	_ =	sdelay $0x3  }
0x234: {  	[tilespmem:$0x9090] =	vst v1  }
0x235: {  	v1 =	vld.idx.msk [tilespmem:v2+s10+$0x0], $0xffff;
	v2 =	vor.u32 $0x480F, v0  }
0x236: {  	v2 =	vadd.s32 v2, v3  }
0x237: {  	v3 =	vld [tilespmem:$0x1A0];
	_ =	sdelay $0x2  }
0x238: {  	[tilespmem:$0x9110] =	vst v1  }
0x239: {  	v1 =	vld.idx.msk [tilespmem:v2+s10+$0x0], $0xffff;
	v2 =	vor.u32 $0x5000, v0  }
0x23a: {  	v2 =	vadd.s32 v2, v3;
	_ =	sdelay $0x3  }
0x23b: {  	[tilespmem:$0x9190] =	vst v1  }
0x23c: {  	v1 =	vld.idx.msk [tilespmem:v2+s10+$0x0], $0xffff;
	v2 =	vor.u32 $0x5001, v0  }
0x23d: {  	v2 =	vadd.s32 v2, v3;
	_ =	sdelay $0x3  }
0x23e: {  	[tilespmem:$0x8620] =	vst v1  }
0x23f: {  	v1 =	vld.idx.msk [tilespmem:v2+s10+$0x0], $0xffff;
	v2 =	vor.u32 $0x5002, v0  }
0x240: {  	v2 =	vadd.s32 v2, v3;
	_ =	sdelay $0x3  }
0x241: {  	[tilespmem:$0x86A0] =	vst v1  }
0x242: {  	v1 =	vld.idx.msk [tilespmem:v2+s10+$0x0], $0xffff;
	v2 =	vor.u32 $0x5003, v0  }
0x243: {  	v2 =	vadd.s32 v2, v3;
	_ =	sdelay $0x3  }
0x244: {  	[tilespmem:$0x8720] =	vst v1  }
0x245: {  	v1 =	vld.idx.msk [tilespmem:v2+s10+$0x0], $0xffff;
	v2 =	vor.u32 $0x5004, v0  }
0x246: {  	v2 =	vadd.s32 v2, v3;
	_ =	sdelay $0x3  }
0x247: {  	[tilespmem:$0x87A0] =	vst v1  }
0x248: {  	v1 =	vld.idx.msk [tilespmem:v2+s10+$0x0], $0xffff;
	v2 =	vor.u32 $0x5005, v0  }
0x249: {  	v2 =	vadd.s32 v2, v3;
	_ =	sdelay $0x3  }
0x24a: {  	[tilespmem:$0x8820] =	vst v1  }
0x24b: {  	v1 =	vld.idx.msk [tilespmem:v2+s10+$0x0], $0xffff;
	v2 =	vor.u32 $0x5006, v0  }
0x24c: {  	v2 =	vadd.s32 v2, v3;
	_ =	sdelay $0x3  }
0x24d: {  	[tilespmem:$0x88A0] =	vst v1  }
0x24e: {  	v1 =	vld.idx.msk [tilespmem:v2+s10+$0x0], $0xffff;
	v2 =	vor.u32 $0x5007, v0  }
0x24f: {  	v2 =	vadd.s32 v2, v3;
	_ =	sdelay $0x3  }
0x250: {  	[tilespmem:$0x8920] =	vst v1  }
0x251: {  	v1 =	vld.idx.msk [tilespmem:v2+s10+$0x0], $0xffff;
	v2 =	vor.u32 $0x5008, v0  }
0x252: {  	v2 =	vadd.s32 v2, v3;
	_ =	sdelay $0x3  }
0x253: {  	[tilespmem:$0x89A0] =	vst v1  }
0x254: {  	v1 =	vld.idx.msk [tilespmem:v2+s10+$0x0], $0xffff;
	v2 =	vor.u32 $0x5009, v0  }
0x255: {  	v2 =	vadd.s32 v2, v3;
	_ =	sdelay $0x3  }
0x256: {  	[tilespmem:$0x8E20] =	vst v1  }
0x257: {  	v1 =	vld.idx.msk [tilespmem:v2+s10+$0x0], $0xffff;
	v2 =	vor.u32 $0x500A, v0  }
0x258: {  	v2 =	vadd.s32 v2, v3;
	_ =	sdelay $0x3  }
0x259: {  	[tilespmem:$0x8EA0] =	vst v1  }
0x25a: {  	v1 =	vld.idx.msk [tilespmem:v2+s10+$0x0], $0xffff;
	v2 =	vor.u32 $0x500B, v0  }
0x25b: {  	v2 =	vadd.s32 v2, v3;
	_ =	sdelay $0x3  }
0x25c: {  	[tilespmem:$0x8F20] =	vst v1  }
0x25d: {  	v1 =	vld.idx.msk [tilespmem:v2+s10+$0x0], $0xffff;
	v2 =	vor.u32 $0x500C, v0  }
0x25e: {  	v2 =	vadd.s32 v2, v3;
	_ =	sdelay $0x3  }
0x25f: {  	[tilespmem:$0x8FA0] =	vst v1  }
0x260: {  	v1 =	vld.idx.msk [tilespmem:v2+s10+$0x0], $0xffff;
	v2 =	vor.u32 $0x500D, v0  }
0x261: {  	v2 =	vadd.s32 v2, v3;
	_ =	sdelay $0x3  }
0x262: {  	[tilespmem:$0x9020] =	vst v1  }
0x263: {  	v1 =	vld.idx.msk [tilespmem:v2+s10+$0x0], $0xffff;
	v2 =	vor.u32 $0x500E, v0  }
0x264: {  	v2 =	vadd.s32 v2, v3;
	_ =	sdelay $0x3  }
0x265: {  	[tilespmem:$0x90A0] =	vst v1  }
0x266: {  	v1 =	vld.idx.msk [tilespmem:v2+s10+$0x0], $0xffff;
	v2 =	vor.u32 $0x500F, v0  }
0x267: {  	v2 =	vadd.s32 v2, v3  }
0x268: {  	v3 =	vld [tilespmem:$0x1B0];
	_ =	sdelay $0x2  }
0x269: {  	[tilespmem:$0x9120] =	vst v1  }
0x26a: {  	v1 =	vld.idx.msk [tilespmem:v2+s10+$0x0], $0xffff;
	v2 =	vor.u32 $0x5800, v0  }
0x26b: {  	v2 =	vadd.s32 v2, v3;
	_ =	sdelay $0x3  }
0x26c: {  	[tilespmem:$0x91A0] =	vst v1  }
0x26d: {  	v1 =	vld.idx.msk [tilespmem:v2+s10+$0x0], $0xffff;
	v2 =	vor.u32 $0x5801, v0  }
0x26e: {  	v2 =	vadd.s32 v2, v3;
	_ =	sdelay $0x3  }
0x26f: {  	[tilespmem:$0x8630] =	vst v1  }
0x270: {  	v1 =	vld.idx.msk [tilespmem:v2+s10+$0x0], $0xffff;
	v2 =	vor.u32 $0x5802, v0  }
0x271: {  	v2 =	vadd.s32 v2, v3;
	_ =	sdelay $0x3  }
0x272: {  	[tilespmem:$0x86B0] =	vst v1  }
0x273: {  	v1 =	vld.idx.msk [tilespmem:v2+s10+$0x0], $0xffff;
	v2 =	vor.u32 $0x5803, v0  }
0x274: {  	v2 =	vadd.s32 v2, v3;
	_ =	sdelay $0x3  }
0x275: {  	[tilespmem:$0x8730] =	vst v1  }
0x276: {  	v1 =	vld.idx.msk [tilespmem:v2+s10+$0x0], $0xffff;
	v2 =	vor.u32 $0x5804, v0  }
0x277: {  	v2 =	vadd.s32 v2, v3;
	_ =	sdelay $0x3  }
0x278: {  	[tilespmem:$0x87B0] =	vst v1  }
0x279: {  	v1 =	vld.idx.msk [tilespmem:v2+s10+$0x0], $0xffff;
	v2 =	vor.u32 $0x5805, v0  }
0x27a: {  	v2 =	vadd.s32 v2, v3;
	_ =	sdelay $0x3  }
0x27b: {  	[tilespmem:$0x8830] =	vst v1  }
0x27c: {  	v1 =	vld.idx.msk [tilespmem:v2+s10+$0x0], $0xffff;
	v2 =	vor.u32 $0x5806, v0  }
0x27d: {  	v2 =	vadd.s32 v2, v3;
	_ =	sdelay $0x3  }
0x27e: {  	[tilespmem:$0x88B0] =	vst v1  }
0x27f: {  	v1 =	vld.idx.msk [tilespmem:v2+s10+$0x0], $0xffff;
	v2 =	vor.u32 $0x5807, v0  }
0x280: {  	v2 =	vadd.s32 v2, v3;
	_ =	sdelay $0x3  }
0x281: {  	[tilespmem:$0x8930] =	vst v1  }
0x282: {  	v1 =	vld.idx.msk [tilespmem:v2+s10+$0x0], $0xffff;
	v2 =	vor.u32 $0x5808, v0  }
0x283: {  	v2 =	vadd.s32 v2, v3;
	_ =	sdelay $0x3  }
0x284: {  	[tilespmem:$0x89B0] =	vst v1  }
0x285: {  	v1 =	vld.idx.msk [tilespmem:v2+s10+$0x0], $0xffff;
	v2 =	vor.u32 $0x5809, v0  }
0x286: {  	v2 =	vadd.s32 v2, v3;
	_ =	sdelay $0x3  }
0x287: {  	[tilespmem:$0x8E30] =	vst v1  }
0x288: {  	v1 =	vld.idx.msk [tilespmem:v2+s10+$0x0], $0xffff;
	v2 =	vor.u32 $0x580A, v0  }
0x289: {  	v2 =	vadd.s32 v2, v3;
	_ =	sdelay $0x3  }
0x28a: {  	[tilespmem:$0x8EB0] =	vst v1  }
0x28b: {  	v1 =	vld.idx.msk [tilespmem:v2+s10+$0x0], $0xffff;
	v2 =	vor.u32 $0x580B, v0  }
0x28c: {  	v2 =	vadd.s32 v2, v3;
	_ =	sdelay $0x3  }
0x28d: {  	[tilespmem:$0x8F30] =	vst v1  }
0x28e: {  	v1 =	vld.idx.msk [tilespmem:v2+s10+$0x0], $0xffff;
	v2 =	vor.u32 $0x580C, v0  }
0x28f: {  	v2 =	vadd.s32 v2, v3;
	_ =	sdelay $0x3  }
0x290: {  	[tilespmem:$0x8FB0] =	vst v1  }
0x291: {  	v1 =	vld.idx.msk [tilespmem:v2+s10+$0x0], $0xffff;
	v2 =	vor.u32 $0x580D, v0  }
0x292: {  	v2 =	vadd.s32 v2, v3;
	_ =	sdelay $0x3  }
0x293: {  	[tilespmem:$0x9030] =	vst v1  }
0x294: {  	v1 =	vld.idx.msk [tilespmem:v2+s10+$0x0], $0xffff;
	v2 =	vor.u32 $0x580E, v0  }
0x295: {  	v2 =	vadd.s32 v2, v3;
	_ =	sdelay $0x3  }
0x296: {  	[tilespmem:$0x90B0] =	vst v1  }
0x297: {  	v1 =	vld.idx.msk [tilespmem:v2+s10+$0x0], $0xffff;
	v2 =	vor.u32 $0x580F, v0  }
0x298: {  	v2 =	vadd.s32 v2, v3  }
0x299: {  	v3 =	vld [tilespmem:$0x1C0];
	_ =	sdelay $0x2  }
0x29a: {  	[tilespmem:$0x9130] =	vst v1  }
0x29b: {  	v1 =	vld.idx.msk [tilespmem:v2+s10+$0x0], $0xffff;
	v2 =	vor.u32 $0x6000, v0  }
0x29c: {  	v2 =	vadd.s32 v2, v3;
	_ =	sdelay $0x3  }
0x29d: {  	[tilespmem:$0x91B0] =	vst v1  }
0x29e: {  	v1 =	vld.idx.msk [tilespmem:v2+s10+$0x0], $0xffff;
	v2 =	vor.u32 $0x6001, v0  }
0x29f: {  	v2 =	vadd.s32 v2, v3;
	_ =	sdelay $0x3  }
0x2a0: {  	[tilespmem:$0x8640] =	vst v1  }
0x2a1: {  	v1 =	vld.idx.msk [tilespmem:v2+s10+$0x0], $0xffff;
	v2 =	vor.u32 $0x6002, v0  }
0x2a2: {  	v2 =	vadd.s32 v2, v3;
	_ =	sdelay $0x3  }
0x2a3: {  	[tilespmem:$0x86C0] =	vst v1  }
0x2a4: {  	v1 =	vld.idx.msk [tilespmem:v2+s10+$0x0], $0xffff;
	v2 =	vor.u32 $0x6003, v0  }
0x2a5: {  	v2 =	vadd.s32 v2, v3;
	_ =	sdelay $0x3  }
0x2a6: {  	[tilespmem:$0x8740] =	vst v1  }
0x2a7: {  	v1 =	vld.idx.msk [tilespmem:v2+s10+$0x0], $0xffff;
	v2 =	vor.u32 $0x6004, v0  }
0x2a8: {  	v2 =	vadd.s32 v2, v3;
	_ =	sdelay $0x3  }
0x2a9: {  	[tilespmem:$0x87C0] =	vst v1  }
0x2aa: {  	v1 =	vld.idx.msk [tilespmem:v2+s10+$0x0], $0xffff;
	v2 =	vor.u32 $0x6005, v0  }
0x2ab: {  	v2 =	vadd.s32 v2, v3;
	_ =	sdelay $0x3  }
0x2ac: {  	[tilespmem:$0x8840] =	vst v1  }
0x2ad: {  	v1 =	vld.idx.msk [tilespmem:v2+s10+$0x0], $0xffff;
	v2 =	vor.u32 $0x6006, v0  }
0x2ae: {  	v2 =	vadd.s32 v2, v3;
	_ =	sdelay $0x3  }
0x2af: {  	[tilespmem:$0x88C0] =	vst v1  }
0x2b0: {  	v1 =	vld.idx.msk [tilespmem:v2+s10+$0x0], $0xffff;
	v2 =	vor.u32 $0x6007, v0  }
0x2b1: {  	v2 =	vadd.s32 v2, v3;
	_ =	sdelay $0x3  }
0x2b2: {  	[tilespmem:$0x8940] =	vst v1  }
0x2b3: {  	v1 =	vld.idx.msk [tilespmem:v2+s10+$0x0], $0xffff;
	v2 =	vor.u32 $0x6008, v0  }
0x2b4: {  	v2 =	vadd.s32 v2, v3;
	_ =	sdelay $0x3  }
0x2b5: {  	[tilespmem:$0x89C0] =	vst v1  }
0x2b6: {  	v1 =	vld.idx.msk [tilespmem:v2+s10+$0x0], $0xffff;
	v2 =	vor.u32 $0x6009, v0  }
0x2b7: {  	v2 =	vadd.s32 v2, v3;
	_ =	sdelay $0x3  }
0x2b8: {  	[tilespmem:$0x8E40] =	vst v1  }
0x2b9: {  	v1 =	vld.idx.msk [tilespmem:v2+s10+$0x0], $0xffff;
	v2 =	vor.u32 $0x600A, v0  }
0x2ba: {  	v2 =	vadd.s32 v2, v3;
	_ =	sdelay $0x3  }
0x2bb: {  	[tilespmem:$0x8EC0] =	vst v1  }
0x2bc: {  	v1 =	vld.idx.msk [tilespmem:v2+s10+$0x0], $0xffff;
	v2 =	vor.u32 $0x600B, v0  }
0x2bd: {  	v2 =	vadd.s32 v2, v3;
	_ =	sdelay $0x3  }
0x2be: {  	[tilespmem:$0x8F40] =	vst v1  }
0x2bf: {  	v1 =	vld.idx.msk [tilespmem:v2+s10+$0x0], $0xffff;
	v2 =	vor.u32 $0x600C, v0  }
0x2c0: {  	v2 =	vadd.s32 v2, v3;
	_ =	sdelay $0x3  }
0x2c1: {  	[tilespmem:$0x8FC0] =	vst v1  }
0x2c2: {  	v1 =	vld.idx.msk [tilespmem:v2+s10+$0x0], $0xffff;
	v2 =	vor.u32 $0x600D, v0  }
0x2c3: {  	v2 =	vadd.s32 v2, v3;
	_ =	sdelay $0x3  }
0x2c4: {  	[tilespmem:$0x9040] =	vst v1  }
0x2c5: {  	v1 =	vld.idx.msk [tilespmem:v2+s10+$0x0], $0xffff;
	v2 =	vor.u32 $0x600E, v0  }
0x2c6: {  	v2 =	vadd.s32 v2, v3;
	_ =	sdelay $0x3  }
0x2c7: {  	[tilespmem:$0x90C0] =	vst v1  }
0x2c8: {  	v1 =	vld.idx.msk [tilespmem:v2+s10+$0x0], $0xffff;
	v2 =	vor.u32 $0x600F, v0  }
0x2c9: {  	v2 =	vadd.s32 v2, v3  }
0x2ca: {  	v3 =	vld [tilespmem:$0x1D0];
	_ =	sdelay $0x2  }
0x2cb: {  	[tilespmem:$0x9140] =	vst v1  }
0x2cc: {  	v1 =	vld.idx.msk [tilespmem:v2+s10+$0x0], $0xffff;
	v2 =	vor.u32 $0x6800, v0  }
0x2cd: {  	v2 =	vadd.s32 v2, v3;
	_ =	sdelay $0x3  }
0x2ce: {  	[tilespmem:$0x91C0] =	vst v1  }
0x2cf: {  	v1 =	vld.idx.msk [tilespmem:v2+s10+$0x0], $0xffff;
	v2 =	vor.u32 $0x6801, v0  }
0x2d0: {  	v2 =	vadd.s32 v2, v3;
	_ =	sdelay $0x3  }
0x2d1: {  	[tilespmem:$0x8650] =	vst v1  }
0x2d2: {  	v1 =	vld.idx.msk [tilespmem:v2+s10+$0x0], $0xffff;
	v2 =	vor.u32 $0x6802, v0  }
0x2d3: {  	v2 =	vadd.s32 v2, v3;
	_ =	sdelay $0x3  }
0x2d4: {  	[tilespmem:$0x86D0] =	vst v1  }
0x2d5: {  	v1 =	vld.idx.msk [tilespmem:v2+s10+$0x0], $0xffff;
	v2 =	vor.u32 $0x6803, v0  }
0x2d6: {  	v2 =	vadd.s32 v2, v3;
	_ =	sdelay $0x3  }
0x2d7: {  	[tilespmem:$0x8750] =	vst v1  }
0x2d8: {  	v1 =	vld.idx.msk [tilespmem:v2+s10+$0x0], $0xffff;
	v2 =	vor.u32 $0x6804, v0  }
0x2d9: {  	v2 =	vadd.s32 v2, v3;
	_ =	sdelay $0x3  }
0x2da: {  	[tilespmem:$0x87D0] =	vst v1  }
0x2db: {  	v1 =	vld.idx.msk [tilespmem:v2+s10+$0x0], $0xffff;
	v2 =	vor.u32 $0x6805, v0  }
0x2dc: {  	v2 =	vadd.s32 v2, v3;
	_ =	sdelay $0x3  }
0x2dd: {  	[tilespmem:$0x8850] =	vst v1  }
0x2de: {  	v1 =	vld.idx.msk [tilespmem:v2+s10+$0x0], $0xffff;
	v2 =	vor.u32 $0x6806, v0  }
0x2df: {  	v2 =	vadd.s32 v2, v3;
	_ =	sdelay $0x3  }
0x2e0: {  	[tilespmem:$0x88D0] =	vst v1  }
0x2e1: {  	v1 =	vld.idx.msk [tilespmem:v2+s10+$0x0], $0xffff;
	v2 =	vor.u32 $0x6807, v0  }
0x2e2: {  	v2 =	vadd.s32 v2, v3;
	_ =	sdelay $0x3  }
0x2e3: {  	[tilespmem:$0x8950] =	vst v1  }
0x2e4: {  	v1 =	vld.idx.msk [tilespmem:v2+s10+$0x0], $0xffff;
	v2 =	vor.u32 $0x6808, v0  }
0x2e5: {  	v2 =	vadd.s32 v2, v3;
	_ =	sdelay $0x3  }
0x2e6: {  	[tilespmem:$0x89D0] =	vst v1  }
0x2e7: {  	v1 =	vld.idx.msk [tilespmem:v2+s10+$0x0], $0xffff;
	v2 =	vor.u32 $0x6809, v0  }
0x2e8: {  	v2 =	vadd.s32 v2, v3;
	_ =	sdelay $0x3  }
0x2e9: {  	[tilespmem:$0x8E50] =	vst v1  }
0x2ea: {  	v1 =	vld.idx.msk [tilespmem:v2+s10+$0x0], $0xffff;
	v2 =	vor.u32 $0x680A, v0  }
0x2eb: {  	v2 =	vadd.s32 v2, v3;
	_ =	sdelay $0x3  }
0x2ec: {  	[tilespmem:$0x8ED0] =	vst v1  }
0x2ed: {  	v1 =	vld.idx.msk [tilespmem:v2+s10+$0x0], $0xffff;
	v2 =	vor.u32 $0x680B, v0  }
0x2ee: {  	v2 =	vadd.s32 v2, v3;
	_ =	sdelay $0x3  }
0x2ef: {  	[tilespmem:$0x8F50] =	vst v1  }
0x2f0: {  	v1 =	vld.idx.msk [tilespmem:v2+s10+$0x0], $0xffff;
	v2 =	vor.u32 $0x680C, v0  }
0x2f1: {  	v2 =	vadd.s32 v2, v3;
	_ =	sdelay $0x3  }
0x2f2: {  	[tilespmem:$0x8FD0] =	vst v1  }
0x2f3: {  	v1 =	vld.idx.msk [tilespmem:v2+s10+$0x0], $0xffff;
	v2 =	vor.u32 $0x680D, v0  }
0x2f4: {  	v2 =	vadd.s32 v2, v3;
	_ =	sdelay $0x3  }
0x2f5: {  	[tilespmem:$0x9050] =	vst v1  }
0x2f6: {  	v1 =	vld.idx.msk [tilespmem:v2+s10+$0x0], $0xffff;
	v2 =	vor.u32 $0x680E, v0  }
0x2f7: {  	v2 =	vadd.s32 v2, v3;
	_ =	sdelay $0x3  }
0x2f8: {  	[tilespmem:$0x90D0] =	vst v1  }
0x2f9: {  	v1 =	vld.idx.msk [tilespmem:v2+s10+$0x0], $0xffff;
	v2 =	vor.u32 $0x680F, v0  }
0x2fa: {  	v2 =	vadd.s32 v2, v3  }
0x2fb: {  	v3 =	vld [tilespmem:$0x1E0];
	_ =	sdelay $0x2  }
0x2fc: {  	[tilespmem:$0x9150] =	vst v1  }
0x2fd: {  	v1 =	vld.idx.msk [tilespmem:v2+s10+$0x0], $0xffff;
	v2 =	vor.u32 $0x7000, v0  }
0x2fe: {  	v2 =	vadd.s32 v2, v3;
	_ =	sdelay $0x3  }
0x2ff: {  	[tilespmem:$0x91D0] =	vst v1  }
0x300: {  	v1 =	vld.idx.msk [tilespmem:v2+s10+$0x0], $0xffff;
	v2 =	vor.u32 $0x7001, v0  }
0x301: {  	v2 =	vadd.s32 v2, v3;
	_ =	sdelay $0x3  }
0x302: {  	[tilespmem:$0x8660] =	vst v1  }
0x303: {  	v1 =	vld.idx.msk [tilespmem:v2+s10+$0x0], $0xffff;
	v2 =	vor.u32 $0x7002, v0  }
0x304: {  	v2 =	vadd.s32 v2, v3;
	_ =	sdelay $0x3  }
0x305: {  	[tilespmem:$0x86E0] =	vst v1  }
0x306: {  	v1 =	vld.idx.msk [tilespmem:v2+s10+$0x0], $0xffff;
	v2 =	vor.u32 $0x7003, v0  }
0x307: {  	v2 =	vadd.s32 v2, v3;
	_ =	sdelay $0x3  }
0x308: {  	[tilespmem:$0x8760] =	vst v1  }
0x309: {  	v1 =	vld.idx.msk [tilespmem:v2+s10+$0x0], $0xffff;
	v2 =	vor.u32 $0x7004, v0  }
0x30a: {  	v2 =	vadd.s32 v2, v3;
	_ =	sdelay $0x3  }
0x30b: {  	[tilespmem:$0x87E0] =	vst v1  }
0x30c: {  	v1 =	vld.idx.msk [tilespmem:v2+s10+$0x0], $0xffff;
	v2 =	vor.u32 $0x7005, v0  }
0x30d: {  	v2 =	vadd.s32 v2, v3;
	_ =	sdelay $0x3  }
0x30e: {  	[tilespmem:$0x8860] =	vst v1  }
0x30f: {  	v1 =	vld.idx.msk [tilespmem:v2+s10+$0x0], $0xffff;
	v2 =	vor.u32 $0x7006, v0  }
0x310: {  	v2 =	vadd.s32 v2, v3;
	_ =	sdelay $0x3  }
0x311: {  	[tilespmem:$0x88E0] =	vst v1  }
0x312: {  	v1 =	vld.idx.msk [tilespmem:v2+s10+$0x0], $0xffff;
	v2 =	vor.u32 $0x7007, v0  }
0x313: {  	v2 =	vadd.s32 v2, v3;
	_ =	sdelay $0x3  }
0x314: {  	[tilespmem:$0x8960] =	vst v1  }
0x315: {  	v1 =	vld.idx.msk [tilespmem:v2+s10+$0x0], $0xffff;
	v2 =	vor.u32 $0x7008, v0  }
0x316: {  	v2 =	vadd.s32 v2, v3;
	_ =	sdelay $0x3  }
0x317: {  	[tilespmem:$0x89E0] =	vst v1  }
0x318: {  	v1 =	vld.idx.msk [tilespmem:v2+s10+$0x0], $0xffff;
	v2 =	vor.u32 $0x7009, v0  }
0x319: {  	v2 =	vadd.s32 v2, v3;
	_ =	sdelay $0x3  }
0x31a: {  	[tilespmem:$0x8E60] =	vst v1  }
0x31b: {  	v1 =	vld.idx.msk [tilespmem:v2+s10+$0x0], $0xffff;
	v2 =	vor.u32 $0x700A, v0  }
0x31c: {  	v2 =	vadd.s32 v2, v3;
	_ =	sdelay $0x3  }
0x31d: {  	[tilespmem:$0x8EE0] =	vst v1  }
0x31e: {  	v1 =	vld.idx.msk [tilespmem:v2+s10+$0x0], $0xffff;
	v2 =	vor.u32 $0x700B, v0  }
0x31f: {  	v2 =	vadd.s32 v2, v3;
	_ =	sdelay $0x3  }
0x320: {  	[tilespmem:$0x8F60] =	vst v1  }
0x321: {  	v1 =	vld.idx.msk [tilespmem:v2+s10+$0x0], $0xffff;
	v2 =	vor.u32 $0x700C, v0  }
0x322: {  	v2 =	vadd.s32 v2, v3;
	_ =	sdelay $0x3  }
0x323: {  	[tilespmem:$0x8FE0] =	vst v1  }
0x324: {  	v1 =	vld.idx.msk [tilespmem:v2+s10+$0x0], $0xffff;
	v2 =	vor.u32 $0x700D, v0  }
0x325: {  	v2 =	vadd.s32 v2, v3;
	_ =	sdelay $0x3  }
0x326: {  	[tilespmem:$0x9060] =	vst v1  }
0x327: {  	v1 =	vld.idx.msk [tilespmem:v2+s10+$0x0], $0xffff;
	v2 =	vor.u32 $0x700E, v0  }
0x328: {  	v2 =	vadd.s32 v2, v3;
	_ =	sdelay $0x3  }
0x329: {  	[tilespmem:$0x90E0] =	vst v1  }
0x32a: {  	v1 =	vld.idx.msk [tilespmem:v2+s10+$0x0], $0xffff;
	v2 =	vor.u32 $0x700F, v0  }
0x32b: {  	v2 =	vadd.s32 v2, v3  }
0x32c: {  	v3 =	vld [tilespmem:$0x1F0];
	_ =	sdelay $0x2  }
0x32d: {  	[tilespmem:$0x9160] =	vst v1  }
0x32e: {  	v1 =	vld.idx.msk [tilespmem:v2+s10+$0x0], $0xffff;
	v2 =	vor.u32 $0x7800, v0  }
0x32f: {  	v2 =	vadd.s32 v2, v3;
	_ =	sdelay $0x3  }
0x330: {  	[tilespmem:$0x91E0] =	vst v1  }
0x331: {  	v1 =	vld.idx.msk [tilespmem:v2+s10+$0x0], $0xffff;
	v2 =	vor.u32 $0x7801, v0  }
0x332: {  	v2 =	vadd.s32 v2, v3;
	_ =	sdelay $0x3  }
0x333: {  	[tilespmem:$0x8670] =	vst v1  }
0x334: {  	v1 =	vld.idx.msk [tilespmem:v2+s10+$0x0], $0xffff;
	v2 =	vor.u32 $0x7802, v0  }
0x335: {  	v2 =	vadd.s32 v2, v3;
	_ =	sdelay $0x3  }
0x336: {  	[tilespmem:$0x86F0] =	vst v1  }
0x337: {  	v1 =	vld.idx.msk [tilespmem:v2+s10+$0x0], $0xffff;
	v2 =	vor.u32 $0x7803, v0  }
0x338: {  	v2 =	vadd.s32 v2, v3;
	_ =	sdelay $0x3  }
0x339: {  	[tilespmem:$0x8770] =	vst v1  }
0x33a: {  	v1 =	vld.idx.msk [tilespmem:v2+s10+$0x0], $0xffff;
	v2 =	vor.u32 $0x7804, v0  }
0x33b: {  	v2 =	vadd.s32 v2, v3;
	_ =	sdelay $0x3  }
0x33c: {  	[tilespmem:$0x87F0] =	vst v1  }
0x33d: {  	v1 =	vld.idx.msk [tilespmem:v2+s10+$0x0], $0xffff;
	v2 =	vor.u32 $0x7805, v0  }
0x33e: {  	v2 =	vadd.s32 v2, v3;
	_ =	sdelay $0x3  }
0x33f: {  	[tilespmem:$0x8870] =	vst v1  }
0x340: {  	v1 =	vld.idx.msk [tilespmem:v2+s10+$0x0], $0xffff;
	v2 =	vor.u32 $0x7806, v0  }
0x341: {  	v2 =	vadd.s32 v2, v3;
	_ =	sdelay $0x3  }
0x342: {  	[tilespmem:$0x88F0] =	vst v1  }
0x343: {  	v1 =	vld.idx.msk [tilespmem:v2+s10+$0x0], $0xffff;
	v2 =	vor.u32 $0x7807, v0  }
0x344: {  	v2 =	vadd.s32 v2, v3;
	_ =	sdelay $0x3  }
0x345: {  	[tilespmem:$0x8970] =	vst v1  }
0x346: {  	v1 =	vld.idx.msk [tilespmem:v2+s10+$0x0], $0xffff;
	v2 =	vor.u32 $0x7808, v0  }
0x347: {  	v2 =	vadd.s32 v2, v3;
	_ =	sdelay $0x3  }
0x348: {  	[tilespmem:$0x89F0] =	vst v1  }
0x349: {  	v1 =	vld.idx.msk [tilespmem:v2+s10+$0x0], $0xffff;
	v2 =	vor.u32 $0x7809, v0  }
0x34a: {  	v2 =	vadd.s32 v2, v3;
	_ =	sdelay $0x3  }
0x34b: {  	[tilespmem:$0x8E70] =	vst v1  }
0x34c: {  	v1 =	vld.idx.msk [tilespmem:v2+s10+$0x0], $0xffff;
	v2 =	vor.u32 $0x780A, v0  }
0x34d: {  	v2 =	vadd.s32 v2, v3;
	_ =	sdelay $0x3  }
0x34e: {  	[tilespmem:$0x8EF0] =	vst v1  }
0x34f: {  	v1 =	vld.idx.msk [tilespmem:v2+s10+$0x0], $0xffff;
	v2 =	vor.u32 $0x780B, v0  }
0x350: {  	v2 =	vadd.s32 v2, v3;
	_ =	sdelay $0x3  }
0x351: {  	[tilespmem:$0x8F70] =	vst v1  }
0x352: {  	v1 =	vld.idx.msk [tilespmem:v2+s10+$0x0], $0xffff;
	v2 =	vor.u32 $0x780C, v0  }
0x353: {  	v2 =	vadd.s32 v2, v3;
	_ =	sdelay $0x3  }
0x354: {  	[tilespmem:$0x8FF0] =	vst v1  }
0x355: {  	v1 =	vld.idx.msk [tilespmem:v2+s10+$0x0], $0xffff;
	v2 =	vor.u32 $0x780D, v0  }
0x356: {  	v2 =	vadd.s32 v2, v3;
	_ =	sdelay $0x3  }
0x357: {  	[tilespmem:$0x9070] =	vst v1  }
0x358: {  	v1 =	vld.idx.msk [tilespmem:v2+s10+$0x0], $0xffff;
	v2 =	vor.u32 $0x780E, v0  }
0x359: {  	v2 =	vadd.s32 v2, v3;
	_ =	sdelay $0x3  }
0x35a: {  	[tilespmem:$0x90F0] =	vst v1  }
0x35b: {  	v1 =	vld.idx.msk [tilespmem:v2+s10+$0x0], $0xffff;
	v2 =	vor.u32 $0x780F, v0  }
0x35c: {  	v2 =	vadd.s32 v2, v3;
	_ =	sdelay $0x3  }
0x35d: {  	[tilespmem:$0x9170] =	vst v1  }
0x35e: {  	v1 =	vld.idx.msk [tilespmem:v2+s10+$0x0], $0xffff;
	_ =	sdelay $0x2  }
0x35f: {  	s19 =	sshll.u32 s19, $0xF  }
0x360: {  	p0 =	sne.s32 s17, $0x33;
	s19 =	sadd.s32 s1, s19  }
.Ltmp0:
0x361: {  	s18 =	sadd.s32 s18, s19;
	[tilespmem:$0x91F0] =	vst v1;
	(pc) =	sbr.rel @p0 .LBB2_2-.Ltmp0, $4  }
0x362: {  	[hbm4b:s18+s12] =	stream.strided.scatter [tilespmem:s14], [sflag:$0x2], $0x1000, s13, s12, $0x38;
	[tilespmem:$0x9200] =	vst v63  }
0x363: {  	_ =	swait.ge [sflag:s8], $0x1000  }
0x364: {  	[sflag:s8] =	ssyncset.done $0x0  }
0x365: {  	s16 =	sadd.s32 $0x100, s16;
	s17 =	sadd.s32 $0x1, s17;
	[sflag:s8] =	ssyncadd.s32 $0xFFFFF000  }
0x366: {  	s15 =	sadd.s32 $0x1, s15  }
0x367: {  	p0 =	sne.s32 s15, s7  }
.Ltmp1:
0x368: {  	_ = 	snop;
	(pc) =	sbr.rel @p0 .LBB2_1-.Ltmp1, $1  }
0x369: {  	_ =	sdelay $0x3  }
0x36a: {  	_ =	sfence.sel $0x180000  }
0x36b: {  	[bflag:$0x0] =	sbarrier.arrive $0xFFFF  }
0x36c: {  	p0 =	sne.s32 s3, $0x0;
	_ =	strace $0x90000047  }
0x36d: {  	s0 =	sadd.s32 @!p0 $0x100000, s0;
	[bflag:$0x2] =	sbarrier.arrive $0xFFFF  }
0x36e: {  	[sflag:s0] =	ssyncadd.tile.s32 @!p0 $0x1;
	_ =	shalt  }
.Lfunc_end2:
_tile_overlayer_lowered:
.L_overlay_start_2:
0x36f: {  	(tag) =	ssettag $0x2  }
0x370: {  	s0 =	rddreg [dreg:$0x0];
	s2 =	stileid.u32  }
0x371: {  	s1 =	rddreg [dreg:$0x1];
	p0 =	sne.s32 s2, $0x0  }
0x372: {  	s3 =	rddreg [dreg:$0x2];
	[bflag:$0x3] =	sbarrier.arrive $0xFFFF;
	s2 =	simm.s32 @!p0 $0x1C02  }
0x373: {  	[timem:s3], [sflag:s2] =	dma.local @!p0 [hbm:s0], s1  }
0x374: {  	s0 =	simm.s32 @!p0 $0x2  }
0x375: {  	_ =	swait.ge @!p0 [sflag:s0], s1  }
0x376: {  	s1 =	ssub.s32 @!p0 $0x0, s1;
	[sflag:s0] =	ssyncset.done @!p0 $0x0  }
0x377: {  	[sflag:s0] =	ssyncadd.s32 @!p0 s1  }
0x378: {  	[bflag:$0x3] =	sbarrier.arrive $0xFFFF  }
0x379: {  	_ =	shalt  }

</sc_bundles>
